<compile_context>
chip_gen: v7x
topology: tpu7x:2x2x1
jax: 0.10.2.dev20260603
libtpu: 0.0.44.dev20260713+nightly
codegen_flags: <defaults>
</compile_context>

<pallas_src>
import functools

import jax
import jax.numpy as jnp
from jax import lax
from jax.experimental import pallas as pl
from jax.experimental.pallas import tpu as pltpu
from jax.experimental.pallas import tpu_sc as plsc

B, L, D = 4, 2048, 1024
NC, NS, LANES = 2, 16, 16
NW = NC * NS
WPB = NW // B
RPW = L // WPB
CHUNK = 32
NCHUNK = RPW // CHUNK
G = D // LANES
JG = 8
NJG = G // JG


def _sc_body(hid, msk, pm, pa, pc,
             mi_v, mf_v, cnt_v, accm_v, acca_v, xb0, xb1, sem0, sem1):
    cid = lax.axis_index("c")
    sid = lax.axis_index("s")
    wid = sid * NC + cid
    b = wid // WPB
    j = wid % WPB
    r0 = j * RPW

    pltpu.sync_copy(msk.at[b, pl.ds(r0, RPW)], mi_v)

    def mconv(i, cnt):
        mi = mi_v[pl.ds(i * LANES, LANES)]
        mf = jnp.where(mi == 2, 1.0, 0.0).astype(jnp.float32)
        mf_v[pl.ds(i * LANES, LANES)] = mf
        return cnt + mf

    cnt = lax.fori_loop(0, RPW // LANES, mconv,
                        jnp.zeros((LANES,), jnp.float32))
    cnt_v[...] = cnt
    pltpu.sync_copy(cnt_v, pc.at[b, pl.ds(j * LANES, LANES)])

    def zbody(i, _):
        z = jnp.zeros((LANES,), jnp.float32)
        accm_v[pl.ds(i * LANES, LANES)] = z
        acca_v[pl.ds(i * LANES, LANES)] = z
        return 0

    lax.fori_loop(0, G, zbody, 0)

    bufs = (xb0, xb1)
    sems = (sem0, sem1)

    def dma(c, k):
        return pltpu.make_async_copy(
            hid.at[b, pl.ds(r0 + c * CHUNK, CHUNK)], bufs[k], sems[k])

    dma(0, 0).start()
    dma(1, 1).start()

    def chunk_pair(i, _):
        cc = i * 2
        for k in range(2):
            c = cc + k
            dma(c, k).wait()
            xb = bufs[k]

            def jg_body(g, _):
                base = g * (JG * LANES)
                accm0 = tuple(accm_v[pl.ds(base + t * LANES, LANES)]
                              for t in range(JG))
                acca0 = tuple(acca_v[pl.ds(base + t * LANES, LANES)]
                              for t in range(JG))

                def rg_body(rg, carry):
                    am, aa = carry
                    am = list(am)
                    aa = list(aa)
                    mvec = mf_v[pl.ds(c * CHUNK + rg * LANES, LANES)]
                    for li in range(LANES):
                        m = jnp.full((LANES,), mvec[li])
                        row = rg * LANES + li
                        for t in range(JG):
                            x = xb[row, pl.ds(base + t * LANES, LANES)]
                            am[t] = am[t] + m * x
                            aa[t] = aa[t] + x
                    return (tuple(am), tuple(aa))

                am, aa = lax.fori_loop(0, CHUNK // LANES, rg_body,
                                       (accm0, acca0))
                for t in range(JG):
                    accm_v[pl.ds(base + t * LANES, LANES)] = am[t]
                    acca_v[pl.ds(base + t * LANES, LANES)] = aa[t]
                return 0

            lax.fori_loop(0, NJG, jg_body, 0)

            @pl.when(c + 2 < NCHUNK)
            def _():
                dma(c + 2, k).start()
        return 0

    lax.fori_loop(0, NCHUNK // 2, chunk_pair, 0)

    pltpu.sync_copy(accm_v, pm.at[b, j])
    pltpu.sync_copy(acca_v, pa.at[b, j])


def _sc_partials(hid, msk_i32):
    mesh = plsc.VectorSubcoreMesh(
        core_axis_name="c", subcore_axis_name="s",
        num_cores=NC, num_subcores=NS)
    f = pl.kernel(
        _sc_body,
        out_type=(
            jax.ShapeDtypeStruct((B, WPB, D), jnp.float32),
            jax.ShapeDtypeStruct((B, WPB, D), jnp.float32),
            jax.ShapeDtypeStruct((B, WPB * LANES), jnp.float32),
        ),
        mesh=mesh,
        scratch_types=(
            pltpu.VMEM((RPW,), jnp.int32),
            pltpu.VMEM((RPW,), jnp.float32),
            pltpu.VMEM((LANES,), jnp.float32),
            pltpu.VMEM((D,), jnp.float32),
            pltpu.VMEM((D,), jnp.float32),
            pltpu.VMEM((CHUNK, D), jnp.float32),
            pltpu.VMEM((CHUNK, D), jnp.float32),
            pltpu.SemaphoreType.DMA,
            pltpu.SemaphoreType.DMA,
        ),
        name="utr_pool_sc_partials",
    )
    return f(hid, msk_i32)


def _finalize_body(pm_ref, pa_ref, pc_ref, out_ref):
    summ = jnp.sum(pm_ref[...], axis=1)
    suma = jnp.sum(pa_ref[...], axis=1)
    cnt = jnp.sum(pc_ref[...], axis=1)
    safe = jnp.maximum(cnt, 1.0)
    out_ref[...] = jnp.where((cnt > 0)[:, None],
                             summ / safe[:, None],
                             suma * (1.0 / L))


def _finalize(pm, pa, pc):
    return pl.pallas_call(
        _finalize_body,
        out_shape=jax.ShapeDtypeStruct((B, D), jnp.float32),
        in_specs=[
            pl.BlockSpec(memory_space=pltpu.VMEM),
            pl.BlockSpec(memory_space=pltpu.VMEM),
            pl.BlockSpec(memory_space=pltpu.VMEM),
        ],
        out_specs=pl.BlockSpec(memory_space=pltpu.VMEM),
        name="utr_pool_finalize",
    )(pm, pa, pc)


@jax.jit
def kernel(hidden_states, region_mask):
    msk_i32 = region_mask.astype(jnp.int32)
    pm, pa, pc = _sc_partials(hidden_states, msk_i32)
    return _finalize(pm, pa, pc)

# --- scband reference (transcript-rebuilt; emitter-appended) ---
"""Pipeline reference for scband-utrpooling-3126736191816 (READ-ONLY COPY).

The authoritative reference and input builder live on the scoring server;
editing this copy changes nothing except your own understanding.
"""

import jax, jax.numpy as jnp
import numpy as np

B, L, D = 4, 2048, 1024

def setup_inputs(seed: int = 0) -> dict:
    key = jax.random.key(seed)
    k1, k2 = jax.random.split(key)
    hidden_states = jax.random.normal(k1, (B, L, D), dtype=jnp.float32)
    region_mask = jax.random.randint(k2, (B, L), 0, 3, dtype=jnp.int64)
    return {"hidden_states": hidden_states, "region_mask": region_mask}

def reference(hidden_states, region_mask):
    # Pool only 3'UTR tokens (region_mask == 2); fall back to full mean if none.
    mask2 = (region_mask == 2)  # [B, L] bool
    mask2_f = mask2.astype(hidden_states.dtype)  # [B, L]
    count = mask2_f.sum(axis=1)  # [B]
    sum_utr3 = jnp.einsum('bl,bld->bd', mask2_f, hidden_states)  # [B, D]
    safe_count = jnp.maximum(count, 1.0)
    mean_utr3 = sum_utr3 / safe_count[:, None]  # [B, D]
    mean_all = hidden_states.mean(axis=1)  # [B, D]
    pooled = jnp.where((count > 0)[:, None], mean_utr3, mean_all)  # [B, D]
    return pooled

if __name__ == "__main__":
    import jax
    _d = setup_inputs()
    print(jax.jit(kernel)(*tuple(_d.values())))

</pallas_src>

<mosaic_0001>
#map = affine_map<(d0, d1) -> (0, 0, 0)>
#map1 = affine_map<(d0, d1) -> (0, 0)>
module attributes {stable_mosaic.version = 14 : i64} {
  func.func @utr_pool_sc_partials(%arg0: i32, %arg1: i32, %arg2: memref<4x2048x1024xf32, #tpu.memory_space<hbm>>, %arg3: memref<4x2048xi32, #tpu.memory_space<hbm>>, %arg4: memref<4x8x1024xf32, #tpu.memory_space<hbm>>, %arg5: memref<4x8x1024xf32, #tpu.memory_space<hbm>>, %arg6: memref<4x128xf32, #tpu.memory_space<hbm>>, %arg7: memref<256xi32, #tpu.memory_space<vmem>>, %arg8: memref<256xf32, #tpu.memory_space<vmem>>, %arg9: memref<16xf32, #tpu.memory_space<vmem>>, %arg10: memref<1024xf32, #tpu.memory_space<vmem>>, %arg11: memref<1024xf32, #tpu.memory_space<vmem>>, %arg12: memref<32x1024xf32, #tpu.memory_space<vmem>>, %arg13: memref<32x1024xf32, #tpu.memory_space<vmem>>, %arg14: memref<!tpu.dma_semaphore, #tpu.memory_space<semaphore_mem>>, %arg15: memref<!tpu.dma_semaphore, #tpu.memory_space<semaphore_mem>>) attributes {dimension_semantics = [#tpu.dimension_semantics<core_parallel>, #tpu.dimension_semantics<subcore_parallel>], iteration_bounds = array<i64: 2, 16>, scalar_prefetch = 0 : i64, scratch_operands = 9 : i64, tpu.core_type = #tpu.core_type<sc_vector_subcore>, window_params = [{transform_indices = #map}, {transform_indices = #map1}, {transform_indices = #map}, {transform_indices = #map}, {transform_indices = #map1}]} {
    %mul3A = arith.constant 2 : i32
    %mul3A_0 = arith.muli %arg1, %mul3A : i32
    %add3A = arith.addi %mul3A_0, %arg0 : i32
    %jit3A = arith.constant 8 : i32
    %div3A = arith.divsi %add3A, %jit3A : i32
    %sign3A = arith.constant 0 : i32
    %sign3A_1 = arith.cmpi sgt, %add3A, %sign3A : i32
    %sign3A_2 = arith.extui %sign3A_1 : i1 to i32
    %sign3A_3 = arith.constant 0 : i32
    %sign3A_4 = arith.cmpi slt, %add3A, %sign3A_3 : i32
    %sign3A_5 = arith.extui %sign3A_4 : i1 to i32
    %sign3A_6 = arith.subi %sign3A_2, %sign3A_5 : i32
    %sign3A_7 = arith.constant 0 : i32
    %sign3A_8 = arith.cmpi sgt, %jit3A, %sign3A_7 : i32
    %sign3A_9 = arith.extui %sign3A_8 : i1 to i32
    %sign3A_10 = arith.constant 0 : i32
    %sign3A_11 = arith.cmpi slt, %jit3A, %sign3A_10 : i32
    %sign3A_12 = arith.extui %sign3A_11 : i1 to i32
    %sign3A_13 = arith.subi %sign3A_9, %sign3A_12 : i32
    %ne3A = arith.cmpi ne, %sign3A_6, %sign3A_13 : i32
    %rem3A = arith.remsi %add3A, %jit3A : i32
    %ne3A_14 = arith.constant 0 : i32
    %ne3A_15 = arith.cmpi ne, %rem3A, %ne3A_14 : i32
    %and3A = arith.andi %ne3A, %ne3A_15 : i1
    %sub3A = arith.constant 1 : i32
    %sub3A_16 = arith.subi %div3A, %sub3A : i32
    %select_n3A = arith.select %and3A, %sub3A_16, %div3A : i32
    %jit3A_17 = arith.constant 8 : i32
    %eq3A = arith.constant 0 : i32
    %eq3A_18 = arith.cmpi eq, %jit3A_17, %eq3A : i32
    %jit3A_19 = arith.constant 1 : i32
    %select_n3A_20 = arith.select %eq3A_18, %jit3A_19, %jit3A_17 : i32
    %rem3A_21 = arith.remsi %add3A, %select_n3A_20 : i32
    %ne3A_22 = arith.constant 0 : i32
    %ne3A_23 = arith.cmpi ne, %rem3A_21, %ne3A_22 : i32
    %lt3A = arith.constant 0 : i32
    %lt3A_24 = arith.cmpi slt, %rem3A_21, %lt3A : i32
    %lt3A_25 = arith.constant 0 : i32
    %lt3A_26 = arith.cmpi slt, %select_n3A_20, %lt3A_25 : i32
    %ne3A_27 = arith.xori %lt3A_24, %lt3A_26 : i1
    %and3A_28 = arith.andi %ne3A_27, %ne3A_23 : i1
    %add3A_29 = arith.addi %rem3A_21, %select_n3A_20 : i32
    %select_n3A_30 = arith.select %and3A_28, %add3A_29, %rem3A_21 : i32
    %mul3A_31 = arith.constant 256 : i32
    %mul3A_32 = arith.muli %select_n3A_30, %mul3A_31 : i32
    "tpu.region"() ({
      %run_scoped3A = tpu.sem_alloc : memref<!tpu.dma_semaphore, #tpu.memory_space<semaphore_mem>>
      %dma_start3A_73 = tpu.memref_slice %arg3[%select_n3A, %mul3A_32] : memref<4x2048xi32, #tpu.memory_space<hbm>> -> memref<1x256xi32, #tpu.memory_space<hbm>>
      %dma_start3A_74 = tpu.memref_squeeze %dma_start3A_73 : memref<1x256xi32, #tpu.memory_space<hbm>> -> memref<256xi32, #tpu.memory_space<hbm>>
      %dma_start3A_75 = tpu.memref_slice %arg3[%select_n3A, %mul3A_32] : memref<4x2048xi32, #tpu.memory_space<hbm>> -> memref<1x256xi32, #tpu.memory_space<hbm>>
      %dma_start3A_76 = tpu.memref_squeeze %dma_start3A_75 : memref<1x256xi32, #tpu.memory_space<hbm>> -> memref<256xi32, #tpu.memory_space<hbm>>
      tpu.enqueue_dma source(%dma_start3A_76 : memref<256xi32, #tpu.memory_space<hbm>>) target(%arg7 : memref<256xi32, #tpu.memory_space<vmem>>) target_semaphore(%run_scoped3A : memref<!tpu.dma_semaphore, #tpu.memory_space<semaphore_mem>>)
      %dma_wait3A = tpu.memref_slice %arg3[%select_n3A, %mul3A_32] : memref<4x2048xi32, #tpu.memory_space<hbm>> -> memref<1x256xi32, #tpu.memory_space<hbm>>
      %dma_wait3A_77 = tpu.memref_squeeze %dma_wait3A : memref<1x256xi32, #tpu.memory_space<hbm>> -> memref<256xi32, #tpu.memory_space<hbm>>
      %dma_wait3A_78 = tpu.memref_slice %arg3[%select_n3A, %mul3A_32] : memref<4x2048xi32, #tpu.memory_space<hbm>> -> memref<1x256xi32, #tpu.memory_space<hbm>>
      %dma_wait3A_79 = tpu.memref_squeeze %dma_wait3A_78 : memref<1x256xi32, #tpu.memory_space<hbm>> -> memref<256xi32, #tpu.memory_space<hbm>>
      tpu.wait_dma2 semaphore(%run_scoped3A : memref<!tpu.dma_semaphore, #tpu.memory_space<semaphore_mem>>) src(%dma_wait3A_79 : memref<256xi32, #tpu.memory_space<hbm>>) dst(%arg7 : memref<256xi32, #tpu.memory_space<vmem>>)
      tpu.yield
    }) : () -> ()
    %broadcast_in_dim3A = arith.constant 0.000000e+00 : f32
    %broadcast_in_dim3A_33 = vector.broadcast %broadcast_in_dim3A : f32 to vector<16xf32>
    %scan3A = arith.constant 0 : i32
    %scan3A_34 = arith.constant 16 : i32
    %scan3A_35 = arith.addi %scan3A, %scan3A_34 : i32
    %scan3A_36 = arith.constant 1 : i32
    %scan3A_37 = scf.for %scan3A_73 = %scan3A to %scan3A_35 step %scan3A_36 iter_args(%scan3A_74 = %broadcast_in_dim3A_33) -> (vector<16xf32>)  : i32 {
      %mul3A_75 = arith.constant 16 : i32
      %mul3A_76 = arith.muli %scan3A_73, %mul3A_75 : i32
      %get3A = arith.index_cast %mul3A_76 : i32 to index
      %get3A_77 = tpu.vector_load %arg7[%get3A] {strides = array<i32>} : memref<256xi32, #tpu.memory_space<vmem>>, vector<16xi32>,
      %get3A_78 = vector.shape_cast %get3A_77 : vector<16xi32> to vector<16xi32>
      %eq3A_79 = arith.constant 2 : i32
      %eq3A_80 = vector.broadcast %eq3A_79 : i32 to vector<16xi32>
      %eq3A_81 = arith.cmpi eq, %get3A_78, %eq3A_80 : vector<16xi32>
      %jit3A_82 = arith.constant 1.000000e+00 : f32
      %jit3A_83 = arith.constant 0.000000e+00 : f32
      %broadcast_in_dim3A_84 = vector.broadcast %jit3A_82 : f32 to vector<16xf32>
      %broadcast_in_dim3A_85 = vector.broadcast %jit3A_83 : f32 to vector<16xf32>
      %select_n3A_86 = arith.select %eq3A_81, %broadcast_in_dim3A_84, %broadcast_in_dim3A_85 : vector<16xi1>, vector<16xf32>
      %mul3A_87 = arith.constant 16 : i32
      %mul3A_88 = arith.muli %scan3A_73, %mul3A_87 : i32
      %swap3A_89 = arith.index_cast %mul3A_88 : i32 to index
      %swap3A_90 = tpu.vector_load %arg8[%swap3A_89] {strides = array<i32>} : memref<256xf32, #tpu.memory_space<vmem>>, vector<16xf32>,
      %swap3A_91 = vector.shape_cast %swap3A_90 : vector<16xf32> to vector<16xf32>
      %swap3A_92 = vector.shape_cast %select_n3A_86 : vector<16xf32> to vector<16xf32>
      tpu.vector_store %arg8[%swap3A_89], %swap3A_92 {strides = array<i32>} : memref<256xf32, #tpu.memory_space<vmem>>, vector<16xf32>,
      %add3A_93 = arith.addf %scan3A_74, %select_n3A_86 : vector<16xf32>
      scf.yield %add3A_93 : vector<16xf32>
    }
    %scan3A_38 = arith.constant 16 : i32
    %swap3A = arith.constant 0 : index
    %swap3A_39 = tpu.vector_load %arg9[%swap3A] {strides = array<i32>} : memref<16xf32, #tpu.memory_space<vmem>>, vector<16xf32>,
    %swap3A_40 = vector.shape_cast %swap3A_39 : vector<16xf32> to vector<16xf32>
    %swap3A_41 = vector.shape_cast %scan3A_37 : vector<16xf32> to vector<16xf32>
    tpu.vector_store %arg9[%swap3A], %swap3A_41 {strides = array<i32>} : memref<16xf32, #tpu.memory_space<vmem>>, vector<16xf32>,
    %mul3A_42 = arith.constant 16 : i32
    %mul3A_43 = arith.muli %select_n3A_30, %mul3A_42 : i32
    "tpu.region"() ({
      %run_scoped3A = tpu.sem_alloc : memref<!tpu.dma_semaphore, #tpu.memory_space<semaphore_mem>>
      %dma_start3A_73 = tpu.memref_slice %arg6[%select_n3A, %mul3A_43] : memref<4x128xf32, #tpu.memory_space<hbm>> -> memref<1x16xf32, #tpu.memory_space<hbm>>
      %dma_start3A_74 = tpu.memref_squeeze %dma_start3A_73 : memref<1x16xf32, #tpu.memory_space<hbm>> -> memref<16xf32, #tpu.memory_space<hbm>>
      %dma_start3A_75 = tpu.memref_slice %arg6[%select_n3A, %mul3A_43] : memref<4x128xf32, #tpu.memory_space<hbm>> -> memref<1x16xf32, #tpu.memory_space<hbm>>
      %dma_start3A_76 = tpu.memref_squeeze %dma_start3A_75 : memref<1x16xf32, #tpu.memory_space<hbm>> -> memref<16xf32, #tpu.memory_space<hbm>>
      tpu.enqueue_dma source(%arg9 : memref<16xf32, #tpu.memory_space<vmem>>) target(%dma_start3A_76 : memref<16xf32, #tpu.memory_space<hbm>>) target_semaphore(%run_scoped3A : memref<!tpu.dma_semaphore, #tpu.memory_space<semaphore_mem>>)
      %dma_wait3A = tpu.memref_slice %arg6[%select_n3A, %mul3A_43] : memref<4x128xf32, #tpu.memory_space<hbm>> -> memref<1x16xf32, #tpu.memory_space<hbm>>
      %dma_wait3A_77 = tpu.memref_squeeze %dma_wait3A : memref<1x16xf32, #tpu.memory_space<hbm>> -> memref<16xf32, #tpu.memory_space<hbm>>
      %dma_wait3A_78 = tpu.memref_slice %arg6[%select_n3A, %mul3A_43] : memref<4x128xf32, #tpu.memory_space<hbm>> -> memref<1x16xf32, #tpu.memory_space<hbm>>
      %dma_wait3A_79 = tpu.memref_squeeze %dma_wait3A_78 : memref<1x16xf32, #tpu.memory_space<hbm>> -> memref<16xf32, #tpu.memory_space<hbm>>
      tpu.wait_dma2 semaphore(%run_scoped3A : memref<!tpu.dma_semaphore, #tpu.memory_space<semaphore_mem>>) src(%arg9 : memref<16xf32, #tpu.memory_space<vmem>>) dst(%dma_wait3A_79 : memref<16xf32, #tpu.memory_space<hbm>>)
      tpu.yield
    }) : () -> ()
    %scan3A_44 = arith.constant 0 : i32
    %scan3A_45 = arith.constant 0 : i32
    %scan3A_46 = arith.constant 64 : i32
    %scan3A_47 = arith.addi %scan3A_45, %scan3A_46 : i32
    %scan3A_48 = arith.constant 1 : i32
    %scan3A_49 = scf.for %scan3A_73 = %scan3A_45 to %scan3A_47 step %scan3A_48 iter_args(%scan3A_74 = %scan3A_44) -> (i32)  : i32 {
      %broadcast_in_dim3A_75 = arith.constant 0.000000e+00 : f32
      %broadcast_in_dim3A_76 = vector.broadcast %broadcast_in_dim3A_75 : f32 to vector<16xf32>
      %mul3A_77 = arith.constant 16 : i32
      %mul3A_78 = arith.muli %scan3A_73, %mul3A_77 : i32
      %swap3A_79 = arith.index_cast %mul3A_78 : i32 to index
      %swap3A_80 = tpu.vector_load %arg10[%swap3A_79] {strides = array<i32>} : memref<1024xf32, #tpu.memory_space<vmem>>, vector<16xf32>,
      %swap3A_81 = vector.shape_cast %swap3A_80 : vector<16xf32> to vector<16xf32>
      %swap3A_82 = vector.shape_cast %broadcast_in_dim3A_76 : vector<16xf32> to vector<16xf32>
      tpu.vector_store %arg10[%swap3A_79], %swap3A_82 {strides = array<i32>} : memref<1024xf32, #tpu.memory_space<vmem>>, vector<16xf32>,
      %mul3A_83 = arith.constant 16 : i32
      %mul3A_84 = arith.muli %scan3A_73, %mul3A_83 : i32
      %swap3A_85 = arith.index_cast %mul3A_84 : i32 to index
      %swap3A_86 = tpu.vector_load %arg11[%swap3A_85] {strides = array<i32>} : memref<1024xf32, #tpu.memory_space<vmem>>, vector<16xf32>,
      %swap3A_87 = vector.shape_cast %swap3A_86 : vector<16xf32> to vector<16xf32>
      %swap3A_88 = vector.shape_cast %broadcast_in_dim3A_76 : vector<16xf32> to vector<16xf32>
      tpu.vector_store %arg11[%swap3A_85], %swap3A_88 {strides = array<i32>} : memref<1024xf32, #tpu.memory_space<vmem>>, vector<16xf32>,
      %scan3A_89 = arith.constant 0 : i32
      scf.yield %scan3A_89 : i32
    }
    %scan3A_50 = arith.constant 64 : i32
    %add3A_51 = arith.constant 0 : i32
    %add3A_52 = arith.addi %mul3A_32, %add3A_51 : i32
    %dma_start3A = arith.constant 0 : i32
    %dma_start3A_53 = tpu.memref_slice %arg2[%select_n3A, %add3A_52, %dma_start3A] : memref<4x2048x1024xf32, #tpu.memory_space<hbm>> -> memref<1x32x1024xf32, #tpu.memory_space<hbm>>
    %dma_start3A_54 = tpu.memref_squeeze %dma_start3A_53 : memref<1x32x1024xf32, #tpu.memory_space<hbm>> -> memref<32x1024xf32, #tpu.memory_space<hbm>>
    %dma_start3A_55 = arith.constant 0 : i32
    %dma_start3A_56 = tpu.memref_slice %arg2[%select_n3A, %add3A_52, %dma_start3A_55] : memref<4x2048x1024xf32, #tpu.memory_space<hbm>> -> memref<1x32x1024xf32, #tpu.memory_space<hbm>>
    %dma_start3A_57 = tpu.memref_squeeze %dma_start3A_56 : memref<1x32x1024xf32, #tpu.memory_space<hbm>> -> memref<32x1024xf32, #tpu.memory_space<hbm>>
    tpu.enqueue_dma source(%dma_start3A_57 : memref<32x1024xf32, #tpu.memory_space<hbm>>) target(%arg12 : memref<32x1024xf32, #tpu.memory_space<vmem>>) target_semaphore(%arg14 : memref<!tpu.dma_semaphore, #tpu.memory_space<semaphore_mem>>)
    %add3A_58 = arith.constant 32 : i32
    %add3A_59 = arith.addi %mul3A_32, %add3A_58 : i32
    %dma_start3A_60 = arith.constant 0 : i32
    %dma_start3A_61 = tpu.memref_slice %arg2[%select_n3A, %add3A_59, %dma_start3A_60] : memref<4x2048x1024xf32, #tpu.memory_space<hbm>> -> memref<1x32x1024xf32, #tpu.memory_space<hbm>>
    %dma_start3A_62 = tpu.memref_squeeze %dma_start3A_61 : memref<1x32x1024xf32, #tpu.memory_space<hbm>> -> memref<32x1024xf32, #tpu.memory_space<hbm>>
    %dma_start3A_63 = arith.constant 0 : i32
    %dma_start3A_64 = tpu.memref_slice %arg2[%select_n3A, %add3A_59, %dma_start3A_63] : memref<4x2048x1024xf32, #tpu.memory_space<hbm>> -> memref<1x32x1024xf32, #tpu.memory_space<hbm>>
    %dma_start3A_65 = tpu.memref_squeeze %dma_start3A_64 : memref<1x32x1024xf32, #tpu.memory_space<hbm>> -> memref<32x1024xf32, #tpu.memory_space<hbm>>
    tpu.enqueue_dma source(%dma_start3A_65 : memref<32x1024xf32, #tpu.memory_space<hbm>>) target(%arg13 : memref<32x1024xf32, #tpu.memory_space<vmem>>) target_semaphore(%arg15 : memref<!tpu.dma_semaphore, #tpu.memory_space<semaphore_mem>>)
    %scan3A_66 = arith.constant 0 : i32
    %scan3A_67 = arith.constant 0 : i32
    %scan3A_68 = arith.constant 4 : i32
    %scan3A_69 = arith.addi %scan3A_67, %scan3A_68 : i32
    %scan3A_70 = arith.constant 1 : i32
    %scan3A_71 = scf.for %scan3A_73 = %scan3A_67 to %scan3A_69 step %scan3A_70 iter_args(%scan3A_74 = %scan3A_66) -> (i32)  : i32 {
      %mul3A_75 = arith.constant 2 : i32
      %mul3A_76 = arith.muli %scan3A_73, %mul3A_75 : i32
      %add3A_77 = arith.constant 0 : i32
      %add3A_78 = arith.addi %mul3A_76, %add3A_77 : i32
      %mul3A_79 = arith.constant 32 : i32
      %mul3A_80 = arith.muli %add3A_78, %mul3A_79 : i32
      %add3A_81 = arith.addi %mul3A_32, %mul3A_80 : i32
      %dma_wait3A = arith.constant 0 : i32
      %dma_wait3A_82 = tpu.memref_slice %arg2[%select_n3A, %add3A_81, %dma_wait3A] : memref<4x2048x1024xf32, #tpu.memory_space<hbm>> -> memref<1x32x1024xf32, #tpu.memory_space<hbm>>
      %dma_wait3A_83 = tpu.memref_squeeze %dma_wait3A_82 : memref<1x32x1024xf32, #tpu.memory_space<hbm>> -> memref<32x1024xf32, #tpu.memory_space<hbm>>
      %dma_wait3A_84 = arith.constant 0 : i32
      %dma_wait3A_85 = tpu.memref_slice %arg2[%select_n3A, %add3A_81, %dma_wait3A_84] : memref<4x2048x1024xf32, #tpu.memory_space<hbm>> -> memref<1x32x1024xf32, #tpu.memory_space<hbm>>
      %dma_wait3A_86 = tpu.memref_squeeze %dma_wait3A_85 : memref<1x32x1024xf32, #tpu.memory_space<hbm>> -> memref<32x1024xf32, #tpu.memory_space<hbm>>
      tpu.wait_dma2 semaphore(%arg14 : memref<!tpu.dma_semaphore, #tpu.memory_space<semaphore_mem>>) src(%dma_wait3A_86 : memref<32x1024xf32, #tpu.memory_space<hbm>>) dst(%arg12 : memref<32x1024xf32, #tpu.memory_space<vmem>>)
      %scan3A_87 = arith.constant 0 : i32
      %scan3A_88 = arith.constant 0 : i32
      %scan3A_89 = arith.constant 8 : i32
      %scan3A_90 = arith.addi %scan3A_88, %scan3A_89 : i32
      %scan3A_91 = arith.constant 1 : i32
      %scan3A_92 = scf.for %scan3A_125 = %scan3A_88 to %scan3A_90 step %scan3A_91 iter_args(%scan3A_126 = %scan3A_87) -> (i32)  : i32 {
        %mul3A_127 = arith.constant 128 : i32
        %mul3A_128 = arith.muli %scan3A_125, %mul3A_127 : i32
        %add3A_129 = arith.constant 0 : i32
        %add3A_130 = arith.addi %mul3A_128, %add3A_129 : i32
        %get3A = arith.index_cast %add3A_130 : i32 to index
        %get3A_131 = tpu.vector_load %arg10[%get3A] {strides = array<i32>} : memref<1024xf32, #tpu.memory_space<vmem>>, vector<16xf32>,
        %get3A_132 = vector.shape_cast %get3A_131 : vector<16xf32> to vector<16xf32>
        %add3A_133 = arith.constant 16 : i32
        %add3A_134 = arith.addi %mul3A_128, %add3A_133 : i32
        %get3A_135 = arith.index_cast %add3A_134 : i32 to index
        %get3A_136 = tpu.vector_load %arg10[%get3A_135] {strides = array<i32>} : memref<1024xf32, #tpu.memory_space<vmem>>, vector<16xf32>,
        %get3A_137 = vector.shape_cast %get3A_136 : vector<16xf32> to vector<16xf32>
        %add3A_138 = arith.constant 32 : i32
        %add3A_139 = arith.addi %mul3A_128, %add3A_138 : i32
        %get3A_140 = arith.index_cast %add3A_139 : i32 to index
        %get3A_141 = tpu.vector_load %arg10[%get3A_140] {strides = array<i32>} : memref<1024xf32, #tpu.memory_space<vmem>>, vector<16xf32>,
        %get3A_142 = vector.shape_cast %get3A_141 : vector<16xf32> to vector<16xf32>
        %add3A_143 = arith.constant 48 : i32
        %add3A_144 = arith.addi %mul3A_128, %add3A_143 : i32
        %get3A_145 = arith.index_cast %add3A_144 : i32 to index
        %get3A_146 = tpu.vector_load %arg10[%get3A_145] {strides = array<i32>} : memref<1024xf32, #tpu.memory_space<vmem>>, vector<16xf32>,
        %get3A_147 = vector.shape_cast %get3A_146 : vector<16xf32> to vector<16xf32>
        %add3A_148 = arith.constant 64 : i32
        %add3A_149 = arith.addi %mul3A_128, %add3A_148 : i32
        %get3A_150 = arith.index_cast %add3A_149 : i32 to index
        %get3A_151 = tpu.vector_load %arg10[%get3A_150] {strides = array<i32>} : memref<1024xf32, #tpu.memory_space<vmem>>, vector<16xf32>,
        %get3A_152 = vector.shape_cast %get3A_151 : vector<16xf32> to vector<16xf32>
        %add3A_153 = arith.constant 80 : i32
        %add3A_154 = arith.addi %mul3A_128, %add3A_153 : i32
        %get3A_155 = arith.index_cast %add3A_154 : i32 to index
        %get3A_156 = tpu.vector_load %arg10[%get3A_155] {strides = array<i32>} : memref<1024xf32, #tpu.memory_space<vmem>>, vector<16xf32>,
        %get3A_157 = vector.shape_cast %get3A_156 : vector<16xf32> to vector<16xf32>
        %add3A_158 = arith.constant 96 : i32
        %add3A_159 = arith.addi %mul3A_128, %add3A_158 : i32
        %get3A_160 = arith.index_cast %add3A_159 : i32 to index
        %get3A_161 = tpu.vector_load %arg10[%get3A_160] {strides = array<i32>} : memref<1024xf32, #tpu.memory_space<vmem>>, vector<16xf32>,
        %get3A_162 = vector.shape_cast %get3A_161 : vector<16xf32> to vector<16xf32>
        %add3A_163 = arith.constant 112 : i32
        %add3A_164 = arith.addi %mul3A_128, %add3A_163 : i32
        %get3A_165 = arith.index_cast %add3A_164 : i32 to index
        %get3A_166 = tpu.vector_load %arg10[%get3A_165] {strides = array<i32>} : memref<1024xf32, #tpu.memory_space<vmem>>, vector<16xf32>,
        %get3A_167 = vector.shape_cast %get3A_166 : vector<16xf32> to vector<16xf32>
        %add3A_168 = arith.constant 0 : i32
        %add3A_169 = arith.addi %mul3A_128, %add3A_168 : i32
        %get3A_170 = arith.index_cast %add3A_169 : i32 to index
        %get3A_171 = tpu.vector_load %arg11[%get3A_170] {strides = array<i32>} : memref<1024xf32, #tpu.memory_space<vmem>>, vector<16xf32>,
        %get3A_172 = vector.shape_cast %get3A_171 : vector<16xf32> to vector<16xf32>
        %add3A_173 = arith.constant 16 : i32
        %add3A_174 = arith.addi %mul3A_128, %add3A_173 : i32
        %get3A_175 = arith.index_cast %add3A_174 : i32 to index
        %get3A_176 = tpu.vector_load %arg11[%get3A_175] {strides = array<i32>} : memref<1024xf32, #tpu.memory_space<vmem>>, vector<16xf32>,
        %get3A_177 = vector.shape_cast %get3A_176 : vector<16xf32> to vector<16xf32>
        %add3A_178 = arith.constant 32 : i32
        %add3A_179 = arith.addi %mul3A_128, %add3A_178 : i32
        %get3A_180 = arith.index_cast %add3A_179 : i32 to index
        %get3A_181 = tpu.vector_load %arg11[%get3A_180] {strides = array<i32>} : memref<1024xf32, #tpu.memory_space<vmem>>, vector<16xf32>,
        %get3A_182 = vector.shape_cast %get3A_181 : vector<16xf32> to vector<16xf32>
        %add3A_183 = arith.constant 48 : i32
        %add3A_184 = arith.addi %mul3A_128, %add3A_183 : i32
        %get3A_185 = arith.index_cast %add3A_184 : i32 to index
        %get3A_186 = tpu.vector_load %arg11[%get3A_185] {strides = array<i32>} : memref<1024xf32, #tpu.memory_space<vmem>>, vector<16xf32>,
        %get3A_187 = vector.shape_cast %get3A_186 : vector<16xf32> to vector<16xf32>
        %add3A_188 = arith.constant 64 : i32
        %add3A_189 = arith.addi %mul3A_128, %add3A_188 : i32
        %get3A_190 = arith.index_cast %add3A_189 : i32 to index
        %get3A_191 = tpu.vector_load %arg11[%get3A_190] {strides = array<i32>} : memref<1024xf32, #tpu.memory_space<vmem>>, vector<16xf32>,
        %get3A_192 = vector.shape_cast %get3A_191 : vector<16xf32> to vector<16xf32>
        %add3A_193 = arith.constant 80 : i32
        %add3A_194 = arith.addi %mul3A_128, %add3A_193 : i32
        %get3A_195 = arith.index_cast %add3A_194 : i32 to index
        %get3A_196 = tpu.vector_load %arg11[%get3A_195] {strides = array<i32>} : memref<1024xf32, #tpu.memory_space<vmem>>, vector<16xf32>,
        %get3A_197 = vector.shape_cast %get3A_196 : vector<16xf32> to vector<16xf32>
        %add3A_198 = arith.constant 96 : i32
        %add3A_199 = arith.addi %mul3A_128, %add3A_198 : i32
        %get3A_200 = arith.index_cast %add3A_199 : i32 to index
        %get3A_201 = tpu.vector_load %arg11[%get3A_200] {strides = array<i32>} : memref<1024xf32, #tpu.memory_space<vmem>>, vector<16xf32>,
        %get3A_202 = vector.shape_cast %get3A_201 : vector<16xf32> to vector<16xf32>
        %add3A_203 = arith.constant 112 : i32
        %add3A_204 = arith.addi %mul3A_128, %add3A_203 : i32
        %get3A_205 = arith.index_cast %add3A_204 : i32 to index
        %get3A_206 = tpu.vector_load %arg11[%get3A_205] {strides = array<i32>} : memref<1024xf32, #tpu.memory_space<vmem>>, vector<16xf32>,
        %get3A_207 = vector.shape_cast %get3A_206 : vector<16xf32> to vector<16xf32>
        %scan3A_208 = arith.constant 0 : i32
        %scan3A_209 = arith.constant 2 : i32
        %scan3A_210 = arith.addi %scan3A_208, %scan3A_209 : i32
        %scan3A_211 = arith.constant 1 : i32
        %scan3A_212:16 = scf.for %scan3A_311 = %scan3A_208 to %scan3A_210 step %scan3A_211 iter_args(%scan3A_312 = %get3A_132, %scan3A_313 = %get3A_137, %scan3A_314 = %get3A_142, %scan3A_315 = %get3A_147, %scan3A_316 = %get3A_152, %scan3A_317 = %get3A_157, %scan3A_318 = %get3A_162, %scan3A_319 = %get3A_167, %scan3A_320 = %get3A_172, %scan3A_321 = %get3A_177, %scan3A_322 = %get3A_182, %scan3A_323 = %get3A_187, %scan3A_324 = %get3A_192, %scan3A_325 = %get3A_197, %scan3A_326 = %get3A_202, %scan3A_327 = %get3A_207) -> (vector<16xf32>, vector<16xf32>, vector<16xf32>, vector<16xf32>, vector<16xf32>, vector<16xf32>, vector<16xf32>, vector<16xf32>, vector<16xf32>, vector<16xf32>, vector<16xf32>, vector<16xf32>, vector<16xf32>, vector<16xf32>, vector<16xf32>, vector<16xf32>)  : i32 {
          %mul3A_328 = arith.constant 32 : i32
          %mul3A_329 = arith.muli %add3A_78, %mul3A_328 : i32
          %mul3A_330 = arith.constant 16 : i32
          %mul3A_331 = arith.muli %scan3A_311, %mul3A_330 : i32
          %add3A_332 = arith.addi %mul3A_329, %mul3A_331 : i32
          %get3A_333 = arith.index_cast %add3A_332 : i32 to index
          %get3A_334 = tpu.vector_load %arg8[%get3A_333] {strides = array<i32>} : memref<256xf32, #tpu.memory_space<vmem>>, vector<16xf32>,
          %get3A_335 = vector.shape_cast %get3A_334 : vector<16xf32> to vector<16xf32>
          %slice3A = vector.extract_strided_slice %get3A_335 {offsets = [0], sizes = [1], strides = [1]} : vector<16xf32> to vector<1xf32>
          %squeeze3A = vector.extract %slice3A[0] : f32 from vector<1xf32>
          %broadcast_in_dim3A_336 = vector.broadcast %squeeze3A : f32 to vector<16xf32>
          %mul3A_337 = arith.constant 16 : i32
          %mul3A_338 = arith.muli %scan3A_311, %mul3A_337 : i32
          %add3A_339 = arith.constant 0 : i32
          %add3A_340 = arith.addi %mul3A_338, %add3A_339 : i32
          %add3A_341 = arith.constant 0 : i32
          %add3A_342 = arith.addi %mul3A_128, %add3A_341 : i32
          %get3A_343 = arith.index_cast %add3A_340 : i32 to index
          %get3A_344 = arith.index_cast %add3A_342 : i32 to index
          %get3A_345 = tpu.vector_load %arg12[%get3A_343, %get3A_344] {strides = array<i32>} : memref<32x1024xf32, #tpu.memory_space<vmem>>, vector<1x16xf32>,
          %get3A_346 = vector.shape_cast %get3A_345 : vector<1x16xf32> to vector<16xf32>
          %mul3A_347 = arith.mulf %broadcast_in_dim3A_336, %get3A_346 : vector<16xf32>
          %add3A_348 = arith.addf %scan3A_312, %mul3A_347 : vector<16xf32>
          %add3A_349 = arith.addf %scan3A_320, %get3A_346 : vector<16xf32>
          %add3A_350 = arith.constant 16 : i32
          %add3A_351 = arith.addi %mul3A_128, %add3A_350 : i32
          %get3A_352 = arith.index_cast %add3A_340 : i32 to index
          %get3A_353 = arith.index_cast %add3A_351 : i32 to index
          %get3A_354 = tpu.vector_load %arg12[%get3A_352, %get3A_353] {strides = array<i32>} : memref<32x1024xf32, #tpu.memory_space<vmem>>, vector<1x16xf32>,
          %get3A_355 = vector.shape_cast %get3A_354 : vector<1x16xf32> to vector<16xf32>
          %mul3A_356 = arith.mulf %broadcast_in_dim3A_336, %get3A_355 : vector<16xf32>
          %add3A_357 = arith.addf %scan3A_313, %mul3A_356 : vector<16xf32>
          %add3A_358 = arith.addf %scan3A_321, %get3A_355 : vector<16xf32>
          %add3A_359 = arith.constant 32 : i32
          %add3A_360 = arith.addi %mul3A_128, %add3A_359 : i32
          %get3A_361 = arith.index_cast %add3A_340 : i32 to index
          %get3A_362 = arith.index_cast %add3A_360 : i32 to index
          %get3A_363 = tpu.vector_load %arg12[%get3A_361, %get3A_362] {strides = array<i32>} : memref<32x1024xf32, #tpu.memory_space<vmem>>, vector<1x16xf32>,
          %get3A_364 = vector.shape_cast %get3A_363 : vector<1x16xf32> to vector<16xf32>
          %mul3A_365 = arith.mulf %broadcast_in_dim3A_336, %get3A_364 : vector<16xf32>
          %add3A_366 = arith.addf %scan3A_314, %mul3A_365 : vector<16xf32>
          %add3A_367 = arith.addf %scan3A_322, %get3A_364 : vector<16xf32>
          %add3A_368 = arith.constant 48 : i32
          %add3A_369 = arith.addi %mul3A_128, %add3A_368 : i32
          %get3A_370 = arith.index_cast %add3A_340 : i32 to index
          %get3A_371 = arith.index_cast %add3A_369 : i32 to index
          %get3A_372 = tpu.vector_load %arg12[%get3A_370, %get3A_371] {strides = array<i32>} : memref<32x1024xf32, #tpu.memory_space<vmem>>, vector<1x16xf32>,
          %get3A_373 = vector.shape_cast %get3A_372 : vector<1x16xf32> to vector<16xf32>
          %mul3A_374 = arith.mulf %broadcast_in_dim3A_336, %get3A_373 : vector<16xf32>
          %add3A_375 = arith.addf %scan3A_315, %mul3A_374 : vector<16xf32>
          %add3A_376 = arith.addf %scan3A_323, %get3A_373 : vector<16xf32>
          %add3A_377 = arith.constant 64 : i32
          %add3A_378 = arith.addi %mul3A_128, %add3A_377 : i32
          %get3A_379 = arith.index_cast %add3A_340 : i32 to index
          %get3A_380 = arith.index_cast %add3A_378 : i32 to index
          %get3A_381 = tpu.vector_load %arg12[%get3A_379, %get3A_380] {strides = array<i32>} : memref<32x1024xf32, #tpu.memory_space<vmem>>, vector<1x16xf32>,
          %get3A_382 = vector.shape_cast %get3A_381 : vector<1x16xf32> to vector<16xf32>
          %mul3A_383 = arith.mulf %broadcast_in_dim3A_336, %get3A_382 : vector<16xf32>
          %add3A_384 = arith.addf %scan3A_316, %mul3A_383 : vector<16xf32>
          %add3A_385 = arith.addf %scan3A_324, %get3A_382 : vector<16xf32>
          %add3A_386 = arith.constant 80 : i32
          %add3A_387 = arith.addi %mul3A_128, %add3A_386 : i32
          %get3A_388 = arith.index_cast %add3A_340 : i32 to index
          %get3A_389 = arith.index_cast %add3A_387 : i32 to index
          %get3A_390 = tpu.vector_load %arg12[%get3A_388, %get3A_389] {strides = array<i32>} : memref<32x1024xf32, #tpu.memory_space<vmem>>, vector<1x16xf32>,
          %get3A_391 = vector.shape_cast %get3A_390 : vector<1x16xf32> to vector<16xf32>
          %mul3A_392 = arith.mulf %broadcast_in_dim3A_336, %get3A_391 : vector<16xf32>
          %add3A_393 = arith.addf %scan3A_317, %mul3A_392 : vector<16xf32>
          %add3A_394 = arith.addf %scan3A_325, %get3A_391 : vector<16xf32>
          %add3A_395 = arith.constant 96 : i32
          %add3A_396 = arith.addi %mul3A_128, %add3A_395 : i32
          %get3A_397 = arith.index_cast %add3A_340 : i32 to index
          %get3A_398 = arith.index_cast %add3A_396 : i32 to index
          %get3A_399 = tpu.vector_load %arg12[%get3A_397, %get3A_398] {strides = array<i32>} : memref<32x1024xf32, #tpu.memory_space<vmem>>, vector<1x16xf32>,
          %get3A_400 = vector.shape_cast %get3A_399 : vector<1x16xf32> to vector<16xf32>
          %mul3A_401 = arith.mulf %broadcast_in_dim3A_336, %get3A_400 : vector<16xf32>
          %add3A_402 = arith.addf %scan3A_318, %mul3A_401 : vector<16xf32>
          %add3A_403 = arith.addf %scan3A_326, %get3A_400 : vector<16xf32>
          %add3A_404 = arith.constant 112 : i32
          %add3A_405 = arith.addi %mul3A_128, %add3A_404 : i32
          %get3A_406 = arith.index_cast %add3A_340 : i32 to index
          %get3A_407 = arith.index_cast %add3A_405 : i32 to index
          %get3A_408 = tpu.vector_load %arg12[%get3A_406, %get3A_407] {strides = array<i32>} : memref<32x1024xf32, #tpu.memory_space<vmem>>, vector<1x16xf32>,
          %get3A_409 = vector.shape_cast %get3A_408 : vector<1x16xf32> to vector<16xf32>
          %mul3A_410 = arith.mulf %broadcast_in_dim3A_336, %get3A_409 : vector<16xf32>
          %add3A_411 = arith.addf %scan3A_319, %mul3A_410 : vector<16xf32>
          %add3A_412 = arith.addf %scan3A_327, %get3A_409 : vector<16xf32>
          %slice3A_413 = vector.extract_strided_slice %get3A_335 {offsets = [1], sizes = [1], strides = [1]} : vector<16xf32> to vector<1xf32>
          %squeeze3A_414 = vector.extract %slice3A_413[0] : f32 from vector<1xf32>
          %broadcast_in_dim3A_415 = vector.broadcast %squeeze3A_414 : f32 to vector<16xf32>
          %mul3A_416 = arith.constant 16 : i32
          %mul3A_417 = arith.muli %scan3A_311, %mul3A_416 : i32
          %add3A_418 = arith.constant 1 : i32
          %add3A_419 = arith.addi %mul3A_417, %add3A_418 : i32
          %add3A_420 = arith.constant 0 : i32
          %add3A_421 = arith.addi %mul3A_128, %add3A_420 : i32
          %get3A_422 = arith.index_cast %add3A_419 : i32 to index
          %get3A_423 = arith.index_cast %add3A_421 : i32 to index
          %get3A_424 = tpu.vector_load %arg12[%get3A_422, %get3A_423] {strides = array<i32>} : memref<32x1024xf32, #tpu.memory_space<vmem>>, vector<1x16xf32>,
          %get3A_425 = vector.shape_cast %get3A_424 : vector<1x16xf32> to vector<16xf32>
          %mul3A_426 = arith.mulf %broadcast_in_dim3A_415, %get3A_425 : vector<16xf32>
          %add3A_427 = arith.addf %add3A_348, %mul3A_426 : vector<16xf32>
          %add3A_428 = arith.addf %add3A_349, %get3A_425 : vector<16xf32>
          %add3A_429 = arith.constant 16 : i32
          %add3A_430 = arith.addi %mul3A_128, %add3A_429 : i32
          %get3A_431 = arith.index_cast %add3A_419 : i32 to index
          %get3A_432 = arith.index_cast %add3A_430 : i32 to index
          %get3A_433 = tpu.vector_load %arg12[%get3A_431, %get3A_432] {strides = array<i32>} : memref<32x1024xf32, #tpu.memory_space<vmem>>, vector<1x16xf32>,
          %get3A_434 = vector.shape_cast %get3A_433 : vector<1x16xf32> to vector<16xf32>
          %mul3A_435 = arith.mulf %broadcast_in_dim3A_415, %get3A_434 : vector<16xf32>
          %add3A_436 = arith.addf %add3A_357, %mul3A_435 : vector<16xf32>
          %add3A_437 = arith.addf %add3A_358, %get3A_434 : vector<16xf32>
          %add3A_438 = arith.constant 32 : i32
          %add3A_439 = arith.addi %mul3A_128, %add3A_438 : i32
          %get3A_440 = arith.index_cast %add3A_419 : i32 to index
          %get3A_441 = arith.index_cast %add3A_439 : i32 to index
          %get3A_442 = tpu.vector_load %arg12[%get3A_440, %get3A_441] {strides = array<i32>} : memref<32x1024xf32, #tpu.memory_space<vmem>>, vector<1x16xf32>,
          %get3A_443 = vector.shape_cast %get3A_442 : vector<1x16xf32> to vector<16xf32>
          %mul3A_444 = arith.mulf %broadcast_in_dim3A_415, %get3A_443 : vector<16xf32>
          %add3A_445 = arith.addf %add3A_366, %mul3A_444 : vector<16xf32>
          %add3A_446 = arith.addf %add3A_367, %get3A_443 : vector<16xf32>
          %add3A_447 = arith.constant 48 : i32
          %add3A_448 = arith.addi %mul3A_128, %add3A_447 : i32
          %get3A_449 = arith.index_cast %add3A_419 : i32 to index
          %get3A_450 = arith.index_cast %add3A_448 : i32 to index
          %get3A_451 = tpu.vector_load %arg12[%get3A_449, %get3A_450] {strides = array<i32>} : memref<32x1024xf32, #tpu.memory_space<vmem>>, vector<1x16xf32>,
          %get3A_452 = vector.shape_cast %get3A_451 : vector<1x16xf32> to vector<16xf32>
          %mul3A_453 = arith.mulf %broadcast_in_dim3A_415, %get3A_452 : vector<16xf32>
          %add3A_454 = arith.addf %add3A_375, %mul3A_453 : vector<16xf32>
          %add3A_455 = arith.addf %add3A_376, %get3A_452 : vector<16xf32>
          %add3A_456 = arith.constant 64 : i32
          %add3A_457 = arith.addi %mul3A_128, %add3A_456 : i32
          %get3A_458 = arith.index_cast %add3A_419 : i32 to index
          %get3A_459 = arith.index_cast %add3A_457 : i32 to index
          %get3A_460 = tpu.vector_load %arg12[%get3A_458, %get3A_459] {strides = array<i32>} : memref<32x1024xf32, #tpu.memory_space<vmem>>, vector<1x16xf32>,
          %get3A_461 = vector.shape_cast %get3A_460 : vector<1x16xf32> to vector<16xf32>
          %mul3A_462 = arith.mulf %broadcast_in_dim3A_415, %get3A_461 : vector<16xf32>
          %add3A_463 = arith.addf %add3A_384, %mul3A_462 : vector<16xf32>
          %add3A_464 = arith.addf %add3A_385, %get3A_461 : vector<16xf32>
          %add3A_465 = arith.constant 80 : i32
          %add3A_466 = arith.addi %mul3A_128, %add3A_465 : i32
          %get3A_467 = arith.index_cast %add3A_419 : i32 to index
          %get3A_468 = arith.index_cast %add3A_466 : i32 to index
          %get3A_469 = tpu.vector_load %arg12[%get3A_467, %get3A_468] {strides = array<i32>} : memref<32x1024xf32, #tpu.memory_space<vmem>>, vector<1x16xf32>,
          %get3A_470 = vector.shape_cast %get3A_469 : vector<1x16xf32> to vector<16xf32>
          %mul3A_471 = arith.mulf %broadcast_in_dim3A_415, %get3A_470 : vector<16xf32>
          %add3A_472 = arith.addf %add3A_393, %mul3A_471 : vector<16xf32>
          %add3A_473 = arith.addf %add3A_394, %get3A_470 : vector<16xf32>
          %add3A_474 = arith.constant 96 : i32
          %add3A_475 = arith.addi %mul3A_128, %add3A_474 : i32
          %get3A_476 = arith.index_cast %add3A_419 : i32 to index
          %get3A_477 = arith.index_cast %add3A_475 : i32 to index
          %get3A_478 = tpu.vector_load %arg12[%get3A_476, %get3A_477] {strides = array<i32>} : memref<32x1024xf32, #tpu.memory_space<vmem>>, vector<1x16xf32>,
          %get3A_479 = vector.shape_cast %get3A_478 : vector<1x16xf32> to vector<16xf32>
          %mul3A_480 = arith.mulf %broadcast_in_dim3A_415, %get3A_479 : vector<16xf32>
          %add3A_481 = arith.addf %add3A_402, %mul3A_480 : vector<16xf32>
          %add3A_482 = arith.addf %add3A_403, %get3A_479 : vector<16xf32>
          %add3A_483 = arith.constant 112 : i32
          %add3A_484 = arith.addi %mul3A_128, %add3A_483 : i32
          %get3A_485 = arith.index_cast %add3A_419 : i32 to index
          %get3A_486 = arith.index_cast %add3A_484 : i32 to index
          %get3A_487 = tpu.vector_load %arg12[%get3A_485, %get3A_486] {strides = array<i32>} : memref<32x1024xf32, #tpu.memory_space<vmem>>, vector<1x16xf32>,
          %get3A_488 = vector.shape_cast %get3A_487 : vector<1x16xf32> to vector<16xf32>
          %mul3A_489 = arith.mulf %broadcast_in_dim3A_415, %get3A_488 : vector<16xf32>
          %add3A_490 = arith.addf %add3A_411, %mul3A_489 : vector<16xf32>
          %add3A_491 = arith.addf %add3A_412, %get3A_488 : vector<16xf32>
          %slice3A_492 = vector.extract_strided_slice %get3A_335 {offsets = [2], sizes = [1], strides = [1]} : vector<16xf32> to vector<1xf32>
          %squeeze3A_493 = vector.extract %slice3A_492[0] : f32 from vector<1xf32>
          %broadcast_in_dim3A_494 = vector.broadcast %squeeze3A_493 : f32 to vector<16xf32>
          %mul3A_495 = arith.constant 16 : i32
          %mul3A_496 = arith.muli %scan3A_311, %mul3A_495 : i32
          %add3A_497 = arith.constant 2 : i32
          %add3A_498 = arith.addi %mul3A_496, %add3A_497 : i32
          %add3A_499 = arith.constant 0 : i32
          %add3A_500 = arith.addi %mul3A_128, %add3A_499 : i32
          %get3A_501 = arith.index_cast %add3A_498 : i32 to index
          %get3A_502 = arith.index_cast %add3A_500 : i32 to index
          %get3A_503 = tpu.vector_load %arg12[%get3A_501, %get3A_502] {strides = array<i32>} : memref<32x1024xf32, #tpu.memory_space<vmem>>, vector<1x16xf32>,
          %get3A_504 = vector.shape_cast %get3A_503 : vector<1x16xf32> to vector<16xf32>
          %mul3A_505 = arith.mulf %broadcast_in_dim3A_494, %get3A_504 : vector<16xf32>
          %add3A_506 = arith.addf %add3A_427, %mul3A_505 : vector<16xf32>
          %add3A_507 = arith.addf %add3A_428, %get3A_504 : vector<16xf32>
          %add3A_508 = arith.constant 16 : i32
          %add3A_509 = arith.addi %mul3A_128, %add3A_508 : i32
          %get3A_510 = arith.index_cast %add3A_498 : i32 to index
          %get3A_511 = arith.index_cast %add3A_509 : i32 to index
          %get3A_512 = tpu.vector_load %arg12[%get3A_510, %get3A_511] {strides = array<i32>} : memref<32x1024xf32, #tpu.memory_space<vmem>>, vector<1x16xf32>,
          %get3A_513 = vector.shape_cast %get3A_512 : vector<1x16xf32> to vector<16xf32>
          %mul3A_514 = arith.mulf %broadcast_in_dim3A_494, %get3A_513 : vector<16xf32>
          %add3A_515 = arith.addf %add3A_436, %mul3A_514 : vector<16xf32>
          %add3A_516 = arith.addf %add3A_437, %get3A_513 : vector<16xf32>
          %add3A_517 = arith.constant 32 : i32
          %add3A_518 = arith.addi %mul3A_128, %add3A_517 : i32
          %get3A_519 = arith.index_cast %add3A_498 : i32 to index
          %get3A_520 = arith.index_cast %add3A_518 : i32 to index
          %get3A_521 = tpu.vector_load %arg12[%get3A_519, %get3A_520] {strides = array<i32>} : memref<32x1024xf32, #tpu.memory_space<vmem>>, vector<1x16xf32>,
          %get3A_522 = vector.shape_cast %get3A_521 : vector<1x16xf32> to vector<16xf32>
          %mul3A_523 = arith.mulf %broadcast_in_dim3A_494, %get3A_522 : vector<16xf32>
          %add3A_524 = arith.addf %add3A_445, %mul3A_523 : vector<16xf32>
          %add3A_525 = arith.addf %add3A_446, %get3A_522 : vector<16xf32>
          %add3A_526 = arith.constant 48 : i32
          %add3A_527 = arith.addi %mul3A_128, %add3A_526 : i32
          %get3A_528 = arith.index_cast %add3A_498 : i32 to index
          %get3A_529 = arith.index_cast %add3A_527 : i32 to index
          %get3A_530 = tpu.vector_load %arg12[%get3A_528, %get3A_529] {strides = array<i32>} : memref<32x1024xf32, #tpu.memory_space<vmem>>, vector<1x16xf32>,
          %get3A_531 = vector.shape_cast %get3A_530 : vector<1x16xf32> to vector<16xf32>
          %mul3A_532 = arith.mulf %broadcast_in_dim3A_494, %get3A_531 : vector<16xf32>
          %add3A_533 = arith.addf %add3A_454, %mul3A_532 : vector<16xf32>
          %add3A_534 = arith.addf %add3A_455, %get3A_531 : vector<16xf32>
          %add3A_535 = arith.constant 64 : i32
          %add3A_536 = arith.addi %mul3A_128, %add3A_535 : i32
          %get3A_537 = arith.index_cast %add3A_498 : i32 to index
          %get3A_538 = arith.index_cast %add3A_536 : i32 to index
          %get3A_539 = tpu.vector_load %arg12[%get3A_537, %get3A_538] {strides = array<i32>} : memref<32x1024xf32, #tpu.memory_space<vmem>>, vector<1x16xf32>,
          %get3A_540 = vector.shape_cast %get3A_539 : vector<1x16xf32> to vector<16xf32>
          %mul3A_541 = arith.mulf %broadcast_in_dim3A_494, %get3A_540 : vector<16xf32>
          %add3A_542 = arith.addf %add3A_463, %mul3A_541 : vector<16xf32>
          %add3A_543 = arith.addf %add3A_464, %get3A_540 : vector<16xf32>
          %add3A_544 = arith.constant 80 : i32
          %add3A_545 = arith.addi %mul3A_128, %add3A_544 : i32
          %get3A_546 = arith.index_cast %add3A_498 : i32 to index
          %get3A_547 = arith.index_cast %add3A_545 : i32 to index
          %get3A_548 = tpu.vector_load %arg12[%get3A_546, %get3A_547] {strides = array<i32>} : memref<32x1024xf32, #tpu.memory_space<vmem>>, vector<1x16xf32>,
          %get3A_549 = vector.shape_cast %get3A_548 : vector<1x16xf32> to vector<16xf32>
          %mul3A_550 = arith.mulf %broadcast_in_dim3A_494, %get3A_549 : vector<16xf32>
          %add3A_551 = arith.addf %add3A_472, %mul3A_550 : vector<16xf32>
          %add3A_552 = arith.addf %add3A_473, %get3A_549 : vector<16xf32>
          %add3A_553 = arith.constant 96 : i32
          %add3A_554 = arith.addi %mul3A_128, %add3A_553 : i32
          %get3A_555 = arith.index_cast %add3A_498 : i32 to index
          %get3A_556 = arith.index_cast %add3A_554 : i32 to index
          %get3A_557 = tpu.vector_load %arg12[%get3A_555, %get3A_556] {strides = array<i32>} : memref<32x1024xf32, #tpu.memory_space<vmem>>, vector<1x16xf32>,
          %get3A_558 = vector.shape_cast %get3A_557 : vector<1x16xf32> to vector<16xf32>
          %mul3A_559 = arith.mulf %broadcast_in_dim3A_494, %get3A_558 : vector<16xf32>
          %add3A_560 = arith.addf %add3A_481, %mul3A_559 : vector<16xf32>
          %add3A_561 = arith.addf %add3A_482, %get3A_558 : vector<16xf32>
          %add3A_562 = arith.constant 112 : i32
          %add3A_563 = arith.addi %mul3A_128, %add3A_562 : i32
          %get3A_564 = arith.index_cast %add3A_498 : i32 to index
          %get3A_565 = arith.index_cast %add3A_563 : i32 to index
          %get3A_566 = tpu.vector_load %arg12[%get3A_564, %get3A_565] {strides = array<i32>} : memref<32x1024xf32, #tpu.memory_space<vmem>>, vector<1x16xf32>,
          %get3A_567 = vector.shape_cast %get3A_566 : vector<1x16xf32> to vector<16xf32>
          %mul3A_568 = arith.mulf %broadcast_in_dim3A_494, %get3A_567 : vector<16xf32>
          %add3A_569 = arith.addf %add3A_490, %mul3A_568 : vector<16xf32>
          %add3A_570 = arith.addf %add3A_491, %get3A_567 : vector<16xf32>
          %slice3A_571 = vector.extract_strided_slice %get3A_335 {offsets = [3], sizes = [1], strides = [1]} : vector<16xf32> to vector<1xf32>
          %squeeze3A_572 = vector.extract %slice3A_571[0] : f32 from vector<1xf32>
          %broadcast_in_dim3A_573 = vector.broadcast %squeeze3A_572 : f32 to vector<16xf32>
          %mul3A_574 = arith.constant 16 : i32
          %mul3A_575 = arith.muli %scan3A_311, %mul3A_574 : i32
          %add3A_576 = arith.constant 3 : i32
          %add3A_577 = arith.addi %mul3A_575, %add3A_576 : i32
          %add3A_578 = arith.constant 0 : i32
          %add3A_579 = arith.addi %mul3A_128, %add3A_578 : i32
          %get3A_580 = arith.index_cast %add3A_577 : i32 to index
          %get3A_581 = arith.index_cast %add3A_579 : i32 to index
          %get3A_582 = tpu.vector_load %arg12[%get3A_580, %get3A_581] {strides = array<i32>} : memref<32x1024xf32, #tpu.memory_space<vmem>>, vector<1x16xf32>,
          %get3A_583 = vector.shape_cast %get3A_582 : vector<1x16xf32> to vector<16xf32>
          %mul3A_584 = arith.mulf %broadcast_in_dim3A_573, %get3A_583 : vector<16xf32>
          %add3A_585 = arith.addf %add3A_506, %mul3A_584 : vector<16xf32>
          %add3A_586 = arith.addf %add3A_507, %get3A_583 : vector<16xf32>
          %add3A_587 = arith.constant 16 : i32
          %add3A_588 = arith.addi %mul3A_128, %add3A_587 : i32
          %get3A_589 = arith.index_cast %add3A_577 : i32 to index
          %get3A_590 = arith.index_cast %add3A_588 : i32 to index
          %get3A_591 = tpu.vector_load %arg12[%get3A_589, %get3A_590] {strides = array<i32>} : memref<32x1024xf32, #tpu.memory_space<vmem>>, vector<1x16xf32>,
          %get3A_592 = vector.shape_cast %get3A_591 : vector<1x16xf32> to vector<16xf32>
          %mul3A_593 = arith.mulf %broadcast_in_dim3A_573, %get3A_592 : vector<16xf32>
          %add3A_594 = arith.addf %add3A_515, %mul3A_593 : vector<16xf32>
          %add3A_595 = arith.addf %add3A_516, %get3A_592 : vector<16xf32>
          %add3A_596 = arith.constant 32 : i32
          %add3A_597 = arith.addi %mul3A_128, %add3A_596 : i32
          %get3A_598 = arith.index_cast %add3A_577 : i32 to index
          %get3A_599 = arith.index_cast %add3A_597 : i32 to index
          %get3A_600 = tpu.vector_load %arg12[%get3A_598, %get3A_599] {strides = array<i32>} : memref<32x1024xf32, #tpu.memory_space<vmem>>, vector<1x16xf32>,
          %get3A_601 = vector.shape_cast %get3A_600 : vector<1x16xf32> to vector<16xf32>
          %mul3A_602 = arith.mulf %broadcast_in_dim3A_573, %get3A_601 : vector<16xf32>
          %add3A_603 = arith.addf %add3A_524, %mul3A_602 : vector<16xf32>
          %add3A_604 = arith.addf %add3A_525, %get3A_601 : vector<16xf32>
          %add3A_605 = arith.constant 48 : i32
          %add3A_606 = arith.addi %mul3A_128, %add3A_605 : i32
          %get3A_607 = arith.index_cast %add3A_577 : i32 to index
          %get3A_608 = arith.index_cast %add3A_606 : i32 to index
          %get3A_609 = tpu.vector_load %arg12[%get3A_607, %get3A_608] {strides = array<i32>} : memref<32x1024xf32, #tpu.memory_space<vmem>>, vector<1x16xf32>,
          %get3A_610 = vector.shape_cast %get3A_609 : vector<1x16xf32> to vector<16xf32>
          %mul3A_611 = arith.mulf %broadcast_in_dim3A_573, %get3A_610 : vector<16xf32>
          %add3A_612 = arith.addf %add3A_533, %mul3A_611 : vector<16xf32>
          %add3A_613 = arith.addf %add3A_534, %get3A_610 : vector<16xf32>
          %add3A_614 = arith.constant 64 : i32
          %add3A_615 = arith.addi %mul3A_128, %add3A_614 : i32
          %get3A_616 = arith.index_cast %add3A_577 : i32 to index
          %get3A_617 = arith.index_cast %add3A_615 : i32 to index
          %get3A_618 = tpu.vector_load %arg12[%get3A_616, %get3A_617] {strides = array<i32>} : memref<32x1024xf32, #tpu.memory_space<vmem>>, vector<1x16xf32>,
          %get3A_619 = vector.shape_cast %get3A_618 : vector<1x16xf32> to vector<16xf32>
          %mul3A_620 = arith.mulf %broadcast_in_dim3A_573, %get3A_619 : vector<16xf32>
          %add3A_621 = arith.addf %add3A_542, %mul3A_620 : vector<16xf32>
          %add3A_622 = arith.addf %add3A_543, %get3A_619 : vector<16xf32>
          %add3A_623 = arith.constant 80 : i32
          %add3A_624 = arith.addi %mul3A_128, %add3A_623 : i32
          %get3A_625 = arith.index_cast %add3A_577 : i32 to index
          %get3A_626 = arith.index_cast %add3A_624 : i32 to index
          %get3A_627 = tpu.vector_load %arg12[%get3A_625, %get3A_626] {strides = array<i32>} : memref<32x1024xf32, #tpu.memory_space<vmem>>, vector<1x16xf32>,
          %get3A_628 = vector.shape_cast %get3A_627 : vector<1x16xf32> to vector<16xf32>
          %mul3A_629 = arith.mulf %broadcast_in_dim3A_573, %get3A_628 : vector<16xf32>
          %add3A_630 = arith.addf %add3A_551, %mul3A_629 : vector<16xf32>
          %add3A_631 = arith.addf %add3A_552, %get3A_628 : vector<16xf32>
          %add3A_632 = arith.constant 96 : i32
          %add3A_633 = arith.addi %mul3A_128, %add3A_632 : i32
          %get3A_634 = arith.index_cast %add3A_577 : i32 to index
          %get3A_635 = arith.index_cast %add3A_633 : i32 to index
          %get3A_636 = tpu.vector_load %arg12[%get3A_634, %get3A_635] {strides = array<i32>} : memref<32x1024xf32, #tpu.memory_space<vmem>>, vector<1x16xf32>,
          %get3A_637 = vector.shape_cast %get3A_636 : vector<1x16xf32> to vector<16xf32>
          %mul3A_638 = arith.mulf %broadcast_in_dim3A_573, %get3A_637 : vector<16xf32>
          %add3A_639 = arith.addf %add3A_560, %mul3A_638 : vector<16xf32>
          %add3A_640 = arith.addf %add3A_561, %get3A_637 : vector<16xf32>
          %add3A_641 = arith.constant 112 : i32
          %add3A_642 = arith.addi %mul3A_128, %add3A_641 : i32
          %get3A_643 = arith.index_cast %add3A_577 : i32 to index
          %get3A_644 = arith.index_cast %add3A_642 : i32 to index
          %get3A_645 = tpu.vector_load %arg12[%get3A_643, %get3A_644] {strides = array<i32>} : memref<32x1024xf32, #tpu.memory_space<vmem>>, vector<1x16xf32>,
          %get3A_646 = vector.shape_cast %get3A_645 : vector<1x16xf32> to vector<16xf32>
          %mul3A_647 = arith.mulf %broadcast_in_dim3A_573, %get3A_646 : vector<16xf32>
          %add3A_648 = arith.addf %add3A_569, %mul3A_647 : vector<16xf32>
          %add3A_649 = arith.addf %add3A_570, %get3A_646 : vector<16xf32>
          %slice3A_650 = vector.extract_strided_slice %get3A_335 {offsets = [4], sizes = [1], strides = [1]} : vector<16xf32> to vector<1xf32>
          %squeeze3A_651 = vector.extract %slice3A_650[0] : f32 from vector<1xf32>
          %broadcast_in_dim3A_652 = vector.broadcast %squeeze3A_651 : f32 to vector<16xf32>
          %mul3A_653 = arith.constant 16 : i32
          %mul3A_654 = arith.muli %scan3A_311, %mul3A_653 : i32
          %add3A_655 = arith.constant 4 : i32
          %add3A_656 = arith.addi %mul3A_654, %add3A_655 : i32
          %add3A_657 = arith.constant 0 : i32
          %add3A_658 = arith.addi %mul3A_128, %add3A_657 : i32
          %get3A_659 = arith.index_cast %add3A_656 : i32 to index
          %get3A_660 = arith.index_cast %add3A_658 : i32 to index
          %get3A_661 = tpu.vector_load %arg12[%get3A_659, %get3A_660] {strides = array<i32>} : memref<32x1024xf32, #tpu.memory_space<vmem>>, vector<1x16xf32>,
          %get3A_662 = vector.shape_cast %get3A_661 : vector<1x16xf32> to vector<16xf32>
          %mul3A_663 = arith.mulf %broadcast_in_dim3A_652, %get3A_662 : vector<16xf32>
          %add3A_664 = arith.addf %add3A_585, %mul3A_663 : vector<16xf32>
          %add3A_665 = arith.addf %add3A_586, %get3A_662 : vector<16xf32>
          %add3A_666 = arith.constant 16 : i32
          %add3A_667 = arith.addi %mul3A_128, %add3A_666 : i32
          %get3A_668 = arith.index_cast %add3A_656 : i32 to index
          %get3A_669 = arith.index_cast %add3A_667 : i32 to index
          %get3A_670 = tpu.vector_load %arg12[%get3A_668, %get3A_669] {strides = array<i32>} : memref<32x1024xf32, #tpu.memory_space<vmem>>, vector<1x16xf32>,
          %get3A_671 = vector.shape_cast %get3A_670 : vector<1x16xf32> to vector<16xf32>
          %mul3A_672 = arith.mulf %broadcast_in_dim3A_652, %get3A_671 : vector<16xf32>
          %add3A_673 = arith.addf %add3A_594, %mul3A_672 : vector<16xf32>
          %add3A_674 = arith.addf %add3A_595, %get3A_671 : vector<16xf32>
          %add3A_675 = arith.constant 32 : i32
          %add3A_676 = arith.addi %mul3A_128, %add3A_675 : i32
          %get3A_677 = arith.index_cast %add3A_656 : i32 to index
          %get3A_678 = arith.index_cast %add3A_676 : i32 to index
          %get3A_679 = tpu.vector_load %arg12[%get3A_677, %get3A_678] {strides = array<i32>} : memref<32x1024xf32, #tpu.memory_space<vmem>>, vector<1x16xf32>,
          %get3A_680 = vector.shape_cast %get3A_679 : vector<1x16xf32> to vector<16xf32>
          %mul3A_681 = arith.mulf %broadcast_in_dim3A_652, %get3A_680 : vector<16xf32>
          %add3A_682 = arith.addf %add3A_603, %mul3A_681 : vector<16xf32>
          %add3A_683 = arith.addf %add3A_604, %get3A_680 : vector<16xf32>
          %add3A_684 = arith.constant 48 : i32
          %add3A_685 = arith.addi %mul3A_128, %add3A_684 : i32
          %get3A_686 = arith.index_cast %add3A_656 : i32 to index
          %get3A_687 = arith.index_cast %add3A_685 : i32 to index
          %get3A_688 = tpu.vector_load %arg12[%get3A_686, %get3A_687] {strides = array<i32>} : memref<32x1024xf32, #tpu.memory_space<vmem>>, vector<1x16xf32>,
          %get3A_689 = vector.shape_cast %get3A_688 : vector<1x16xf32> to vector<16xf32>
          %mul3A_690 = arith.mulf %broadcast_in_dim3A_652, %get3A_689 : vector<16xf32>
          %add3A_691 = arith.addf %add3A_612, %mul3A_690 : vector<16xf32>
          %add3A_692 = arith.addf %add3A_613, %get3A_689 : vector<16xf32>
          %add3A_693 = arith.constant 64 : i32
          %add3A_694 = arith.addi %mul3A_128, %add3A_693 : i32
          %get3A_695 = arith.index_cast %add3A_656 : i32 to index
          %get3A_696 = arith.index_cast %add3A_694 : i32 to index
          %get3A_697 = tpu.vector_load %arg12[%get3A_695, %get3A_696] {strides = array<i32>} : memref<32x1024xf32, #tpu.memory_space<vmem>>, vector<1x16xf32>,
          %get3A_698 = vector.shape_cast %get3A_697 : vector<1x16xf32> to vector<16xf32>
          %mul3A_699 = arith.mulf %broadcast_in_dim3A_652, %get3A_698 : vector<16xf32>
          %add3A_700 = arith.addf %add3A_621, %mul3A_699 : vector<16xf32>
          %add3A_701 = arith.addf %add3A_622, %get3A_698 : vector<16xf32>
          %add3A_702 = arith.constant 80 : i32
          %add3A_703 = arith.addi %mul3A_128, %add3A_702 : i32
          %get3A_704 = arith.index_cast %add3A_656 : i32 to index
          %get3A_705 = arith.index_cast %add3A_703 : i32 to index
          %get3A_706 = tpu.vector_load %arg12[%get3A_704, %get3A_705] {strides = array<i32>} : memref<32x1024xf32, #tpu.memory_space<vmem>>, vector<1x16xf32>,
          %get3A_707 = vector.shape_cast %get3A_706 : vector<1x16xf32> to vector<16xf32>
          %mul3A_708 = arith.mulf %broadcast_in_dim3A_652, %get3A_707 : vector<16xf32>
          %add3A_709 = arith.addf %add3A_630, %mul3A_708 : vector<16xf32>
          %add3A_710 = arith.addf %add3A_631, %get3A_707 : vector<16xf32>
          %add3A_711 = arith.constant 96 : i32
          %add3A_712 = arith.addi %mul3A_128, %add3A_711 : i32
          %get3A_713 = arith.index_cast %add3A_656 : i32 to index
          %get3A_714 = arith.index_cast %add3A_712 : i32 to index
          %get3A_715 = tpu.vector_load %arg12[%get3A_713, %get3A_714] {strides = array<i32>} : memref<32x1024xf32, #tpu.memory_space<vmem>>, vector<1x16xf32>,
          %get3A_716 = vector.shape_cast %get3A_715 : vector<1x16xf32> to vector<16xf32>
          %mul3A_717 = arith.mulf %broadcast_in_dim3A_652, %get3A_716 : vector<16xf32>
          %add3A_718 = arith.addf %add3A_639, %mul3A_717 : vector<16xf32>
          %add3A_719 = arith.addf %add3A_640, %get3A_716 : vector<16xf32>
          %add3A_720 = arith.constant 112 : i32
          %add3A_721 = arith.addi %mul3A_128, %add3A_720 : i32
          %get3A_722 = arith.index_cast %add3A_656 : i32 to index
          %get3A_723 = arith.index_cast %add3A_721 : i32 to index
          %get3A_724 = tpu.vector_load %arg12[%get3A_722, %get3A_723] {strides = array<i32>} : memref<32x1024xf32, #tpu.memory_space<vmem>>, vector<1x16xf32>,
          %get3A_725 = vector.shape_cast %get3A_724 : vector<1x16xf32> to vector<16xf32>
          %mul3A_726 = arith.mulf %broadcast_in_dim3A_652, %get3A_725 : vector<16xf32>
          %add3A_727 = arith.addf %add3A_648, %mul3A_726 : vector<16xf32>
          %add3A_728 = arith.addf %add3A_649, %get3A_725 : vector<16xf32>
          %slice3A_729 = vector.extract_strided_slice %get3A_335 {offsets = [5], sizes = [1], strides = [1]} : vector<16xf32> to vector<1xf32>
          %squeeze3A_730 = vector.extract %slice3A_729[0] : f32 from vector<1xf32>
          %broadcast_in_dim3A_731 = vector.broadcast %squeeze3A_730 : f32 to vector<16xf32>
          %mul3A_732 = arith.constant 16 : i32
          %mul3A_733 = arith.muli %scan3A_311, %mul3A_732 : i32
          %add3A_734 = arith.constant 5 : i32
          %add3A_735 = arith.addi %mul3A_733, %add3A_734 : i32
          %add3A_736 = arith.constant 0 : i32
          %add3A_737 = arith.addi %mul3A_128, %add3A_736 : i32
          %get3A_738 = arith.index_cast %add3A_735 : i32 to index
          %get3A_739 = arith.index_cast %add3A_737 : i32 to index
          %get3A_740 = tpu.vector_load %arg12[%get3A_738, %get3A_739] {strides = array<i32>} : memref<32x1024xf32, #tpu.memory_space<vmem>>, vector<1x16xf32>,
          %get3A_741 = vector.shape_cast %get3A_740 : vector<1x16xf32> to vector<16xf32>
          %mul3A_742 = arith.mulf %broadcast_in_dim3A_731, %get3A_741 : vector<16xf32>
          %add3A_743 = arith.addf %add3A_664, %mul3A_742 : vector<16xf32>
          %add3A_744 = arith.addf %add3A_665, %get3A_741 : vector<16xf32>
          %add3A_745 = arith.constant 16 : i32
          %add3A_746 = arith.addi %mul3A_128, %add3A_745 : i32
          %get3A_747 = arith.index_cast %add3A_735 : i32 to index
          %get3A_748 = arith.index_cast %add3A_746 : i32 to index
          %get3A_749 = tpu.vector_load %arg12[%get3A_747, %get3A_748] {strides = array<i32>} : memref<32x1024xf32, #tpu.memory_space<vmem>>, vector<1x16xf32>,
          %get3A_750 = vector.shape_cast %get3A_749 : vector<1x16xf32> to vector<16xf32>
          %mul3A_751 = arith.mulf %broadcast_in_dim3A_731, %get3A_750 : vector<16xf32>
          %add3A_752 = arith.addf %add3A_673, %mul3A_751 : vector<16xf32>
          %add3A_753 = arith.addf %add3A_674, %get3A_750 : vector<16xf32>
          %add3A_754 = arith.constant 32 : i32
          %add3A_755 = arith.addi %mul3A_128, %add3A_754 : i32
          %get3A_756 = arith.index_cast %add3A_735 : i32 to index
          %get3A_757 = arith.index_cast %add3A_755 : i32 to index
          %get3A_758 = tpu.vector_load %arg12[%get3A_756, %get3A_757] {strides = array<i32>} : memref<32x1024xf32, #tpu.memory_space<vmem>>, vector<1x16xf32>,
          %get3A_759 = vector.shape_cast %get3A_758 : vector<1x16xf32> to vector<16xf32>
          %mul3A_760 = arith.mulf %broadcast_in_dim3A_731, %get3A_759 : vector<16xf32>
          %add3A_761 = arith.addf %add3A_682, %mul3A_760 : vector<16xf32>
          %add3A_762 = arith.addf %add3A_683, %get3A_759 : vector<16xf32>
          %add3A_763 = arith.constant 48 : i32
          %add3A_764 = arith.addi %mul3A_128, %add3A_763 : i32
          %get3A_765 = arith.index_cast %add3A_735 : i32 to index
          %get3A_766 = arith.index_cast %add3A_764 : i32 to index
          %get3A_767 = tpu.vector_load %arg12[%get3A_765, %get3A_766] {strides = array<i32>} : memref<32x1024xf32, #tpu.memory_space<vmem>>, vector<1x16xf32>,
          %get3A_768 = vector.shape_cast %get3A_767 : vector<1x16xf32> to vector<16xf32>
          %mul3A_769 = arith.mulf %broadcast_in_dim3A_731, %get3A_768 : vector<16xf32>
          %add3A_770 = arith.addf %add3A_691, %mul3A_769 : vector<16xf32>
          %add3A_771 = arith.addf %add3A_692, %get3A_768 : vector<16xf32>
          %add3A_772 = arith.constant 64 : i32
          %add3A_773 = arith.addi %mul3A_128, %add3A_772 : i32
          %get3A_774 = arith.index_cast %add3A_735 : i32 to index
          %get3A_775 = arith.index_cast %add3A_773 : i32 to index
          %get3A_776 = tpu.vector_load %arg12[%get3A_774, %get3A_775] {strides = array<i32>} : memref<32x1024xf32, #tpu.memory_space<vmem>>, vector<1x16xf32>,
          %get3A_777 = vector.shape_cast %get3A_776 : vector<1x16xf32> to vector<16xf32>
          %mul3A_778 = arith.mulf %broadcast_in_dim3A_731, %get3A_777 : vector<16xf32>
          %add3A_779 = arith.addf %add3A_700, %mul3A_778 : vector<16xf32>
          %add3A_780 = arith.addf %add3A_701, %get3A_777 : vector<16xf32>
          %add3A_781 = arith.constant 80 : i32
          %add3A_782 = arith.addi %mul3A_128, %add3A_781 : i32
          %get3A_783 = arith.index_cast %add3A_735 : i32 to index
          %get3A_784 = arith.index_cast %add3A_782 : i32 to index
          %get3A_785 = tpu.vector_load %arg12[%get3A_783, %get3A_784] {strides = array<i32>} : memref<32x1024xf32, #tpu.memory_space<vmem>>, vector<1x16xf32>,
          %get3A_786 = vector.shape_cast %get3A_785 : vector<1x16xf32> to vector<16xf32>
          %mul3A_787 = arith.mulf %broadcast_in_dim3A_731, %get3A_786 : vector<16xf32>
          %add3A_788 = arith.addf %add3A_709, %mul3A_787 : vector<16xf32>
          %add3A_789 = arith.addf %add3A_710, %get3A_786 : vector<16xf32>
          %add3A_790 = arith.constant 96 : i32
          %add3A_791 = arith.addi %mul3A_128, %add3A_790 : i32
          %get3A_792 = arith.index_cast %add3A_735 : i32 to index
          %get3A_793 = arith.index_cast %add3A_791 : i32 to index
          %get3A_794 = tpu.vector_load %arg12[%get3A_792, %get3A_793] {strides = array<i32>} : memref<32x1024xf32, #tpu.memory_space<vmem>>, vector<1x16xf32>,
          %get3A_795 = vector.shape_cast %get3A_794 : vector<1x16xf32> to vector<16xf32>
          %mul3A_796 = arith.mulf %broadcast_in_dim3A_731, %get3A_795 : vector<16xf32>
          %add3A_797 = arith.addf %add3A_718, %mul3A_796 : vector<16xf32>
          %add3A_798 = arith.addf %add3A_719, %get3A_795 : vector<16xf32>
          %add3A_799 = arith.constant 112 : i32
          %add3A_800 = arith.addi %mul3A_128, %add3A_799 : i32
          %get3A_801 = arith.index_cast %add3A_735 : i32 to index
          %get3A_802 = arith.index_cast %add3A_800 : i32 to index
          %get3A_803 = tpu.vector_load %arg12[%get3A_801, %get3A_802] {strides = array<i32>} : memref<32x1024xf32, #tpu.memory_space<vmem>>, vector<1x16xf32>,
          %get3A_804 = vector.shape_cast %get3A_803 : vector<1x16xf32> to vector<16xf32>
          %mul3A_805 = arith.mulf %broadcast_in_dim3A_731, %get3A_804 : vector<16xf32>
          %add3A_806 = arith.addf %add3A_727, %mul3A_805 : vector<16xf32>
          %add3A_807 = arith.addf %add3A_728, %get3A_804 : vector<16xf32>
          %slice3A_808 = vector.extract_strided_slice %get3A_335 {offsets = [6], sizes = [1], strides = [1]} : vector<16xf32> to vector<1xf32>
          %squeeze3A_809 = vector.extract %slice3A_808[0] : f32 from vector<1xf32>
          %broadcast_in_dim3A_810 = vector.broadcast %squeeze3A_809 : f32 to vector<16xf32>
          %mul3A_811 = arith.constant 16 : i32
          %mul3A_812 = arith.muli %scan3A_311, %mul3A_811 : i32
          %add3A_813 = arith.constant 6 : i32
          %add3A_814 = arith.addi %mul3A_812, %add3A_813 : i32
          %add3A_815 = arith.constant 0 : i32
          %add3A_816 = arith.addi %mul3A_128, %add3A_815 : i32
          %get3A_817 = arith.index_cast %add3A_814 : i32 to index
          %get3A_818 = arith.index_cast %add3A_816 : i32 to index
          %get3A_819 = tpu.vector_load %arg12[%get3A_817, %get3A_818] {strides = array<i32>} : memref<32x1024xf32, #tpu.memory_space<vmem>>, vector<1x16xf32>,
          %get3A_820 = vector.shape_cast %get3A_819 : vector<1x16xf32> to vector<16xf32>
          %mul3A_821 = arith.mulf %broadcast_in_dim3A_810, %get3A_820 : vector<16xf32>
          %add3A_822 = arith.addf %add3A_743, %mul3A_821 : vector<16xf32>
          %add3A_823 = arith.addf %add3A_744, %get3A_820 : vector<16xf32>
          %add3A_824 = arith.constant 16 : i32
          %add3A_825 = arith.addi %mul3A_128, %add3A_824 : i32
          %get3A_826 = arith.index_cast %add3A_814 : i32 to index
          %get3A_827 = arith.index_cast %add3A_825 : i32 to index
          %get3A_828 = tpu.vector_load %arg12[%get3A_826, %get3A_827] {strides = array<i32>} : memref<32x1024xf32, #tpu.memory_space<vmem>>, vector<1x16xf32>,
          %get3A_829 = vector.shape_cast %get3A_828 : vector<1x16xf32> to vector<16xf32>
          %mul3A_830 = arith.mulf %broadcast_in_dim3A_810, %get3A_829 : vector<16xf32>
          %add3A_831 = arith.addf %add3A_752, %mul3A_830 : vector<16xf32>
          %add3A_832 = arith.addf %add3A_753, %get3A_829 : vector<16xf32>
          %add3A_833 = arith.constant 32 : i32
          %add3A_834 = arith.addi %mul3A_128, %add3A_833 : i32
          %get3A_835 = arith.index_cast %add3A_814 : i32 to index
          %get3A_836 = arith.index_cast %add3A_834 : i32 to index
          %get3A_837 = tpu.vector_load %arg12[%get3A_835, %get3A_836] {strides = array<i32>} : memref<32x1024xf32, #tpu.memory_space<vmem>>, vector<1x16xf32>,
          %get3A_838 = vector.shape_cast %get3A_837 : vector<1x16xf32> to vector<16xf32>
          %mul3A_839 = arith.mulf %broadcast_in_dim3A_810, %get3A_838 : vector<16xf32>
          %add3A_840 = arith.addf %add3A_761, %mul3A_839 : vector<16xf32>
          %add3A_841 = arith.addf %add3A_762, %get3A_838 : vector<16xf32>
          %add3A_842 = arith.constant 48 : i32
          %add3A_843 = arith.addi %mul3A_128, %add3A_842 : i32
          %get3A_844 = arith.index_cast %add3A_814 : i32 to index
          %get3A_845 = arith.index_cast %add3A_843 : i32 to index
          %get3A_846 = tpu.vector_load %arg12[%get3A_844, %get3A_845] {strides = array<i32>} : memref<32x1024xf32, #tpu.memory_space<vmem>>, vector<1x16xf32>,
          %get3A_847 = vector.shape_cast %get3A_846 : vector<1x16xf32> to vector<16xf32>
          %mul3A_848 = arith.mulf %broadcast_in_dim3A_810, %get3A_847 : vector<16xf32>
          %add3A_849 = arith.addf %add3A_770, %mul3A_848 : vector<16xf32>
          %add3A_850 = arith.addf %add3A_771, %get3A_847 : vector<16xf32>
          %add3A_851 = arith.constant 64 : i32
          %add3A_852 = arith.addi %mul3A_128, %add3A_851 : i32
          %get3A_853 = arith.index_cast %add3A_814 : i32 to index
          %get3A_854 = arith.index_cast %add3A_852 : i32 to index
          %get3A_855 = tpu.vector_load %arg12[%get3A_853, %get3A_854] {strides = array<i32>} : memref<32x1024xf32, #tpu.memory_space<vmem>>, vector<1x16xf32>,
          %get3A_856 = vector.shape_cast %get3A_855 : vector<1x16xf32> to vector<16xf32>
          %mul3A_857 = arith.mulf %broadcast_in_dim3A_810, %get3A_856 : vector<16xf32>
          %add3A_858 = arith.addf %add3A_779, %mul3A_857 : vector<16xf32>
          %add3A_859 = arith.addf %add3A_780, %get3A_856 : vector<16xf32>
          %add3A_860 = arith.constant 80 : i32
          %add3A_861 = arith.addi %mul3A_128, %add3A_860 : i32
          %get3A_862 = arith.index_cast %add3A_814 : i32 to index
          %get3A_863 = arith.index_cast %add3A_861 : i32 to index
          %get3A_864 = tpu.vector_load %arg12[%get3A_862, %get3A_863] {strides = array<i32>} : memref<32x1024xf32, #tpu.memory_space<vmem>>, vector<1x16xf32>,
          %get3A_865 = vector.shape_cast %get3A_864 : vector<1x16xf32> to vector<16xf32>
          %mul3A_866 = arith.mulf %broadcast_in_dim3A_810, %get3A_865 : vector<16xf32>
          %add3A_867 = arith.addf %add3A_788, %mul3A_866 : vector<16xf32>
          %add3A_868 = arith.addf %add3A_789, %get3A_865 : vector<16xf32>
          %add3A_869 = arith.constant 96 : i32
          %add3A_870 = arith.addi %mul3A_128, %add3A_869 : i32
          %get3A_871 = arith.index_cast %add3A_814 : i32 to index
          %get3A_872 = arith.index_cast %add3A_870 : i32 to index
          %get3A_873 = tpu.vector_load %arg12[%get3A_871, %get3A_872] {strides = array<i32>} : memref<32x1024xf32, #tpu.memory_space<vmem>>, vector<1x16xf32>,
          %get3A_874 = vector.shape_cast %get3A_873 : vector<1x16xf32> to vector<16xf32>
          %mul3A_875 = arith.mulf %broadcast_in_dim3A_810, %get3A_874 : vector<16xf32>
          %add3A_876 = arith.addf %add3A_797, %mul3A_875 : vector<16xf32>
          %add3A_877 = arith.addf %add3A_798, %get3A_874 : vector<16xf32>
          %add3A_878 = arith.constant 112 : i32
          %add3A_879 = arith.addi %mul3A_128, %add3A_878 : i32
          %get3A_880 = arith.index_cast %add3A_814 : i32 to index
          %get3A_881 = arith.index_cast %add3A_879 : i32 to index
          %get3A_882 = tpu.vector_load %arg12[%get3A_880, %get3A_881] {strides = array<i32>} : memref<32x1024xf32, #tpu.memory_space<vmem>>, vector<1x16xf32>,
          %get3A_883 = vector.shape_cast %get3A_882 : vector<1x16xf32> to vector<16xf32>
          %mul3A_884 = arith.mulf %broadcast_in_dim3A_810, %get3A_883 : vector<16xf32>
          %add3A_885 = arith.addf %add3A_806, %mul3A_884 : vector<16xf32>
          %add3A_886 = arith.addf %add3A_807, %get3A_883 : vector<16xf32>
          %slice3A_887 = vector.extract_strided_slice %get3A_335 {offsets = [7], sizes = [1], strides = [1]} : vector<16xf32> to vector<1xf32>
          %squeeze3A_888 = vector.extract %slice3A_887[0] : f32 from vector<1xf32>
          %broadcast_in_dim3A_889 = vector.broadcast %squeeze3A_888 : f32 to vector<16xf32>
          %mul3A_890 = arith.constant 16 : i32
          %mul3A_891 = arith.muli %scan3A_311, %mul3A_890 : i32
          %add3A_892 = arith.constant 7 : i32
          %add3A_893 = arith.addi %mul3A_891, %add3A_892 : i32
          %add3A_894 = arith.constant 0 : i32
          %add3A_895 = arith.addi %mul3A_128, %add3A_894 : i32
          %get3A_896 = arith.index_cast %add3A_893 : i32 to index
          %get3A_897 = arith.index_cast %add3A_895 : i32 to index
          %get3A_898 = tpu.vector_load %arg12[%get3A_896, %get3A_897] {strides = array<i32>} : memref<32x1024xf32, #tpu.memory_space<vmem>>, vector<1x16xf32>,
          %get3A_899 = vector.shape_cast %get3A_898 : vector<1x16xf32> to vector<16xf32>
          %mul3A_900 = arith.mulf %broadcast_in_dim3A_889, %get3A_899 : vector<16xf32>
          %add3A_901 = arith.addf %add3A_822, %mul3A_900 : vector<16xf32>
          %add3A_902 = arith.addf %add3A_823, %get3A_899 : vector<16xf32>
          %add3A_903 = arith.constant 16 : i32
          %add3A_904 = arith.addi %mul3A_128, %add3A_903 : i32
          %get3A_905 = arith.index_cast %add3A_893 : i32 to index
          %get3A_906 = arith.index_cast %add3A_904 : i32 to index
          %get3A_907 = tpu.vector_load %arg12[%get3A_905, %get3A_906] {strides = array<i32>} : memref<32x1024xf32, #tpu.memory_space<vmem>>, vector<1x16xf32>,
          %get3A_908 = vector.shape_cast %get3A_907 : vector<1x16xf32> to vector<16xf32>
          %mul3A_909 = arith.mulf %broadcast_in_dim3A_889, %get3A_908 : vector<16xf32>
          %add3A_910 = arith.addf %add3A_831, %mul3A_909 : vector<16xf32>
          %add3A_911 = arith.addf %add3A_832, %get3A_908 : vector<16xf32>
          %add3A_912 = arith.constant 32 : i32
          %add3A_913 = arith.addi %mul3A_128, %add3A_912 : i32
          %get3A_914 = arith.index_cast %add3A_893 : i32 to index
          %get3A_915 = arith.index_cast %add3A_913 : i32 to index
          %get3A_916 = tpu.vector_load %arg12[%get3A_914, %get3A_915] {strides = array<i32>} : memref<32x1024xf32, #tpu.memory_space<vmem>>, vector<1x16xf32>,
          %get3A_917 = vector.shape_cast %get3A_916 : vector<1x16xf32> to vector<16xf32>
          %mul3A_918 = arith.mulf %broadcast_in_dim3A_889, %get3A_917 : vector<16xf32>
          %add3A_919 = arith.addf %add3A_840, %mul3A_918 : vector<16xf32>
          %add3A_920 = arith.addf %add3A_841, %get3A_917 : vector<16xf32>
          %add3A_921 = arith.constant 48 : i32
          %add3A_922 = arith.addi %mul3A_128, %add3A_921 : i32
          %get3A_923 = arith.index_cast %add3A_893 : i32 to index
          %get3A_924 = arith.index_cast %add3A_922 : i32 to index
          %get3A_925 = tpu.vector_load %arg12[%get3A_923, %get3A_924] {strides = array<i32>} : memref<32x1024xf32, #tpu.memory_space<vmem>>, vector<1x16xf32>,
          %get3A_926 = vector.shape_cast %get3A_925 : vector<1x16xf32> to vector<16xf32>
          %mul3A_927 = arith.mulf %broadcast_in_dim3A_889, %get3A_926 : vector<16xf32>
          %add3A_928 = arith.addf %add3A_849, %mul3A_927 : vector<16xf32>
          %add3A_929 = arith.addf %add3A_850, %get3A_926 : vector<16xf32>
          %add3A_930 = arith.constant 64 : i32
          %add3A_931 = arith.addi %mul3A_128, %add3A_930 : i32
          %get3A_932 = arith.index_cast %add3A_893 : i32 to index
          %get3A_933 = arith.index_cast %add3A_931 : i32 to index
          %get3A_934 = tpu.vector_load %arg12[%get3A_932, %get3A_933] {strides = array<i32>} : memref<32x1024xf32, #tpu.memory_space<vmem>>, vector<1x16xf32>,
          %get3A_935 = vector.shape_cast %get3A_934 : vector<1x16xf32> to vector<16xf32>
          %mul3A_936 = arith.mulf %broadcast_in_dim3A_889, %get3A_935 : vector<16xf32>
          %add3A_937 = arith.addf %add3A_858, %mul3A_936 : vector<16xf32>
          %add3A_938 = arith.addf %add3A_859, %get3A_935 : vector<16xf32>
          %add3A_939 = arith.constant 80 : i32
          %add3A_940 = arith.addi %mul3A_128, %add3A_939 : i32
          %get3A_941 = arith.index_cast %add3A_893 : i32 to index
          %get3A_942 = arith.index_cast %add3A_940 : i32 to index
          %get3A_943 = tpu.vector_load %arg12[%get3A_941, %get3A_942] {strides = array<i32>} : memref<32x1024xf32, #tpu.memory_space<vmem>>, vector<1x16xf32>,
          %get3A_944 = vector.shape_cast %get3A_943 : vector<1x16xf32> to vector<16xf32>
          %mul3A_945 = arith.mulf %broadcast_in_dim3A_889, %get3A_944 : vector<16xf32>
          %add3A_946 = arith.addf %add3A_867, %mul3A_945 : vector<16xf32>
          %add3A_947 = arith.addf %add3A_868, %get3A_944 : vector<16xf32>
          %add3A_948 = arith.constant 96 : i32
          %add3A_949 = arith.addi %mul3A_128, %add3A_948 : i32
          %get3A_950 = arith.index_cast %add3A_893 : i32 to index
          %get3A_951 = arith.index_cast %add3A_949 : i32 to index
          %get3A_952 = tpu.vector_load %arg12[%get3A_950, %get3A_951] {strides = array<i32>} : memref<32x1024xf32, #tpu.memory_space<vmem>>, vector<1x16xf32>,
          %get3A_953 = vector.shape_cast %get3A_952 : vector<1x16xf32> to vector<16xf32>
          %mul3A_954 = arith.mulf %broadcast_in_dim3A_889, %get3A_953 : vector<16xf32>
          %add3A_955 = arith.addf %add3A_876, %mul3A_954 : vector<16xf32>
          %add3A_956 = arith.addf %add3A_877, %get3A_953 : vector<16xf32>
          %add3A_957 = arith.constant 112 : i32
          %add3A_958 = arith.addi %mul3A_128, %add3A_957 : i32
          %get3A_959 = arith.index_cast %add3A_893 : i32 to index
          %get3A_960 = arith.index_cast %add3A_958 : i32 to index
          %get3A_961 = tpu.vector_load %arg12[%get3A_959, %get3A_960] {strides = array<i32>} : memref<32x1024xf32, #tpu.memory_space<vmem>>, vector<1x16xf32>,
          %get3A_962 = vector.shape_cast %get3A_961 : vector<1x16xf32> to vector<16xf32>
          %mul3A_963 = arith.mulf %broadcast_in_dim3A_889, %get3A_962 : vector<16xf32>
          %add3A_964 = arith.addf %add3A_885, %mul3A_963 : vector<16xf32>
          %add3A_965 = arith.addf %add3A_886, %get3A_962 : vector<16xf32>
          %slice3A_966 = vector.extract_strided_slice %get3A_335 {offsets = [8], sizes = [1], strides = [1]} : vector<16xf32> to vector<1xf32>
          %squeeze3A_967 = vector.extract %slice3A_966[0] : f32 from vector<1xf32>
          %broadcast_in_dim3A_968 = vector.broadcast %squeeze3A_967 : f32 to vector<16xf32>
          %mul3A_969 = arith.constant 16 : i32
          %mul3A_970 = arith.muli %scan3A_311, %mul3A_969 : i32
          %add3A_971 = arith.constant 8 : i32
          %add3A_972 = arith.addi %mul3A_970, %add3A_971 : i32
          %add3A_973 = arith.constant 0 : i32
          %add3A_974 = arith.addi %mul3A_128, %add3A_973 : i32
          %get3A_975 = arith.index_cast %add3A_972 : i32 to index
          %get3A_976 = arith.index_cast %add3A_974 : i32 to index
          %get3A_977 = tpu.vector_load %arg12[%get3A_975, %get3A_976] {strides = array<i32>} : memref<32x1024xf32, #tpu.memory_space<vmem>>, vector<1x16xf32>,
          %get3A_978 = vector.shape_cast %get3A_977 : vector<1x16xf32> to vector<16xf32>
          %mul3A_979 = arith.mulf %broadcast_in_dim3A_968, %get3A_978 : vector<16xf32>
          %add3A_980 = arith.addf %add3A_901, %mul3A_979 : vector<16xf32>
          %add3A_981 = arith.addf %add3A_902, %get3A_978 : vector<16xf32>
          %add3A_982 = arith.constant 16 : i32
          %add3A_983 = arith.addi %mul3A_128, %add3A_982 : i32
          %get3A_984 = arith.index_cast %add3A_972 : i32 to index
          %get3A_985 = arith.index_cast %add3A_983 : i32 to index
          %get3A_986 = tpu.vector_load %arg12[%get3A_984, %get3A_985] {strides = array<i32>} : memref<32x1024xf32, #tpu.memory_space<vmem>>, vector<1x16xf32>,
          %get3A_987 = vector.shape_cast %get3A_986 : vector<1x16xf32> to vector<16xf32>
          %mul3A_988 = arith.mulf %broadcast_in_dim3A_968, %get3A_987 : vector<16xf32>
          %add3A_989 = arith.addf %add3A_910, %mul3A_988 : vector<16xf32>
          %add3A_990 = arith.addf %add3A_911, %get3A_987 : vector<16xf32>
          %add3A_991 = arith.constant 32 : i32
          %add3A_992 = arith.addi %mul3A_128, %add3A_991 : i32
          %get3A_993 = arith.index_cast %add3A_972 : i32 to index
          %get3A_994 = arith.index_cast %add3A_992 : i32 to index
          %get3A_995 = tpu.vector_load %arg12[%get3A_993, %get3A_994] {strides = array<i32>} : memref<32x1024xf32, #tpu.memory_space<vmem>>, vector<1x16xf32>,
          %get3A_996 = vector.shape_cast %get3A_995 : vector<1x16xf32> to vector<16xf32>
          %mul3A_997 = arith.mulf %broadcast_in_dim3A_968, %get3A_996 : vector<16xf32>
          %add3A_998 = arith.addf %add3A_919, %mul3A_997 : vector<16xf32>
          %add3A_999 = arith.addf %add3A_920, %get3A_996 : vector<16xf32>
          %add3A_1000 = arith.constant 48 : i32
          %add3A_1001 = arith.addi %mul3A_128, %add3A_1000 : i32
          %get3A_1002 = arith.index_cast %add3A_972 : i32 to index
          %get3A_1003 = arith.index_cast %add3A_1001 : i32 to index
          %get3A_1004 = tpu.vector_load %arg12[%get3A_1002, %get3A_1003] {strides = array<i32>} : memref<32x1024xf32, #tpu.memory_space<vmem>>, vector<1x16xf32>,
          %get3A_1005 = vector.shape_cast %get3A_1004 : vector<1x16xf32> to vector<16xf32>
          %mul3A_1006 = arith.mulf %broadcast_in_dim3A_968, %get3A_1005 : vector<16xf32>
          %add3A_1007 = arith.addf %add3A_928, %mul3A_1006 : vector<16xf32>
          %add3A_1008 = arith.addf %add3A_929, %get3A_1005 : vector<16xf32>
          %add3A_1009 = arith.constant 64 : i32
          %add3A_1010 = arith.addi %mul3A_128, %add3A_1009 : i32
          %get3A_1011 = arith.index_cast %add3A_972 : i32 to index
          %get3A_1012 = arith.index_cast %add3A_1010 : i32 to index
          %get3A_1013 = tpu.vector_load %arg12[%get3A_1011, %get3A_1012] {strides = array<i32>} : memref<32x1024xf32, #tpu.memory_space<vmem>>, vector<1x16xf32>,
          %get3A_1014 = vector.shape_cast %get3A_1013 : vector<1x16xf32> to vector<16xf32>
          %mul3A_1015 = arith.mulf %broadcast_in_dim3A_968, %get3A_1014 : vector<16xf32>
          %add3A_1016 = arith.addf %add3A_937, %mul3A_1015 : vector<16xf32>
          %add3A_1017 = arith.addf %add3A_938, %get3A_1014 : vector<16xf32>
          %add3A_1018 = arith.constant 80 : i32
          %add3A_1019 = arith.addi %mul3A_128, %add3A_1018 : i32
          %get3A_1020 = arith.index_cast %add3A_972 : i32 to index
          %get3A_1021 = arith.index_cast %add3A_1019 : i32 to index
          %get3A_1022 = tpu.vector_load %arg12[%get3A_1020, %get3A_1021] {strides = array<i32>} : memref<32x1024xf32, #tpu.memory_space<vmem>>, vector<1x16xf32>,
          %get3A_1023 = vector.shape_cast %get3A_1022 : vector<1x16xf32> to vector<16xf32>
          %mul3A_1024 = arith.mulf %broadcast_in_dim3A_968, %get3A_1023 : vector<16xf32>
          %add3A_1025 = arith.addf %add3A_946, %mul3A_1024 : vector<16xf32>
          %add3A_1026 = arith.addf %add3A_947, %get3A_1023 : vector<16xf32>
          %add3A_1027 = arith.constant 96 : i32
          %add3A_1028 = arith.addi %mul3A_128, %add3A_1027 : i32
          %get3A_1029 = arith.index_cast %add3A_972 : i32 to index
          %get3A_1030 = arith.index_cast %add3A_1028 : i32 to index
          %get3A_1031 = tpu.vector_load %arg12[%get3A_1029, %get3A_1030] {strides = array<i32>} : memref<32x1024xf32, #tpu.memory_space<vmem>>, vector<1x16xf32>,
          %get3A_1032 = vector.shape_cast %get3A_1031 : vector<1x16xf32> to vector<16xf32>
          %mul3A_1033 = arith.mulf %broadcast_in_dim3A_968, %get3A_1032 : vector<16xf32>
          %add3A_1034 = arith.addf %add3A_955, %mul3A_1033 : vector<16xf32>
          %add3A_1035 = arith.addf %add3A_956, %get3A_1032 : vector<16xf32>
          %add3A_1036 = arith.constant 112 : i32
          %add3A_1037 = arith.addi %mul3A_128, %add3A_1036 : i32
          %get3A_1038 = arith.index_cast %add3A_972 : i32 to index
          %get3A_1039 = arith.index_cast %add3A_1037 : i32 to index
          %get3A_1040 = tpu.vector_load %arg12[%get3A_1038, %get3A_1039] {strides = array<i32>} : memref<32x1024xf32, #tpu.memory_space<vmem>>, vector<1x16xf32>,
          %get3A_1041 = vector.shape_cast %get3A_1040 : vector<1x16xf32> to vector<16xf32>
          %mul3A_1042 = arith.mulf %broadcast_in_dim3A_968, %get3A_1041 : vector<16xf32>
          %add3A_1043 = arith.addf %add3A_964, %mul3A_1042 : vector<16xf32>
          %add3A_1044 = arith.addf %add3A_965, %get3A_1041 : vector<16xf32>
          %slice3A_1045 = vector.extract_strided_slice %get3A_335 {offsets = [9], sizes = [1], strides = [1]} : vector<16xf32> to vector<1xf32>
          %squeeze3A_1046 = vector.extract %slice3A_1045[0] : f32 from vector<1xf32>
          %broadcast_in_dim3A_1047 = vector.broadcast %squeeze3A_1046 : f32 to vector<16xf32>
          %mul3A_1048 = arith.constant 16 : i32
          %mul3A_1049 = arith.muli %scan3A_311, %mul3A_1048 : i32
          %add3A_1050 = arith.constant 9 : i32
          %add3A_1051 = arith.addi %mul3A_1049, %add3A_1050 : i32
          %add3A_1052 = arith.constant 0 : i32
          %add3A_1053 = arith.addi %mul3A_128, %add3A_1052 : i32
          %get3A_1054 = arith.index_cast %add3A_1051 : i32 to index
          %get3A_1055 = arith.index_cast %add3A_1053 : i32 to index
          %get3A_1056 = tpu.vector_load %arg12[%get3A_1054, %get3A_1055] {strides = array<i32>} : memref<32x1024xf32, #tpu.memory_space<vmem>>, vector<1x16xf32>,
          %get3A_1057 = vector.shape_cast %get3A_1056 : vector<1x16xf32> to vector<16xf32>
          %mul3A_1058 = arith.mulf %broadcast_in_dim3A_1047, %get3A_1057 : vector<16xf32>
          %add3A_1059 = arith.addf %add3A_980, %mul3A_1058 : vector<16xf32>
          %add3A_1060 = arith.addf %add3A_981, %get3A_1057 : vector<16xf32>
          %add3A_1061 = arith.constant 16 : i32
          %add3A_1062 = arith.addi %mul3A_128, %add3A_1061 : i32
          %get3A_1063 = arith.index_cast %add3A_1051 : i32 to index
          %get3A_1064 = arith.index_cast %add3A_1062 : i32 to index
          %get3A_1065 = tpu.vector_load %arg12[%get3A_1063, %get3A_1064] {strides = array<i32>} : memref<32x1024xf32, #tpu.memory_space<vmem>>, vector<1x16xf32>,
          %get3A_1066 = vector.shape_cast %get3A_1065 : vector<1x16xf32> to vector<16xf32>
          %mul3A_1067 = arith.mulf %broadcast_in_dim3A_1047, %get3A_1066 : vector<16xf32>
          %add3A_1068 = arith.addf %add3A_989, %mul3A_1067 : vector<16xf32>
          %add3A_1069 = arith.addf %add3A_990, %get3A_1066 : vector<16xf32>
          %add3A_1070 = arith.constant 32 : i32
          %add3A_1071 = arith.addi %mul3A_128, %add3A_1070 : i32
          %get3A_1072 = arith.index_cast %add3A_1051 : i32 to index
          %get3A_1073 = arith.index_cast %add3A_1071 : i32 to index
          %get3A_1074 = tpu.vector_load %arg12[%get3A_1072, %get3A_1073] {strides = array<i32>} : memref<32x1024xf32, #tpu.memory_space<vmem>>, vector<1x16xf32>,
          %get3A_1075 = vector.shape_cast %get3A_1074 : vector<1x16xf32> to vector<16xf32>
          %mul3A_1076 = arith.mulf %broadcast_in_dim3A_1047, %get3A_1075 : vector<16xf32>
          %add3A_1077 = arith.addf %add3A_998, %mul3A_1076 : vector<16xf32>
          %add3A_1078 = arith.addf %add3A_999, %get3A_1075 : vector<16xf32>
          %add3A_1079 = arith.constant 48 : i32
          %add3A_1080 = arith.addi %mul3A_128, %add3A_1079 : i32
          %get3A_1081 = arith.index_cast %add3A_1051 : i32 to index
          %get3A_1082 = arith.index_cast %add3A_1080 : i32 to index
          %get3A_1083 = tpu.vector_load %arg12[%get3A_1081, %get3A_1082] {strides = array<i32>} : memref<32x1024xf32, #tpu.memory_space<vmem>>, vector<1x16xf32>,
          %get3A_1084 = vector.shape_cast %get3A_1083 : vector<1x16xf32> to vector<16xf32>
          %mul3A_1085 = arith.mulf %broadcast_in_dim3A_1047, %get3A_1084 : vector<16xf32>
          %add3A_1086 = arith.addf %add3A_1007, %mul3A_1085 : vector<16xf32>
          %add3A_1087 = arith.addf %add3A_1008, %get3A_1084 : vector<16xf32>
          %add3A_1088 = arith.constant 64 : i32
          %add3A_1089 = arith.addi %mul3A_128, %add3A_1088 : i32
          %get3A_1090 = arith.index_cast %add3A_1051 : i32 to index
          %get3A_1091 = arith.index_cast %add3A_1089 : i32 to index
          %get3A_1092 = tpu.vector_load %arg12[%get3A_1090, %get3A_1091] {strides = array<i32>} : memref<32x1024xf32, #tpu.memory_space<vmem>>, vector<1x16xf32>,
          %get3A_1093 = vector.shape_cast %get3A_1092 : vector<1x16xf32> to vector<16xf32>
          %mul3A_1094 = arith.mulf %broadcast_in_dim3A_1047, %get3A_1093 : vector<16xf32>
          %add3A_1095 = arith.addf %add3A_1016, %mul3A_1094 : vector<16xf32>
          %add3A_1096 = arith.addf %add3A_1017, %get3A_1093 : vector<16xf32>
          %add3A_1097 = arith.constant 80 : i32
          %add3A_1098 = arith.addi %mul3A_128, %add3A_1097 : i32
          %get3A_1099 = arith.index_cast %add3A_1051 : i32 to index
          %get3A_1100 = arith.index_cast %add3A_1098 : i32 to index
          %get3A_1101 = tpu.vector_load %arg12[%get3A_1099, %get3A_1100] {strides = array<i32>} : memref<32x1024xf32, #tpu.memory_space<vmem>>, vector<1x16xf32>,
          %get3A_1102 = vector.shape_cast %get3A_1101 : vector<1x16xf32> to vector<16xf32>
          %mul3A_1103 = arith.mulf %broadcast_in_dim3A_1047, %get3A_1102 : vector<16xf32>
          %add3A_1104 = arith.addf %add3A_1025, %mul3A_1103 : vector<16xf32>
          %add3A_1105 = arith.addf %add3A_1026, %get3A_1102 : vector<16xf32>
          %add3A_1106 = arith.constant 96 : i32
          %add3A_1107 = arith.addi %mul3A_128, %add3A_1106 : i32
          %get3A_1108 = arith.index_cast %add3A_1051 : i32 to index
          %get3A_1109 = arith.index_cast %add3A_1107 : i32 to index
          %get3A_1110 = tpu.vector_load %arg12[%get3A_1108, %get3A_1109] {strides = array<i32>} : memref<32x1024xf32, #tpu.memory_space<vmem>>, vector<1x16xf32>,
          %get3A_1111 = vector.shape_cast %get3A_1110 : vector<1x16xf32> to vector<16xf32>
          %mul3A_1112 = arith.mulf %broadcast_in_dim3A_1047, %get3A_1111 : vector<16xf32>
          %add3A_1113 = arith.addf %add3A_1034, %mul3A_1112 : vector<16xf32>
          %add3A_1114 = arith.addf %add3A_1035, %get3A_1111 : vector<16xf32>
          %add3A_1115 = arith.constant 112 : i32
          %add3A_1116 = arith.addi %mul3A_128, %add3A_1115 : i32
          %get3A_1117 = arith.index_cast %add3A_1051 : i32 to index
          %get3A_1118 = arith.index_cast %add3A_1116 : i32 to index
          %get3A_1119 = tpu.vector_load %arg12[%get3A_1117, %get3A_1118] {strides = array<i32>} : memref<32x1024xf32, #tpu.memory_space<vmem>>, vector<1x16xf32>,
          %get3A_1120 = vector.shape_cast %get3A_1119 : vector<1x16xf32> to vector<16xf32>
          %mul3A_1121 = arith.mulf %broadcast_in_dim3A_1047, %get3A_1120 : vector<16xf32>
          %add3A_1122 = arith.addf %add3A_1043, %mul3A_1121 : vector<16xf32>
          %add3A_1123 = arith.addf %add3A_1044, %get3A_1120 : vector<16xf32>
          %slice3A_1124 = vector.extract_strided_slice %get3A_335 {offsets = [10], sizes = [1], strides = [1]} : vector<16xf32> to vector<1xf32>
          %squeeze3A_1125 = vector.extract %slice3A_1124[0] : f32 from vector<1xf32>
          %broadcast_in_dim3A_1126 = vector.broadcast %squeeze3A_1125 : f32 to vector<16xf32>
          %mul3A_1127 = arith.constant 16 : i32
          %mul3A_1128 = arith.muli %scan3A_311, %mul3A_1127 : i32
          %add3A_1129 = arith.constant 10 : i32
          %add3A_1130 = arith.addi %mul3A_1128, %add3A_1129 : i32
          %add3A_1131 = arith.constant 0 : i32
          %add3A_1132 = arith.addi %mul3A_128, %add3A_1131 : i32
          %get3A_1133 = arith.index_cast %add3A_1130 : i32 to index
          %get3A_1134 = arith.index_cast %add3A_1132 : i32 to index
          %get3A_1135 = tpu.vector_load %arg12[%get3A_1133, %get3A_1134] {strides = array<i32>} : memref<32x1024xf32, #tpu.memory_space<vmem>>, vector<1x16xf32>,
          %get3A_1136 = vector.shape_cast %get3A_1135 : vector<1x16xf32> to vector<16xf32>
          %mul3A_1137 = arith.mulf %broadcast_in_dim3A_1126, %get3A_1136 : vector<16xf32>
          %add3A_1138 = arith.addf %add3A_1059, %mul3A_1137 : vector<16xf32>
          %add3A_1139 = arith.addf %add3A_1060, %get3A_1136 : vector<16xf32>
          %add3A_1140 = arith.constant 16 : i32
          %add3A_1141 = arith.addi %mul3A_128, %add3A_1140 : i32
          %get3A_1142 = arith.index_cast %add3A_1130 : i32 to index
          %get3A_1143 = arith.index_cast %add3A_1141 : i32 to index
          %get3A_1144 = tpu.vector_load %arg12[%get3A_1142, %get3A_1143] {strides = array<i32>} : memref<32x1024xf32, #tpu.memory_space<vmem>>, vector<1x16xf32>,
          %get3A_1145 = vector.shape_cast %get3A_1144 : vector<1x16xf32> to vector<16xf32>
          %mul3A_1146 = arith.mulf %broadcast_in_dim3A_1126, %get3A_1145 : vector<16xf32>
          %add3A_1147 = arith.addf %add3A_1068, %mul3A_1146 : vector<16xf32>
          %add3A_1148 = arith.addf %add3A_1069, %get3A_1145 : vector<16xf32>
          %add3A_1149 = arith.constant 32 : i32
          %add3A_1150 = arith.addi %mul3A_128, %add3A_1149 : i32
          %get3A_1151 = arith.index_cast %add3A_1130 : i32 to index
          %get3A_1152 = arith.index_cast %add3A_1150 : i32 to index
          %get3A_1153 = tpu.vector_load %arg12[%get3A_1151, %get3A_1152] {strides = array<i32>} : memref<32x1024xf32, #tpu.memory_space<vmem>>, vector<1x16xf32>,
          %get3A_1154 = vector.shape_cast %get3A_1153 : vector<1x16xf32> to vector<16xf32>
          %mul3A_1155 = arith.mulf %broadcast_in_dim3A_1126, %get3A_1154 : vector<16xf32>
          %add3A_1156 = arith.addf %add3A_1077, %mul3A_1155 : vector<16xf32>
          %add3A_1157 = arith.addf %add3A_1078, %get3A_1154 : vector<16xf32>
          %add3A_1158 = arith.constant 48 : i32
          %add3A_1159 = arith.addi %mul3A_128, %add3A_1158 : i32
          %get3A_1160 = arith.index_cast %add3A_1130 : i32 to index
          %get3A_1161 = arith.index_cast %add3A_1159 : i32 to index
          %get3A_1162 = tpu.vector_load %arg12[%get3A_1160, %get3A_1161] {strides = array<i32>} : memref<32x1024xf32, #tpu.memory_space<vmem>>, vector<1x16xf32>,
          %get3A_1163 = vector.shape_cast %get3A_1162 : vector<1x16xf32> to vector<16xf32>
          %mul3A_1164 = arith.mulf %broadcast_in_dim3A_1126, %get3A_1163 : vector<16xf32>
          %add3A_1165 = arith.addf %add3A_1086, %mul3A_1164 : vector<16xf32>
          %add3A_1166 = arith.addf %add3A_1087, %get3A_1163 : vector<16xf32>
          %add3A_1167 = arith.constant 64 : i32
          %add3A_1168 = arith.addi %mul3A_128, %add3A_1167 : i32
          %get3A_1169 = arith.index_cast %add3A_1130 : i32 to index
          %get3A_1170 = arith.index_cast %add3A_1168 : i32 to index
          %get3A_1171 = tpu.vector_load %arg12[%get3A_1169, %get3A_1170] {strides = array<i32>} : memref<32x1024xf32, #tpu.memory_space<vmem>>, vector<1x16xf32>,
          %get3A_1172 = vector.shape_cast %get3A_1171 : vector<1x16xf32> to vector<16xf32>
          %mul3A_1173 = arith.mulf %broadcast_in_dim3A_1126, %get3A_1172 : vector<16xf32>
          %add3A_1174 = arith.addf %add3A_1095, %mul3A_1173 : vector<16xf32>
          %add3A_1175 = arith.addf %add3A_1096, %get3A_1172 : vector<16xf32>
          %add3A_1176 = arith.constant 80 : i32
          %add3A_1177 = arith.addi %mul3A_128, %add3A_1176 : i32
          %get3A_1178 = arith.index_cast %add3A_1130 : i32 to index
          %get3A_1179 = arith.index_cast %add3A_1177 : i32 to index
          %get3A_1180 = tpu.vector_load %arg12[%get3A_1178, %get3A_1179] {strides = array<i32>} : memref<32x1024xf32, #tpu.memory_space<vmem>>, vector<1x16xf32>,
          %get3A_1181 = vector.shape_cast %get3A_1180 : vector<1x16xf32> to vector<16xf32>
          %mul3A_1182 = arith.mulf %broadcast_in_dim3A_1126, %get3A_1181 : vector<16xf32>
          %add3A_1183 = arith.addf %add3A_1104, %mul3A_1182 : vector<16xf32>
          %add3A_1184 = arith.addf %add3A_1105, %get3A_1181 : vector<16xf32>
          %add3A_1185 = arith.constant 96 : i32
          %add3A_1186 = arith.addi %mul3A_128, %add3A_1185 : i32
          %get3A_1187 = arith.index_cast %add3A_1130 : i32 to index
          %get3A_1188 = arith.index_cast %add3A_1186 : i32 to index
          %get3A_1189 = tpu.vector_load %arg12[%get3A_1187, %get3A_1188] {strides = array<i32>} : memref<32x1024xf32, #tpu.memory_space<vmem>>, vector<1x16xf32>,
          %get3A_1190 = vector.shape_cast %get3A_1189 : vector<1x16xf32> to vector<16xf32>
          %mul3A_1191 = arith.mulf %broadcast_in_dim3A_1126, %get3A_1190 : vector<16xf32>
          %add3A_1192 = arith.addf %add3A_1113, %mul3A_1191 : vector<16xf32>
          %add3A_1193 = arith.addf %add3A_1114, %get3A_1190 : vector<16xf32>
          %add3A_1194 = arith.constant 112 : i32
          %add3A_1195 = arith.addi %mul3A_128, %add3A_1194 : i32
          %get3A_1196 = arith.index_cast %add3A_1130 : i32 to index
          %get3A_1197 = arith.index_cast %add3A_1195 : i32 to index
          %get3A_1198 = tpu.vector_load %arg12[%get3A_1196, %get3A_1197] {strides = array<i32>} : memref<32x1024xf32, #tpu.memory_space<vmem>>, vector<1x16xf32>,
          %get3A_1199 = vector.shape_cast %get3A_1198 : vector<1x16xf32> to vector<16xf32>
          %mul3A_1200 = arith.mulf %broadcast_in_dim3A_1126, %get3A_1199 : vector<16xf32>
          %add3A_1201 = arith.addf %add3A_1122, %mul3A_1200 : vector<16xf32>
          %add3A_1202 = arith.addf %add3A_1123, %get3A_1199 : vector<16xf32>
          %slice3A_1203 = vector.extract_strided_slice %get3A_335 {offsets = [11], sizes = [1], strides = [1]} : vector<16xf32> to vector<1xf32>
          %squeeze3A_1204 = vector.extract %slice3A_1203[0] : f32 from vector<1xf32>
          %broadcast_in_dim3A_1205 = vector.broadcast %squeeze3A_1204 : f32 to vector<16xf32>
          %mul3A_1206 = arith.constant 16 : i32
          %mul3A_1207 = arith.muli %scan3A_311, %mul3A_1206 : i32
          %add3A_1208 = arith.constant 11 : i32
          %add3A_1209 = arith.addi %mul3A_1207, %add3A_1208 : i32
          %add3A_1210 = arith.constant 0 : i32
          %add3A_1211 = arith.addi %mul3A_128, %add3A_1210 : i32
          %get3A_1212 = arith.index_cast %add3A_1209 : i32 to index
          %get3A_1213 = arith.index_cast %add3A_1211 : i32 to index
          %get3A_1214 = tpu.vector_load %arg12[%get3A_1212, %get3A_1213] {strides = array<i32>} : memref<32x1024xf32, #tpu.memory_space<vmem>>, vector<1x16xf32>,
          %get3A_1215 = vector.shape_cast %get3A_1214 : vector<1x16xf32> to vector<16xf32>
          %mul3A_1216 = arith.mulf %broadcast_in_dim3A_1205, %get3A_1215 : vector<16xf32>
          %add3A_1217 = arith.addf %add3A_1138, %mul3A_1216 : vector<16xf32>
          %add3A_1218 = arith.addf %add3A_1139, %get3A_1215 : vector<16xf32>
          %add3A_1219 = arith.constant 16 : i32
          %add3A_1220 = arith.addi %mul3A_128, %add3A_1219 : i32
          %get3A_1221 = arith.index_cast %add3A_1209 : i32 to index
          %get3A_1222 = arith.index_cast %add3A_1220 : i32 to index
          %get3A_1223 = tpu.vector_load %arg12[%get3A_1221, %get3A_1222] {strides = array<i32>} : memref<32x1024xf32, #tpu.memory_space<vmem>>, vector<1x16xf32>,
          %get3A_1224 = vector.shape_cast %get3A_1223 : vector<1x16xf32> to vector<16xf32>
          %mul3A_1225 = arith.mulf %broadcast_in_dim3A_1205, %get3A_1224 : vector<16xf32>
          %add3A_1226 = arith.addf %add3A_1147, %mul3A_1225 : vector<16xf32>
          %add3A_1227 = arith.addf %add3A_1148, %get3A_1224 : vector<16xf32>
          %add3A_1228 = arith.constant 32 : i32
          %add3A_1229 = arith.addi %mul3A_128, %add3A_1228 : i32
          %get3A_1230 = arith.index_cast %add3A_1209 : i32 to index
          %get3A_1231 = arith.index_cast %add3A_1229 : i32 to index
          %get3A_1232 = tpu.vector_load %arg12[%get3A_1230, %get3A_1231] {strides = array<i32>} : memref<32x1024xf32, #tpu.memory_space<vmem>>, vector<1x16xf32>,
          %get3A_1233 = vector.shape_cast %get3A_1232 : vector<1x16xf32> to vector<16xf32>
          %mul3A_1234 = arith.mulf %broadcast_in_dim3A_1205, %get3A_1233 : vector<16xf32>
          %add3A_1235 = arith.addf %add3A_1156, %mul3A_1234 : vector<16xf32>
          %add3A_1236 = arith.addf %add3A_1157, %get3A_1233 : vector<16xf32>
          %add3A_1237 = arith.constant 48 : i32
          %add3A_1238 = arith.addi %mul3A_128, %add3A_1237 : i32
          %get3A_1239 = arith.index_cast %add3A_1209 : i32 to index
          %get3A_1240 = arith.index_cast %add3A_1238 : i32 to index
          %get3A_1241 = tpu.vector_load %arg12[%get3A_1239, %get3A_1240] {strides = array<i32>} : memref<32x1024xf32, #tpu.memory_space<vmem>>, vector<1x16xf32>,
          %get3A_1242 = vector.shape_cast %get3A_1241 : vector<1x16xf32> to vector<16xf32>
          %mul3A_1243 = arith.mulf %broadcast_in_dim3A_1205, %get3A_1242 : vector<16xf32>
          %add3A_1244 = arith.addf %add3A_1165, %mul3A_1243 : vector<16xf32>
          %add3A_1245 = arith.addf %add3A_1166, %get3A_1242 : vector<16xf32>
          %add3A_1246 = arith.constant 64 : i32
          %add3A_1247 = arith.addi %mul3A_128, %add3A_1246 : i32
          %get3A_1248 = arith.index_cast %add3A_1209 : i32 to index
          %get3A_1249 = arith.index_cast %add3A_1247 : i32 to index
          %get3A_1250 = tpu.vector_load %arg12[%get3A_1248, %get3A_1249] {strides = array<i32>} : memref<32x1024xf32, #tpu.memory_space<vmem>>, vector<1x16xf32>,
          %get3A_1251 = vector.shape_cast %get3A_1250 : vector<1x16xf32> to vector<16xf32>
          %mul3A_1252 = arith.mulf %broadcast_in_dim3A_1205, %get3A_1251 : vector<16xf32>
          %add3A_1253 = arith.addf %add3A_1174, %mul3A_1252 : vector<16xf32>
          %add3A_1254 = arith.addf %add3A_1175, %get3A_1251 : vector<16xf32>
          %add3A_1255 = arith.constant 80 : i32
          %add3A_1256 = arith.addi %mul3A_128, %add3A_1255 : i32
          %get3A_1257 = arith.index_cast %add3A_1209 : i32 to index
          %get3A_1258 = arith.index_cast %add3A_1256 : i32 to index
          %get3A_1259 = tpu.vector_load %arg12[%get3A_1257, %get3A_1258] {strides = array<i32>} : memref<32x1024xf32, #tpu.memory_space<vmem>>, vector<1x16xf32>,
          %get3A_1260 = vector.shape_cast %get3A_1259 : vector<1x16xf32> to vector<16xf32>
          %mul3A_1261 = arith.mulf %broadcast_in_dim3A_1205, %get3A_1260 : vector<16xf32>
          %add3A_1262 = arith.addf %add3A_1183, %mul3A_1261 : vector<16xf32>
          %add3A_1263 = arith.addf %add3A_1184, %get3A_1260 : vector<16xf32>
          %add3A_1264 = arith.constant 96 : i32
          %add3A_1265 = arith.addi %mul3A_128, %add3A_1264 : i32
          %get3A_1266 = arith.index_cast %add3A_1209 : i32 to index
          %get3A_1267 = arith.index_cast %add3A_1265 : i32 to index
          %get3A_1268 = tpu.vector_load %arg12[%get3A_1266, %get3A_1267] {strides = array<i32>} : memref<32x1024xf32, #tpu.memory_space<vmem>>, vector<1x16xf32>,
          %get3A_1269 = vector.shape_cast %get3A_1268 : vector<1x16xf32> to vector<16xf32>
          %mul3A_1270 = arith.mulf %broadcast_in_dim3A_1205, %get3A_1269 : vector<16xf32>
          %add3A_1271 = arith.addf %add3A_1192, %mul3A_1270 : vector<16xf32>
          %add3A_1272 = arith.addf %add3A_1193, %get3A_1269 : vector<16xf32>
          %add3A_1273 = arith.constant 112 : i32
          %add3A_1274 = arith.addi %mul3A_128, %add3A_1273 : i32
          %get3A_1275 = arith.index_cast %add3A_1209 : i32 to index
          %get3A_1276 = arith.index_cast %add3A_1274 : i32 to index
          %get3A_1277 = tpu.vector_load %arg12[%get3A_1275, %get3A_1276] {strides = array<i32>} : memref<32x1024xf32, #tpu.memory_space<vmem>>, vector<1x16xf32>,
          %get3A_1278 = vector.shape_cast %get3A_1277 : vector<1x16xf32> to vector<16xf32>
          %mul3A_1279 = arith.mulf %broadcast_in_dim3A_1205, %get3A_1278 : vector<16xf32>
          %add3A_1280 = arith.addf %add3A_1201, %mul3A_1279 : vector<16xf32>
          %add3A_1281 = arith.addf %add3A_1202, %get3A_1278 : vector<16xf32>
          %slice3A_1282 = vector.extract_strided_slice %get3A_335 {offsets = [12], sizes = [1], strides = [1]} : vector<16xf32> to vector<1xf32>
          %squeeze3A_1283 = vector.extract %slice3A_1282[0] : f32 from vector<1xf32>
          %broadcast_in_dim3A_1284 = vector.broadcast %squeeze3A_1283 : f32 to vector<16xf32>
          %mul3A_1285 = arith.constant 16 : i32
          %mul3A_1286 = arith.muli %scan3A_311, %mul3A_1285 : i32
          %add3A_1287 = arith.constant 12 : i32
          %add3A_1288 = arith.addi %mul3A_1286, %add3A_1287 : i32
          %add3A_1289 = arith.constant 0 : i32
          %add3A_1290 = arith.addi %mul3A_128, %add3A_1289 : i32
          %get3A_1291 = arith.index_cast %add3A_1288 : i32 to index
          %get3A_1292 = arith.index_cast %add3A_1290 : i32 to index
          %get3A_1293 = tpu.vector_load %arg12[%get3A_1291, %get3A_1292] {strides = array<i32>} : memref<32x1024xf32, #tpu.memory_space<vmem>>, vector<1x16xf32>,
          %get3A_1294 = vector.shape_cast %get3A_1293 : vector<1x16xf32> to vector<16xf32>
          %mul3A_1295 = arith.mulf %broadcast_in_dim3A_1284, %get3A_1294 : vector<16xf32>
          %add3A_1296 = arith.addf %add3A_1217, %mul3A_1295 : vector<16xf32>
          %add3A_1297 = arith.addf %add3A_1218, %get3A_1294 : vector<16xf32>
          %add3A_1298 = arith.constant 16 : i32
          %add3A_1299 = arith.addi %mul3A_128, %add3A_1298 : i32
          %get3A_1300 = arith.index_cast %add3A_1288 : i32 to index
          %get3A_1301 = arith.index_cast %add3A_1299 : i32 to index
          %get3A_1302 = tpu.vector_load %arg12[%get3A_1300, %get3A_1301] {strides = array<i32>} : memref<32x1024xf32, #tpu.memory_space<vmem>>, vector<1x16xf32>,
          %get3A_1303 = vector.shape_cast %get3A_1302 : vector<1x16xf32> to vector<16xf32>
          %mul3A_1304 = arith.mulf %broadcast_in_dim3A_1284, %get3A_1303 : vector<16xf32>
          %add3A_1305 = arith.addf %add3A_1226, %mul3A_1304 : vector<16xf32>
          %add3A_1306 = arith.addf %add3A_1227, %get3A_1303 : vector<16xf32>
          %add3A_1307 = arith.constant 32 : i32
          %add3A_1308 = arith.addi %mul3A_128, %add3A_1307 : i32
          %get3A_1309 = arith.index_cast %add3A_1288 : i32 to index
          %get3A_1310 = arith.index_cast %add3A_1308 : i32 to index
          %get3A_1311 = tpu.vector_load %arg12[%get3A_1309, %get3A_1310] {strides = array<i32>} : memref<32x1024xf32, #tpu.memory_space<vmem>>, vector<1x16xf32>,
          %get3A_1312 = vector.shape_cast %get3A_1311 : vector<1x16xf32> to vector<16xf32>
          %mul3A_1313 = arith.mulf %broadcast_in_dim3A_1284, %get3A_1312 : vector<16xf32>
          %add3A_1314 = arith.addf %add3A_1235, %mul3A_1313 : vector<16xf32>
          %add3A_1315 = arith.addf %add3A_1236, %get3A_1312 : vector<16xf32>
          %add3A_1316 = arith.constant 48 : i32
          %add3A_1317 = arith.addi %mul3A_128, %add3A_1316 : i32
          %get3A_1318 = arith.index_cast %add3A_1288 : i32 to index
          %get3A_1319 = arith.index_cast %add3A_1317 : i32 to index
          %get3A_1320 = tpu.vector_load %arg12[%get3A_1318, %get3A_1319] {strides = array<i32>} : memref<32x1024xf32, #tpu.memory_space<vmem>>, vector<1x16xf32>,
          %get3A_1321 = vector.shape_cast %get3A_1320 : vector<1x16xf32> to vector<16xf32>
          %mul3A_1322 = arith.mulf %broadcast_in_dim3A_1284, %get3A_1321 : vector<16xf32>
          %add3A_1323 = arith.addf %add3A_1244, %mul3A_1322 : vector<16xf32>
          %add3A_1324 = arith.addf %add3A_1245, %get3A_1321 : vector<16xf32>
          %add3A_1325 = arith.constant 64 : i32
          %add3A_1326 = arith.addi %mul3A_128, %add3A_1325 : i32
          %get3A_1327 = arith.index_cast %add3A_1288 : i32 to index
          %get3A_1328 = arith.index_cast %add3A_1326 : i32 to index
          %get3A_1329 = tpu.vector_load %arg12[%get3A_1327, %get3A_1328] {strides = array<i32>} : memref<32x1024xf32, #tpu.memory_space<vmem>>, vector<1x16xf32>,
          %get3A_1330 = vector.shape_cast %get3A_1329 : vector<1x16xf32> to vector<16xf32>
          %mul3A_1331 = arith.mulf %broadcast_in_dim3A_1284, %get3A_1330 : vector<16xf32>
          %add3A_1332 = arith.addf %add3A_1253, %mul3A_1331 : vector<16xf32>
          %add3A_1333 = arith.addf %add3A_1254, %get3A_1330 : vector<16xf32>
          %add3A_1334 = arith.constant 80 : i32
          %add3A_1335 = arith.addi %mul3A_128, %add3A_1334 : i32
          %get3A_1336 = arith.index_cast %add3A_1288 : i32 to index
          %get3A_1337 = arith.index_cast %add3A_1335 : i32 to index
          %get3A_1338 = tpu.vector_load %arg12[%get3A_1336, %get3A_1337] {strides = array<i32>} : memref<32x1024xf32, #tpu.memory_space<vmem>>, vector<1x16xf32>,
          %get3A_1339 = vector.shape_cast %get3A_1338 : vector<1x16xf32> to vector<16xf32>
          %mul3A_1340 = arith.mulf %broadcast_in_dim3A_1284, %get3A_1339 : vector<16xf32>
          %add3A_1341 = arith.addf %add3A_1262, %mul3A_1340 : vector<16xf32>
          %add3A_1342 = arith.addf %add3A_1263, %get3A_1339 : vector<16xf32>
          %add3A_1343 = arith.constant 96 : i32
          %add3A_1344 = arith.addi %mul3A_128, %add3A_1343 : i32
          %get3A_1345 = arith.index_cast %add3A_1288 : i32 to index
          %get3A_1346 = arith.index_cast %add3A_1344 : i32 to index
          %get3A_1347 = tpu.vector_load %arg12[%get3A_1345, %get3A_1346] {strides = array<i32>} : memref<32x1024xf32, #tpu.memory_space<vmem>>, vector<1x16xf32>,
          %get3A_1348 = vector.shape_cast %get3A_1347 : vector<1x16xf32> to vector<16xf32>
          %mul3A_1349 = arith.mulf %broadcast_in_dim3A_1284, %get3A_1348 : vector<16xf32>
          %add3A_1350 = arith.addf %add3A_1271, %mul3A_1349 : vector<16xf32>
          %add3A_1351 = arith.addf %add3A_1272, %get3A_1348 : vector<16xf32>
          %add3A_1352 = arith.constant 112 : i32
          %add3A_1353 = arith.addi %mul3A_128, %add3A_1352 : i32
          %get3A_1354 = arith.index_cast %add3A_1288 : i32 to index
          %get3A_1355 = arith.index_cast %add3A_1353 : i32 to index
          %get3A_1356 = tpu.vector_load %arg12[%get3A_1354, %get3A_1355] {strides = array<i32>} : memref<32x1024xf32, #tpu.memory_space<vmem>>, vector<1x16xf32>,
          %get3A_1357 = vector.shape_cast %get3A_1356 : vector<1x16xf32> to vector<16xf32>
          %mul3A_1358 = arith.mulf %broadcast_in_dim3A_1284, %get3A_1357 : vector<16xf32>
          %add3A_1359 = arith.addf %add3A_1280, %mul3A_1358 : vector<16xf32>
          %add3A_1360 = arith.addf %add3A_1281, %get3A_1357 : vector<16xf32>
          %slice3A_1361 = vector.extract_strided_slice %get3A_335 {offsets = [13], sizes = [1], strides = [1]} : vector<16xf32> to vector<1xf32>
          %squeeze3A_1362 = vector.extract %slice3A_1361[0] : f32 from vector<1xf32>
          %broadcast_in_dim3A_1363 = vector.broadcast %squeeze3A_1362 : f32 to vector<16xf32>
          %mul3A_1364 = arith.constant 16 : i32
          %mul3A_1365 = arith.muli %scan3A_311, %mul3A_1364 : i32
          %add3A_1366 = arith.constant 13 : i32
          %add3A_1367 = arith.addi %mul3A_1365, %add3A_1366 : i32
          %add3A_1368 = arith.constant 0 : i32
          %add3A_1369 = arith.addi %mul3A_128, %add3A_1368 : i32
          %get3A_1370 = arith.index_cast %add3A_1367 : i32 to index
          %get3A_1371 = arith.index_cast %add3A_1369 : i32 to index
          %get3A_1372 = tpu.vector_load %arg12[%get3A_1370, %get3A_1371] {strides = array<i32>} : memref<32x1024xf32, #tpu.memory_space<vmem>>, vector<1x16xf32>,
          %get3A_1373 = vector.shape_cast %get3A_1372 : vector<1x16xf32> to vector<16xf32>
          %mul3A_1374 = arith.mulf %broadcast_in_dim3A_1363, %get3A_1373 : vector<16xf32>
          %add3A_1375 = arith.addf %add3A_1296, %mul3A_1374 : vector<16xf32>
          %add3A_1376 = arith.addf %add3A_1297, %get3A_1373 : vector<16xf32>
          %add3A_1377 = arith.constant 16 : i32
          %add3A_1378 = arith.addi %mul3A_128, %add3A_1377 : i32
          %get3A_1379 = arith.index_cast %add3A_1367 : i32 to index
          %get3A_1380 = arith.index_cast %add3A_1378 : i32 to index
          %get3A_1381 = tpu.vector_load %arg12[%get3A_1379, %get3A_1380] {strides = array<i32>} : memref<32x1024xf32, #tpu.memory_space<vmem>>, vector<1x16xf32>,
          %get3A_1382 = vector.shape_cast %get3A_1381 : vector<1x16xf32> to vector<16xf32>
          %mul3A_1383 = arith.mulf %broadcast_in_dim3A_1363, %get3A_1382 : vector<16xf32>
          %add3A_1384 = arith.addf %add3A_1305, %mul3A_1383 : vector<16xf32>
          %add3A_1385 = arith.addf %add3A_1306, %get3A_1382 : vector<16xf32>
          %add3A_1386 = arith.constant 32 : i32
          %add3A_1387 = arith.addi %mul3A_128, %add3A_1386 : i32
          %get3A_1388 = arith.index_cast %add3A_1367 : i32 to index
          %get3A_1389 = arith.index_cast %add3A_1387 : i32 to index
          %get3A_1390 = tpu.vector_load %arg12[%get3A_1388, %get3A_1389] {strides = array<i32>} : memref<32x1024xf32, #tpu.memory_space<vmem>>, vector<1x16xf32>,
          %get3A_1391 = vector.shape_cast %get3A_1390 : vector<1x16xf32> to vector<16xf32>
          %mul3A_1392 = arith.mulf %broadcast_in_dim3A_1363, %get3A_1391 : vector<16xf32>
          %add3A_1393 = arith.addf %add3A_1314, %mul3A_1392 : vector<16xf32>
          %add3A_1394 = arith.addf %add3A_1315, %get3A_1391 : vector<16xf32>
          %add3A_1395 = arith.constant 48 : i32
          %add3A_1396 = arith.addi %mul3A_128, %add3A_1395 : i32
          %get3A_1397 = arith.index_cast %add3A_1367 : i32 to index
          %get3A_1398 = arith.index_cast %add3A_1396 : i32 to index
          %get3A_1399 = tpu.vector_load %arg12[%get3A_1397, %get3A_1398] {strides = array<i32>} : memref<32x1024xf32, #tpu.memory_space<vmem>>, vector<1x16xf32>,
          %get3A_1400 = vector.shape_cast %get3A_1399 : vector<1x16xf32> to vector<16xf32>
          %mul3A_1401 = arith.mulf %broadcast_in_dim3A_1363, %get3A_1400 : vector<16xf32>
          %add3A_1402 = arith.addf %add3A_1323, %mul3A_1401 : vector<16xf32>
          %add3A_1403 = arith.addf %add3A_1324, %get3A_1400 : vector<16xf32>
          %add3A_1404 = arith.constant 64 : i32
          %add3A_1405 = arith.addi %mul3A_128, %add3A_1404 : i32
          %get3A_1406 = arith.index_cast %add3A_1367 : i32 to index
          %get3A_1407 = arith.index_cast %add3A_1405 : i32 to index
          %get3A_1408 = tpu.vector_load %arg12[%get3A_1406, %get3A_1407] {strides = array<i32>} : memref<32x1024xf32, #tpu.memory_space<vmem>>, vector<1x16xf32>,
          %get3A_1409 = vector.shape_cast %get3A_1408 : vector<1x16xf32> to vector<16xf32>
          %mul3A_1410 = arith.mulf %broadcast_in_dim3A_1363, %get3A_1409 : vector<16xf32>
          %add3A_1411 = arith.addf %add3A_1332, %mul3A_1410 : vector<16xf32>
          %add3A_1412 = arith.addf %add3A_1333, %get3A_1409 : vector<16xf32>
          %add3A_1413 = arith.constant 80 : i32
          %add3A_1414 = arith.addi %mul3A_128, %add3A_1413 : i32
          %get3A_1415 = arith.index_cast %add3A_1367 : i32 to index
          %get3A_1416 = arith.index_cast %add3A_1414 : i32 to index
          %get3A_1417 = tpu.vector_load %arg12[%get3A_1415, %get3A_1416] {strides = array<i32>} : memref<32x1024xf32, #tpu.memory_space<vmem>>, vector<1x16xf32>,
          %get3A_1418 = vector.shape_cast %get3A_1417 : vector<1x16xf32> to vector<16xf32>
          %mul3A_1419 = arith.mulf %broadcast_in_dim3A_1363, %get3A_1418 : vector<16xf32>
          %add3A_1420 = arith.addf %add3A_1341, %mul3A_1419 : vector<16xf32>
          %add3A_1421 = arith.addf %add3A_1342, %get3A_1418 : vector<16xf32>
          %add3A_1422 = arith.constant 96 : i32
          %add3A_1423 = arith.addi %mul3A_128, %add3A_1422 : i32
          %get3A_1424 = arith.index_cast %add3A_1367 : i32 to index
          %get3A_1425 = arith.index_cast %add3A_1423 : i32 to index
          %get3A_1426 = tpu.vector_load %arg12[%get3A_1424, %get3A_1425] {strides = array<i32>} : memref<32x1024xf32, #tpu.memory_space<vmem>>, vector<1x16xf32>,
          %get3A_1427 = vector.shape_cast %get3A_1426 : vector<1x16xf32> to vector<16xf32>
          %mul3A_1428 = arith.mulf %broadcast_in_dim3A_1363, %get3A_1427 : vector<16xf32>
          %add3A_1429 = arith.addf %add3A_1350, %mul3A_1428 : vector<16xf32>
          %add3A_1430 = arith.addf %add3A_1351, %get3A_1427 : vector<16xf32>
          %add3A_1431 = arith.constant 112 : i32
          %add3A_1432 = arith.addi %mul3A_128, %add3A_1431 : i32
          %get3A_1433 = arith.index_cast %add3A_1367 : i32 to index
          %get3A_1434 = arith.index_cast %add3A_1432 : i32 to index
          %get3A_1435 = tpu.vector_load %arg12[%get3A_1433, %get3A_1434] {strides = array<i32>} : memref<32x1024xf32, #tpu.memory_space<vmem>>, vector<1x16xf32>,
          %get3A_1436 = vector.shape_cast %get3A_1435 : vector<1x16xf32> to vector<16xf32>
          %mul3A_1437 = arith.mulf %broadcast_in_dim3A_1363, %get3A_1436 : vector<16xf32>
          %add3A_1438 = arith.addf %add3A_1359, %mul3A_1437 : vector<16xf32>
          %add3A_1439 = arith.addf %add3A_1360, %get3A_1436 : vector<16xf32>
          %slice3A_1440 = vector.extract_strided_slice %get3A_335 {offsets = [14], sizes = [1], strides = [1]} : vector<16xf32> to vector<1xf32>
          %squeeze3A_1441 = vector.extract %slice3A_1440[0] : f32 from vector<1xf32>
          %broadcast_in_dim3A_1442 = vector.broadcast %squeeze3A_1441 : f32 to vector<16xf32>
          %mul3A_1443 = arith.constant 16 : i32
          %mul3A_1444 = arith.muli %scan3A_311, %mul3A_1443 : i32
          %add3A_1445 = arith.constant 14 : i32
          %add3A_1446 = arith.addi %mul3A_1444, %add3A_1445 : i32
          %add3A_1447 = arith.constant 0 : i32
          %add3A_1448 = arith.addi %mul3A_128, %add3A_1447 : i32
          %get3A_1449 = arith.index_cast %add3A_1446 : i32 to index
          %get3A_1450 = arith.index_cast %add3A_1448 : i32 to index
          %get3A_1451 = tpu.vector_load %arg12[%get3A_1449, %get3A_1450] {strides = array<i32>} : memref<32x1024xf32, #tpu.memory_space<vmem>>, vector<1x16xf32>,
          %get3A_1452 = vector.shape_cast %get3A_1451 : vector<1x16xf32> to vector<16xf32>
          %mul3A_1453 = arith.mulf %broadcast_in_dim3A_1442, %get3A_1452 : vector<16xf32>
          %add3A_1454 = arith.addf %add3A_1375, %mul3A_1453 : vector<16xf32>
          %add3A_1455 = arith.addf %add3A_1376, %get3A_1452 : vector<16xf32>
          %add3A_1456 = arith.constant 16 : i32
          %add3A_1457 = arith.addi %mul3A_128, %add3A_1456 : i32
          %get3A_1458 = arith.index_cast %add3A_1446 : i32 to index
          %get3A_1459 = arith.index_cast %add3A_1457 : i32 to index
          %get3A_1460 = tpu.vector_load %arg12[%get3A_1458, %get3A_1459] {strides = array<i32>} : memref<32x1024xf32, #tpu.memory_space<vmem>>, vector<1x16xf32>,
          %get3A_1461 = vector.shape_cast %get3A_1460 : vector<1x16xf32> to vector<16xf32>
          %mul3A_1462 = arith.mulf %broadcast_in_dim3A_1442, %get3A_1461 : vector<16xf32>
          %add3A_1463 = arith.addf %add3A_1384, %mul3A_1462 : vector<16xf32>
          %add3A_1464 = arith.addf %add3A_1385, %get3A_1461 : vector<16xf32>
          %add3A_1465 = arith.constant 32 : i32
          %add3A_1466 = arith.addi %mul3A_128, %add3A_1465 : i32
          %get3A_1467 = arith.index_cast %add3A_1446 : i32 to index
          %get3A_1468 = arith.index_cast %add3A_1466 : i32 to index
          %get3A_1469 = tpu.vector_load %arg12[%get3A_1467, %get3A_1468] {strides = array<i32>} : memref<32x1024xf32, #tpu.memory_space<vmem>>, vector<1x16xf32>,
          %get3A_1470 = vector.shape_cast %get3A_1469 : vector<1x16xf32> to vector<16xf32>
          %mul3A_1471 = arith.mulf %broadcast_in_dim3A_1442, %get3A_1470 : vector<16xf32>
          %add3A_1472 = arith.addf %add3A_1393, %mul3A_1471 : vector<16xf32>
          %add3A_1473 = arith.addf %add3A_1394, %get3A_1470 : vector<16xf32>
          %add3A_1474 = arith.constant 48 : i32
          %add3A_1475 = arith.addi %mul3A_128, %add3A_1474 : i32
          %get3A_1476 = arith.index_cast %add3A_1446 : i32 to index
          %get3A_1477 = arith.index_cast %add3A_1475 : i32 to index
          %get3A_1478 = tpu.vector_load %arg12[%get3A_1476, %get3A_1477] {strides = array<i32>} : memref<32x1024xf32, #tpu.memory_space<vmem>>, vector<1x16xf32>,
          %get3A_1479 = vector.shape_cast %get3A_1478 : vector<1x16xf32> to vector<16xf32>
          %mul3A_1480 = arith.mulf %broadcast_in_dim3A_1442, %get3A_1479 : vector<16xf32>
          %add3A_1481 = arith.addf %add3A_1402, %mul3A_1480 : vector<16xf32>
          %add3A_1482 = arith.addf %add3A_1403, %get3A_1479 : vector<16xf32>
          %add3A_1483 = arith.constant 64 : i32
          %add3A_1484 = arith.addi %mul3A_128, %add3A_1483 : i32
          %get3A_1485 = arith.index_cast %add3A_1446 : i32 to index
          %get3A_1486 = arith.index_cast %add3A_1484 : i32 to index
          %get3A_1487 = tpu.vector_load %arg12[%get3A_1485, %get3A_1486] {strides = array<i32>} : memref<32x1024xf32, #tpu.memory_space<vmem>>, vector<1x16xf32>,
          %get3A_1488 = vector.shape_cast %get3A_1487 : vector<1x16xf32> to vector<16xf32>
          %mul3A_1489 = arith.mulf %broadcast_in_dim3A_1442, %get3A_1488 : vector<16xf32>
          %add3A_1490 = arith.addf %add3A_1411, %mul3A_1489 : vector<16xf32>
          %add3A_1491 = arith.addf %add3A_1412, %get3A_1488 : vector<16xf32>
          %add3A_1492 = arith.constant 80 : i32
          %add3A_1493 = arith.addi %mul3A_128, %add3A_1492 : i32
          %get3A_1494 = arith.index_cast %add3A_1446 : i32 to index
          %get3A_1495 = arith.index_cast %add3A_1493 : i32 to index
          %get3A_1496 = tpu.vector_load %arg12[%get3A_1494, %get3A_1495] {strides = array<i32>} : memref<32x1024xf32, #tpu.memory_space<vmem>>, vector<1x16xf32>,
          %get3A_1497 = vector.shape_cast %get3A_1496 : vector<1x16xf32> to vector<16xf32>
          %mul3A_1498 = arith.mulf %broadcast_in_dim3A_1442, %get3A_1497 : vector<16xf32>
          %add3A_1499 = arith.addf %add3A_1420, %mul3A_1498 : vector<16xf32>
          %add3A_1500 = arith.addf %add3A_1421, %get3A_1497 : vector<16xf32>
          %add3A_1501 = arith.constant 96 : i32
          %add3A_1502 = arith.addi %mul3A_128, %add3A_1501 : i32
          %get3A_1503 = arith.index_cast %add3A_1446 : i32 to index
          %get3A_1504 = arith.index_cast %add3A_1502 : i32 to index
          %get3A_1505 = tpu.vector_load %arg12[%get3A_1503, %get3A_1504] {strides = array<i32>} : memref<32x1024xf32, #tpu.memory_space<vmem>>, vector<1x16xf32>,
          %get3A_1506 = vector.shape_cast %get3A_1505 : vector<1x16xf32> to vector<16xf32>
          %mul3A_1507 = arith.mulf %broadcast_in_dim3A_1442, %get3A_1506 : vector<16xf32>
          %add3A_1508 = arith.addf %add3A_1429, %mul3A_1507 : vector<16xf32>
          %add3A_1509 = arith.addf %add3A_1430, %get3A_1506 : vector<16xf32>
          %add3A_1510 = arith.constant 112 : i32
          %add3A_1511 = arith.addi %mul3A_128, %add3A_1510 : i32
          %get3A_1512 = arith.index_cast %add3A_1446 : i32 to index
          %get3A_1513 = arith.index_cast %add3A_1511 : i32 to index
          %get3A_1514 = tpu.vector_load %arg12[%get3A_1512, %get3A_1513] {strides = array<i32>} : memref<32x1024xf32, #tpu.memory_space<vmem>>, vector<1x16xf32>,
          %get3A_1515 = vector.shape_cast %get3A_1514 : vector<1x16xf32> to vector<16xf32>
          %mul3A_1516 = arith.mulf %broadcast_in_dim3A_1442, %get3A_1515 : vector<16xf32>
          %add3A_1517 = arith.addf %add3A_1438, %mul3A_1516 : vector<16xf32>
          %add3A_1518 = arith.addf %add3A_1439, %get3A_1515 : vector<16xf32>
          %slice3A_1519 = vector.extract_strided_slice %get3A_335 {offsets = [15], sizes = [1], strides = [1]} : vector<16xf32> to vector<1xf32>
          %squeeze3A_1520 = vector.extract %slice3A_1519[0] : f32 from vector<1xf32>
          %broadcast_in_dim3A_1521 = vector.broadcast %squeeze3A_1520 : f32 to vector<16xf32>
          %mul3A_1522 = arith.constant 16 : i32
          %mul3A_1523 = arith.muli %scan3A_311, %mul3A_1522 : i32
          %add3A_1524 = arith.constant 15 : i32
          %add3A_1525 = arith.addi %mul3A_1523, %add3A_1524 : i32
          %add3A_1526 = arith.constant 0 : i32
          %add3A_1527 = arith.addi %mul3A_128, %add3A_1526 : i32
          %get3A_1528 = arith.index_cast %add3A_1525 : i32 to index
          %get3A_1529 = arith.index_cast %add3A_1527 : i32 to index
          %get3A_1530 = tpu.vector_load %arg12[%get3A_1528, %get3A_1529] {strides = array<i32>} : memref<32x1024xf32, #tpu.memory_space<vmem>>, vector<1x16xf32>,
          %get3A_1531 = vector.shape_cast %get3A_1530 : vector<1x16xf32> to vector<16xf32>
          %mul3A_1532 = arith.mulf %broadcast_in_dim3A_1521, %get3A_1531 : vector<16xf32>
          %add3A_1533 = arith.addf %add3A_1454, %mul3A_1532 : vector<16xf32>
          %add3A_1534 = arith.addf %add3A_1455, %get3A_1531 : vector<16xf32>
          %add3A_1535 = arith.constant 16 : i32
          %add3A_1536 = arith.addi %mul3A_128, %add3A_1535 : i32
          %get3A_1537 = arith.index_cast %add3A_1525 : i32 to index
          %get3A_1538 = arith.index_cast %add3A_1536 : i32 to index
          %get3A_1539 = tpu.vector_load %arg12[%get3A_1537, %get3A_1538] {strides = array<i32>} : memref<32x1024xf32, #tpu.memory_space<vmem>>, vector<1x16xf32>,
          %get3A_1540 = vector.shape_cast %get3A_1539 : vector<1x16xf32> to vector<16xf32>
          %mul3A_1541 = arith.mulf %broadcast_in_dim3A_1521, %get3A_1540 : vector<16xf32>
          %add3A_1542 = arith.addf %add3A_1463, %mul3A_1541 : vector<16xf32>
          %add3A_1543 = arith.addf %add3A_1464, %get3A_1540 : vector<16xf32>
          %add3A_1544 = arith.constant 32 : i32
          %add3A_1545 = arith.addi %mul3A_128, %add3A_1544 : i32
          %get3A_1546 = arith.index_cast %add3A_1525 : i32 to index
          %get3A_1547 = arith.index_cast %add3A_1545 : i32 to index
          %get3A_1548 = tpu.vector_load %arg12[%get3A_1546, %get3A_1547] {strides = array<i32>} : memref<32x1024xf32, #tpu.memory_space<vmem>>, vector<1x16xf32>,
          %get3A_1549 = vector.shape_cast %get3A_1548 : vector<1x16xf32> to vector<16xf32>
          %mul3A_1550 = arith.mulf %broadcast_in_dim3A_1521, %get3A_1549 : vector<16xf32>
          %add3A_1551 = arith.addf %add3A_1472, %mul3A_1550 : vector<16xf32>
          %add3A_1552 = arith.addf %add3A_1473, %get3A_1549 : vector<16xf32>
          %add3A_1553 = arith.constant 48 : i32
          %add3A_1554 = arith.addi %mul3A_128, %add3A_1553 : i32
          %get3A_1555 = arith.index_cast %add3A_1525 : i32 to index
          %get3A_1556 = arith.index_cast %add3A_1554 : i32 to index
          %get3A_1557 = tpu.vector_load %arg12[%get3A_1555, %get3A_1556] {strides = array<i32>} : memref<32x1024xf32, #tpu.memory_space<vmem>>, vector<1x16xf32>,
          %get3A_1558 = vector.shape_cast %get3A_1557 : vector<1x16xf32> to vector<16xf32>
          %mul3A_1559 = arith.mulf %broadcast_in_dim3A_1521, %get3A_1558 : vector<16xf32>
          %add3A_1560 = arith.addf %add3A_1481, %mul3A_1559 : vector<16xf32>
          %add3A_1561 = arith.addf %add3A_1482, %get3A_1558 : vector<16xf32>
          %add3A_1562 = arith.constant 64 : i32
          %add3A_1563 = arith.addi %mul3A_128, %add3A_1562 : i32
          %get3A_1564 = arith.index_cast %add3A_1525 : i32 to index
          %get3A_1565 = arith.index_cast %add3A_1563 : i32 to index
          %get3A_1566 = tpu.vector_load %arg12[%get3A_1564, %get3A_1565] {strides = array<i32>} : memref<32x1024xf32, #tpu.memory_space<vmem>>, vector<1x16xf32>,
          %get3A_1567 = vector.shape_cast %get3A_1566 : vector<1x16xf32> to vector<16xf32>
          %mul3A_1568 = arith.mulf %broadcast_in_dim3A_1521, %get3A_1567 : vector<16xf32>
          %add3A_1569 = arith.addf %add3A_1490, %mul3A_1568 : vector<16xf32>
          %add3A_1570 = arith.addf %add3A_1491, %get3A_1567 : vector<16xf32>
          %add3A_1571 = arith.constant 80 : i32
          %add3A_1572 = arith.addi %mul3A_128, %add3A_1571 : i32
          %get3A_1573 = arith.index_cast %add3A_1525 : i32 to index
          %get3A_1574 = arith.index_cast %add3A_1572 : i32 to index
          %get3A_1575 = tpu.vector_load %arg12[%get3A_1573, %get3A_1574] {strides = array<i32>} : memref<32x1024xf32, #tpu.memory_space<vmem>>, vector<1x16xf32>,
          %get3A_1576 = vector.shape_cast %get3A_1575 : vector<1x16xf32> to vector<16xf32>
          %mul3A_1577 = arith.mulf %broadcast_in_dim3A_1521, %get3A_1576 : vector<16xf32>
          %add3A_1578 = arith.addf %add3A_1499, %mul3A_1577 : vector<16xf32>
          %add3A_1579 = arith.addf %add3A_1500, %get3A_1576 : vector<16xf32>
          %add3A_1580 = arith.constant 96 : i32
          %add3A_1581 = arith.addi %mul3A_128, %add3A_1580 : i32
          %get3A_1582 = arith.index_cast %add3A_1525 : i32 to index
          %get3A_1583 = arith.index_cast %add3A_1581 : i32 to index
          %get3A_1584 = tpu.vector_load %arg12[%get3A_1582, %get3A_1583] {strides = array<i32>} : memref<32x1024xf32, #tpu.memory_space<vmem>>, vector<1x16xf32>,
          %get3A_1585 = vector.shape_cast %get3A_1584 : vector<1x16xf32> to vector<16xf32>
          %mul3A_1586 = arith.mulf %broadcast_in_dim3A_1521, %get3A_1585 : vector<16xf32>
          %add3A_1587 = arith.addf %add3A_1508, %mul3A_1586 : vector<16xf32>
          %add3A_1588 = arith.addf %add3A_1509, %get3A_1585 : vector<16xf32>
          %add3A_1589 = arith.constant 112 : i32
          %add3A_1590 = arith.addi %mul3A_128, %add3A_1589 : i32
          %get3A_1591 = arith.index_cast %add3A_1525 : i32 to index
          %get3A_1592 = arith.index_cast %add3A_1590 : i32 to index
          %get3A_1593 = tpu.vector_load %arg12[%get3A_1591, %get3A_1592] {strides = array<i32>} : memref<32x1024xf32, #tpu.memory_space<vmem>>, vector<1x16xf32>,
          %get3A_1594 = vector.shape_cast %get3A_1593 : vector<1x16xf32> to vector<16xf32>
          %mul3A_1595 = arith.mulf %broadcast_in_dim3A_1521, %get3A_1594 : vector<16xf32>
          %add3A_1596 = arith.addf %add3A_1517, %mul3A_1595 : vector<16xf32>
          %add3A_1597 = arith.addf %add3A_1518, %get3A_1594 : vector<16xf32>
          scf.yield %add3A_1533, %add3A_1542, %add3A_1551, %add3A_1560, %add3A_1569, %add3A_1578, %add3A_1587, %add3A_1596, %add3A_1534, %add3A_1543, %add3A_1552, %add3A_1561, %add3A_1570, %add3A_1579, %add3A_1588, %add3A_1597 : vector<16xf32>, vector<16xf32>, vector<16xf32>, vector<16xf32>, vector<16xf32>, vector<16xf32>, vector<16xf32>, vector<16xf32>, vector<16xf32>, vector<16xf32>, vector<16xf32>, vector<16xf32>, vector<16xf32>, vector<16xf32>, vector<16xf32>, vector<16xf32>
        }
        %scan3A_213 = arith.constant 2 : i32
        %add3A_214 = arith.constant 0 : i32
        %add3A_215 = arith.addi %mul3A_128, %add3A_214 : i32
        %swap3A_216 = arith.index_cast %add3A_215 : i32 to index
        %swap3A_217 = tpu.vector_load %arg10[%swap3A_216] {strides = array<i32>} : memref<1024xf32, #tpu.memory_space<vmem>>, vector<16xf32>,
        %swap3A_218 = vector.shape_cast %swap3A_217 : vector<16xf32> to vector<16xf32>
        %swap3A_219 = vector.shape_cast %scan3A_212#0 : vector<16xf32> to vector<16xf32>
        tpu.vector_store %arg10[%swap3A_216], %swap3A_219 {strides = array<i32>} : memref<1024xf32, #tpu.memory_space<vmem>>, vector<16xf32>,
        %add3A_220 = arith.constant 0 : i32
        %add3A_221 = arith.addi %mul3A_128, %add3A_220 : i32
        %swap3A_222 = arith.index_cast %add3A_221 : i32 to index
        %swap3A_223 = tpu.vector_load %arg11[%swap3A_222] {strides = array<i32>} : memref<1024xf32, #tpu.memory_space<vmem>>, vector<16xf32>,
        %swap3A_224 = vector.shape_cast %swap3A_223 : vector<16xf32> to vector<16xf32>
        %swap3A_225 = vector.shape_cast %scan3A_212#8 : vector<16xf32> to vector<16xf32>
        tpu.vector_store %arg11[%swap3A_222], %swap3A_225 {strides = array<i32>} : memref<1024xf32, #tpu.memory_space<vmem>>, vector<16xf32>,
        %add3A_226 = arith.constant 16 : i32
        %add3A_227 = arith.addi %mul3A_128, %add3A_226 : i32
        %swap3A_228 = arith.index_cast %add3A_227 : i32 to index
        %swap3A_229 = tpu.vector_load %arg10[%swap3A_228] {strides = array<i32>} : memref<1024xf32, #tpu.memory_space<vmem>>, vector<16xf32>,
        %swap3A_230 = vector.shape_cast %swap3A_229 : vector<16xf32> to vector<16xf32>
        %swap3A_231 = vector.shape_cast %scan3A_212#1 : vector<16xf32> to vector<16xf32>
        tpu.vector_store %arg10[%swap3A_228], %swap3A_231 {strides = array<i32>} : memref<1024xf32, #tpu.memory_space<vmem>>, vector<16xf32>,
        %add3A_232 = arith.constant 16 : i32
        %add3A_233 = arith.addi %mul3A_128, %add3A_232 : i32
        %swap3A_234 = arith.index_cast %add3A_233 : i32 to index
        %swap3A_235 = tpu.vector_load %arg11[%swap3A_234] {strides = array<i32>} : memref<1024xf32, #tpu.memory_space<vmem>>, vector<16xf32>,
        %swap3A_236 = vector.shape_cast %swap3A_235 : vector<16xf32> to vector<16xf32>
        %swap3A_237 = vector.shape_cast %scan3A_212#9 : vector<16xf32> to vector<16xf32>
        tpu.vector_store %arg11[%swap3A_234], %swap3A_237 {strides = array<i32>} : memref<1024xf32, #tpu.memory_space<vmem>>, vector<16xf32>,
        %add3A_238 = arith.constant 32 : i32
        %add3A_239 = arith.addi %mul3A_128, %add3A_238 : i32
        %swap3A_240 = arith.index_cast %add3A_239 : i32 to index
        %swap3A_241 = tpu.vector_load %arg10[%swap3A_240] {strides = array<i32>} : memref<1024xf32, #tpu.memory_space<vmem>>, vector<16xf32>,
        %swap3A_242 = vector.shape_cast %swap3A_241 : vector<16xf32> to vector<16xf32>
        %swap3A_243 = vector.shape_cast %scan3A_212#2 : vector<16xf32> to vector<16xf32>
        tpu.vector_store %arg10[%swap3A_240], %swap3A_243 {strides = array<i32>} : memref<1024xf32, #tpu.memory_space<vmem>>, vector<16xf32>,
        %add3A_244 = arith.constant 32 : i32
        %add3A_245 = arith.addi %mul3A_128, %add3A_244 : i32
        %swap3A_246 = arith.index_cast %add3A_245 : i32 to index
        %swap3A_247 = tpu.vector_load %arg11[%swap3A_246] {strides = array<i32>} : memref<1024xf32, #tpu.memory_space<vmem>>, vector<16xf32>,
        %swap3A_248 = vector.shape_cast %swap3A_247 : vector<16xf32> to vector<16xf32>
        %swap3A_249 = vector.shape_cast %scan3A_212#10 : vector<16xf32> to vector<16xf32>
        tpu.vector_store %arg11[%swap3A_246], %swap3A_249 {strides = array<i32>} : memref<1024xf32, #tpu.memory_space<vmem>>, vector<16xf32>,
        %add3A_250 = arith.constant 48 : i32
        %add3A_251 = arith.addi %mul3A_128, %add3A_250 : i32
        %swap3A_252 = arith.index_cast %add3A_251 : i32 to index
        %swap3A_253 = tpu.vector_load %arg10[%swap3A_252] {strides = array<i32>} : memref<1024xf32, #tpu.memory_space<vmem>>, vector<16xf32>,
        %swap3A_254 = vector.shape_cast %swap3A_253 : vector<16xf32> to vector<16xf32>
        %swap3A_255 = vector.shape_cast %scan3A_212#3 : vector<16xf32> to vector<16xf32>
        tpu.vector_store %arg10[%swap3A_252], %swap3A_255 {strides = array<i32>} : memref<1024xf32, #tpu.memory_space<vmem>>, vector<16xf32>,
        %add3A_256 = arith.constant 48 : i32
        %add3A_257 = arith.addi %mul3A_128, %add3A_256 : i32
        %swap3A_258 = arith.index_cast %add3A_257 : i32 to index
        %swap3A_259 = tpu.vector_load %arg11[%swap3A_258] {strides = array<i32>} : memref<1024xf32, #tpu.memory_space<vmem>>, vector<16xf32>,
        %swap3A_260 = vector.shape_cast %swap3A_259 : vector<16xf32> to vector<16xf32>
        %swap3A_261 = vector.shape_cast %scan3A_212#11 : vector<16xf32> to vector<16xf32>
        tpu.vector_store %arg11[%swap3A_258], %swap3A_261 {strides = array<i32>} : memref<1024xf32, #tpu.memory_space<vmem>>, vector<16xf32>,
        %add3A_262 = arith.constant 64 : i32
        %add3A_263 = arith.addi %mul3A_128, %add3A_262 : i32
        %swap3A_264 = arith.index_cast %add3A_263 : i32 to index
        %swap3A_265 = tpu.vector_load %arg10[%swap3A_264] {strides = array<i32>} : memref<1024xf32, #tpu.memory_space<vmem>>, vector<16xf32>,
        %swap3A_266 = vector.shape_cast %swap3A_265 : vector<16xf32> to vector<16xf32>
        %swap3A_267 = vector.shape_cast %scan3A_212#4 : vector<16xf32> to vector<16xf32>
        tpu.vector_store %arg10[%swap3A_264], %swap3A_267 {strides = array<i32>} : memref<1024xf32, #tpu.memory_space<vmem>>, vector<16xf32>,
        %add3A_268 = arith.constant 64 : i32
        %add3A_269 = arith.addi %mul3A_128, %add3A_268 : i32
        %swap3A_270 = arith.index_cast %add3A_269 : i32 to index
        %swap3A_271 = tpu.vector_load %arg11[%swap3A_270] {strides = array<i32>} : memref<1024xf32, #tpu.memory_space<vmem>>, vector<16xf32>,
        %swap3A_272 = vector.shape_cast %swap3A_271 : vector<16xf32> to vector<16xf32>
        %swap3A_273 = vector.shape_cast %scan3A_212#12 : vector<16xf32> to vector<16xf32>
        tpu.vector_store %arg11[%swap3A_270], %swap3A_273 {strides = array<i32>} : memref<1024xf32, #tpu.memory_space<vmem>>, vector<16xf32>,
        %add3A_274 = arith.constant 80 : i32
        %add3A_275 = arith.addi %mul3A_128, %add3A_274 : i32
        %swap3A_276 = arith.index_cast %add3A_275 : i32 to index
        %swap3A_277 = tpu.vector_load %arg10[%swap3A_276] {strides = array<i32>} : memref<1024xf32, #tpu.memory_space<vmem>>, vector<16xf32>,
        %swap3A_278 = vector.shape_cast %swap3A_277 : vector<16xf32> to vector<16xf32>
        %swap3A_279 = vector.shape_cast %scan3A_212#5 : vector<16xf32> to vector<16xf32>
        tpu.vector_store %arg10[%swap3A_276], %swap3A_279 {strides = array<i32>} : memref<1024xf32, #tpu.memory_space<vmem>>, vector<16xf32>,
        %add3A_280 = arith.constant 80 : i32
        %add3A_281 = arith.addi %mul3A_128, %add3A_280 : i32
        %swap3A_282 = arith.index_cast %add3A_281 : i32 to index
        %swap3A_283 = tpu.vector_load %arg11[%swap3A_282] {strides = array<i32>} : memref<1024xf32, #tpu.memory_space<vmem>>, vector<16xf32>,
        %swap3A_284 = vector.shape_cast %swap3A_283 : vector<16xf32> to vector<16xf32>
        %swap3A_285 = vector.shape_cast %scan3A_212#13 : vector<16xf32> to vector<16xf32>
        tpu.vector_store %arg11[%swap3A_282], %swap3A_285 {strides = array<i32>} : memref<1024xf32, #tpu.memory_space<vmem>>, vector<16xf32>,
        %add3A_286 = arith.constant 96 : i32
        %add3A_287 = arith.addi %mul3A_128, %add3A_286 : i32
        %swap3A_288 = arith.index_cast %add3A_287 : i32 to index
        %swap3A_289 = tpu.vector_load %arg10[%swap3A_288] {strides = array<i32>} : memref<1024xf32, #tpu.memory_space<vmem>>, vector<16xf32>,
        %swap3A_290 = vector.shape_cast %swap3A_289 : vector<16xf32> to vector<16xf32>
        %swap3A_291 = vector.shape_cast %scan3A_212#6 : vector<16xf32> to vector<16xf32>
        tpu.vector_store %arg10[%swap3A_288], %swap3A_291 {strides = array<i32>} : memref<1024xf32, #tpu.memory_space<vmem>>, vector<16xf32>,
        %add3A_292 = arith.constant 96 : i32
        %add3A_293 = arith.addi %mul3A_128, %add3A_292 : i32
        %swap3A_294 = arith.index_cast %add3A_293 : i32 to index
        %swap3A_295 = tpu.vector_load %arg11[%swap3A_294] {strides = array<i32>} : memref<1024xf32, #tpu.memory_space<vmem>>, vector<16xf32>,
        %swap3A_296 = vector.shape_cast %swap3A_295 : vector<16xf32> to vector<16xf32>
        %swap3A_297 = vector.shape_cast %scan3A_212#14 : vector<16xf32> to vector<16xf32>
        tpu.vector_store %arg11[%swap3A_294], %swap3A_297 {strides = array<i32>} : memref<1024xf32, #tpu.memory_space<vmem>>, vector<16xf32>,
        %add3A_298 = arith.constant 112 : i32
        %add3A_299 = arith.addi %mul3A_128, %add3A_298 : i32
        %swap3A_300 = arith.index_cast %add3A_299 : i32 to index
        %swap3A_301 = tpu.vector_load %arg10[%swap3A_300] {strides = array<i32>} : memref<1024xf32, #tpu.memory_space<vmem>>, vector<16xf32>,
        %swap3A_302 = vector.shape_cast %swap3A_301 : vector<16xf32> to vector<16xf32>
        %swap3A_303 = vector.shape_cast %scan3A_212#7 : vector<16xf32> to vector<16xf32>
        tpu.vector_store %arg10[%swap3A_300], %swap3A_303 {strides = array<i32>} : memref<1024xf32, #tpu.memory_space<vmem>>, vector<16xf32>,
        %add3A_304 = arith.constant 112 : i32
        %add3A_305 = arith.addi %mul3A_128, %add3A_304 : i32
        %swap3A_306 = arith.index_cast %add3A_305 : i32 to index
        %swap3A_307 = tpu.vector_load %arg11[%swap3A_306] {strides = array<i32>} : memref<1024xf32, #tpu.memory_space<vmem>>, vector<16xf32>,
        %swap3A_308 = vector.shape_cast %swap3A_307 : vector<16xf32> to vector<16xf32>
        %swap3A_309 = vector.shape_cast %scan3A_212#15 : vector<16xf32> to vector<16xf32>
        tpu.vector_store %arg11[%swap3A_306], %swap3A_309 {strides = array<i32>} : memref<1024xf32, #tpu.memory_space<vmem>>, vector<16xf32>,
        %scan3A_310 = arith.constant 0 : i32
        scf.yield %scan3A_310 : i32
      }
      %scan3A_93 = arith.constant 8 : i32
      %add3A_94 = arith.constant 2 : i32
      %add3A_95 = arith.addi %add3A_78, %add3A_94 : i32
      %lt3A_96 = arith.constant 8 : i32
      %lt3A_97 = arith.cmpi slt, %add3A_95, %lt3A_96 : i32
      %convert_element_type3A = arith.extui %lt3A_97 : i1 to i32
      %cond3A = arith.constant 0 : i32
      %cond3A_98 = arith.cmpi ne, %convert_element_type3A, %cond3A : i32
      scf.if %cond3A_98 {
        %add3A_125 = arith.constant 2 : i32
        %add3A_126 = arith.addi %add3A_78, %add3A_125 : i32
        %mul3A_127 = arith.constant 32 : i32
        %mul3A_128 = arith.muli %add3A_126, %mul3A_127 : i32
        %add3A_129 = arith.addi %mul3A_32, %mul3A_128 : i32
        %dma_start3A_130 = arith.constant 0 : i32
        %dma_start3A_131 = tpu.memref_slice %arg2[%select_n3A, %add3A_129, %dma_start3A_130] : memref<4x2048x1024xf32, #tpu.memory_space<hbm>> -> memref<1x32x1024xf32, #tpu.memory_space<hbm>>
        %dma_start3A_132 = tpu.memref_squeeze %dma_start3A_131 : memref<1x32x1024xf32, #tpu.memory_space<hbm>> -> memref<32x1024xf32, #tpu.memory_space<hbm>>
        %dma_start3A_133 = arith.constant 0 : i32
        %dma_start3A_134 = tpu.memref_slice %arg2[%select_n3A, %add3A_129, %dma_start3A_133] : memref<4x2048x1024xf32, #tpu.memory_space<hbm>> -> memref<1x32x1024xf32, #tpu.memory_space<hbm>>
        %dma_start3A_135 = tpu.memref_squeeze %dma_start3A_134 : memref<1x32x1024xf32, #tpu.memory_space<hbm>> -> memref<32x1024xf32, #tpu.memory_space<hbm>>
        tpu.enqueue_dma source(%dma_start3A_135 : memref<32x1024xf32, #tpu.memory_space<hbm>>) target(%arg12 : memref<32x1024xf32, #tpu.memory_space<vmem>>) target_semaphore(%arg14 : memref<!tpu.dma_semaphore, #tpu.memory_space<semaphore_mem>>)
      } else {
      }
      %add3A_99 = arith.constant 1 : i32
      %add3A_100 = arith.addi %mul3A_76, %add3A_99 : i32
      %mul3A_101 = arith.constant 32 : i32
      %mul3A_102 = arith.muli %add3A_100, %mul3A_101 : i32
      %add3A_103 = arith.addi %mul3A_32, %mul3A_102 : i32
      %dma_wait3A_104 = arith.constant 0 : i32
      %dma_wait3A_105 = tpu.memref_slice %arg2[%select_n3A, %add3A_103, %dma_wait3A_104] : memref<4x2048x1024xf32, #tpu.memory_space<hbm>> -> memref<1x32x1024xf32, #tpu.memory_space<hbm>>
      %dma_wait3A_106 = tpu.memref_squeeze %dma_wait3A_105 : memref<1x32x1024xf32, #tpu.memory_space<hbm>> -> memref<32x1024xf32, #tpu.memory_space<hbm>>
      %dma_wait3A_107 = arith.constant 0 : i32
      %dma_wait3A_108 = tpu.memref_slice %arg2[%select_n3A, %add3A_103, %dma_wait3A_107] : memref<4x2048x1024xf32, #tpu.memory_space<hbm>> -> memref<1x32x1024xf32, #tpu.memory_space<hbm>>
      %dma_wait3A_109 = tpu.memref_squeeze %dma_wait3A_108 : memref<1x32x1024xf32, #tpu.memory_space<hbm>> -> memref<32x1024xf32, #tpu.memory_space<hbm>>
      tpu.wait_dma2 semaphore(%arg15 : memref<!tpu.dma_semaphore, #tpu.memory_space<semaphore_mem>>) src(%dma_wait3A_109 : memref<32x1024xf32, #tpu.memory_space<hbm>>) dst(%arg13 : memref<32x1024xf32, #tpu.memory_space<vmem>>)
      %scan3A_110 = arith.constant 0 : i32
      %scan3A_111 = arith.constant 0 : i32
      %scan3A_112 = arith.constant 8 : i32
      %scan3A_113 = arith.addi %scan3A_111, %scan3A_112 : i32
      %scan3A_114 = arith.constant 1 : i32
      %scan3A_115 = scf.for %scan3A_125 = %scan3A_111 to %scan3A_113 step %scan3A_114 iter_args(%scan3A_126 = %scan3A_110) -> (i32)  : i32 {
        %mul3A_127 = arith.constant 128 : i32
        %mul3A_128 = arith.muli %scan3A_125, %mul3A_127 : i32
        %add3A_129 = arith.constant 0 : i32
        %add3A_130 = arith.addi %mul3A_128, %add3A_129 : i32
        %get3A = arith.index_cast %add3A_130 : i32 to index
        %get3A_131 = tpu.vector_load %arg10[%get3A] {strides = array<i32>} : memref<1024xf32, #tpu.memory_space<vmem>>, vector<16xf32>,
        %get3A_132 = vector.shape_cast %get3A_131 : vector<16xf32> to vector<16xf32>
        %add3A_133 = arith.constant 16 : i32
        %add3A_134 = arith.addi %mul3A_128, %add3A_133 : i32
        %get3A_135 = arith.index_cast %add3A_134 : i32 to index
        %get3A_136 = tpu.vector_load %arg10[%get3A_135] {strides = array<i32>} : memref<1024xf32, #tpu.memory_space<vmem>>, vector<16xf32>,
        %get3A_137 = vector.shape_cast %get3A_136 : vector<16xf32> to vector<16xf32>
        %add3A_138 = arith.constant 32 : i32
        %add3A_139 = arith.addi %mul3A_128, %add3A_138 : i32
        %get3A_140 = arith.index_cast %add3A_139 : i32 to index
        %get3A_141 = tpu.vector_load %arg10[%get3A_140] {strides = array<i32>} : memref<1024xf32, #tpu.memory_space<vmem>>, vector<16xf32>,
        %get3A_142 = vector.shape_cast %get3A_141 : vector<16xf32> to vector<16xf32>
        %add3A_143 = arith.constant 48 : i32
        %add3A_144 = arith.addi %mul3A_128, %add3A_143 : i32
        %get3A_145 = arith.index_cast %add3A_144 : i32 to index
        %get3A_146 = tpu.vector_load %arg10[%get3A_145] {strides = array<i32>} : memref<1024xf32, #tpu.memory_space<vmem>>, vector<16xf32>,
        %get3A_147 = vector.shape_cast %get3A_146 : vector<16xf32> to vector<16xf32>
        %add3A_148 = arith.constant 64 : i32
        %add3A_149 = arith.addi %mul3A_128, %add3A_148 : i32
        %get3A_150 = arith.index_cast %add3A_149 : i32 to index
        %get3A_151 = tpu.vector_load %arg10[%get3A_150] {strides = array<i32>} : memref<1024xf32, #tpu.memory_space<vmem>>, vector<16xf32>,
        %get3A_152 = vector.shape_cast %get3A_151 : vector<16xf32> to vector<16xf32>
        %add3A_153 = arith.constant 80 : i32
        %add3A_154 = arith.addi %mul3A_128, %add3A_153 : i32
        %get3A_155 = arith.index_cast %add3A_154 : i32 to index
        %get3A_156 = tpu.vector_load %arg10[%get3A_155] {strides = array<i32>} : memref<1024xf32, #tpu.memory_space<vmem>>, vector<16xf32>,
        %get3A_157 = vector.shape_cast %get3A_156 : vector<16xf32> to vector<16xf32>
        %add3A_158 = arith.constant 96 : i32
        %add3A_159 = arith.addi %mul3A_128, %add3A_158 : i32
        %get3A_160 = arith.index_cast %add3A_159 : i32 to index
        %get3A_161 = tpu.vector_load %arg10[%get3A_160] {strides = array<i32>} : memref<1024xf32, #tpu.memory_space<vmem>>, vector<16xf32>,
        %get3A_162 = vector.shape_cast %get3A_161 : vector<16xf32> to vector<16xf32>
        %add3A_163 = arith.constant 112 : i32
        %add3A_164 = arith.addi %mul3A_128, %add3A_163 : i32
        %get3A_165 = arith.index_cast %add3A_164 : i32 to index
        %get3A_166 = tpu.vector_load %arg10[%get3A_165] {strides = array<i32>} : memref<1024xf32, #tpu.memory_space<vmem>>, vector<16xf32>,
        %get3A_167 = vector.shape_cast %get3A_166 : vector<16xf32> to vector<16xf32>
        %add3A_168 = arith.constant 0 : i32
        %add3A_169 = arith.addi %mul3A_128, %add3A_168 : i32
        %get3A_170 = arith.index_cast %add3A_169 : i32 to index
        %get3A_171 = tpu.vector_load %arg11[%get3A_170] {strides = array<i32>} : memref<1024xf32, #tpu.memory_space<vmem>>, vector<16xf32>,
        %get3A_172 = vector.shape_cast %get3A_171 : vector<16xf32> to vector<16xf32>
        %add3A_173 = arith.constant 16 : i32
        %add3A_174 = arith.addi %mul3A_128, %add3A_173 : i32
        %get3A_175 = arith.index_cast %add3A_174 : i32 to index
        %get3A_176 = tpu.vector_load %arg11[%get3A_175] {strides = array<i32>} : memref<1024xf32, #tpu.memory_space<vmem>>, vector<16xf32>,
        %get3A_177 = vector.shape_cast %get3A_176 : vector<16xf32> to vector<16xf32>
        %add3A_178 = arith.constant 32 : i32
        %add3A_179 = arith.addi %mul3A_128, %add3A_178 : i32
        %get3A_180 = arith.index_cast %add3A_179 : i32 to index
        %get3A_181 = tpu.vector_load %arg11[%get3A_180] {strides = array<i32>} : memref<1024xf32, #tpu.memory_space<vmem>>, vector<16xf32>,
        %get3A_182 = vector.shape_cast %get3A_181 : vector<16xf32> to vector<16xf32>
        %add3A_183 = arith.constant 48 : i32
        %add3A_184 = arith.addi %mul3A_128, %add3A_183 : i32
        %get3A_185 = arith.index_cast %add3A_184 : i32 to index
        %get3A_186 = tpu.vector_load %arg11[%get3A_185] {strides = array<i32>} : memref<1024xf32, #tpu.memory_space<vmem>>, vector<16xf32>,
        %get3A_187 = vector.shape_cast %get3A_186 : vector<16xf32> to vector<16xf32>
        %add3A_188 = arith.constant 64 : i32
        %add3A_189 = arith.addi %mul3A_128, %add3A_188 : i32
        %get3A_190 = arith.index_cast %add3A_189 : i32 to index
        %get3A_191 = tpu.vector_load %arg11[%get3A_190] {strides = array<i32>} : memref<1024xf32, #tpu.memory_space<vmem>>, vector<16xf32>,
        %get3A_192 = vector.shape_cast %get3A_191 : vector<16xf32> to vector<16xf32>
        %add3A_193 = arith.constant 80 : i32
        %add3A_194 = arith.addi %mul3A_128, %add3A_193 : i32
        %get3A_195 = arith.index_cast %add3A_194 : i32 to index
        %get3A_196 = tpu.vector_load %arg11[%get3A_195] {strides = array<i32>} : memref<1024xf32, #tpu.memory_space<vmem>>, vector<16xf32>,
        %get3A_197 = vector.shape_cast %get3A_196 : vector<16xf32> to vector<16xf32>
        %add3A_198 = arith.constant 96 : i32
        %add3A_199 = arith.addi %mul3A_128, %add3A_198 : i32
        %get3A_200 = arith.index_cast %add3A_199 : i32 to index
        %get3A_201 = tpu.vector_load %arg11[%get3A_200] {strides = array<i32>} : memref<1024xf32, #tpu.memory_space<vmem>>, vector<16xf32>,
        %get3A_202 = vector.shape_cast %get3A_201 : vector<16xf32> to vector<16xf32>
        %add3A_203 = arith.constant 112 : i32
        %add3A_204 = arith.addi %mul3A_128, %add3A_203 : i32
        %get3A_205 = arith.index_cast %add3A_204 : i32 to index
        %get3A_206 = tpu.vector_load %arg11[%get3A_205] {strides = array<i32>} : memref<1024xf32, #tpu.memory_space<vmem>>, vector<16xf32>,
        %get3A_207 = vector.shape_cast %get3A_206 : vector<16xf32> to vector<16xf32>
        %scan3A_208 = arith.constant 0 : i32
        %scan3A_209 = arith.constant 2 : i32
        %scan3A_210 = arith.addi %scan3A_208, %scan3A_209 : i32
        %scan3A_211 = arith.constant 1 : i32
        %scan3A_212:16 = scf.for %scan3A_311 = %scan3A_208 to %scan3A_210 step %scan3A_211 iter_args(%scan3A_312 = %get3A_132, %scan3A_313 = %get3A_137, %scan3A_314 = %get3A_142, %scan3A_315 = %get3A_147, %scan3A_316 = %get3A_152, %scan3A_317 = %get3A_157, %scan3A_318 = %get3A_162, %scan3A_319 = %get3A_167, %scan3A_320 = %get3A_172, %scan3A_321 = %get3A_177, %scan3A_322 = %get3A_182, %scan3A_323 = %get3A_187, %scan3A_324 = %get3A_192, %scan3A_325 = %get3A_197, %scan3A_326 = %get3A_202, %scan3A_327 = %get3A_207) -> (vector<16xf32>, vector<16xf32>, vector<16xf32>, vector<16xf32>, vector<16xf32>, vector<16xf32>, vector<16xf32>, vector<16xf32>, vector<16xf32>, vector<16xf32>, vector<16xf32>, vector<16xf32>, vector<16xf32>, vector<16xf32>, vector<16xf32>, vector<16xf32>)  : i32 {
          %mul3A_328 = arith.constant 32 : i32
          %mul3A_329 = arith.muli %add3A_100, %mul3A_328 : i32
          %mul3A_330 = arith.constant 16 : i32
          %mul3A_331 = arith.muli %scan3A_311, %mul3A_330 : i32
          %add3A_332 = arith.addi %mul3A_329, %mul3A_331 : i32
          %get3A_333 = arith.index_cast %add3A_332 : i32 to index
          %get3A_334 = tpu.vector_load %arg8[%get3A_333] {strides = array<i32>} : memref<256xf32, #tpu.memory_space<vmem>>, vector<16xf32>,
          %get3A_335 = vector.shape_cast %get3A_334 : vector<16xf32> to vector<16xf32>
          %slice3A = vector.extract_strided_slice %get3A_335 {offsets = [0], sizes = [1], strides = [1]} : vector<16xf32> to vector<1xf32>
          %squeeze3A = vector.extract %slice3A[0] : f32 from vector<1xf32>
          %broadcast_in_dim3A_336 = vector.broadcast %squeeze3A : f32 to vector<16xf32>
          %mul3A_337 = arith.constant 16 : i32
          %mul3A_338 = arith.muli %scan3A_311, %mul3A_337 : i32
          %add3A_339 = arith.constant 0 : i32
          %add3A_340 = arith.addi %mul3A_338, %add3A_339 : i32
          %add3A_341 = arith.constant 0 : i32
          %add3A_342 = arith.addi %mul3A_128, %add3A_341 : i32
          %get3A_343 = arith.index_cast %add3A_340 : i32 to index
          %get3A_344 = arith.index_cast %add3A_342 : i32 to index
          %get3A_345 = tpu.vector_load %arg13[%get3A_343, %get3A_344] {strides = array<i32>} : memref<32x1024xf32, #tpu.memory_space<vmem>>, vector<1x16xf32>,
          %get3A_346 = vector.shape_cast %get3A_345 : vector<1x16xf32> to vector<16xf32>
          %mul3A_347 = arith.mulf %broadcast_in_dim3A_336, %get3A_346 : vector<16xf32>
          %add3A_348 = arith.addf %scan3A_312, %mul3A_347 : vector<16xf32>
          %add3A_349 = arith.addf %scan3A_320, %get3A_346 : vector<16xf32>
          %add3A_350 = arith.constant 16 : i32
          %add3A_351 = arith.addi %mul3A_128, %add3A_350 : i32
          %get3A_352 = arith.index_cast %add3A_340 : i32 to index
          %get3A_353 = arith.index_cast %add3A_351 : i32 to index
          %get3A_354 = tpu.vector_load %arg13[%get3A_352, %get3A_353] {strides = array<i32>} : memref<32x1024xf32, #tpu.memory_space<vmem>>, vector<1x16xf32>,
          %get3A_355 = vector.shape_cast %get3A_354 : vector<1x16xf32> to vector<16xf32>
          %mul3A_356 = arith.mulf %broadcast_in_dim3A_336, %get3A_355 : vector<16xf32>
          %add3A_357 = arith.addf %scan3A_313, %mul3A_356 : vector<16xf32>
          %add3A_358 = arith.addf %scan3A_321, %get3A_355 : vector<16xf32>
          %add3A_359 = arith.constant 32 : i32
          %add3A_360 = arith.addi %mul3A_128, %add3A_359 : i32
          %get3A_361 = arith.index_cast %add3A_340 : i32 to index
          %get3A_362 = arith.index_cast %add3A_360 : i32 to index
          %get3A_363 = tpu.vector_load %arg13[%get3A_361, %get3A_362] {strides = array<i32>} : memref<32x1024xf32, #tpu.memory_space<vmem>>, vector<1x16xf32>,
          %get3A_364 = vector.shape_cast %get3A_363 : vector<1x16xf32> to vector<16xf32>
          %mul3A_365 = arith.mulf %broadcast_in_dim3A_336, %get3A_364 : vector<16xf32>
          %add3A_366 = arith.addf %scan3A_314, %mul3A_365 : vector<16xf32>
          %add3A_367 = arith.addf %scan3A_322, %get3A_364 : vector<16xf32>
          %add3A_368 = arith.constant 48 : i32
          %add3A_369 = arith.addi %mul3A_128, %add3A_368 : i32
          %get3A_370 = arith.index_cast %add3A_340 : i32 to index
          %get3A_371 = arith.index_cast %add3A_369 : i32 to index
          %get3A_372 = tpu.vector_load %arg13[%get3A_370, %get3A_371] {strides = array<i32>} : memref<32x1024xf32, #tpu.memory_space<vmem>>, vector<1x16xf32>,
          %get3A_373 = vector.shape_cast %get3A_372 : vector<1x16xf32> to vector<16xf32>
          %mul3A_374 = arith.mulf %broadcast_in_dim3A_336, %get3A_373 : vector<16xf32>
          %add3A_375 = arith.addf %scan3A_315, %mul3A_374 : vector<16xf32>
          %add3A_376 = arith.addf %scan3A_323, %get3A_373 : vector<16xf32>
          %add3A_377 = arith.constant 64 : i32
          %add3A_378 = arith.addi %mul3A_128, %add3A_377 : i32
          %get3A_379 = arith.index_cast %add3A_340 : i32 to index
          %get3A_380 = arith.index_cast %add3A_378 : i32 to index
          %get3A_381 = tpu.vector_load %arg13[%get3A_379, %get3A_380] {strides = array<i32>} : memref<32x1024xf32, #tpu.memory_space<vmem>>, vector<1x16xf32>,
          %get3A_382 = vector.shape_cast %get3A_381 : vector<1x16xf32> to vector<16xf32>
          %mul3A_383 = arith.mulf %broadcast_in_dim3A_336, %get3A_382 : vector<16xf32>
          %add3A_384 = arith.addf %scan3A_316, %mul3A_383 : vector<16xf32>
          %add3A_385 = arith.addf %scan3A_324, %get3A_382 : vector<16xf32>
          %add3A_386 = arith.constant 80 : i32
          %add3A_387 = arith.addi %mul3A_128, %add3A_386 : i32
          %get3A_388 = arith.index_cast %add3A_340 : i32 to index
          %get3A_389 = arith.index_cast %add3A_387 : i32 to index
          %get3A_390 = tpu.vector_load %arg13[%get3A_388, %get3A_389] {strides = array<i32>} : memref<32x1024xf32, #tpu.memory_space<vmem>>, vector<1x16xf32>,
          %get3A_391 = vector.shape_cast %get3A_390 : vector<1x16xf32> to vector<16xf32>
          %mul3A_392 = arith.mulf %broadcast_in_dim3A_336, %get3A_391 : vector<16xf32>
          %add3A_393 = arith.addf %scan3A_317, %mul3A_392 : vector<16xf32>
          %add3A_394 = arith.addf %scan3A_325, %get3A_391 : vector<16xf32>
          %add3A_395 = arith.constant 96 : i32
          %add3A_396 = arith.addi %mul3A_128, %add3A_395 : i32
          %get3A_397 = arith.index_cast %add3A_340 : i32 to index
          %get3A_398 = arith.index_cast %add3A_396 : i32 to index
          %get3A_399 = tpu.vector_load %arg13[%get3A_397, %get3A_398] {strides = array<i32>} : memref<32x1024xf32, #tpu.memory_space<vmem>>, vector<1x16xf32>,
          %get3A_400 = vector.shape_cast %get3A_399 : vector<1x16xf32> to vector<16xf32>
          %mul3A_401 = arith.mulf %broadcast_in_dim3A_336, %get3A_400 : vector<16xf32>
          %add3A_402 = arith.addf %scan3A_318, %mul3A_401 : vector<16xf32>
          %add3A_403 = arith.addf %scan3A_326, %get3A_400 : vector<16xf32>
          %add3A_404 = arith.constant 112 : i32
          %add3A_405 = arith.addi %mul3A_128, %add3A_404 : i32
          %get3A_406 = arith.index_cast %add3A_340 : i32 to index
          %get3A_407 = arith.index_cast %add3A_405 : i32 to index
          %get3A_408 = tpu.vector_load %arg13[%get3A_406, %get3A_407] {strides = array<i32>} : memref<32x1024xf32, #tpu.memory_space<vmem>>, vector<1x16xf32>,
          %get3A_409 = vector.shape_cast %get3A_408 : vector<1x16xf32> to vector<16xf32>
          %mul3A_410 = arith.mulf %broadcast_in_dim3A_336, %get3A_409 : vector<16xf32>
          %add3A_411 = arith.addf %scan3A_319, %mul3A_410 : vector<16xf32>
          %add3A_412 = arith.addf %scan3A_327, %get3A_409 : vector<16xf32>
          %slice3A_413 = vector.extract_strided_slice %get3A_335 {offsets = [1], sizes = [1], strides = [1]} : vector<16xf32> to vector<1xf32>
          %squeeze3A_414 = vector.extract %slice3A_413[0] : f32 from vector<1xf32>
          %broadcast_in_dim3A_415 = vector.broadcast %squeeze3A_414 : f32 to vector<16xf32>
          %mul3A_416 = arith.constant 16 : i32
          %mul3A_417 = arith.muli %scan3A_311, %mul3A_416 : i32
          %add3A_418 = arith.constant 1 : i32
          %add3A_419 = arith.addi %mul3A_417, %add3A_418 : i32
          %add3A_420 = arith.constant 0 : i32
          %add3A_421 = arith.addi %mul3A_128, %add3A_420 : i32
          %get3A_422 = arith.index_cast %add3A_419 : i32 to index
          %get3A_423 = arith.index_cast %add3A_421 : i32 to index
          %get3A_424 = tpu.vector_load %arg13[%get3A_422, %get3A_423] {strides = array<i32>} : memref<32x1024xf32, #tpu.memory_space<vmem>>, vector<1x16xf32>,
          %get3A_425 = vector.shape_cast %get3A_424 : vector<1x16xf32> to vector<16xf32>
          %mul3A_426 = arith.mulf %broadcast_in_dim3A_415, %get3A_425 : vector<16xf32>
          %add3A_427 = arith.addf %add3A_348, %mul3A_426 : vector<16xf32>
          %add3A_428 = arith.addf %add3A_349, %get3A_425 : vector<16xf32>
          %add3A_429 = arith.constant 16 : i32
          %add3A_430 = arith.addi %mul3A_128, %add3A_429 : i32
          %get3A_431 = arith.index_cast %add3A_419 : i32 to index
          %get3A_432 = arith.index_cast %add3A_430 : i32 to index
          %get3A_433 = tpu.vector_load %arg13[%get3A_431, %get3A_432] {strides = array<i32>} : memref<32x1024xf32, #tpu.memory_space<vmem>>, vector<1x16xf32>,
          %get3A_434 = vector.shape_cast %get3A_433 : vector<1x16xf32> to vector<16xf32>
          %mul3A_435 = arith.mulf %broadcast_in_dim3A_415, %get3A_434 : vector<16xf32>
          %add3A_436 = arith.addf %add3A_357, %mul3A_435 : vector<16xf32>
          %add3A_437 = arith.addf %add3A_358, %get3A_434 : vector<16xf32>
          %add3A_438 = arith.constant 32 : i32
          %add3A_439 = arith.addi %mul3A_128, %add3A_438 : i32
          %get3A_440 = arith.index_cast %add3A_419 : i32 to index
          %get3A_441 = arith.index_cast %add3A_439 : i32 to index
          %get3A_442 = tpu.vector_load %arg13[%get3A_440, %get3A_441] {strides = array<i32>} : memref<32x1024xf32, #tpu.memory_space<vmem>>, vector<1x16xf32>,
          %get3A_443 = vector.shape_cast %get3A_442 : vector<1x16xf32> to vector<16xf32>
          %mul3A_444 = arith.mulf %broadcast_in_dim3A_415, %get3A_443 : vector<16xf32>
          %add3A_445 = arith.addf %add3A_366, %mul3A_444 : vector<16xf32>
          %add3A_446 = arith.addf %add3A_367, %get3A_443 : vector<16xf32>
          %add3A_447 = arith.constant 48 : i32
          %add3A_448 = arith.addi %mul3A_128, %add3A_447 : i32
          %get3A_449 = arith.index_cast %add3A_419 : i32 to index
          %get3A_450 = arith.index_cast %add3A_448 : i32 to index
          %get3A_451 = tpu.vector_load %arg13[%get3A_449, %get3A_450] {strides = array<i32>} : memref<32x1024xf32, #tpu.memory_space<vmem>>, vector<1x16xf32>,
          %get3A_452 = vector.shape_cast %get3A_451 : vector<1x16xf32> to vector<16xf32>
          %mul3A_453 = arith.mulf %broadcast_in_dim3A_415, %get3A_452 : vector<16xf32>
          %add3A_454 = arith.addf %add3A_375, %mul3A_453 : vector<16xf32>
          %add3A_455 = arith.addf %add3A_376, %get3A_452 : vector<16xf32>
          %add3A_456 = arith.constant 64 : i32
          %add3A_457 = arith.addi %mul3A_128, %add3A_456 : i32
          %get3A_458 = arith.index_cast %add3A_419 : i32 to index
          %get3A_459 = arith.index_cast %add3A_457 : i32 to index
          %get3A_460 = tpu.vector_load %arg13[%get3A_458, %get3A_459] {strides = array<i32>} : memref<32x1024xf32, #tpu.memory_space<vmem>>, vector<1x16xf32>,
          %get3A_461 = vector.shape_cast %get3A_460 : vector<1x16xf32> to vector<16xf32>
          %mul3A_462 = arith.mulf %broadcast_in_dim3A_415, %get3A_461 : vector<16xf32>
          %add3A_463 = arith.addf %add3A_384, %mul3A_462 : vector<16xf32>
          %add3A_464 = arith.addf %add3A_385, %get3A_461 : vector<16xf32>
          %add3A_465 = arith.constant 80 : i32
          %add3A_466 = arith.addi %mul3A_128, %add3A_465 : i32
          %get3A_467 = arith.index_cast %add3A_419 : i32 to index
          %get3A_468 = arith.index_cast %add3A_466 : i32 to index
          %get3A_469 = tpu.vector_load %arg13[%get3A_467, %get3A_468] {strides = array<i32>} : memref<32x1024xf32, #tpu.memory_space<vmem>>, vector<1x16xf32>,
          %get3A_470 = vector.shape_cast %get3A_469 : vector<1x16xf32> to vector<16xf32>
          %mul3A_471 = arith.mulf %broadcast_in_dim3A_415, %get3A_470 : vector<16xf32>
          %add3A_472 = arith.addf %add3A_393, %mul3A_471 : vector<16xf32>
          %add3A_473 = arith.addf %add3A_394, %get3A_470 : vector<16xf32>
          %add3A_474 = arith.constant 96 : i32
          %add3A_475 = arith.addi %mul3A_128, %add3A_474 : i32
          %get3A_476 = arith.index_cast %add3A_419 : i32 to index
          %get3A_477 = arith.index_cast %add3A_475 : i32 to index
          %get3A_478 = tpu.vector_load %arg13[%get3A_476, %get3A_477] {strides = array<i32>} : memref<32x1024xf32, #tpu.memory_space<vmem>>, vector<1x16xf32>,
          %get3A_479 = vector.shape_cast %get3A_478 : vector<1x16xf32> to vector<16xf32>
          %mul3A_480 = arith.mulf %broadcast_in_dim3A_415, %get3A_479 : vector<16xf32>
          %add3A_481 = arith.addf %add3A_402, %mul3A_480 : vector<16xf32>
          %add3A_482 = arith.addf %add3A_403, %get3A_479 : vector<16xf32>
          %add3A_483 = arith.constant 112 : i32
          %add3A_484 = arith.addi %mul3A_128, %add3A_483 : i32
          %get3A_485 = arith.index_cast %add3A_419 : i32 to index
          %get3A_486 = arith.index_cast %add3A_484 : i32 to index
          %get3A_487 = tpu.vector_load %arg13[%get3A_485, %get3A_486] {strides = array<i32>} : memref<32x1024xf32, #tpu.memory_space<vmem>>, vector<1x16xf32>,
          %get3A_488 = vector.shape_cast %get3A_487 : vector<1x16xf32> to vector<16xf32>
          %mul3A_489 = arith.mulf %broadcast_in_dim3A_415, %get3A_488 : vector<16xf32>
          %add3A_490 = arith.addf %add3A_411, %mul3A_489 : vector<16xf32>
          %add3A_491 = arith.addf %add3A_412, %get3A_488 : vector<16xf32>
          %slice3A_492 = vector.extract_strided_slice %get3A_335 {offsets = [2], sizes = [1], strides = [1]} : vector<16xf32> to vector<1xf32>
          %squeeze3A_493 = vector.extract %slice3A_492[0] : f32 from vector<1xf32>
          %broadcast_in_dim3A_494 = vector.broadcast %squeeze3A_493 : f32 to vector<16xf32>
          %mul3A_495 = arith.constant 16 : i32
          %mul3A_496 = arith.muli %scan3A_311, %mul3A_495 : i32
          %add3A_497 = arith.constant 2 : i32
          %add3A_498 = arith.addi %mul3A_496, %add3A_497 : i32
          %add3A_499 = arith.constant 0 : i32
          %add3A_500 = arith.addi %mul3A_128, %add3A_499 : i32
          %get3A_501 = arith.index_cast %add3A_498 : i32 to index
          %get3A_502 = arith.index_cast %add3A_500 : i32 to index
          %get3A_503 = tpu.vector_load %arg13[%get3A_501, %get3A_502] {strides = array<i32>} : memref<32x1024xf32, #tpu.memory_space<vmem>>, vector<1x16xf32>,
          %get3A_504 = vector.shape_cast %get3A_503 : vector<1x16xf32> to vector<16xf32>
          %mul3A_505 = arith.mulf %broadcast_in_dim3A_494, %get3A_504 : vector<16xf32>
          %add3A_506 = arith.addf %add3A_427, %mul3A_505 : vector<16xf32>
          %add3A_507 = arith.addf %add3A_428, %get3A_504 : vector<16xf32>
          %add3A_508 = arith.constant 16 : i32
          %add3A_509 = arith.addi %mul3A_128, %add3A_508 : i32
          %get3A_510 = arith.index_cast %add3A_498 : i32 to index
          %get3A_511 = arith.index_cast %add3A_509 : i32 to index
          %get3A_512 = tpu.vector_load %arg13[%get3A_510, %get3A_511] {strides = array<i32>} : memref<32x1024xf32, #tpu.memory_space<vmem>>, vector<1x16xf32>,
          %get3A_513 = vector.shape_cast %get3A_512 : vector<1x16xf32> to vector<16xf32>
          %mul3A_514 = arith.mulf %broadcast_in_dim3A_494, %get3A_513 : vector<16xf32>
          %add3A_515 = arith.addf %add3A_436, %mul3A_514 : vector<16xf32>
          %add3A_516 = arith.addf %add3A_437, %get3A_513 : vector<16xf32>
          %add3A_517 = arith.constant 32 : i32
          %add3A_518 = arith.addi %mul3A_128, %add3A_517 : i32
          %get3A_519 = arith.index_cast %add3A_498 : i32 to index
          %get3A_520 = arith.index_cast %add3A_518 : i32 to index
          %get3A_521 = tpu.vector_load %arg13[%get3A_519, %get3A_520] {strides = array<i32>} : memref<32x1024xf32, #tpu.memory_space<vmem>>, vector<1x16xf32>,
          %get3A_522 = vector.shape_cast %get3A_521 : vector<1x16xf32> to vector<16xf32>
          %mul3A_523 = arith.mulf %broadcast_in_dim3A_494, %get3A_522 : vector<16xf32>
          %add3A_524 = arith.addf %add3A_445, %mul3A_523 : vector<16xf32>
          %add3A_525 = arith.addf %add3A_446, %get3A_522 : vector<16xf32>
          %add3A_526 = arith.constant 48 : i32
          %add3A_527 = arith.addi %mul3A_128, %add3A_526 : i32
          %get3A_528 = arith.index_cast %add3A_498 : i32 to index
          %get3A_529 = arith.index_cast %add3A_527 : i32 to index
          %get3A_530 = tpu.vector_load %arg13[%get3A_528, %get3A_529] {strides = array<i32>} : memref<32x1024xf32, #tpu.memory_space<vmem>>, vector<1x16xf32>,
          %get3A_531 = vector.shape_cast %get3A_530 : vector<1x16xf32> to vector<16xf32>
          %mul3A_532 = arith.mulf %broadcast_in_dim3A_494, %get3A_531 : vector<16xf32>
          %add3A_533 = arith.addf %add3A_454, %mul3A_532 : vector<16xf32>
          %add3A_534 = arith.addf %add3A_455, %get3A_531 : vector<16xf32>
          %add3A_535 = arith.constant 64 : i32
          %add3A_536 = arith.addi %mul3A_128, %add3A_535 : i32
          %get3A_537 = arith.index_cast %add3A_498 : i32 to index
          %get3A_538 = arith.index_cast %add3A_536 : i32 to index
          %get3A_539 = tpu.vector_load %arg13[%get3A_537, %get3A_538] {strides = array<i32>} : memref<32x1024xf32, #tpu.memory_space<vmem>>, vector<1x16xf32>,
          %get3A_540 = vector.shape_cast %get3A_539 : vector<1x16xf32> to vector<16xf32>
          %mul3A_541 = arith.mulf %broadcast_in_dim3A_494, %get3A_540 : vector<16xf32>
          %add3A_542 = arith.addf %add3A_463, %mul3A_541 : vector<16xf32>
          %add3A_543 = arith.addf %add3A_464, %get3A_540 : vector<16xf32>
          %add3A_544 = arith.constant 80 : i32
          %add3A_545 = arith.addi %mul3A_128, %add3A_544 : i32
          %get3A_546 = arith.index_cast %add3A_498 : i32 to index
          %get3A_547 = arith.index_cast %add3A_545 : i32 to index
          %get3A_548 = tpu.vector_load %arg13[%get3A_546, %get3A_547] {strides = array<i32>} : memref<32x1024xf32, #tpu.memory_space<vmem>>, vector<1x16xf32>,
          %get3A_549 = vector.shape_cast %get3A_548 : vector<1x16xf32> to vector<16xf32>
          %mul3A_550 = arith.mulf %broadcast_in_dim3A_494, %get3A_549 : vector<16xf32>
          %add3A_551 = arith.addf %add3A_472, %mul3A_550 : vector<16xf32>
          %add3A_552 = arith.addf %add3A_473, %get3A_549 : vector<16xf32>
          %add3A_553 = arith.constant 96 : i32
          %add3A_554 = arith.addi %mul3A_128, %add3A_553 : i32
          %get3A_555 = arith.index_cast %add3A_498 : i32 to index
          %get3A_556 = arith.index_cast %add3A_554 : i32 to index
          %get3A_557 = tpu.vector_load %arg13[%get3A_555, %get3A_556] {strides = array<i32>} : memref<32x1024xf32, #tpu.memory_space<vmem>>, vector<1x16xf32>,
          %get3A_558 = vector.shape_cast %get3A_557 : vector<1x16xf32> to vector<16xf32>
          %mul3A_559 = arith.mulf %broadcast_in_dim3A_494, %get3A_558 : vector<16xf32>
          %add3A_560 = arith.addf %add3A_481, %mul3A_559 : vector<16xf32>
          %add3A_561 = arith.addf %add3A_482, %get3A_558 : vector<16xf32>
          %add3A_562 = arith.constant 112 : i32
          %add3A_563 = arith.addi %mul3A_128, %add3A_562 : i32
          %get3A_564 = arith.index_cast %add3A_498 : i32 to index
          %get3A_565 = arith.index_cast %add3A_563 : i32 to index
          %get3A_566 = tpu.vector_load %arg13[%get3A_564, %get3A_565] {strides = array<i32>} : memref<32x1024xf32, #tpu.memory_space<vmem>>, vector<1x16xf32>,
          %get3A_567 = vector.shape_cast %get3A_566 : vector<1x16xf32> to vector<16xf32>
          %mul3A_568 = arith.mulf %broadcast_in_dim3A_494, %get3A_567 : vector<16xf32>
          %add3A_569 = arith.addf %add3A_490, %mul3A_568 : vector<16xf32>
          %add3A_570 = arith.addf %add3A_491, %get3A_567 : vector<16xf32>
          %slice3A_571 = vector.extract_strided_slice %get3A_335 {offsets = [3], sizes = [1], strides = [1]} : vector<16xf32> to vector<1xf32>
          %squeeze3A_572 = vector.extract %slice3A_571[0] : f32 from vector<1xf32>
          %broadcast_in_dim3A_573 = vector.broadcast %squeeze3A_572 : f32 to vector<16xf32>
          %mul3A_574 = arith.constant 16 : i32
          %mul3A_575 = arith.muli %scan3A_311, %mul3A_574 : i32
          %add3A_576 = arith.constant 3 : i32
          %add3A_577 = arith.addi %mul3A_575, %add3A_576 : i32
          %add3A_578 = arith.constant 0 : i32
          %add3A_579 = arith.addi %mul3A_128, %add3A_578 : i32
          %get3A_580 = arith.index_cast %add3A_577 : i32 to index
          %get3A_581 = arith.index_cast %add3A_579 : i32 to index
          %get3A_582 = tpu.vector_load %arg13[%get3A_580, %get3A_581] {strides = array<i32>} : memref<32x1024xf32, #tpu.memory_space<vmem>>, vector<1x16xf32>,
          %get3A_583 = vector.shape_cast %get3A_582 : vector<1x16xf32> to vector<16xf32>
          %mul3A_584 = arith.mulf %broadcast_in_dim3A_573, %get3A_583 : vector<16xf32>
          %add3A_585 = arith.addf %add3A_506, %mul3A_584 : vector<16xf32>
          %add3A_586 = arith.addf %add3A_507, %get3A_583 : vector<16xf32>
          %add3A_587 = arith.constant 16 : i32
          %add3A_588 = arith.addi %mul3A_128, %add3A_587 : i32
          %get3A_589 = arith.index_cast %add3A_577 : i32 to index
          %get3A_590 = arith.index_cast %add3A_588 : i32 to index
          %get3A_591 = tpu.vector_load %arg13[%get3A_589, %get3A_590] {strides = array<i32>} : memref<32x1024xf32, #tpu.memory_space<vmem>>, vector<1x16xf32>,
          %get3A_592 = vector.shape_cast %get3A_591 : vector<1x16xf32> to vector<16xf32>
          %mul3A_593 = arith.mulf %broadcast_in_dim3A_573, %get3A_592 : vector<16xf32>
          %add3A_594 = arith.addf %add3A_515, %mul3A_593 : vector<16xf32>
          %add3A_595 = arith.addf %add3A_516, %get3A_592 : vector<16xf32>
          %add3A_596 = arith.constant 32 : i32
          %add3A_597 = arith.addi %mul3A_128, %add3A_596 : i32
          %get3A_598 = arith.index_cast %add3A_577 : i32 to index
          %get3A_599 = arith.index_cast %add3A_597 : i32 to index
          %get3A_600 = tpu.vector_load %arg13[%get3A_598, %get3A_599] {strides = array<i32>} : memref<32x1024xf32, #tpu.memory_space<vmem>>, vector<1x16xf32>,
          %get3A_601 = vector.shape_cast %get3A_600 : vector<1x16xf32> to vector<16xf32>
          %mul3A_602 = arith.mulf %broadcast_in_dim3A_573, %get3A_601 : vector<16xf32>
          %add3A_603 = arith.addf %add3A_524, %mul3A_602 : vector<16xf32>
          %add3A_604 = arith.addf %add3A_525, %get3A_601 : vector<16xf32>
          %add3A_605 = arith.constant 48 : i32
          %add3A_606 = arith.addi %mul3A_128, %add3A_605 : i32
          %get3A_607 = arith.index_cast %add3A_577 : i32 to index
          %get3A_608 = arith.index_cast %add3A_606 : i32 to index
          %get3A_609 = tpu.vector_load %arg13[%get3A_607, %get3A_608] {strides = array<i32>} : memref<32x1024xf32, #tpu.memory_space<vmem>>, vector<1x16xf32>,
          %get3A_610 = vector.shape_cast %get3A_609 : vector<1x16xf32> to vector<16xf32>
          %mul3A_611 = arith.mulf %broadcast_in_dim3A_573, %get3A_610 : vector<16xf32>
          %add3A_612 = arith.addf %add3A_533, %mul3A_611 : vector<16xf32>
          %add3A_613 = arith.addf %add3A_534, %get3A_610 : vector<16xf32>
          %add3A_614 = arith.constant 64 : i32
          %add3A_615 = arith.addi %mul3A_128, %add3A_614 : i32
          %get3A_616 = arith.index_cast %add3A_577 : i32 to index
          %get3A_617 = arith.index_cast %add3A_615 : i32 to index
          %get3A_618 = tpu.vector_load %arg13[%get3A_616, %get3A_617] {strides = array<i32>} : memref<32x1024xf32, #tpu.memory_space<vmem>>, vector<1x16xf32>,
          %get3A_619 = vector.shape_cast %get3A_618 : vector<1x16xf32> to vector<16xf32>
          %mul3A_620 = arith.mulf %broadcast_in_dim3A_573, %get3A_619 : vector<16xf32>
          %add3A_621 = arith.addf %add3A_542, %mul3A_620 : vector<16xf32>
          %add3A_622 = arith.addf %add3A_543, %get3A_619 : vector<16xf32>
          %add3A_623 = arith.constant 80 : i32
          %add3A_624 = arith.addi %mul3A_128, %add3A_623 : i32
          %get3A_625 = arith.index_cast %add3A_577 : i32 to index
          %get3A_626 = arith.index_cast %add3A_624 : i32 to index
          %get3A_627 = tpu.vector_load %arg13[%get3A_625, %get3A_626] {strides = array<i32>} : memref<32x1024xf32, #tpu.memory_space<vmem>>, vector<1x16xf32>,
          %get3A_628 = vector.shape_cast %get3A_627 : vector<1x16xf32> to vector<16xf32>
          %mul3A_629 = arith.mulf %broadcast_in_dim3A_573, %get3A_628 : vector<16xf32>
          %add3A_630 = arith.addf %add3A_551, %mul3A_629 : vector<16xf32>
          %add3A_631 = arith.addf %add3A_552, %get3A_628 : vector<16xf32>
          %add3A_632 = arith.constant 96 : i32
          %add3A_633 = arith.addi %mul3A_128, %add3A_632 : i32
          %get3A_634 = arith.index_cast %add3A_577 : i32 to index
          %get3A_635 = arith.index_cast %add3A_633 : i32 to index
          %get3A_636 = tpu.vector_load %arg13[%get3A_634, %get3A_635] {strides = array<i32>} : memref<32x1024xf32, #tpu.memory_space<vmem>>, vector<1x16xf32>,
          %get3A_637 = vector.shape_cast %get3A_636 : vector<1x16xf32> to vector<16xf32>
          %mul3A_638 = arith.mulf %broadcast_in_dim3A_573, %get3A_637 : vector<16xf32>
          %add3A_639 = arith.addf %add3A_560, %mul3A_638 : vector<16xf32>
          %add3A_640 = arith.addf %add3A_561, %get3A_637 : vector<16xf32>
          %add3A_641 = arith.constant 112 : i32
          %add3A_642 = arith.addi %mul3A_128, %add3A_641 : i32
          %get3A_643 = arith.index_cast %add3A_577 : i32 to index
          %get3A_644 = arith.index_cast %add3A_642 : i32 to index
          %get3A_645 = tpu.vector_load %arg13[%get3A_643, %get3A_644] {strides = array<i32>} : memref<32x1024xf32, #tpu.memory_space<vmem>>, vector<1x16xf32>,
          %get3A_646 = vector.shape_cast %get3A_645 : vector<1x16xf32> to vector<16xf32>
          %mul3A_647 = arith.mulf %broadcast_in_dim3A_573, %get3A_646 : vector<16xf32>
          %add3A_648 = arith.addf %add3A_569, %mul3A_647 : vector<16xf32>
          %add3A_649 = arith.addf %add3A_570, %get3A_646 : vector<16xf32>
          %slice3A_650 = vector.extract_strided_slice %get3A_335 {offsets = [4], sizes = [1], strides = [1]} : vector<16xf32> to vector<1xf32>
          %squeeze3A_651 = vector.extract %slice3A_650[0] : f32 from vector<1xf32>
          %broadcast_in_dim3A_652 = vector.broadcast %squeeze3A_651 : f32 to vector<16xf32>
          %mul3A_653 = arith.constant 16 : i32
          %mul3A_654 = arith.muli %scan3A_311, %mul3A_653 : i32
          %add3A_655 = arith.constant 4 : i32
          %add3A_656 = arith.addi %mul3A_654, %add3A_655 : i32
          %add3A_657 = arith.constant 0 : i32
          %add3A_658 = arith.addi %mul3A_128, %add3A_657 : i32
          %get3A_659 = arith.index_cast %add3A_656 : i32 to index
          %get3A_660 = arith.index_cast %add3A_658 : i32 to index
          %get3A_661 = tpu.vector_load %arg13[%get3A_659, %get3A_660] {strides = array<i32>} : memref<32x1024xf32, #tpu.memory_space<vmem>>, vector<1x16xf32>,
          %get3A_662 = vector.shape_cast %get3A_661 : vector<1x16xf32> to vector<16xf32>
          %mul3A_663 = arith.mulf %broadcast_in_dim3A_652, %get3A_662 : vector<16xf32>
          %add3A_664 = arith.addf %add3A_585, %mul3A_663 : vector<16xf32>
          %add3A_665 = arith.addf %add3A_586, %get3A_662 : vector<16xf32>
          %add3A_666 = arith.constant 16 : i32
          %add3A_667 = arith.addi %mul3A_128, %add3A_666 : i32
          %get3A_668 = arith.index_cast %add3A_656 : i32 to index
          %get3A_669 = arith.index_cast %add3A_667 : i32 to index
          %get3A_670 = tpu.vector_load %arg13[%get3A_668, %get3A_669] {strides = array<i32>} : memref<32x1024xf32, #tpu.memory_space<vmem>>, vector<1x16xf32>,
          %get3A_671 = vector.shape_cast %get3A_670 : vector<1x16xf32> to vector<16xf32>
          %mul3A_672 = arith.mulf %broadcast_in_dim3A_652, %get3A_671 : vector<16xf32>
          %add3A_673 = arith.addf %add3A_594, %mul3A_672 : vector<16xf32>
          %add3A_674 = arith.addf %add3A_595, %get3A_671 : vector<16xf32>
          %add3A_675 = arith.constant 32 : i32
          %add3A_676 = arith.addi %mul3A_128, %add3A_675 : i32
          %get3A_677 = arith.index_cast %add3A_656 : i32 to index
          %get3A_678 = arith.index_cast %add3A_676 : i32 to index
          %get3A_679 = tpu.vector_load %arg13[%get3A_677, %get3A_678] {strides = array<i32>} : memref<32x1024xf32, #tpu.memory_space<vmem>>, vector<1x16xf32>,
          %get3A_680 = vector.shape_cast %get3A_679 : vector<1x16xf32> to vector<16xf32>
          %mul3A_681 = arith.mulf %broadcast_in_dim3A_652, %get3A_680 : vector<16xf32>
          %add3A_682 = arith.addf %add3A_603, %mul3A_681 : vector<16xf32>
          %add3A_683 = arith.addf %add3A_604, %get3A_680 : vector<16xf32>
          %add3A_684 = arith.constant 48 : i32
          %add3A_685 = arith.addi %mul3A_128, %add3A_684 : i32
          %get3A_686 = arith.index_cast %add3A_656 : i32 to index
          %get3A_687 = arith.index_cast %add3A_685 : i32 to index
          %get3A_688 = tpu.vector_load %arg13[%get3A_686, %get3A_687] {strides = array<i32>} : memref<32x1024xf32, #tpu.memory_space<vmem>>, vector<1x16xf32>,
          %get3A_689 = vector.shape_cast %get3A_688 : vector<1x16xf32> to vector<16xf32>
          %mul3A_690 = arith.mulf %broadcast_in_dim3A_652, %get3A_689 : vector<16xf32>
          %add3A_691 = arith.addf %add3A_612, %mul3A_690 : vector<16xf32>
          %add3A_692 = arith.addf %add3A_613, %get3A_689 : vector<16xf32>
          %add3A_693 = arith.constant 64 : i32
          %add3A_694 = arith.addi %mul3A_128, %add3A_693 : i32
          %get3A_695 = arith.index_cast %add3A_656 : i32 to index
          %get3A_696 = arith.index_cast %add3A_694 : i32 to index
          %get3A_697 = tpu.vector_load %arg13[%get3A_695, %get3A_696] {strides = array<i32>} : memref<32x1024xf32, #tpu.memory_space<vmem>>, vector<1x16xf32>,
          %get3A_698 = vector.shape_cast %get3A_697 : vector<1x16xf32> to vector<16xf32>
          %mul3A_699 = arith.mulf %broadcast_in_dim3A_652, %get3A_698 : vector<16xf32>
          %add3A_700 = arith.addf %add3A_621, %mul3A_699 : vector<16xf32>
          %add3A_701 = arith.addf %add3A_622, %get3A_698 : vector<16xf32>
          %add3A_702 = arith.constant 80 : i32
          %add3A_703 = arith.addi %mul3A_128, %add3A_702 : i32
          %get3A_704 = arith.index_cast %add3A_656 : i32 to index
          %get3A_705 = arith.index_cast %add3A_703 : i32 to index
          %get3A_706 = tpu.vector_load %arg13[%get3A_704, %get3A_705] {strides = array<i32>} : memref<32x1024xf32, #tpu.memory_space<vmem>>, vector<1x16xf32>,
          %get3A_707 = vector.shape_cast %get3A_706 : vector<1x16xf32> to vector<16xf32>
          %mul3A_708 = arith.mulf %broadcast_in_dim3A_652, %get3A_707 : vector<16xf32>
          %add3A_709 = arith.addf %add3A_630, %mul3A_708 : vector<16xf32>
          %add3A_710 = arith.addf %add3A_631, %get3A_707 : vector<16xf32>
          %add3A_711 = arith.constant 96 : i32
          %add3A_712 = arith.addi %mul3A_128, %add3A_711 : i32
          %get3A_713 = arith.index_cast %add3A_656 : i32 to index
          %get3A_714 = arith.index_cast %add3A_712 : i32 to index
          %get3A_715 = tpu.vector_load %arg13[%get3A_713, %get3A_714] {strides = array<i32>} : memref<32x1024xf32, #tpu.memory_space<vmem>>, vector<1x16xf32>,
          %get3A_716 = vector.shape_cast %get3A_715 : vector<1x16xf32> to vector<16xf32>
          %mul3A_717 = arith.mulf %broadcast_in_dim3A_652, %get3A_716 : vector<16xf32>
          %add3A_718 = arith.addf %add3A_639, %mul3A_717 : vector<16xf32>
          %add3A_719 = arith.addf %add3A_640, %get3A_716 : vector<16xf32>
          %add3A_720 = arith.constant 112 : i32
          %add3A_721 = arith.addi %mul3A_128, %add3A_720 : i32
          %get3A_722 = arith.index_cast %add3A_656 : i32 to index
          %get3A_723 = arith.index_cast %add3A_721 : i32 to index
          %get3A_724 = tpu.vector_load %arg13[%get3A_722, %get3A_723] {strides = array<i32>} : memref<32x1024xf32, #tpu.memory_space<vmem>>, vector<1x16xf32>,
          %get3A_725 = vector.shape_cast %get3A_724 : vector<1x16xf32> to vector<16xf32>
          %mul3A_726 = arith.mulf %broadcast_in_dim3A_652, %get3A_725 : vector<16xf32>
          %add3A_727 = arith.addf %add3A_648, %mul3A_726 : vector<16xf32>
          %add3A_728 = arith.addf %add3A_649, %get3A_725 : vector<16xf32>
          %slice3A_729 = vector.extract_strided_slice %get3A_335 {offsets = [5], sizes = [1], strides = [1]} : vector<16xf32> to vector<1xf32>
          %squeeze3A_730 = vector.extract %slice3A_729[0] : f32 from vector<1xf32>
          %broadcast_in_dim3A_731 = vector.broadcast %squeeze3A_730 : f32 to vector<16xf32>
          %mul3A_732 = arith.constant 16 : i32
          %mul3A_733 = arith.muli %scan3A_311, %mul3A_732 : i32
          %add3A_734 = arith.constant 5 : i32
          %add3A_735 = arith.addi %mul3A_733, %add3A_734 : i32
          %add3A_736 = arith.constant 0 : i32
          %add3A_737 = arith.addi %mul3A_128, %add3A_736 : i32
          %get3A_738 = arith.index_cast %add3A_735 : i32 to index
          %get3A_739 = arith.index_cast %add3A_737 : i32 to index
          %get3A_740 = tpu.vector_load %arg13[%get3A_738, %get3A_739] {strides = array<i32>} : memref<32x1024xf32, #tpu.memory_space<vmem>>, vector<1x16xf32>,
          %get3A_741 = vector.shape_cast %get3A_740 : vector<1x16xf32> to vector<16xf32>
          %mul3A_742 = arith.mulf %broadcast_in_dim3A_731, %get3A_741 : vector<16xf32>
          %add3A_743 = arith.addf %add3A_664, %mul3A_742 : vector<16xf32>
          %add3A_744 = arith.addf %add3A_665, %get3A_741 : vector<16xf32>
          %add3A_745 = arith.constant 16 : i32
          %add3A_746 = arith.addi %mul3A_128, %add3A_745 : i32
          %get3A_747 = arith.index_cast %add3A_735 : i32 to index
          %get3A_748 = arith.index_cast %add3A_746 : i32 to index
          %get3A_749 = tpu.vector_load %arg13[%get3A_747, %get3A_748] {strides = array<i32>} : memref<32x1024xf32, #tpu.memory_space<vmem>>, vector<1x16xf32>,
          %get3A_750 = vector.shape_cast %get3A_749 : vector<1x16xf32> to vector<16xf32>
          %mul3A_751 = arith.mulf %broadcast_in_dim3A_731, %get3A_750 : vector<16xf32>
          %add3A_752 = arith.addf %add3A_673, %mul3A_751 : vector<16xf32>
          %add3A_753 = arith.addf %add3A_674, %get3A_750 : vector<16xf32>
          %add3A_754 = arith.constant 32 : i32
          %add3A_755 = arith.addi %mul3A_128, %add3A_754 : i32
          %get3A_756 = arith.index_cast %add3A_735 : i32 to index
          %get3A_757 = arith.index_cast %add3A_755 : i32 to index
          %get3A_758 = tpu.vector_load %arg13[%get3A_756, %get3A_757] {strides = array<i32>} : memref<32x1024xf32, #tpu.memory_space<vmem>>, vector<1x16xf32>,
          %get3A_759 = vector.shape_cast %get3A_758 : vector<1x16xf32> to vector<16xf32>
          %mul3A_760 = arith.mulf %broadcast_in_dim3A_731, %get3A_759 : vector<16xf32>
          %add3A_761 = arith.addf %add3A_682, %mul3A_760 : vector<16xf32>
          %add3A_762 = arith.addf %add3A_683, %get3A_759 : vector<16xf32>
          %add3A_763 = arith.constant 48 : i32
          %add3A_764 = arith.addi %mul3A_128, %add3A_763 : i32
          %get3A_765 = arith.index_cast %add3A_735 : i32 to index
          %get3A_766 = arith.index_cast %add3A_764 : i32 to index
          %get3A_767 = tpu.vector_load %arg13[%get3A_765, %get3A_766] {strides = array<i32>} : memref<32x1024xf32, #tpu.memory_space<vmem>>, vector<1x16xf32>,
          %get3A_768 = vector.shape_cast %get3A_767 : vector<1x16xf32> to vector<16xf32>
          %mul3A_769 = arith.mulf %broadcast_in_dim3A_731, %get3A_768 : vector<16xf32>
          %add3A_770 = arith.addf %add3A_691, %mul3A_769 : vector<16xf32>
          %add3A_771 = arith.addf %add3A_692, %get3A_768 : vector<16xf32>
          %add3A_772 = arith.constant 64 : i32
          %add3A_773 = arith.addi %mul3A_128, %add3A_772 : i32
          %get3A_774 = arith.index_cast %add3A_735 : i32 to index
          %get3A_775 = arith.index_cast %add3A_773 : i32 to index
          %get3A_776 = tpu.vector_load %arg13[%get3A_774, %get3A_775] {strides = array<i32>} : memref<32x1024xf32, #tpu.memory_space<vmem>>, vector<1x16xf32>,
          %get3A_777 = vector.shape_cast %get3A_776 : vector<1x16xf32> to vector<16xf32>
          %mul3A_778 = arith.mulf %broadcast_in_dim3A_731, %get3A_777 : vector<16xf32>
          %add3A_779 = arith.addf %add3A_700, %mul3A_778 : vector<16xf32>
          %add3A_780 = arith.addf %add3A_701, %get3A_777 : vector<16xf32>
          %add3A_781 = arith.constant 80 : i32
          %add3A_782 = arith.addi %mul3A_128, %add3A_781 : i32
          %get3A_783 = arith.index_cast %add3A_735 : i32 to index
          %get3A_784 = arith.index_cast %add3A_782 : i32 to index
          %get3A_785 = tpu.vector_load %arg13[%get3A_783, %get3A_784] {strides = array<i32>} : memref<32x1024xf32, #tpu.memory_space<vmem>>, vector<1x16xf32>,
          %get3A_786 = vector.shape_cast %get3A_785 : vector<1x16xf32> to vector<16xf32>
          %mul3A_787 = arith.mulf %broadcast_in_dim3A_731, %get3A_786 : vector<16xf32>
          %add3A_788 = arith.addf %add3A_709, %mul3A_787 : vector<16xf32>
          %add3A_789 = arith.addf %add3A_710, %get3A_786 : vector<16xf32>
          %add3A_790 = arith.constant 96 : i32
          %add3A_791 = arith.addi %mul3A_128, %add3A_790 : i32
          %get3A_792 = arith.index_cast %add3A_735 : i32 to index
          %get3A_793 = arith.index_cast %add3A_791 : i32 to index
          %get3A_794 = tpu.vector_load %arg13[%get3A_792, %get3A_793] {strides = array<i32>} : memref<32x1024xf32, #tpu.memory_space<vmem>>, vector<1x16xf32>,
          %get3A_795 = vector.shape_cast %get3A_794 : vector<1x16xf32> to vector<16xf32>
          %mul3A_796 = arith.mulf %broadcast_in_dim3A_731, %get3A_795 : vector<16xf32>
          %add3A_797 = arith.addf %add3A_718, %mul3A_796 : vector<16xf32>
          %add3A_798 = arith.addf %add3A_719, %get3A_795 : vector<16xf32>
          %add3A_799 = arith.constant 112 : i32
          %add3A_800 = arith.addi %mul3A_128, %add3A_799 : i32
          %get3A_801 = arith.index_cast %add3A_735 : i32 to index
          %get3A_802 = arith.index_cast %add3A_800 : i32 to index
          %get3A_803 = tpu.vector_load %arg13[%get3A_801, %get3A_802] {strides = array<i32>} : memref<32x1024xf32, #tpu.memory_space<vmem>>, vector<1x16xf32>,
          %get3A_804 = vector.shape_cast %get3A_803 : vector<1x16xf32> to vector<16xf32>
          %mul3A_805 = arith.mulf %broadcast_in_dim3A_731, %get3A_804 : vector<16xf32>
          %add3A_806 = arith.addf %add3A_727, %mul3A_805 : vector<16xf32>
          %add3A_807 = arith.addf %add3A_728, %get3A_804 : vector<16xf32>
          %slice3A_808 = vector.extract_strided_slice %get3A_335 {offsets = [6], sizes = [1], strides = [1]} : vector<16xf32> to vector<1xf32>
          %squeeze3A_809 = vector.extract %slice3A_808[0] : f32 from vector<1xf32>
          %broadcast_in_dim3A_810 = vector.broadcast %squeeze3A_809 : f32 to vector<16xf32>
          %mul3A_811 = arith.constant 16 : i32
          %mul3A_812 = arith.muli %scan3A_311, %mul3A_811 : i32
          %add3A_813 = arith.constant 6 : i32
          %add3A_814 = arith.addi %mul3A_812, %add3A_813 : i32
          %add3A_815 = arith.constant 0 : i32
          %add3A_816 = arith.addi %mul3A_128, %add3A_815 : i32
          %get3A_817 = arith.index_cast %add3A_814 : i32 to index
          %get3A_818 = arith.index_cast %add3A_816 : i32 to index
          %get3A_819 = tpu.vector_load %arg13[%get3A_817, %get3A_818] {strides = array<i32>} : memref<32x1024xf32, #tpu.memory_space<vmem>>, vector<1x16xf32>,
          %get3A_820 = vector.shape_cast %get3A_819 : vector<1x16xf32> to vector<16xf32>
          %mul3A_821 = arith.mulf %broadcast_in_dim3A_810, %get3A_820 : vector<16xf32>
          %add3A_822 = arith.addf %add3A_743, %mul3A_821 : vector<16xf32>
          %add3A_823 = arith.addf %add3A_744, %get3A_820 : vector<16xf32>
          %add3A_824 = arith.constant 16 : i32
          %add3A_825 = arith.addi %mul3A_128, %add3A_824 : i32
          %get3A_826 = arith.index_cast %add3A_814 : i32 to index
          %get3A_827 = arith.index_cast %add3A_825 : i32 to index
          %get3A_828 = tpu.vector_load %arg13[%get3A_826, %get3A_827] {strides = array<i32>} : memref<32x1024xf32, #tpu.memory_space<vmem>>, vector<1x16xf32>,
          %get3A_829 = vector.shape_cast %get3A_828 : vector<1x16xf32> to vector<16xf32>
          %mul3A_830 = arith.mulf %broadcast_in_dim3A_810, %get3A_829 : vector<16xf32>
          %add3A_831 = arith.addf %add3A_752, %mul3A_830 : vector<16xf32>
          %add3A_832 = arith.addf %add3A_753, %get3A_829 : vector<16xf32>
          %add3A_833 = arith.constant 32 : i32
          %add3A_834 = arith.addi %mul3A_128, %add3A_833 : i32
          %get3A_835 = arith.index_cast %add3A_814 : i32 to index
          %get3A_836 = arith.index_cast %add3A_834 : i32 to index
          %get3A_837 = tpu.vector_load %arg13[%get3A_835, %get3A_836] {strides = array<i32>} : memref<32x1024xf32, #tpu.memory_space<vmem>>, vector<1x16xf32>,
          %get3A_838 = vector.shape_cast %get3A_837 : vector<1x16xf32> to vector<16xf32>
          %mul3A_839 = arith.mulf %broadcast_in_dim3A_810, %get3A_838 : vector<16xf32>
          %add3A_840 = arith.addf %add3A_761, %mul3A_839 : vector<16xf32>
          %add3A_841 = arith.addf %add3A_762, %get3A_838 : vector<16xf32>
          %add3A_842 = arith.constant 48 : i32
          %add3A_843 = arith.addi %mul3A_128, %add3A_842 : i32
          %get3A_844 = arith.index_cast %add3A_814 : i32 to index
          %get3A_845 = arith.index_cast %add3A_843 : i32 to index
          %get3A_846 = tpu.vector_load %arg13[%get3A_844, %get3A_845] {strides = array<i32>} : memref<32x1024xf32, #tpu.memory_space<vmem>>, vector<1x16xf32>,
          %get3A_847 = vector.shape_cast %get3A_846 : vector<1x16xf32> to vector<16xf32>
          %mul3A_848 = arith.mulf %broadcast_in_dim3A_810, %get3A_847 : vector<16xf32>
          %add3A_849 = arith.addf %add3A_770, %mul3A_848 : vector<16xf32>
          %add3A_850 = arith.addf %add3A_771, %get3A_847 : vector<16xf32>
          %add3A_851 = arith.constant 64 : i32
          %add3A_852 = arith.addi %mul3A_128, %add3A_851 : i32
          %get3A_853 = arith.index_cast %add3A_814 : i32 to index
          %get3A_854 = arith.index_cast %add3A_852 : i32 to index
          %get3A_855 = tpu.vector_load %arg13[%get3A_853, %get3A_854] {strides = array<i32>} : memref<32x1024xf32, #tpu.memory_space<vmem>>, vector<1x16xf32>,
          %get3A_856 = vector.shape_cast %get3A_855 : vector<1x16xf32> to vector<16xf32>
          %mul3A_857 = arith.mulf %broadcast_in_dim3A_810, %get3A_856 : vector<16xf32>
          %add3A_858 = arith.addf %add3A_779, %mul3A_857 : vector<16xf32>
          %add3A_859 = arith.addf %add3A_780, %get3A_856 : vector<16xf32>
          %add3A_860 = arith.constant 80 : i32
          %add3A_861 = arith.addi %mul3A_128, %add3A_860 : i32
          %get3A_862 = arith.index_cast %add3A_814 : i32 to index
          %get3A_863 = arith.index_cast %add3A_861 : i32 to index
          %get3A_864 = tpu.vector_load %arg13[%get3A_862, %get3A_863] {strides = array<i32>} : memref<32x1024xf32, #tpu.memory_space<vmem>>, vector<1x16xf32>,
          %get3A_865 = vector.shape_cast %get3A_864 : vector<1x16xf32> to vector<16xf32>
          %mul3A_866 = arith.mulf %broadcast_in_dim3A_810, %get3A_865 : vector<16xf32>
          %add3A_867 = arith.addf %add3A_788, %mul3A_866 : vector<16xf32>
          %add3A_868 = arith.addf %add3A_789, %get3A_865 : vector<16xf32>
          %add3A_869 = arith.constant 96 : i32
          %add3A_870 = arith.addi %mul3A_128, %add3A_869 : i32
          %get3A_871 = arith.index_cast %add3A_814 : i32 to index
          %get3A_872 = arith.index_cast %add3A_870 : i32 to index
          %get3A_873 = tpu.vector_load %arg13[%get3A_871, %get3A_872] {strides = array<i32>} : memref<32x1024xf32, #tpu.memory_space<vmem>>, vector<1x16xf32>,
          %get3A_874 = vector.shape_cast %get3A_873 : vector<1x16xf32> to vector<16xf32>
          %mul3A_875 = arith.mulf %broadcast_in_dim3A_810, %get3A_874 : vector<16xf32>
          %add3A_876 = arith.addf %add3A_797, %mul3A_875 : vector<16xf32>
          %add3A_877 = arith.addf %add3A_798, %get3A_874 : vector<16xf32>
          %add3A_878 = arith.constant 112 : i32
          %add3A_879 = arith.addi %mul3A_128, %add3A_878 : i32
          %get3A_880 = arith.index_cast %add3A_814 : i32 to index
          %get3A_881 = arith.index_cast %add3A_879 : i32 to index
          %get3A_882 = tpu.vector_load %arg13[%get3A_880, %get3A_881] {strides = array<i32>} : memref<32x1024xf32, #tpu.memory_space<vmem>>, vector<1x16xf32>,
          %get3A_883 = vector.shape_cast %get3A_882 : vector<1x16xf32> to vector<16xf32>
          %mul3A_884 = arith.mulf %broadcast_in_dim3A_810, %get3A_883 : vector<16xf32>
          %add3A_885 = arith.addf %add3A_806, %mul3A_884 : vector<16xf32>
          %add3A_886 = arith.addf %add3A_807, %get3A_883 : vector<16xf32>
          %slice3A_887 = vector.extract_strided_slice %get3A_335 {offsets = [7], sizes = [1], strides = [1]} : vector<16xf32> to vector<1xf32>
          %squeeze3A_888 = vector.extract %slice3A_887[0] : f32 from vector<1xf32>
          %broadcast_in_dim3A_889 = vector.broadcast %squeeze3A_888 : f32 to vector<16xf32>
          %mul3A_890 = arith.constant 16 : i32
          %mul3A_891 = arith.muli %scan3A_311, %mul3A_890 : i32
          %add3A_892 = arith.constant 7 : i32
          %add3A_893 = arith.addi %mul3A_891, %add3A_892 : i32
          %add3A_894 = arith.constant 0 : i32
          %add3A_895 = arith.addi %mul3A_128, %add3A_894 : i32
          %get3A_896 = arith.index_cast %add3A_893 : i32 to index
          %get3A_897 = arith.index_cast %add3A_895 : i32 to index
          %get3A_898 = tpu.vector_load %arg13[%get3A_896, %get3A_897] {strides = array<i32>} : memref<32x1024xf32, #tpu.memory_space<vmem>>, vector<1x16xf32>,
          %get3A_899 = vector.shape_cast %get3A_898 : vector<1x16xf32> to vector<16xf32>
          %mul3A_900 = arith.mulf %broadcast_in_dim3A_889, %get3A_899 : vector<16xf32>
          %add3A_901 = arith.addf %add3A_822, %mul3A_900 : vector<16xf32>
          %add3A_902 = arith.addf %add3A_823, %get3A_899 : vector<16xf32>
          %add3A_903 = arith.constant 16 : i32
          %add3A_904 = arith.addi %mul3A_128, %add3A_903 : i32
          %get3A_905 = arith.index_cast %add3A_893 : i32 to index
          %get3A_906 = arith.index_cast %add3A_904 : i32 to index
          %get3A_907 = tpu.vector_load %arg13[%get3A_905, %get3A_906] {strides = array<i32>} : memref<32x1024xf32, #tpu.memory_space<vmem>>, vector<1x16xf32>,
          %get3A_908 = vector.shape_cast %get3A_907 : vector<1x16xf32> to vector<16xf32>
          %mul3A_909 = arith.mulf %broadcast_in_dim3A_889, %get3A_908 : vector<16xf32>
          %add3A_910 = arith.addf %add3A_831, %mul3A_909 : vector<16xf32>
          %add3A_911 = arith.addf %add3A_832, %get3A_908 : vector<16xf32>
          %add3A_912 = arith.constant 32 : i32
          %add3A_913 = arith.addi %mul3A_128, %add3A_912 : i32
          %get3A_914 = arith.index_cast %add3A_893 : i32 to index
          %get3A_915 = arith.index_cast %add3A_913 : i32 to index
          %get3A_916 = tpu.vector_load %arg13[%get3A_914, %get3A_915] {strides = array<i32>} : memref<32x1024xf32, #tpu.memory_space<vmem>>, vector<1x16xf32>,
          %get3A_917 = vector.shape_cast %get3A_916 : vector<1x16xf32> to vector<16xf32>
          %mul3A_918 = arith.mulf %broadcast_in_dim3A_889, %get3A_917 : vector<16xf32>
          %add3A_919 = arith.addf %add3A_840, %mul3A_918 : vector<16xf32>
          %add3A_920 = arith.addf %add3A_841, %get3A_917 : vector<16xf32>
          %add3A_921 = arith.constant 48 : i32
          %add3A_922 = arith.addi %mul3A_128, %add3A_921 : i32
          %get3A_923 = arith.index_cast %add3A_893 : i32 to index
          %get3A_924 = arith.index_cast %add3A_922 : i32 to index
          %get3A_925 = tpu.vector_load %arg13[%get3A_923, %get3A_924] {strides = array<i32>} : memref<32x1024xf32, #tpu.memory_space<vmem>>, vector<1x16xf32>,
          %get3A_926 = vector.shape_cast %get3A_925 : vector<1x16xf32> to vector<16xf32>
          %mul3A_927 = arith.mulf %broadcast_in_dim3A_889, %get3A_926 : vector<16xf32>
          %add3A_928 = arith.addf %add3A_849, %mul3A_927 : vector<16xf32>
          %add3A_929 = arith.addf %add3A_850, %get3A_926 : vector<16xf32>
          %add3A_930 = arith.constant 64 : i32
          %add3A_931 = arith.addi %mul3A_128, %add3A_930 : i32
          %get3A_932 = arith.index_cast %add3A_893 : i32 to index
          %get3A_933 = arith.index_cast %add3A_931 : i32 to index
          %get3A_934 = tpu.vector_load %arg13[%get3A_932, %get3A_933] {strides = array<i32>} : memref<32x1024xf32, #tpu.memory_space<vmem>>, vector<1x16xf32>,
          %get3A_935 = vector.shape_cast %get3A_934 : vector<1x16xf32> to vector<16xf32>
          %mul3A_936 = arith.mulf %broadcast_in_dim3A_889, %get3A_935 : vector<16xf32>
          %add3A_937 = arith.addf %add3A_858, %mul3A_936 : vector<16xf32>
          %add3A_938 = arith.addf %add3A_859, %get3A_935 : vector<16xf32>
          %add3A_939 = arith.constant 80 : i32
          %add3A_940 = arith.addi %mul3A_128, %add3A_939 : i32
          %get3A_941 = arith.index_cast %add3A_893 : i32 to index
          %get3A_942 = arith.index_cast %add3A_940 : i32 to index
          %get3A_943 = tpu.vector_load %arg13[%get3A_941, %get3A_942] {strides = array<i32>} : memref<32x1024xf32, #tpu.memory_space<vmem>>, vector<1x16xf32>,
          %get3A_944 = vector.shape_cast %get3A_943 : vector<1x16xf32> to vector<16xf32>
          %mul3A_945 = arith.mulf %broadcast_in_dim3A_889, %get3A_944 : vector<16xf32>
          %add3A_946 = arith.addf %add3A_867, %mul3A_945 : vector<16xf32>
          %add3A_947 = arith.addf %add3A_868, %get3A_944 : vector<16xf32>
          %add3A_948 = arith.constant 96 : i32
          %add3A_949 = arith.addi %mul3A_128, %add3A_948 : i32
          %get3A_950 = arith.index_cast %add3A_893 : i32 to index
          %get3A_951 = arith.index_cast %add3A_949 : i32 to index
          %get3A_952 = tpu.vector_load %arg13[%get3A_950, %get3A_951] {strides = array<i32>} : memref<32x1024xf32, #tpu.memory_space<vmem>>, vector<1x16xf32>,
          %get3A_953 = vector.shape_cast %get3A_952 : vector<1x16xf32> to vector<16xf32>
          %mul3A_954 = arith.mulf %broadcast_in_dim3A_889, %get3A_953 : vector<16xf32>
          %add3A_955 = arith.addf %add3A_876, %mul3A_954 : vector<16xf32>
          %add3A_956 = arith.addf %add3A_877, %get3A_953 : vector<16xf32>
          %add3A_957 = arith.constant 112 : i32
          %add3A_958 = arith.addi %mul3A_128, %add3A_957 : i32
          %get3A_959 = arith.index_cast %add3A_893 : i32 to index
          %get3A_960 = arith.index_cast %add3A_958 : i32 to index
          %get3A_961 = tpu.vector_load %arg13[%get3A_959, %get3A_960] {strides = array<i32>} : memref<32x1024xf32, #tpu.memory_space<vmem>>, vector<1x16xf32>,
          %get3A_962 = vector.shape_cast %get3A_961 : vector<1x16xf32> to vector<16xf32>
          %mul3A_963 = arith.mulf %broadcast_in_dim3A_889, %get3A_962 : vector<16xf32>
          %add3A_964 = arith.addf %add3A_885, %mul3A_963 : vector<16xf32>
          %add3A_965 = arith.addf %add3A_886, %get3A_962 : vector<16xf32>
          %slice3A_966 = vector.extract_strided_slice %get3A_335 {offsets = [8], sizes = [1], strides = [1]} : vector<16xf32> to vector<1xf32>
          %squeeze3A_967 = vector.extract %slice3A_966[0] : f32 from vector<1xf32>
          %broadcast_in_dim3A_968 = vector.broadcast %squeeze3A_967 : f32 to vector<16xf32>
          %mul3A_969 = arith.constant 16 : i32
          %mul3A_970 = arith.muli %scan3A_311, %mul3A_969 : i32
          %add3A_971 = arith.constant 8 : i32
          %add3A_972 = arith.addi %mul3A_970, %add3A_971 : i32
          %add3A_973 = arith.constant 0 : i32
          %add3A_974 = arith.addi %mul3A_128, %add3A_973 : i32
          %get3A_975 = arith.index_cast %add3A_972 : i32 to index
          %get3A_976 = arith.index_cast %add3A_974 : i32 to index
          %get3A_977 = tpu.vector_load %arg13[%get3A_975, %get3A_976] {strides = array<i32>} : memref<32x1024xf32, #tpu.memory_space<vmem>>, vector<1x16xf32>,
          %get3A_978 = vector.shape_cast %get3A_977 : vector<1x16xf32> to vector<16xf32>
          %mul3A_979 = arith.mulf %broadcast_in_dim3A_968, %get3A_978 : vector<16xf32>
          %add3A_980 = arith.addf %add3A_901, %mul3A_979 : vector<16xf32>
          %add3A_981 = arith.addf %add3A_902, %get3A_978 : vector<16xf32>
          %add3A_982 = arith.constant 16 : i32
          %add3A_983 = arith.addi %mul3A_128, %add3A_982 : i32
          %get3A_984 = arith.index_cast %add3A_972 : i32 to index
          %get3A_985 = arith.index_cast %add3A_983 : i32 to index
          %get3A_986 = tpu.vector_load %arg13[%get3A_984, %get3A_985] {strides = array<i32>} : memref<32x1024xf32, #tpu.memory_space<vmem>>, vector<1x16xf32>,
          %get3A_987 = vector.shape_cast %get3A_986 : vector<1x16xf32> to vector<16xf32>
          %mul3A_988 = arith.mulf %broadcast_in_dim3A_968, %get3A_987 : vector<16xf32>
          %add3A_989 = arith.addf %add3A_910, %mul3A_988 : vector<16xf32>
          %add3A_990 = arith.addf %add3A_911, %get3A_987 : vector<16xf32>
          %add3A_991 = arith.constant 32 : i32
          %add3A_992 = arith.addi %mul3A_128, %add3A_991 : i32
          %get3A_993 = arith.index_cast %add3A_972 : i32 to index
          %get3A_994 = arith.index_cast %add3A_992 : i32 to index
          %get3A_995 = tpu.vector_load %arg13[%get3A_993, %get3A_994] {strides = array<i32>} : memref<32x1024xf32, #tpu.memory_space<vmem>>, vector<1x16xf32>,
          %get3A_996 = vector.shape_cast %get3A_995 : vector<1x16xf32> to vector<16xf32>
          %mul3A_997 = arith.mulf %broadcast_in_dim3A_968, %get3A_996 : vector<16xf32>
          %add3A_998 = arith.addf %add3A_919, %mul3A_997 : vector<16xf32>
          %add3A_999 = arith.addf %add3A_920, %get3A_996 : vector<16xf32>
          %add3A_1000 = arith.constant 48 : i32
          %add3A_1001 = arith.addi %mul3A_128, %add3A_1000 : i32
          %get3A_1002 = arith.index_cast %add3A_972 : i32 to index
          %get3A_1003 = arith.index_cast %add3A_1001 : i32 to index
          %get3A_1004 = tpu.vector_load %arg13[%get3A_1002, %get3A_1003] {strides = array<i32>} : memref<32x1024xf32, #tpu.memory_space<vmem>>, vector<1x16xf32>,
          %get3A_1005 = vector.shape_cast %get3A_1004 : vector<1x16xf32> to vector<16xf32>
          %mul3A_1006 = arith.mulf %broadcast_in_dim3A_968, %get3A_1005 : vector<16xf32>
          %add3A_1007 = arith.addf %add3A_928, %mul3A_1006 : vector<16xf32>
          %add3A_1008 = arith.addf %add3A_929, %get3A_1005 : vector<16xf32>
          %add3A_1009 = arith.constant 64 : i32
          %add3A_1010 = arith.addi %mul3A_128, %add3A_1009 : i32
          %get3A_1011 = arith.index_cast %add3A_972 : i32 to index
          %get3A_1012 = arith.index_cast %add3A_1010 : i32 to index
          %get3A_1013 = tpu.vector_load %arg13[%get3A_1011, %get3A_1012] {strides = array<i32>} : memref<32x1024xf32, #tpu.memory_space<vmem>>, vector<1x16xf32>,
          %get3A_1014 = vector.shape_cast %get3A_1013 : vector<1x16xf32> to vector<16xf32>
          %mul3A_1015 = arith.mulf %broadcast_in_dim3A_968, %get3A_1014 : vector<16xf32>
          %add3A_1016 = arith.addf %add3A_937, %mul3A_1015 : vector<16xf32>
          %add3A_1017 = arith.addf %add3A_938, %get3A_1014 : vector<16xf32>
          %add3A_1018 = arith.constant 80 : i32
          %add3A_1019 = arith.addi %mul3A_128, %add3A_1018 : i32
          %get3A_1020 = arith.index_cast %add3A_972 : i32 to index
          %get3A_1021 = arith.index_cast %add3A_1019 : i32 to index
          %get3A_1022 = tpu.vector_load %arg13[%get3A_1020, %get3A_1021] {strides = array<i32>} : memref<32x1024xf32, #tpu.memory_space<vmem>>, vector<1x16xf32>,
          %get3A_1023 = vector.shape_cast %get3A_1022 : vector<1x16xf32> to vector<16xf32>
          %mul3A_1024 = arith.mulf %broadcast_in_dim3A_968, %get3A_1023 : vector<16xf32>
          %add3A_1025 = arith.addf %add3A_946, %mul3A_1024 : vector<16xf32>
          %add3A_1026 = arith.addf %add3A_947, %get3A_1023 : vector<16xf32>
          %add3A_1027 = arith.constant 96 : i32
          %add3A_1028 = arith.addi %mul3A_128, %add3A_1027 : i32
          %get3A_1029 = arith.index_cast %add3A_972 : i32 to index
          %get3A_1030 = arith.index_cast %add3A_1028 : i32 to index
          %get3A_1031 = tpu.vector_load %arg13[%get3A_1029, %get3A_1030] {strides = array<i32>} : memref<32x1024xf32, #tpu.memory_space<vmem>>, vector<1x16xf32>,
          %get3A_1032 = vector.shape_cast %get3A_1031 : vector<1x16xf32> to vector<16xf32>
          %mul3A_1033 = arith.mulf %broadcast_in_dim3A_968, %get3A_1032 : vector<16xf32>
          %add3A_1034 = arith.addf %add3A_955, %mul3A_1033 : vector<16xf32>
          %add3A_1035 = arith.addf %add3A_956, %get3A_1032 : vector<16xf32>
          %add3A_1036 = arith.constant 112 : i32
          %add3A_1037 = arith.addi %mul3A_128, %add3A_1036 : i32
          %get3A_1038 = arith.index_cast %add3A_972 : i32 to index
          %get3A_1039 = arith.index_cast %add3A_1037 : i32 to index
          %get3A_1040 = tpu.vector_load %arg13[%get3A_1038, %get3A_1039] {strides = array<i32>} : memref<32x1024xf32, #tpu.memory_space<vmem>>, vector<1x16xf32>,
          %get3A_1041 = vector.shape_cast %get3A_1040 : vector<1x16xf32> to vector<16xf32>
          %mul3A_1042 = arith.mulf %broadcast_in_dim3A_968, %get3A_1041 : vector<16xf32>
          %add3A_1043 = arith.addf %add3A_964, %mul3A_1042 : vector<16xf32>
          %add3A_1044 = arith.addf %add3A_965, %get3A_1041 : vector<16xf32>
          %slice3A_1045 = vector.extract_strided_slice %get3A_335 {offsets = [9], sizes = [1], strides = [1]} : vector<16xf32> to vector<1xf32>
          %squeeze3A_1046 = vector.extract %slice3A_1045[0] : f32 from vector<1xf32>
          %broadcast_in_dim3A_1047 = vector.broadcast %squeeze3A_1046 : f32 to vector<16xf32>
          %mul3A_1048 = arith.constant 16 : i32
          %mul3A_1049 = arith.muli %scan3A_311, %mul3A_1048 : i32
          %add3A_1050 = arith.constant 9 : i32
          %add3A_1051 = arith.addi %mul3A_1049, %add3A_1050 : i32
          %add3A_1052 = arith.constant 0 : i32
          %add3A_1053 = arith.addi %mul3A_128, %add3A_1052 : i32
          %get3A_1054 = arith.index_cast %add3A_1051 : i32 to index
          %get3A_1055 = arith.index_cast %add3A_1053 : i32 to index
          %get3A_1056 = tpu.vector_load %arg13[%get3A_1054, %get3A_1055] {strides = array<i32>} : memref<32x1024xf32, #tpu.memory_space<vmem>>, vector<1x16xf32>,
          %get3A_1057 = vector.shape_cast %get3A_1056 : vector<1x16xf32> to vector<16xf32>
          %mul3A_1058 = arith.mulf %broadcast_in_dim3A_1047, %get3A_1057 : vector<16xf32>
          %add3A_1059 = arith.addf %add3A_980, %mul3A_1058 : vector<16xf32>
          %add3A_1060 = arith.addf %add3A_981, %get3A_1057 : vector<16xf32>
          %add3A_1061 = arith.constant 16 : i32
          %add3A_1062 = arith.addi %mul3A_128, %add3A_1061 : i32
          %get3A_1063 = arith.index_cast %add3A_1051 : i32 to index
          %get3A_1064 = arith.index_cast %add3A_1062 : i32 to index
          %get3A_1065 = tpu.vector_load %arg13[%get3A_1063, %get3A_1064] {strides = array<i32>} : memref<32x1024xf32, #tpu.memory_space<vmem>>, vector<1x16xf32>,
          %get3A_1066 = vector.shape_cast %get3A_1065 : vector<1x16xf32> to vector<16xf32>
          %mul3A_1067 = arith.mulf %broadcast_in_dim3A_1047, %get3A_1066 : vector<16xf32>
          %add3A_1068 = arith.addf %add3A_989, %mul3A_1067 : vector<16xf32>
          %add3A_1069 = arith.addf %add3A_990, %get3A_1066 : vector<16xf32>
          %add3A_1070 = arith.constant 32 : i32
          %add3A_1071 = arith.addi %mul3A_128, %add3A_1070 : i32
          %get3A_1072 = arith.index_cast %add3A_1051 : i32 to index
          %get3A_1073 = arith.index_cast %add3A_1071 : i32 to index
          %get3A_1074 = tpu.vector_load %arg13[%get3A_1072, %get3A_1073] {strides = array<i32>} : memref<32x1024xf32, #tpu.memory_space<vmem>>, vector<1x16xf32>,
          %get3A_1075 = vector.shape_cast %get3A_1074 : vector<1x16xf32> to vector<16xf32>
          %mul3A_1076 = arith.mulf %broadcast_in_dim3A_1047, %get3A_1075 : vector<16xf32>
          %add3A_1077 = arith.addf %add3A_998, %mul3A_1076 : vector<16xf32>
          %add3A_1078 = arith.addf %add3A_999, %get3A_1075 : vector<16xf32>
          %add3A_1079 = arith.constant 48 : i32
          %add3A_1080 = arith.addi %mul3A_128, %add3A_1079 : i32
          %get3A_1081 = arith.index_cast %add3A_1051 : i32 to index
          %get3A_1082 = arith.index_cast %add3A_1080 : i32 to index
          %get3A_1083 = tpu.vector_load %arg13[%get3A_1081, %get3A_1082] {strides = array<i32>} : memref<32x1024xf32, #tpu.memory_space<vmem>>, vector<1x16xf32>,
          %get3A_1084 = vector.shape_cast %get3A_1083 : vector<1x16xf32> to vector<16xf32>
          %mul3A_1085 = arith.mulf %broadcast_in_dim3A_1047, %get3A_1084 : vector<16xf32>
          %add3A_1086 = arith.addf %add3A_1007, %mul3A_1085 : vector<16xf32>
          %add3A_1087 = arith.addf %add3A_1008, %get3A_1084 : vector<16xf32>
          %add3A_1088 = arith.constant 64 : i32
          %add3A_1089 = arith.addi %mul3A_128, %add3A_1088 : i32
          %get3A_1090 = arith.index_cast %add3A_1051 : i32 to index
          %get3A_1091 = arith.index_cast %add3A_1089 : i32 to index
          %get3A_1092 = tpu.vector_load %arg13[%get3A_1090, %get3A_1091] {strides = array<i32>} : memref<32x1024xf32, #tpu.memory_space<vmem>>, vector<1x16xf32>,
          %get3A_1093 = vector.shape_cast %get3A_1092 : vector<1x16xf32> to vector<16xf32>
          %mul3A_1094 = arith.mulf %broadcast_in_dim3A_1047, %get3A_1093 : vector<16xf32>
          %add3A_1095 = arith.addf %add3A_1016, %mul3A_1094 : vector<16xf32>
          %add3A_1096 = arith.addf %add3A_1017, %get3A_1093 : vector<16xf32>
          %add3A_1097 = arith.constant 80 : i32
          %add3A_1098 = arith.addi %mul3A_128, %add3A_1097 : i32
          %get3A_1099 = arith.index_cast %add3A_1051 : i32 to index
          %get3A_1100 = arith.index_cast %add3A_1098 : i32 to index
          %get3A_1101 = tpu.vector_load %arg13[%get3A_1099, %get3A_1100] {strides = array<i32>} : memref<32x1024xf32, #tpu.memory_space<vmem>>, vector<1x16xf32>,
          %get3A_1102 = vector.shape_cast %get3A_1101 : vector<1x16xf32> to vector<16xf32>
          %mul3A_1103 = arith.mulf %broadcast_in_dim3A_1047, %get3A_1102 : vector<16xf32>
          %add3A_1104 = arith.addf %add3A_1025, %mul3A_1103 : vector<16xf32>
          %add3A_1105 = arith.addf %add3A_1026, %get3A_1102 : vector<16xf32>
          %add3A_1106 = arith.constant 96 : i32
          %add3A_1107 = arith.addi %mul3A_128, %add3A_1106 : i32
          %get3A_1108 = arith.index_cast %add3A_1051 : i32 to index
          %get3A_1109 = arith.index_cast %add3A_1107 : i32 to index
          %get3A_1110 = tpu.vector_load %arg13[%get3A_1108, %get3A_1109] {strides = array<i32>} : memref<32x1024xf32, #tpu.memory_space<vmem>>, vector<1x16xf32>,
          %get3A_1111 = vector.shape_cast %get3A_1110 : vector<1x16xf32> to vector<16xf32>
          %mul3A_1112 = arith.mulf %broadcast_in_dim3A_1047, %get3A_1111 : vector<16xf32>
          %add3A_1113 = arith.addf %add3A_1034, %mul3A_1112 : vector<16xf32>
          %add3A_1114 = arith.addf %add3A_1035, %get3A_1111 : vector<16xf32>
          %add3A_1115 = arith.constant 112 : i32
          %add3A_1116 = arith.addi %mul3A_128, %add3A_1115 : i32
          %get3A_1117 = arith.index_cast %add3A_1051 : i32 to index
          %get3A_1118 = arith.index_cast %add3A_1116 : i32 to index
          %get3A_1119 = tpu.vector_load %arg13[%get3A_1117, %get3A_1118] {strides = array<i32>} : memref<32x1024xf32, #tpu.memory_space<vmem>>, vector<1x16xf32>,
          %get3A_1120 = vector.shape_cast %get3A_1119 : vector<1x16xf32> to vector<16xf32>
          %mul3A_1121 = arith.mulf %broadcast_in_dim3A_1047, %get3A_1120 : vector<16xf32>
          %add3A_1122 = arith.addf %add3A_1043, %mul3A_1121 : vector<16xf32>
          %add3A_1123 = arith.addf %add3A_1044, %get3A_1120 : vector<16xf32>
          %slice3A_1124 = vector.extract_strided_slice %get3A_335 {offsets = [10], sizes = [1], strides = [1]} : vector<16xf32> to vector<1xf32>
          %squeeze3A_1125 = vector.extract %slice3A_1124[0] : f32 from vector<1xf32>
          %broadcast_in_dim3A_1126 = vector.broadcast %squeeze3A_1125 : f32 to vector<16xf32>
          %mul3A_1127 = arith.constant 16 : i32
          %mul3A_1128 = arith.muli %scan3A_311, %mul3A_1127 : i32
          %add3A_1129 = arith.constant 10 : i32
          %add3A_1130 = arith.addi %mul3A_1128, %add3A_1129 : i32
          %add3A_1131 = arith.constant 0 : i32
          %add3A_1132 = arith.addi %mul3A_128, %add3A_1131 : i32
          %get3A_1133 = arith.index_cast %add3A_1130 : i32 to index
          %get3A_1134 = arith.index_cast %add3A_1132 : i32 to index
          %get3A_1135 = tpu.vector_load %arg13[%get3A_1133, %get3A_1134] {strides = array<i32>} : memref<32x1024xf32, #tpu.memory_space<vmem>>, vector<1x16xf32>,
          %get3A_1136 = vector.shape_cast %get3A_1135 : vector<1x16xf32> to vector<16xf32>
          %mul3A_1137 = arith.mulf %broadcast_in_dim3A_1126, %get3A_1136 : vector<16xf32>
          %add3A_1138 = arith.addf %add3A_1059, %mul3A_1137 : vector<16xf32>
          %add3A_1139 = arith.addf %add3A_1060, %get3A_1136 : vector<16xf32>
          %add3A_1140 = arith.constant 16 : i32
          %add3A_1141 = arith.addi %mul3A_128, %add3A_1140 : i32
          %get3A_1142 = arith.index_cast %add3A_1130 : i32 to index
          %get3A_1143 = arith.index_cast %add3A_1141 : i32 to index
          %get3A_1144 = tpu.vector_load %arg13[%get3A_1142, %get3A_1143] {strides = array<i32>} : memref<32x1024xf32, #tpu.memory_space<vmem>>, vector<1x16xf32>,
          %get3A_1145 = vector.shape_cast %get3A_1144 : vector<1x16xf32> to vector<16xf32>
          %mul3A_1146 = arith.mulf %broadcast_in_dim3A_1126, %get3A_1145 : vector<16xf32>
          %add3A_1147 = arith.addf %add3A_1068, %mul3A_1146 : vector<16xf32>
          %add3A_1148 = arith.addf %add3A_1069, %get3A_1145 : vector<16xf32>
          %add3A_1149 = arith.constant 32 : i32
          %add3A_1150 = arith.addi %mul3A_128, %add3A_1149 : i32
          %get3A_1151 = arith.index_cast %add3A_1130 : i32 to index
          %get3A_1152 = arith.index_cast %add3A_1150 : i32 to index
          %get3A_1153 = tpu.vector_load %arg13[%get3A_1151, %get3A_1152] {strides = array<i32>} : memref<32x1024xf32, #tpu.memory_space<vmem>>, vector<1x16xf32>,
          %get3A_1154 = vector.shape_cast %get3A_1153 : vector<1x16xf32> to vector<16xf32>
          %mul3A_1155 = arith.mulf %broadcast_in_dim3A_1126, %get3A_1154 : vector<16xf32>
          %add3A_1156 = arith.addf %add3A_1077, %mul3A_1155 : vector<16xf32>
          %add3A_1157 = arith.addf %add3A_1078, %get3A_1154 : vector<16xf32>
          %add3A_1158 = arith.constant 48 : i32
          %add3A_1159 = arith.addi %mul3A_128, %add3A_1158 : i32
          %get3A_1160 = arith.index_cast %add3A_1130 : i32 to index
          %get3A_1161 = arith.index_cast %add3A_1159 : i32 to index
          %get3A_1162 = tpu.vector_load %arg13[%get3A_1160, %get3A_1161] {strides = array<i32>} : memref<32x1024xf32, #tpu.memory_space<vmem>>, vector<1x16xf32>,
          %get3A_1163 = vector.shape_cast %get3A_1162 : vector<1x16xf32> to vector<16xf32>
          %mul3A_1164 = arith.mulf %broadcast_in_dim3A_1126, %get3A_1163 : vector<16xf32>
          %add3A_1165 = arith.addf %add3A_1086, %mul3A_1164 : vector<16xf32>
          %add3A_1166 = arith.addf %add3A_1087, %get3A_1163 : vector<16xf32>
          %add3A_1167 = arith.constant 64 : i32
          %add3A_1168 = arith.addi %mul3A_128, %add3A_1167 : i32
          %get3A_1169 = arith.index_cast %add3A_1130 : i32 to index
          %get3A_1170 = arith.index_cast %add3A_1168 : i32 to index
          %get3A_1171 = tpu.vector_load %arg13[%get3A_1169, %get3A_1170] {strides = array<i32>} : memref<32x1024xf32, #tpu.memory_space<vmem>>, vector<1x16xf32>,
          %get3A_1172 = vector.shape_cast %get3A_1171 : vector<1x16xf32> to vector<16xf32>
          %mul3A_1173 = arith.mulf %broadcast_in_dim3A_1126, %get3A_1172 : vector<16xf32>
          %add3A_1174 = arith.addf %add3A_1095, %mul3A_1173 : vector<16xf32>
          %add3A_1175 = arith.addf %add3A_1096, %get3A_1172 : vector<16xf32>
          %add3A_1176 = arith.constant 80 : i32
          %add3A_1177 = arith.addi %mul3A_128, %add3A_1176 : i32
          %get3A_1178 = arith.index_cast %add3A_1130 : i32 to index
          %get3A_1179 = arith.index_cast %add3A_1177 : i32 to index
          %get3A_1180 = tpu.vector_load %arg13[%get3A_1178, %get3A_1179] {strides = array<i32>} : memref<32x1024xf32, #tpu.memory_space<vmem>>, vector<1x16xf32>,
          %get3A_1181 = vector.shape_cast %get3A_1180 : vector<1x16xf32> to vector<16xf32>
          %mul3A_1182 = arith.mulf %broadcast_in_dim3A_1126, %get3A_1181 : vector<16xf32>
          %add3A_1183 = arith.addf %add3A_1104, %mul3A_1182 : vector<16xf32>
          %add3A_1184 = arith.addf %add3A_1105, %get3A_1181 : vector<16xf32>
          %add3A_1185 = arith.constant 96 : i32
          %add3A_1186 = arith.addi %mul3A_128, %add3A_1185 : i32
          %get3A_1187 = arith.index_cast %add3A_1130 : i32 to index
          %get3A_1188 = arith.index_cast %add3A_1186 : i32 to index
          %get3A_1189 = tpu.vector_load %arg13[%get3A_1187, %get3A_1188] {strides = array<i32>} : memref<32x1024xf32, #tpu.memory_space<vmem>>, vector<1x16xf32>,
          %get3A_1190 = vector.shape_cast %get3A_1189 : vector<1x16xf32> to vector<16xf32>
          %mul3A_1191 = arith.mulf %broadcast_in_dim3A_1126, %get3A_1190 : vector<16xf32>
          %add3A_1192 = arith.addf %add3A_1113, %mul3A_1191 : vector<16xf32>
          %add3A_1193 = arith.addf %add3A_1114, %get3A_1190 : vector<16xf32>
          %add3A_1194 = arith.constant 112 : i32
          %add3A_1195 = arith.addi %mul3A_128, %add3A_1194 : i32
          %get3A_1196 = arith.index_cast %add3A_1130 : i32 to index
          %get3A_1197 = arith.index_cast %add3A_1195 : i32 to index
          %get3A_1198 = tpu.vector_load %arg13[%get3A_1196, %get3A_1197] {strides = array<i32>} : memref<32x1024xf32, #tpu.memory_space<vmem>>, vector<1x16xf32>,
          %get3A_1199 = vector.shape_cast %get3A_1198 : vector<1x16xf32> to vector<16xf32>
          %mul3A_1200 = arith.mulf %broadcast_in_dim3A_1126, %get3A_1199 : vector<16xf32>
          %add3A_1201 = arith.addf %add3A_1122, %mul3A_1200 : vector<16xf32>
          %add3A_1202 = arith.addf %add3A_1123, %get3A_1199 : vector<16xf32>
          %slice3A_1203 = vector.extract_strided_slice %get3A_335 {offsets = [11], sizes = [1], strides = [1]} : vector<16xf32> to vector<1xf32>
          %squeeze3A_1204 = vector.extract %slice3A_1203[0] : f32 from vector<1xf32>
          %broadcast_in_dim3A_1205 = vector.broadcast %squeeze3A_1204 : f32 to vector<16xf32>
          %mul3A_1206 = arith.constant 16 : i32
          %mul3A_1207 = arith.muli %scan3A_311, %mul3A_1206 : i32
          %add3A_1208 = arith.constant 11 : i32
          %add3A_1209 = arith.addi %mul3A_1207, %add3A_1208 : i32
          %add3A_1210 = arith.constant 0 : i32
          %add3A_1211 = arith.addi %mul3A_128, %add3A_1210 : i32
          %get3A_1212 = arith.index_cast %add3A_1209 : i32 to index
          %get3A_1213 = arith.index_cast %add3A_1211 : i32 to index
          %get3A_1214 = tpu.vector_load %arg13[%get3A_1212, %get3A_1213] {strides = array<i32>} : memref<32x1024xf32, #tpu.memory_space<vmem>>, vector<1x16xf32>,
          %get3A_1215 = vector.shape_cast %get3A_1214 : vector<1x16xf32> to vector<16xf32>
          %mul3A_1216 = arith.mulf %broadcast_in_dim3A_1205, %get3A_1215 : vector<16xf32>
          %add3A_1217 = arith.addf %add3A_1138, %mul3A_1216 : vector<16xf32>
          %add3A_1218 = arith.addf %add3A_1139, %get3A_1215 : vector<16xf32>
          %add3A_1219 = arith.constant 16 : i32
          %add3A_1220 = arith.addi %mul3A_128, %add3A_1219 : i32
          %get3A_1221 = arith.index_cast %add3A_1209 : i32 to index
          %get3A_1222 = arith.index_cast %add3A_1220 : i32 to index
          %get3A_1223 = tpu.vector_load %arg13[%get3A_1221, %get3A_1222] {strides = array<i32>} : memref<32x1024xf32, #tpu.memory_space<vmem>>, vector<1x16xf32>,
          %get3A_1224 = vector.shape_cast %get3A_1223 : vector<1x16xf32> to vector<16xf32>
          %mul3A_1225 = arith.mulf %broadcast_in_dim3A_1205, %get3A_1224 : vector<16xf32>
          %add3A_1226 = arith.addf %add3A_1147, %mul3A_1225 : vector<16xf32>
          %add3A_1227 = arith.addf %add3A_1148, %get3A_1224 : vector<16xf32>
          %add3A_1228 = arith.constant 32 : i32
          %add3A_1229 = arith.addi %mul3A_128, %add3A_1228 : i32
          %get3A_1230 = arith.index_cast %add3A_1209 : i32 to index
          %get3A_1231 = arith.index_cast %add3A_1229 : i32 to index
          %get3A_1232 = tpu.vector_load %arg13[%get3A_1230, %get3A_1231] {strides = array<i32>} : memref<32x1024xf32, #tpu.memory_space<vmem>>, vector<1x16xf32>,
          %get3A_1233 = vector.shape_cast %get3A_1232 : vector<1x16xf32> to vector<16xf32>
          %mul3A_1234 = arith.mulf %broadcast_in_dim3A_1205, %get3A_1233 : vector<16xf32>
          %add3A_1235 = arith.addf %add3A_1156, %mul3A_1234 : vector<16xf32>
          %add3A_1236 = arith.addf %add3A_1157, %get3A_1233 : vector<16xf32>
          %add3A_1237 = arith.constant 48 : i32
          %add3A_1238 = arith.addi %mul3A_128, %add3A_1237 : i32
          %get3A_1239 = arith.index_cast %add3A_1209 : i32 to index
          %get3A_1240 = arith.index_cast %add3A_1238 : i32 to index
          %get3A_1241 = tpu.vector_load %arg13[%get3A_1239, %get3A_1240] {strides = array<i32>} : memref<32x1024xf32, #tpu.memory_space<vmem>>, vector<1x16xf32>,
          %get3A_1242 = vector.shape_cast %get3A_1241 : vector<1x16xf32> to vector<16xf32>
          %mul3A_1243 = arith.mulf %broadcast_in_dim3A_1205, %get3A_1242 : vector<16xf32>
          %add3A_1244 = arith.addf %add3A_1165, %mul3A_1243 : vector<16xf32>
          %add3A_1245 = arith.addf %add3A_1166, %get3A_1242 : vector<16xf32>
          %add3A_1246 = arith.constant 64 : i32
          %add3A_1247 = arith.addi %mul3A_128, %add3A_1246 : i32
          %get3A_1248 = arith.index_cast %add3A_1209 : i32 to index
          %get3A_1249 = arith.index_cast %add3A_1247 : i32 to index
          %get3A_1250 = tpu.vector_load %arg13[%get3A_1248, %get3A_1249] {strides = array<i32>} : memref<32x1024xf32, #tpu.memory_space<vmem>>, vector<1x16xf32>,
          %get3A_1251 = vector.shape_cast %get3A_1250 : vector<1x16xf32> to vector<16xf32>
          %mul3A_1252 = arith.mulf %broadcast_in_dim3A_1205, %get3A_1251 : vector<16xf32>
          %add3A_1253 = arith.addf %add3A_1174, %mul3A_1252 : vector<16xf32>
          %add3A_1254 = arith.addf %add3A_1175, %get3A_1251 : vector<16xf32>
          %add3A_1255 = arith.constant 80 : i32
          %add3A_1256 = arith.addi %mul3A_128, %add3A_1255 : i32
          %get3A_1257 = arith.index_cast %add3A_1209 : i32 to index
          %get3A_1258 = arith.index_cast %add3A_1256 : i32 to index
          %get3A_1259 = tpu.vector_load %arg13[%get3A_1257, %get3A_1258] {strides = array<i32>} : memref<32x1024xf32, #tpu.memory_space<vmem>>, vector<1x16xf32>,
          %get3A_1260 = vector.shape_cast %get3A_1259 : vector<1x16xf32> to vector<16xf32>
          %mul3A_1261 = arith.mulf %broadcast_in_dim3A_1205, %get3A_1260 : vector<16xf32>
          %add3A_1262 = arith.addf %add3A_1183, %mul3A_1261 : vector<16xf32>
          %add3A_1263 = arith.addf %add3A_1184, %get3A_1260 : vector<16xf32>
          %add3A_1264 = arith.constant 96 : i32
          %add3A_1265 = arith.addi %mul3A_128, %add3A_1264 : i32
          %get3A_1266 = arith.index_cast %add3A_1209 : i32 to index
          %get3A_1267 = arith.index_cast %add3A_1265 : i32 to index
          %get3A_1268 = tpu.vector_load %arg13[%get3A_1266, %get3A_1267] {strides = array<i32>} : memref<32x1024xf32, #tpu.memory_space<vmem>>, vector<1x16xf32>,
          %get3A_1269 = vector.shape_cast %get3A_1268 : vector<1x16xf32> to vector<16xf32>
          %mul3A_1270 = arith.mulf %broadcast_in_dim3A_1205, %get3A_1269 : vector<16xf32>
          %add3A_1271 = arith.addf %add3A_1192, %mul3A_1270 : vector<16xf32>
          %add3A_1272 = arith.addf %add3A_1193, %get3A_1269 : vector<16xf32>
          %add3A_1273 = arith.constant 112 : i32
          %add3A_1274 = arith.addi %mul3A_128, %add3A_1273 : i32
          %get3A_1275 = arith.index_cast %add3A_1209 : i32 to index
          %get3A_1276 = arith.index_cast %add3A_1274 : i32 to index
          %get3A_1277 = tpu.vector_load %arg13[%get3A_1275, %get3A_1276] {strides = array<i32>} : memref<32x1024xf32, #tpu.memory_space<vmem>>, vector<1x16xf32>,
          %get3A_1278 = vector.shape_cast %get3A_1277 : vector<1x16xf32> to vector<16xf32>
          %mul3A_1279 = arith.mulf %broadcast_in_dim3A_1205, %get3A_1278 : vector<16xf32>
          %add3A_1280 = arith.addf %add3A_1201, %mul3A_1279 : vector<16xf32>
          %add3A_1281 = arith.addf %add3A_1202, %get3A_1278 : vector<16xf32>
          %slice3A_1282 = vector.extract_strided_slice %get3A_335 {offsets = [12], sizes = [1], strides = [1]} : vector<16xf32> to vector<1xf32>
          %squeeze3A_1283 = vector.extract %slice3A_1282[0] : f32 from vector<1xf32>
          %broadcast_in_dim3A_1284 = vector.broadcast %squeeze3A_1283 : f32 to vector<16xf32>
          %mul3A_1285 = arith.constant 16 : i32
          %mul3A_1286 = arith.muli %scan3A_311, %mul3A_1285 : i32
          %add3A_1287 = arith.constant 12 : i32
          %add3A_1288 = arith.addi %mul3A_1286, %add3A_1287 : i32
          %add3A_1289 = arith.constant 0 : i32
          %add3A_1290 = arith.addi %mul3A_128, %add3A_1289 : i32
          %get3A_1291 = arith.index_cast %add3A_1288 : i32 to index
          %get3A_1292 = arith.index_cast %add3A_1290 : i32 to index
          %get3A_1293 = tpu.vector_load %arg13[%get3A_1291, %get3A_1292] {strides = array<i32>} : memref<32x1024xf32, #tpu.memory_space<vmem>>, vector<1x16xf32>,
          %get3A_1294 = vector.shape_cast %get3A_1293 : vector<1x16xf32> to vector<16xf32>
          %mul3A_1295 = arith.mulf %broadcast_in_dim3A_1284, %get3A_1294 : vector<16xf32>
          %add3A_1296 = arith.addf %add3A_1217, %mul3A_1295 : vector<16xf32>
          %add3A_1297 = arith.addf %add3A_1218, %get3A_1294 : vector<16xf32>
          %add3A_1298 = arith.constant 16 : i32
          %add3A_1299 = arith.addi %mul3A_128, %add3A_1298 : i32
          %get3A_1300 = arith.index_cast %add3A_1288 : i32 to index
          %get3A_1301 = arith.index_cast %add3A_1299 : i32 to index
          %get3A_1302 = tpu.vector_load %arg13[%get3A_1300, %get3A_1301] {strides = array<i32>} : memref<32x1024xf32, #tpu.memory_space<vmem>>, vector<1x16xf32>,
          %get3A_1303 = vector.shape_cast %get3A_1302 : vector<1x16xf32> to vector<16xf32>
          %mul3A_1304 = arith.mulf %broadcast_in_dim3A_1284, %get3A_1303 : vector<16xf32>
          %add3A_1305 = arith.addf %add3A_1226, %mul3A_1304 : vector<16xf32>
          %add3A_1306 = arith.addf %add3A_1227, %get3A_1303 : vector<16xf32>
          %add3A_1307 = arith.constant 32 : i32
          %add3A_1308 = arith.addi %mul3A_128, %add3A_1307 : i32
          %get3A_1309 = arith.index_cast %add3A_1288 : i32 to index
          %get3A_1310 = arith.index_cast %add3A_1308 : i32 to index
          %get3A_1311 = tpu.vector_load %arg13[%get3A_1309, %get3A_1310] {strides = array<i32>} : memref<32x1024xf32, #tpu.memory_space<vmem>>, vector<1x16xf32>,
          %get3A_1312 = vector.shape_cast %get3A_1311 : vector<1x16xf32> to vector<16xf32>
          %mul3A_1313 = arith.mulf %broadcast_in_dim3A_1284, %get3A_1312 : vector<16xf32>
          %add3A_1314 = arith.addf %add3A_1235, %mul3A_1313 : vector<16xf32>
          %add3A_1315 = arith.addf %add3A_1236, %get3A_1312 : vector<16xf32>
          %add3A_1316 = arith.constant 48 : i32
          %add3A_1317 = arith.addi %mul3A_128, %add3A_1316 : i32
          %get3A_1318 = arith.index_cast %add3A_1288 : i32 to index
          %get3A_1319 = arith.index_cast %add3A_1317 : i32 to index
          %get3A_1320 = tpu.vector_load %arg13[%get3A_1318, %get3A_1319] {strides = array<i32>} : memref<32x1024xf32, #tpu.memory_space<vmem>>, vector<1x16xf32>,
          %get3A_1321 = vector.shape_cast %get3A_1320 : vector<1x16xf32> to vector<16xf32>
          %mul3A_1322 = arith.mulf %broadcast_in_dim3A_1284, %get3A_1321 : vector<16xf32>
          %add3A_1323 = arith.addf %add3A_1244, %mul3A_1322 : vector<16xf32>
          %add3A_1324 = arith.addf %add3A_1245, %get3A_1321 : vector<16xf32>
          %add3A_1325 = arith.constant 64 : i32
          %add3A_1326 = arith.addi %mul3A_128, %add3A_1325 : i32
          %get3A_1327 = arith.index_cast %add3A_1288 : i32 to index
          %get3A_1328 = arith.index_cast %add3A_1326 : i32 to index
          %get3A_1329 = tpu.vector_load %arg13[%get3A_1327, %get3A_1328] {strides = array<i32>} : memref<32x1024xf32, #tpu.memory_space<vmem>>, vector<1x16xf32>,
          %get3A_1330 = vector.shape_cast %get3A_1329 : vector<1x16xf32> to vector<16xf32>
          %mul3A_1331 = arith.mulf %broadcast_in_dim3A_1284, %get3A_1330 : vector<16xf32>
          %add3A_1332 = arith.addf %add3A_1253, %mul3A_1331 : vector<16xf32>
          %add3A_1333 = arith.addf %add3A_1254, %get3A_1330 : vector<16xf32>
          %add3A_1334 = arith.constant 80 : i32
          %add3A_1335 = arith.addi %mul3A_128, %add3A_1334 : i32
          %get3A_1336 = arith.index_cast %add3A_1288 : i32 to index
          %get3A_1337 = arith.index_cast %add3A_1335 : i32 to index
          %get3A_1338 = tpu.vector_load %arg13[%get3A_1336, %get3A_1337] {strides = array<i32>} : memref<32x1024xf32, #tpu.memory_space<vmem>>, vector<1x16xf32>,
          %get3A_1339 = vector.shape_cast %get3A_1338 : vector<1x16xf32> to vector<16xf32>
          %mul3A_1340 = arith.mulf %broadcast_in_dim3A_1284, %get3A_1339 : vector<16xf32>
          %add3A_1341 = arith.addf %add3A_1262, %mul3A_1340 : vector<16xf32>
          %add3A_1342 = arith.addf %add3A_1263, %get3A_1339 : vector<16xf32>
          %add3A_1343 = arith.constant 96 : i32
          %add3A_1344 = arith.addi %mul3A_128, %add3A_1343 : i32
          %get3A_1345 = arith.index_cast %add3A_1288 : i32 to index
          %get3A_1346 = arith.index_cast %add3A_1344 : i32 to index
          %get3A_1347 = tpu.vector_load %arg13[%get3A_1345, %get3A_1346] {strides = array<i32>} : memref<32x1024xf32, #tpu.memory_space<vmem>>, vector<1x16xf32>,
          %get3A_1348 = vector.shape_cast %get3A_1347 : vector<1x16xf32> to vector<16xf32>
          %mul3A_1349 = arith.mulf %broadcast_in_dim3A_1284, %get3A_1348 : vector<16xf32>
          %add3A_1350 = arith.addf %add3A_1271, %mul3A_1349 : vector<16xf32>
          %add3A_1351 = arith.addf %add3A_1272, %get3A_1348 : vector<16xf32>
          %add3A_1352 = arith.constant 112 : i32
          %add3A_1353 = arith.addi %mul3A_128, %add3A_1352 : i32
          %get3A_1354 = arith.index_cast %add3A_1288 : i32 to index
          %get3A_1355 = arith.index_cast %add3A_1353 : i32 to index
          %get3A_1356 = tpu.vector_load %arg13[%get3A_1354, %get3A_1355] {strides = array<i32>} : memref<32x1024xf32, #tpu.memory_space<vmem>>, vector<1x16xf32>,
          %get3A_1357 = vector.shape_cast %get3A_1356 : vector<1x16xf32> to vector<16xf32>
          %mul3A_1358 = arith.mulf %broadcast_in_dim3A_1284, %get3A_1357 : vector<16xf32>
          %add3A_1359 = arith.addf %add3A_1280, %mul3A_1358 : vector<16xf32>
          %add3A_1360 = arith.addf %add3A_1281, %get3A_1357 : vector<16xf32>
          %slice3A_1361 = vector.extract_strided_slice %get3A_335 {offsets = [13], sizes = [1], strides = [1]} : vector<16xf32> to vector<1xf32>
          %squeeze3A_1362 = vector.extract %slice3A_1361[0] : f32 from vector<1xf32>
          %broadcast_in_dim3A_1363 = vector.broadcast %squeeze3A_1362 : f32 to vector<16xf32>
          %mul3A_1364 = arith.constant 16 : i32
          %mul3A_1365 = arith.muli %scan3A_311, %mul3A_1364 : i32
          %add3A_1366 = arith.constant 13 : i32
          %add3A_1367 = arith.addi %mul3A_1365, %add3A_1366 : i32
          %add3A_1368 = arith.constant 0 : i32
          %add3A_1369 = arith.addi %mul3A_128, %add3A_1368 : i32
          %get3A_1370 = arith.index_cast %add3A_1367 : i32 to index
          %get3A_1371 = arith.index_cast %add3A_1369 : i32 to index
          %get3A_1372 = tpu.vector_load %arg13[%get3A_1370, %get3A_1371] {strides = array<i32>} : memref<32x1024xf32, #tpu.memory_space<vmem>>, vector<1x16xf32>,
          %get3A_1373 = vector.shape_cast %get3A_1372 : vector<1x16xf32> to vector<16xf32>
          %mul3A_1374 = arith.mulf %broadcast_in_dim3A_1363, %get3A_1373 : vector<16xf32>
          %add3A_1375 = arith.addf %add3A_1296, %mul3A_1374 : vector<16xf32>
          %add3A_1376 = arith.addf %add3A_1297, %get3A_1373 : vector<16xf32>
          %add3A_1377 = arith.constant 16 : i32
          %add3A_1378 = arith.addi %mul3A_128, %add3A_1377 : i32
          %get3A_1379 = arith.index_cast %add3A_1367 : i32 to index
          %get3A_1380 = arith.index_cast %add3A_1378 : i32 to index
          %get3A_1381 = tpu.vector_load %arg13[%get3A_1379, %get3A_1380] {strides = array<i32>} : memref<32x1024xf32, #tpu.memory_space<vmem>>, vector<1x16xf32>,
          %get3A_1382 = vector.shape_cast %get3A_1381 : vector<1x16xf32> to vector<16xf32>
          %mul3A_1383 = arith.mulf %broadcast_in_dim3A_1363, %get3A_1382 : vector<16xf32>
          %add3A_1384 = arith.addf %add3A_1305, %mul3A_1383 : vector<16xf32>
          %add3A_1385 = arith.addf %add3A_1306, %get3A_1382 : vector<16xf32>
          %add3A_1386 = arith.constant 32 : i32
          %add3A_1387 = arith.addi %mul3A_128, %add3A_1386 : i32
          %get3A_1388 = arith.index_cast %add3A_1367 : i32 to index
          %get3A_1389 = arith.index_cast %add3A_1387 : i32 to index
          %get3A_1390 = tpu.vector_load %arg13[%get3A_1388, %get3A_1389] {strides = array<i32>} : memref<32x1024xf32, #tpu.memory_space<vmem>>, vector<1x16xf32>,
          %get3A_1391 = vector.shape_cast %get3A_1390 : vector<1x16xf32> to vector<16xf32>
          %mul3A_1392 = arith.mulf %broadcast_in_dim3A_1363, %get3A_1391 : vector<16xf32>
          %add3A_1393 = arith.addf %add3A_1314, %mul3A_1392 : vector<16xf32>
          %add3A_1394 = arith.addf %add3A_1315, %get3A_1391 : vector<16xf32>
          %add3A_1395 = arith.constant 48 : i32
          %add3A_1396 = arith.addi %mul3A_128, %add3A_1395 : i32
          %get3A_1397 = arith.index_cast %add3A_1367 : i32 to index
          %get3A_1398 = arith.index_cast %add3A_1396 : i32 to index
          %get3A_1399 = tpu.vector_load %arg13[%get3A_1397, %get3A_1398] {strides = array<i32>} : memref<32x1024xf32, #tpu.memory_space<vmem>>, vector<1x16xf32>,
          %get3A_1400 = vector.shape_cast %get3A_1399 : vector<1x16xf32> to vector<16xf32>
          %mul3A_1401 = arith.mulf %broadcast_in_dim3A_1363, %get3A_1400 : vector<16xf32>
          %add3A_1402 = arith.addf %add3A_1323, %mul3A_1401 : vector<16xf32>
          %add3A_1403 = arith.addf %add3A_1324, %get3A_1400 : vector<16xf32>
          %add3A_1404 = arith.constant 64 : i32
          %add3A_1405 = arith.addi %mul3A_128, %add3A_1404 : i32
          %get3A_1406 = arith.index_cast %add3A_1367 : i32 to index
          %get3A_1407 = arith.index_cast %add3A_1405 : i32 to index
          %get3A_1408 = tpu.vector_load %arg13[%get3A_1406, %get3A_1407] {strides = array<i32>} : memref<32x1024xf32, #tpu.memory_space<vmem>>, vector<1x16xf32>,
          %get3A_1409 = vector.shape_cast %get3A_1408 : vector<1x16xf32> to vector<16xf32>
          %mul3A_1410 = arith.mulf %broadcast_in_dim3A_1363, %get3A_1409 : vector<16xf32>
          %add3A_1411 = arith.addf %add3A_1332, %mul3A_1410 : vector<16xf32>
          %add3A_1412 = arith.addf %add3A_1333, %get3A_1409 : vector<16xf32>
          %add3A_1413 = arith.constant 80 : i32
          %add3A_1414 = arith.addi %mul3A_128, %add3A_1413 : i32
          %get3A_1415 = arith.index_cast %add3A_1367 : i32 to index
          %get3A_1416 = arith.index_cast %add3A_1414 : i32 to index
          %get3A_1417 = tpu.vector_load %arg13[%get3A_1415, %get3A_1416] {strides = array<i32>} : memref<32x1024xf32, #tpu.memory_space<vmem>>, vector<1x16xf32>,
          %get3A_1418 = vector.shape_cast %get3A_1417 : vector<1x16xf32> to vector<16xf32>
          %mul3A_1419 = arith.mulf %broadcast_in_dim3A_1363, %get3A_1418 : vector<16xf32>
          %add3A_1420 = arith.addf %add3A_1341, %mul3A_1419 : vector<16xf32>
          %add3A_1421 = arith.addf %add3A_1342, %get3A_1418 : vector<16xf32>
          %add3A_1422 = arith.constant 96 : i32
          %add3A_1423 = arith.addi %mul3A_128, %add3A_1422 : i32
          %get3A_1424 = arith.index_cast %add3A_1367 : i32 to index
          %get3A_1425 = arith.index_cast %add3A_1423 : i32 to index
          %get3A_1426 = tpu.vector_load %arg13[%get3A_1424, %get3A_1425] {strides = array<i32>} : memref<32x1024xf32, #tpu.memory_space<vmem>>, vector<1x16xf32>,
          %get3A_1427 = vector.shape_cast %get3A_1426 : vector<1x16xf32> to vector<16xf32>
          %mul3A_1428 = arith.mulf %broadcast_in_dim3A_1363, %get3A_1427 : vector<16xf32>
          %add3A_1429 = arith.addf %add3A_1350, %mul3A_1428 : vector<16xf32>
          %add3A_1430 = arith.addf %add3A_1351, %get3A_1427 : vector<16xf32>
          %add3A_1431 = arith.constant 112 : i32
          %add3A_1432 = arith.addi %mul3A_128, %add3A_1431 : i32
          %get3A_1433 = arith.index_cast %add3A_1367 : i32 to index
          %get3A_1434 = arith.index_cast %add3A_1432 : i32 to index
          %get3A_1435 = tpu.vector_load %arg13[%get3A_1433, %get3A_1434] {strides = array<i32>} : memref<32x1024xf32, #tpu.memory_space<vmem>>, vector<1x16xf32>,
          %get3A_1436 = vector.shape_cast %get3A_1435 : vector<1x16xf32> to vector<16xf32>
          %mul3A_1437 = arith.mulf %broadcast_in_dim3A_1363, %get3A_1436 : vector<16xf32>
          %add3A_1438 = arith.addf %add3A_1359, %mul3A_1437 : vector<16xf32>
          %add3A_1439 = arith.addf %add3A_1360, %get3A_1436 : vector<16xf32>
          %slice3A_1440 = vector.extract_strided_slice %get3A_335 {offsets = [14], sizes = [1], strides = [1]} : vector<16xf32> to vector<1xf32>
          %squeeze3A_1441 = vector.extract %slice3A_1440[0] : f32 from vector<1xf32>
          %broadcast_in_dim3A_1442 = vector.broadcast %squeeze3A_1441 : f32 to vector<16xf32>
          %mul3A_1443 = arith.constant 16 : i32
          %mul3A_1444 = arith.muli %scan3A_311, %mul3A_1443 : i32
          %add3A_1445 = arith.constant 14 : i32
          %add3A_1446 = arith.addi %mul3A_1444, %add3A_1445 : i32
          %add3A_1447 = arith.constant 0 : i32
          %add3A_1448 = arith.addi %mul3A_128, %add3A_1447 : i32
          %get3A_1449 = arith.index_cast %add3A_1446 : i32 to index
          %get3A_1450 = arith.index_cast %add3A_1448 : i32 to index
          %get3A_1451 = tpu.vector_load %arg13[%get3A_1449, %get3A_1450] {strides = array<i32>} : memref<32x1024xf32, #tpu.memory_space<vmem>>, vector<1x16xf32>,
          %get3A_1452 = vector.shape_cast %get3A_1451 : vector<1x16xf32> to vector<16xf32>
          %mul3A_1453 = arith.mulf %broadcast_in_dim3A_1442, %get3A_1452 : vector<16xf32>
          %add3A_1454 = arith.addf %add3A_1375, %mul3A_1453 : vector<16xf32>
          %add3A_1455 = arith.addf %add3A_1376, %get3A_1452 : vector<16xf32>
          %add3A_1456 = arith.constant 16 : i32
          %add3A_1457 = arith.addi %mul3A_128, %add3A_1456 : i32
          %get3A_1458 = arith.index_cast %add3A_1446 : i32 to index
          %get3A_1459 = arith.index_cast %add3A_1457 : i32 to index
          %get3A_1460 = tpu.vector_load %arg13[%get3A_1458, %get3A_1459] {strides = array<i32>} : memref<32x1024xf32, #tpu.memory_space<vmem>>, vector<1x16xf32>,
          %get3A_1461 = vector.shape_cast %get3A_1460 : vector<1x16xf32> to vector<16xf32>
          %mul3A_1462 = arith.mulf %broadcast_in_dim3A_1442, %get3A_1461 : vector<16xf32>
          %add3A_1463 = arith.addf %add3A_1384, %mul3A_1462 : vector<16xf32>
          %add3A_1464 = arith.addf %add3A_1385, %get3A_1461 : vector<16xf32>
          %add3A_1465 = arith.constant 32 : i32
          %add3A_1466 = arith.addi %mul3A_128, %add3A_1465 : i32
          %get3A_1467 = arith.index_cast %add3A_1446 : i32 to index
          %get3A_1468 = arith.index_cast %add3A_1466 : i32 to index
          %get3A_1469 = tpu.vector_load %arg13[%get3A_1467, %get3A_1468] {strides = array<i32>} : memref<32x1024xf32, #tpu.memory_space<vmem>>, vector<1x16xf32>,
          %get3A_1470 = vector.shape_cast %get3A_1469 : vector<1x16xf32> to vector<16xf32>
          %mul3A_1471 = arith.mulf %broadcast_in_dim3A_1442, %get3A_1470 : vector<16xf32>
          %add3A_1472 = arith.addf %add3A_1393, %mul3A_1471 : vector<16xf32>
          %add3A_1473 = arith.addf %add3A_1394, %get3A_1470 : vector<16xf32>
          %add3A_1474 = arith.constant 48 : i32
          %add3A_1475 = arith.addi %mul3A_128, %add3A_1474 : i32
          %get3A_1476 = arith.index_cast %add3A_1446 : i32 to index
          %get3A_1477 = arith.index_cast %add3A_1475 : i32 to index
          %get3A_1478 = tpu.vector_load %arg13[%get3A_1476, %get3A_1477] {strides = array<i32>} : memref<32x1024xf32, #tpu.memory_space<vmem>>, vector<1x16xf32>,
          %get3A_1479 = vector.shape_cast %get3A_1478 : vector<1x16xf32> to vector<16xf32>
          %mul3A_1480 = arith.mulf %broadcast_in_dim3A_1442, %get3A_1479 : vector<16xf32>
          %add3A_1481 = arith.addf %add3A_1402, %mul3A_1480 : vector<16xf32>
          %add3A_1482 = arith.addf %add3A_1403, %get3A_1479 : vector<16xf32>
          %add3A_1483 = arith.constant 64 : i32
          %add3A_1484 = arith.addi %mul3A_128, %add3A_1483 : i32
          %get3A_1485 = arith.index_cast %add3A_1446 : i32 to index
          %get3A_1486 = arith.index_cast %add3A_1484 : i32 to index
          %get3A_1487 = tpu.vector_load %arg13[%get3A_1485, %get3A_1486] {strides = array<i32>} : memref<32x1024xf32, #tpu.memory_space<vmem>>, vector<1x16xf32>,
          %get3A_1488 = vector.shape_cast %get3A_1487 : vector<1x16xf32> to vector<16xf32>
          %mul3A_1489 = arith.mulf %broadcast_in_dim3A_1442, %get3A_1488 : vector<16xf32>
          %add3A_1490 = arith.addf %add3A_1411, %mul3A_1489 : vector<16xf32>
          %add3A_1491 = arith.addf %add3A_1412, %get3A_1488 : vector<16xf32>
          %add3A_1492 = arith.constant 80 : i32
          %add3A_1493 = arith.addi %mul3A_128, %add3A_1492 : i32
          %get3A_1494 = arith.index_cast %add3A_1446 : i32 to index
          %get3A_1495 = arith.index_cast %add3A_1493 : i32 to index
          %get3A_1496 = tpu.vector_load %arg13[%get3A_1494, %get3A_1495] {strides = array<i32>} : memref<32x1024xf32, #tpu.memory_space<vmem>>, vector<1x16xf32>,
          %get3A_1497 = vector.shape_cast %get3A_1496 : vector<1x16xf32> to vector<16xf32>
          %mul3A_1498 = arith.mulf %broadcast_in_dim3A_1442, %get3A_1497 : vector<16xf32>
          %add3A_1499 = arith.addf %add3A_1420, %mul3A_1498 : vector<16xf32>
          %add3A_1500 = arith.addf %add3A_1421, %get3A_1497 : vector<16xf32>
          %add3A_1501 = arith.constant 96 : i32
          %add3A_1502 = arith.addi %mul3A_128, %add3A_1501 : i32
          %get3A_1503 = arith.index_cast %add3A_1446 : i32 to index
          %get3A_1504 = arith.index_cast %add3A_1502 : i32 to index
          %get3A_1505 = tpu.vector_load %arg13[%get3A_1503, %get3A_1504] {strides = array<i32>} : memref<32x1024xf32, #tpu.memory_space<vmem>>, vector<1x16xf32>,
          %get3A_1506 = vector.shape_cast %get3A_1505 : vector<1x16xf32> to vector<16xf32>
          %mul3A_1507 = arith.mulf %broadcast_in_dim3A_1442, %get3A_1506 : vector<16xf32>
          %add3A_1508 = arith.addf %add3A_1429, %mul3A_1507 : vector<16xf32>
          %add3A_1509 = arith.addf %add3A_1430, %get3A_1506 : vector<16xf32>
          %add3A_1510 = arith.constant 112 : i32
          %add3A_1511 = arith.addi %mul3A_128, %add3A_1510 : i32
          %get3A_1512 = arith.index_cast %add3A_1446 : i32 to index
          %get3A_1513 = arith.index_cast %add3A_1511 : i32 to index
          %get3A_1514 = tpu.vector_load %arg13[%get3A_1512, %get3A_1513] {strides = array<i32>} : memref<32x1024xf32, #tpu.memory_space<vmem>>, vector<1x16xf32>,
          %get3A_1515 = vector.shape_cast %get3A_1514 : vector<1x16xf32> to vector<16xf32>
          %mul3A_1516 = arith.mulf %broadcast_in_dim3A_1442, %get3A_1515 : vector<16xf32>
          %add3A_1517 = arith.addf %add3A_1438, %mul3A_1516 : vector<16xf32>
          %add3A_1518 = arith.addf %add3A_1439, %get3A_1515 : vector<16xf32>
          %slice3A_1519 = vector.extract_strided_slice %get3A_335 {offsets = [15], sizes = [1], strides = [1]} : vector<16xf32> to vector<1xf32>
          %squeeze3A_1520 = vector.extract %slice3A_1519[0] : f32 from vector<1xf32>
          %broadcast_in_dim3A_1521 = vector.broadcast %squeeze3A_1520 : f32 to vector<16xf32>
          %mul3A_1522 = arith.constant 16 : i32
          %mul3A_1523 = arith.muli %scan3A_311, %mul3A_1522 : i32
          %add3A_1524 = arith.constant 15 : i32
          %add3A_1525 = arith.addi %mul3A_1523, %add3A_1524 : i32
          %add3A_1526 = arith.constant 0 : i32
          %add3A_1527 = arith.addi %mul3A_128, %add3A_1526 : i32
          %get3A_1528 = arith.index_cast %add3A_1525 : i32 to index
          %get3A_1529 = arith.index_cast %add3A_1527 : i32 to index
          %get3A_1530 = tpu.vector_load %arg13[%get3A_1528, %get3A_1529] {strides = array<i32>} : memref<32x1024xf32, #tpu.memory_space<vmem>>, vector<1x16xf32>,
          %get3A_1531 = vector.shape_cast %get3A_1530 : vector<1x16xf32> to vector<16xf32>
          %mul3A_1532 = arith.mulf %broadcast_in_dim3A_1521, %get3A_1531 : vector<16xf32>
          %add3A_1533 = arith.addf %add3A_1454, %mul3A_1532 : vector<16xf32>
          %add3A_1534 = arith.addf %add3A_1455, %get3A_1531 : vector<16xf32>
          %add3A_1535 = arith.constant 16 : i32
          %add3A_1536 = arith.addi %mul3A_128, %add3A_1535 : i32
          %get3A_1537 = arith.index_cast %add3A_1525 : i32 to index
          %get3A_1538 = arith.index_cast %add3A_1536 : i32 to index
          %get3A_1539 = tpu.vector_load %arg13[%get3A_1537, %get3A_1538] {strides = array<i32>} : memref<32x1024xf32, #tpu.memory_space<vmem>>, vector<1x16xf32>,
          %get3A_1540 = vector.shape_cast %get3A_1539 : vector<1x16xf32> to vector<16xf32>
          %mul3A_1541 = arith.mulf %broadcast_in_dim3A_1521, %get3A_1540 : vector<16xf32>
          %add3A_1542 = arith.addf %add3A_1463, %mul3A_1541 : vector<16xf32>
          %add3A_1543 = arith.addf %add3A_1464, %get3A_1540 : vector<16xf32>
          %add3A_1544 = arith.constant 32 : i32
          %add3A_1545 = arith.addi %mul3A_128, %add3A_1544 : i32
          %get3A_1546 = arith.index_cast %add3A_1525 : i32 to index
          %get3A_1547 = arith.index_cast %add3A_1545 : i32 to index
          %get3A_1548 = tpu.vector_load %arg13[%get3A_1546, %get3A_1547] {strides = array<i32>} : memref<32x1024xf32, #tpu.memory_space<vmem>>, vector<1x16xf32>,
          %get3A_1549 = vector.shape_cast %get3A_1548 : vector<1x16xf32> to vector<16xf32>
          %mul3A_1550 = arith.mulf %broadcast_in_dim3A_1521, %get3A_1549 : vector<16xf32>
          %add3A_1551 = arith.addf %add3A_1472, %mul3A_1550 : vector<16xf32>
          %add3A_1552 = arith.addf %add3A_1473, %get3A_1549 : vector<16xf32>
          %add3A_1553 = arith.constant 48 : i32
          %add3A_1554 = arith.addi %mul3A_128, %add3A_1553 : i32
          %get3A_1555 = arith.index_cast %add3A_1525 : i32 to index
          %get3A_1556 = arith.index_cast %add3A_1554 : i32 to index
          %get3A_1557 = tpu.vector_load %arg13[%get3A_1555, %get3A_1556] {strides = array<i32>} : memref<32x1024xf32, #tpu.memory_space<vmem>>, vector<1x16xf32>,
          %get3A_1558 = vector.shape_cast %get3A_1557 : vector<1x16xf32> to vector<16xf32>
          %mul3A_1559 = arith.mulf %broadcast_in_dim3A_1521, %get3A_1558 : vector<16xf32>
          %add3A_1560 = arith.addf %add3A_1481, %mul3A_1559 : vector<16xf32>
          %add3A_1561 = arith.addf %add3A_1482, %get3A_1558 : vector<16xf32>
          %add3A_1562 = arith.constant 64 : i32
          %add3A_1563 = arith.addi %mul3A_128, %add3A_1562 : i32
          %get3A_1564 = arith.index_cast %add3A_1525 : i32 to index
          %get3A_1565 = arith.index_cast %add3A_1563 : i32 to index
          %get3A_1566 = tpu.vector_load %arg13[%get3A_1564, %get3A_1565] {strides = array<i32>} : memref<32x1024xf32, #tpu.memory_space<vmem>>, vector<1x16xf32>,
          %get3A_1567 = vector.shape_cast %get3A_1566 : vector<1x16xf32> to vector<16xf32>
          %mul3A_1568 = arith.mulf %broadcast_in_dim3A_1521, %get3A_1567 : vector<16xf32>
          %add3A_1569 = arith.addf %add3A_1490, %mul3A_1568 : vector<16xf32>
          %add3A_1570 = arith.addf %add3A_1491, %get3A_1567 : vector<16xf32>
          %add3A_1571 = arith.constant 80 : i32
          %add3A_1572 = arith.addi %mul3A_128, %add3A_1571 : i32
          %get3A_1573 = arith.index_cast %add3A_1525 : i32 to index
          %get3A_1574 = arith.index_cast %add3A_1572 : i32 to index
          %get3A_1575 = tpu.vector_load %arg13[%get3A_1573, %get3A_1574] {strides = array<i32>} : memref<32x1024xf32, #tpu.memory_space<vmem>>, vector<1x16xf32>,
          %get3A_1576 = vector.shape_cast %get3A_1575 : vector<1x16xf32> to vector<16xf32>
          %mul3A_1577 = arith.mulf %broadcast_in_dim3A_1521, %get3A_1576 : vector<16xf32>
          %add3A_1578 = arith.addf %add3A_1499, %mul3A_1577 : vector<16xf32>
          %add3A_1579 = arith.addf %add3A_1500, %get3A_1576 : vector<16xf32>
          %add3A_1580 = arith.constant 96 : i32
          %add3A_1581 = arith.addi %mul3A_128, %add3A_1580 : i32
          %get3A_1582 = arith.index_cast %add3A_1525 : i32 to index
          %get3A_1583 = arith.index_cast %add3A_1581 : i32 to index
          %get3A_1584 = tpu.vector_load %arg13[%get3A_1582, %get3A_1583] {strides = array<i32>} : memref<32x1024xf32, #tpu.memory_space<vmem>>, vector<1x16xf32>,
          %get3A_1585 = vector.shape_cast %get3A_1584 : vector<1x16xf32> to vector<16xf32>
          %mul3A_1586 = arith.mulf %broadcast_in_dim3A_1521, %get3A_1585 : vector<16xf32>
          %add3A_1587 = arith.addf %add3A_1508, %mul3A_1586 : vector<16xf32>
          %add3A_1588 = arith.addf %add3A_1509, %get3A_1585 : vector<16xf32>
          %add3A_1589 = arith.constant 112 : i32
          %add3A_1590 = arith.addi %mul3A_128, %add3A_1589 : i32
          %get3A_1591 = arith.index_cast %add3A_1525 : i32 to index
          %get3A_1592 = arith.index_cast %add3A_1590 : i32 to index
          %get3A_1593 = tpu.vector_load %arg13[%get3A_1591, %get3A_1592] {strides = array<i32>} : memref<32x1024xf32, #tpu.memory_space<vmem>>, vector<1x16xf32>,
          %get3A_1594 = vector.shape_cast %get3A_1593 : vector<1x16xf32> to vector<16xf32>
          %mul3A_1595 = arith.mulf %broadcast_in_dim3A_1521, %get3A_1594 : vector<16xf32>
          %add3A_1596 = arith.addf %add3A_1517, %mul3A_1595 : vector<16xf32>
          %add3A_1597 = arith.addf %add3A_1518, %get3A_1594 : vector<16xf32>
          scf.yield %add3A_1533, %add3A_1542, %add3A_1551, %add3A_1560, %add3A_1569, %add3A_1578, %add3A_1587, %add3A_1596, %add3A_1534, %add3A_1543, %add3A_1552, %add3A_1561, %add3A_1570, %add3A_1579, %add3A_1588, %add3A_1597 : vector<16xf32>, vector<16xf32>, vector<16xf32>, vector<16xf32>, vector<16xf32>, vector<16xf32>, vector<16xf32>, vector<16xf32>, vector<16xf32>, vector<16xf32>, vector<16xf32>, vector<16xf32>, vector<16xf32>, vector<16xf32>, vector<16xf32>, vector<16xf32>
        }
        %scan3A_213 = arith.constant 2 : i32
        %add3A_214 = arith.constant 0 : i32
        %add3A_215 = arith.addi %mul3A_128, %add3A_214 : i32
        %swap3A_216 = arith.index_cast %add3A_215 : i32 to index
        %swap3A_217 = tpu.vector_load %arg10[%swap3A_216] {strides = array<i32>} : memref<1024xf32, #tpu.memory_space<vmem>>, vector<16xf32>,
        %swap3A_218 = vector.shape_cast %swap3A_217 : vector<16xf32> to vector<16xf32>
        %swap3A_219 = vector.shape_cast %scan3A_212#0 : vector<16xf32> to vector<16xf32>
        tpu.vector_store %arg10[%swap3A_216], %swap3A_219 {strides = array<i32>} : memref<1024xf32, #tpu.memory_space<vmem>>, vector<16xf32>,
        %add3A_220 = arith.constant 0 : i32
        %add3A_221 = arith.addi %mul3A_128, %add3A_220 : i32
        %swap3A_222 = arith.index_cast %add3A_221 : i32 to index
        %swap3A_223 = tpu.vector_load %arg11[%swap3A_222] {strides = array<i32>} : memref<1024xf32, #tpu.memory_space<vmem>>, vector<16xf32>,
        %swap3A_224 = vector.shape_cast %swap3A_223 : vector<16xf32> to vector<16xf32>
        %swap3A_225 = vector.shape_cast %scan3A_212#8 : vector<16xf32> to vector<16xf32>
        tpu.vector_store %arg11[%swap3A_222], %swap3A_225 {strides = array<i32>} : memref<1024xf32, #tpu.memory_space<vmem>>, vector<16xf32>,
        %add3A_226 = arith.constant 16 : i32
        %add3A_227 = arith.addi %mul3A_128, %add3A_226 : i32
        %swap3A_228 = arith.index_cast %add3A_227 : i32 to index
        %swap3A_229 = tpu.vector_load %arg10[%swap3A_228] {strides = array<i32>} : memref<1024xf32, #tpu.memory_space<vmem>>, vector<16xf32>,
        %swap3A_230 = vector.shape_cast %swap3A_229 : vector<16xf32> to vector<16xf32>
        %swap3A_231 = vector.shape_cast %scan3A_212#1 : vector<16xf32> to vector<16xf32>
        tpu.vector_store %arg10[%swap3A_228], %swap3A_231 {strides = array<i32>} : memref<1024xf32, #tpu.memory_space<vmem>>, vector<16xf32>,
        %add3A_232 = arith.constant 16 : i32
        %add3A_233 = arith.addi %mul3A_128, %add3A_232 : i32
        %swap3A_234 = arith.index_cast %add3A_233 : i32 to index
        %swap3A_235 = tpu.vector_load %arg11[%swap3A_234] {strides = array<i32>} : memref<1024xf32, #tpu.memory_space<vmem>>, vector<16xf32>,
        %swap3A_236 = vector.shape_cast %swap3A_235 : vector<16xf32> to vector<16xf32>
        %swap3A_237 = vector.shape_cast %scan3A_212#9 : vector<16xf32> to vector<16xf32>
        tpu.vector_store %arg11[%swap3A_234], %swap3A_237 {strides = array<i32>} : memref<1024xf32, #tpu.memory_space<vmem>>, vector<16xf32>,
        %add3A_238 = arith.constant 32 : i32
        %add3A_239 = arith.addi %mul3A_128, %add3A_238 : i32
        %swap3A_240 = arith.index_cast %add3A_239 : i32 to index
        %swap3A_241 = tpu.vector_load %arg10[%swap3A_240] {strides = array<i32>} : memref<1024xf32, #tpu.memory_space<vmem>>, vector<16xf32>,
        %swap3A_242 = vector.shape_cast %swap3A_241 : vector<16xf32> to vector<16xf32>
        %swap3A_243 = vector.shape_cast %scan3A_212#2 : vector<16xf32> to vector<16xf32>
        tpu.vector_store %arg10[%swap3A_240], %swap3A_243 {strides = array<i32>} : memref<1024xf32, #tpu.memory_space<vmem>>, vector<16xf32>,
        %add3A_244 = arith.constant 32 : i32
        %add3A_245 = arith.addi %mul3A_128, %add3A_244 : i32
        %swap3A_246 = arith.index_cast %add3A_245 : i32 to index
        %swap3A_247 = tpu.vector_load %arg11[%swap3A_246] {strides = array<i32>} : memref<1024xf32, #tpu.memory_space<vmem>>, vector<16xf32>,
        %swap3A_248 = vector.shape_cast %swap3A_247 : vector<16xf32> to vector<16xf32>
        %swap3A_249 = vector.shape_cast %scan3A_212#10 : vector<16xf32> to vector<16xf32>
        tpu.vector_store %arg11[%swap3A_246], %swap3A_249 {strides = array<i32>} : memref<1024xf32, #tpu.memory_space<vmem>>, vector<16xf32>,
        %add3A_250 = arith.constant 48 : i32
        %add3A_251 = arith.addi %mul3A_128, %add3A_250 : i32
        %swap3A_252 = arith.index_cast %add3A_251 : i32 to index
        %swap3A_253 = tpu.vector_load %arg10[%swap3A_252] {strides = array<i32>} : memref<1024xf32, #tpu.memory_space<vmem>>, vector<16xf32>,
        %swap3A_254 = vector.shape_cast %swap3A_253 : vector<16xf32> to vector<16xf32>
        %swap3A_255 = vector.shape_cast %scan3A_212#3 : vector<16xf32> to vector<16xf32>
        tpu.vector_store %arg10[%swap3A_252], %swap3A_255 {strides = array<i32>} : memref<1024xf32, #tpu.memory_space<vmem>>, vector<16xf32>,
        %add3A_256 = arith.constant 48 : i32
        %add3A_257 = arith.addi %mul3A_128, %add3A_256 : i32
        %swap3A_258 = arith.index_cast %add3A_257 : i32 to index
        %swap3A_259 = tpu.vector_load %arg11[%swap3A_258] {strides = array<i32>} : memref<1024xf32, #tpu.memory_space<vmem>>, vector<16xf32>,
        %swap3A_260 = vector.shape_cast %swap3A_259 : vector<16xf32> to vector<16xf32>
        %swap3A_261 = vector.shape_cast %scan3A_212#11 : vector<16xf32> to vector<16xf32>
        tpu.vector_store %arg11[%swap3A_258], %swap3A_261 {strides = array<i32>} : memref<1024xf32, #tpu.memory_space<vmem>>, vector<16xf32>,
        %add3A_262 = arith.constant 64 : i32
        %add3A_263 = arith.addi %mul3A_128, %add3A_262 : i32
        %swap3A_264 = arith.index_cast %add3A_263 : i32 to index
        %swap3A_265 = tpu.vector_load %arg10[%swap3A_264] {strides = array<i32>} : memref<1024xf32, #tpu.memory_space<vmem>>, vector<16xf32>,
        %swap3A_266 = vector.shape_cast %swap3A_265 : vector<16xf32> to vector<16xf32>
        %swap3A_267 = vector.shape_cast %scan3A_212#4 : vector<16xf32> to vector<16xf32>
        tpu.vector_store %arg10[%swap3A_264], %swap3A_267 {strides = array<i32>} : memref<1024xf32, #tpu.memory_space<vmem>>, vector<16xf32>,
        %add3A_268 = arith.constant 64 : i32
        %add3A_269 = arith.addi %mul3A_128, %add3A_268 : i32
        %swap3A_270 = arith.index_cast %add3A_269 : i32 to index
        %swap3A_271 = tpu.vector_load %arg11[%swap3A_270] {strides = array<i32>} : memref<1024xf32, #tpu.memory_space<vmem>>, vector<16xf32>,
        %swap3A_272 = vector.shape_cast %swap3A_271 : vector<16xf32> to vector<16xf32>
        %swap3A_273 = vector.shape_cast %scan3A_212#12 : vector<16xf32> to vector<16xf32>
        tpu.vector_store %arg11[%swap3A_270], %swap3A_273 {strides = array<i32>} : memref<1024xf32, #tpu.memory_space<vmem>>, vector<16xf32>,
        %add3A_274 = arith.constant 80 : i32
        %add3A_275 = arith.addi %mul3A_128, %add3A_274 : i32
        %swap3A_276 = arith.index_cast %add3A_275 : i32 to index
        %swap3A_277 = tpu.vector_load %arg10[%swap3A_276] {strides = array<i32>} : memref<1024xf32, #tpu.memory_space<vmem>>, vector<16xf32>,
        %swap3A_278 = vector.shape_cast %swap3A_277 : vector<16xf32> to vector<16xf32>
        %swap3A_279 = vector.shape_cast %scan3A_212#5 : vector<16xf32> to vector<16xf32>
        tpu.vector_store %arg10[%swap3A_276], %swap3A_279 {strides = array<i32>} : memref<1024xf32, #tpu.memory_space<vmem>>, vector<16xf32>,
        %add3A_280 = arith.constant 80 : i32
        %add3A_281 = arith.addi %mul3A_128, %add3A_280 : i32
        %swap3A_282 = arith.index_cast %add3A_281 : i32 to index
        %swap3A_283 = tpu.vector_load %arg11[%swap3A_282] {strides = array<i32>} : memref<1024xf32, #tpu.memory_space<vmem>>, vector<16xf32>,
        %swap3A_284 = vector.shape_cast %swap3A_283 : vector<16xf32> to vector<16xf32>
        %swap3A_285 = vector.shape_cast %scan3A_212#13 : vector<16xf32> to vector<16xf32>
        tpu.vector_store %arg11[%swap3A_282], %swap3A_285 {strides = array<i32>} : memref<1024xf32, #tpu.memory_space<vmem>>, vector<16xf32>,
        %add3A_286 = arith.constant 96 : i32
        %add3A_287 = arith.addi %mul3A_128, %add3A_286 : i32
        %swap3A_288 = arith.index_cast %add3A_287 : i32 to index
        %swap3A_289 = tpu.vector_load %arg10[%swap3A_288] {strides = array<i32>} : memref<1024xf32, #tpu.memory_space<vmem>>, vector<16xf32>,
        %swap3A_290 = vector.shape_cast %swap3A_289 : vector<16xf32> to vector<16xf32>
        %swap3A_291 = vector.shape_cast %scan3A_212#6 : vector<16xf32> to vector<16xf32>
        tpu.vector_store %arg10[%swap3A_288], %swap3A_291 {strides = array<i32>} : memref<1024xf32, #tpu.memory_space<vmem>>, vector<16xf32>,
        %add3A_292 = arith.constant 96 : i32
        %add3A_293 = arith.addi %mul3A_128, %add3A_292 : i32
        %swap3A_294 = arith.index_cast %add3A_293 : i32 to index
        %swap3A_295 = tpu.vector_load %arg11[%swap3A_294] {strides = array<i32>} : memref<1024xf32, #tpu.memory_space<vmem>>, vector<16xf32>,
        %swap3A_296 = vector.shape_cast %swap3A_295 : vector<16xf32> to vector<16xf32>
        %swap3A_297 = vector.shape_cast %scan3A_212#14 : vector<16xf32> to vector<16xf32>
        tpu.vector_store %arg11[%swap3A_294], %swap3A_297 {strides = array<i32>} : memref<1024xf32, #tpu.memory_space<vmem>>, vector<16xf32>,
        %add3A_298 = arith.constant 112 : i32
        %add3A_299 = arith.addi %mul3A_128, %add3A_298 : i32
        %swap3A_300 = arith.index_cast %add3A_299 : i32 to index
        %swap3A_301 = tpu.vector_load %arg10[%swap3A_300] {strides = array<i32>} : memref<1024xf32, #tpu.memory_space<vmem>>, vector<16xf32>,
        %swap3A_302 = vector.shape_cast %swap3A_301 : vector<16xf32> to vector<16xf32>
        %swap3A_303 = vector.shape_cast %scan3A_212#7 : vector<16xf32> to vector<16xf32>
        tpu.vector_store %arg10[%swap3A_300], %swap3A_303 {strides = array<i32>} : memref<1024xf32, #tpu.memory_space<vmem>>, vector<16xf32>,
        %add3A_304 = arith.constant 112 : i32
        %add3A_305 = arith.addi %mul3A_128, %add3A_304 : i32
        %swap3A_306 = arith.index_cast %add3A_305 : i32 to index
        %swap3A_307 = tpu.vector_load %arg11[%swap3A_306] {strides = array<i32>} : memref<1024xf32, #tpu.memory_space<vmem>>, vector<16xf32>,
        %swap3A_308 = vector.shape_cast %swap3A_307 : vector<16xf32> to vector<16xf32>
        %swap3A_309 = vector.shape_cast %scan3A_212#15 : vector<16xf32> to vector<16xf32>
        tpu.vector_store %arg11[%swap3A_306], %swap3A_309 {strides = array<i32>} : memref<1024xf32, #tpu.memory_space<vmem>>, vector<16xf32>,
        %scan3A_310 = arith.constant 0 : i32
        scf.yield %scan3A_310 : i32
      }
      %scan3A_116 = arith.constant 8 : i32
      %add3A_117 = arith.constant 2 : i32
      %add3A_118 = arith.addi %add3A_100, %add3A_117 : i32
      %lt3A_119 = arith.constant 8 : i32
      %lt3A_120 = arith.cmpi slt, %add3A_118, %lt3A_119 : i32
      %convert_element_type3A_121 = arith.extui %lt3A_120 : i1 to i32
      %cond3A_122 = arith.constant 0 : i32
      %cond3A_123 = arith.cmpi ne, %convert_element_type3A_121, %cond3A_122 : i32
      scf.if %cond3A_123 {
        %add3A_125 = arith.constant 2 : i32
        %add3A_126 = arith.addi %add3A_100, %add3A_125 : i32
        %mul3A_127 = arith.constant 32 : i32
        %mul3A_128 = arith.muli %add3A_126, %mul3A_127 : i32
        %add3A_129 = arith.addi %mul3A_32, %mul3A_128 : i32
        %dma_start3A_130 = arith.constant 0 : i32
        %dma_start3A_131 = tpu.memref_slice %arg2[%select_n3A, %add3A_129, %dma_start3A_130] : memref<4x2048x1024xf32, #tpu.memory_space<hbm>> -> memref<1x32x1024xf32, #tpu.memory_space<hbm>>
        %dma_start3A_132 = tpu.memref_squeeze %dma_start3A_131 : memref<1x32x1024xf32, #tpu.memory_space<hbm>> -> memref<32x1024xf32, #tpu.memory_space<hbm>>
        %dma_start3A_133 = arith.constant 0 : i32
        %dma_start3A_134 = tpu.memref_slice %arg2[%select_n3A, %add3A_129, %dma_start3A_133] : memref<4x2048x1024xf32, #tpu.memory_space<hbm>> -> memref<1x32x1024xf32, #tpu.memory_space<hbm>>
        %dma_start3A_135 = tpu.memref_squeeze %dma_start3A_134 : memref<1x32x1024xf32, #tpu.memory_space<hbm>> -> memref<32x1024xf32, #tpu.memory_space<hbm>>
        tpu.enqueue_dma source(%dma_start3A_135 : memref<32x1024xf32, #tpu.memory_space<hbm>>) target(%arg13 : memref<32x1024xf32, #tpu.memory_space<vmem>>) target_semaphore(%arg15 : memref<!tpu.dma_semaphore, #tpu.memory_space<semaphore_mem>>)
      } else {
      }
      %scan3A_124 = arith.constant 0 : i32
      scf.yield %scan3A_124 : i32
    }
    %scan3A_72 = arith.constant 4 : i32
    "tpu.region"() ({
      %run_scoped3A = tpu.sem_alloc : memref<!tpu.dma_semaphore, #tpu.memory_space<semaphore_mem>>
      %dma_start3A_73 = arith.constant 0 : i32
      %dma_start3A_74 = tpu.memref_slice %arg4[%select_n3A, %select_n3A_30, %dma_start3A_73] : memref<4x8x1024xf32, #tpu.memory_space<hbm>> -> memref<1x1x1024xf32, #tpu.memory_space<hbm>>
      %dma_start3A_75 = tpu.memref_squeeze %dma_start3A_74 : memref<1x1x1024xf32, #tpu.memory_space<hbm>> -> memref<1024xf32, #tpu.memory_space<hbm>>
      %dma_start3A_76 = arith.constant 0 : i32
      %dma_start3A_77 = tpu.memref_slice %arg4[%select_n3A, %select_n3A_30, %dma_start3A_76] : memref<4x8x1024xf32, #tpu.memory_space<hbm>> -> memref<1x1x1024xf32, #tpu.memory_space<hbm>>
      %dma_start3A_78 = tpu.memref_squeeze %dma_start3A_77 : memref<1x1x1024xf32, #tpu.memory_space<hbm>> -> memref<1024xf32, #tpu.memory_space<hbm>>
      tpu.enqueue_dma source(%arg10 : memref<1024xf32, #tpu.memory_space<vmem>>) target(%dma_start3A_78 : memref<1024xf32, #tpu.memory_space<hbm>>) target_semaphore(%run_scoped3A : memref<!tpu.dma_semaphore, #tpu.memory_space<semaphore_mem>>)
      %dma_wait3A = arith.constant 0 : i32
      %dma_wait3A_79 = tpu.memref_slice %arg4[%select_n3A, %select_n3A_30, %dma_wait3A] : memref<4x8x1024xf32, #tpu.memory_space<hbm>> -> memref<1x1x1024xf32, #tpu.memory_space<hbm>>
      %dma_wait3A_80 = tpu.memref_squeeze %dma_wait3A_79 : memref<1x1x1024xf32, #tpu.memory_space<hbm>> -> memref<1024xf32, #tpu.memory_space<hbm>>
      %dma_wait3A_81 = arith.constant 0 : i32
      %dma_wait3A_82 = tpu.memref_slice %arg4[%select_n3A, %select_n3A_30, %dma_wait3A_81] : memref<4x8x1024xf32, #tpu.memory_space<hbm>> -> memref<1x1x1024xf32, #tpu.memory_space<hbm>>
      %dma_wait3A_83 = tpu.memref_squeeze %dma_wait3A_82 : memref<1x1x1024xf32, #tpu.memory_space<hbm>> -> memref<1024xf32, #tpu.memory_space<hbm>>
      tpu.wait_dma2 semaphore(%run_scoped3A : memref<!tpu.dma_semaphore, #tpu.memory_space<semaphore_mem>>) src(%arg10 : memref<1024xf32, #tpu.memory_space<vmem>>) dst(%dma_wait3A_83 : memref<1024xf32, #tpu.memory_space<hbm>>)
      tpu.yield
    }) : () -> ()
    "tpu.region"() ({
      %run_scoped3A = tpu.sem_alloc : memref<!tpu.dma_semaphore, #tpu.memory_space<semaphore_mem>>
      %dma_start3A_73 = arith.constant 0 : i32
      %dma_start3A_74 = tpu.memref_slice %arg5[%select_n3A, %select_n3A_30, %dma_start3A_73] : memref<4x8x1024xf32, #tpu.memory_space<hbm>> -> memref<1x1x1024xf32, #tpu.memory_space<hbm>>
      %dma_start3A_75 = tpu.memref_squeeze %dma_start3A_74 : memref<1x1x1024xf32, #tpu.memory_space<hbm>> -> memref<1024xf32, #tpu.memory_space<hbm>>
      %dma_start3A_76 = arith.constant 0 : i32
      %dma_start3A_77 = tpu.memref_slice %arg5[%select_n3A, %select_n3A_30, %dma_start3A_76] : memref<4x8x1024xf32, #tpu.memory_space<hbm>> -> memref<1x1x1024xf32, #tpu.memory_space<hbm>>
      %dma_start3A_78 = tpu.memref_squeeze %dma_start3A_77 : memref<1x1x1024xf32, #tpu.memory_space<hbm>> -> memref<1024xf32, #tpu.memory_space<hbm>>
      tpu.enqueue_dma source(%arg11 : memref<1024xf32, #tpu.memory_space<vmem>>) target(%dma_start3A_78 : memref<1024xf32, #tpu.memory_space<hbm>>) target_semaphore(%run_scoped3A : memref<!tpu.dma_semaphore, #tpu.memory_space<semaphore_mem>>)
      %dma_wait3A = arith.constant 0 : i32
      %dma_wait3A_79 = tpu.memref_slice %arg5[%select_n3A, %select_n3A_30, %dma_wait3A] : memref<4x8x1024xf32, #tpu.memory_space<hbm>> -> memref<1x1x1024xf32, #tpu.memory_space<hbm>>
      %dma_wait3A_80 = tpu.memref_squeeze %dma_wait3A_79 : memref<1x1x1024xf32, #tpu.memory_space<hbm>> -> memref<1024xf32, #tpu.memory_space<hbm>>
      %dma_wait3A_81 = arith.constant 0 : i32
      %dma_wait3A_82 = tpu.memref_slice %arg5[%select_n3A, %select_n3A_30, %dma_wait3A_81] : memref<4x8x1024xf32, #tpu.memory_space<hbm>> -> memref<1x1x1024xf32, #tpu.memory_space<hbm>>
      %dma_wait3A_83 = tpu.memref_squeeze %dma_wait3A_82 : memref<1x1x1024xf32, #tpu.memory_space<hbm>> -> memref<1024xf32, #tpu.memory_space<hbm>>
      tpu.wait_dma2 semaphore(%run_scoped3A : memref<!tpu.dma_semaphore, #tpu.memory_space<semaphore_mem>>) src(%arg11 : memref<1024xf32, #tpu.memory_space<vmem>>) dst(%dma_wait3A_83 : memref<1024xf32, #tpu.memory_space<hbm>>)
      tpu.yield
    }) : () -> ()
    return
  }
}

module attributes {stable_mosaic.version = 14 : i64} {
  func.func @utr_pool_finalize(%arg0: memref<4x8x1024xf32, #tpu.memory_space<vmem>>, %arg1: memref<4x8x1024xf32, #tpu.memory_space<vmem>>, %arg2: memref<4x128xf32, #tpu.memory_space<vmem>>, %arg3: memref<4x1024xf32, #tpu.memory_space<vmem>>) attributes {dimension_semantics = [], scalar_prefetch = 0 : i64, scratch_operands = 0 : i64, tpu.core_type = #tpu.core_type<tc>} {
    %get3A = arith.constant 0 : index
    %get3A_0 = arith.constant 0 : index
    %get3A_1 = arith.constant 0 : index
    %get3A_2 = vector.load %arg0[%get3A, %get3A_0, %get3A_1] : memref<4x8x1024xf32, #tpu.memory_space<vmem>>, vector<4x8x1024xf32>
    %reduce_sum3A = arith.constant dense<0.000000e+00> : vector<4x1024xf32>
    %reduce_sum3A_3 = vector.multi_reduction <add>, %get3A_2, %reduce_sum3A [1] : vector<4x8x1024xf32> to vector<4x1024xf32>
    %get3A_4 = arith.constant 0 : index
    %get3A_5 = arith.constant 0 : index
    %get3A_6 = arith.constant 0 : index
    %get3A_7 = vector.load %arg1[%get3A_4, %get3A_5, %get3A_6] : memref<4x8x1024xf32, #tpu.memory_space<vmem>>, vector<4x8x1024xf32>
    %reduce_sum3A_8 = arith.constant dense<0.000000e+00> : vector<4x1024xf32>
    %reduce_sum3A_9 = vector.multi_reduction <add>, %get3A_7, %reduce_sum3A_8 [1] : vector<4x8x1024xf32> to vector<4x1024xf32>
    %get3A_10 = arith.constant 0 : index
    %get3A_11 = arith.constant 0 : index
    %get3A_12 = vector.load %arg2[%get3A_10, %get3A_11] : memref<4x128xf32, #tpu.memory_space<vmem>>, vector<4x128xf32>
    %reduce_sum3A_13 = arith.constant dense<0.000000e+00> : vector<4xf32>
    %reduce_sum3A_14 = vector.multi_reduction <add>, %get3A_12, %reduce_sum3A_13 [1] : vector<4x128xf32> to vector<4xf32>
    %max3A = arith.constant 1.000000e+00 : f32
    %max3A_15 = vector.broadcast %max3A : f32 to vector<4xf32>
    %max3A_16 = arith.maximumf %reduce_sum3A_14, %max3A_15 : vector<4xf32>
    %gt3A = arith.constant 0.000000e+00 : f32
    %gt3A_17 = vector.broadcast %gt3A : f32 to vector<4xf32>
    %gt3A_18 = arith.cmpf ogt, %reduce_sum3A_14, %gt3A_17 : vector<4xf32>
    %broadcast_in_dim3A = vector.shape_cast %gt3A_18 : vector<4xi1> to vector<4x1xi1>
    %broadcast_in_dim3A_19 = vector.shape_cast %max3A_16 : vector<4xf32> to vector<4x1xf32>
    %div3A = vector.broadcast %broadcast_in_dim3A_19 : vector<4x1xf32> to vector<4x1024xf32>
    %div3A_20 = arith.divf %reduce_sum3A_3, %div3A : vector<4x1024xf32>
    %mul3A = arith.constant 4.8828125E-4 : f32
    %mul3A_21 = vector.broadcast %mul3A : f32 to vector<4x1024xf32>
    %mul3A_22 = arith.mulf %reduce_sum3A_9, %mul3A_21 : vector<4x1024xf32>
    %broadcast_in_dim3A_23 = vector.shape_cast %broadcast_in_dim3A : vector<4x1xi1> to vector<4x1xi1>
    %broadcast_in_dim3A_24 = vector.broadcast %broadcast_in_dim3A_23 : vector<4x1xi1> to vector<4x1024xi1>
    %select_n3A = arith.select %broadcast_in_dim3A_24, %div3A_20, %mul3A_22 : vector<4x1024xi1>, vector<4x1024xf32>
    %swap3A = arith.constant 0 : index
    %swap3A_25 = arith.constant 0 : index
    %swap3A_26 = vector.load %arg3[%swap3A, %swap3A_25] : memref<4x1024xf32, #tpu.memory_space<vmem>>, vector<4x1024xf32>
    tpu.vector_store %arg3[%swap3A, %swap3A_25], %select_n3A {strides = array<i32>} : memref<4x1024xf32, #tpu.memory_space<vmem>>, vector<4x1024xf32>,
    return
  }
}

</mosaic_0001>

<sc_bundles>
// kernel: utr_pool_sc_partials.3.cloned.1.call-start
scs
__scs_entry_jumppad:
0x0: {  	(pc) =	sbr.rel $0x88, $3  }
0x1: {  	(tag) =	ssettag $0x0;
	lr =	simm.s32 $0x1  }
0x2: {  	[smem:$0x3F9F] =	sst lr;
	_ =	strace $0xD0000000  }
0x3: {  	_ = 	snop  }
0x4: {  	_ = 	snop  }
0x5: {  	_ = 	snop  }
0x6: {  	_ = 	snop  }
0x7: {  	_ = 	snop  }
__scs_overlays_trampoline_lowered:
0x8: {  	[smem:$0x3FAE] =	sst s0  }
0x9: {  	[smem:$0x3FAF] =	sst s1  }
0xa: {  	[smem:$0x3FB0] =	sst s2  }
0xb: {  	[smem:$0x3FB1] =	sst s3  }
0xc: {  	[smem:$0x3FB2] =	sst s4  }
0xd: {  	[smem:$0x3FB3] =	sst s5  }
0xe: {  	[smem:$0x3FB4] =	sst s6  }
0xf: {  	[smem:$0x3FB5] =	sst s7  }
0x10: {  	[smem:$0x3FB6] =	sst s8  }
0x11: {  	[smem:$0x3FB7] =	sst s9;
	s0 =	simm.s32 @!p0 $0x0  }
0x12: {  	s1 =	sld [smem:$0x3F9D];
	s0 =	simm.s32 @p0 $0x1  }
0x13: {  	[smem:$0x3FB8] =	sst s0;
	s0 =	simm.s32 @!p1 $0x0  }
0x14: {  	s2 =	sld [smem:$0x3F9C];
	s0 =	simm.s32 @p1 $0x1  }
0x15: {  	[smem:$0x3FB9] =	sst s0;
	s0 =	simm.s32 @!p2 $0x0  }
0x16: {  	s3 =	sld [smem:$0x3FDB];
	s0 =	simm.s32 @p2 $0x1  }
0x17: {  	s4 =	simm.s32 $0x1BF5;
	[smem:$0x3FBB] =	sst s0  }
0x18: {  	s0 =	sld [smem:$0x3F9E];
	_ =	swait.ge [sflag:s4], $0x0  }
0x19: {  	s7 =	sld [smem:$0x3F9F]  }
0x1a: {  	s8 =	sadd.s32 $0xFFFFE003, lr  }
0x1b: {  	s9 =	sadd.s32 $0xFFFFFEF7, lr;
	s5 =	simm.s32 $0xFFFFFFFF;
	p2 =	slt.u32 s8, $0xFFFFF086  }
0x1c: {  	p1 =	slt.u32 s9, $0xF7A;
	s5 =	simm.s32 @!p2 $0x0  }
0x1d: {  	s5 =	simm.s32 @p1 $0x1;
	p0 =	seq.s32 s7, s2  }
0x1e: {  	s7 =	smul.u32 @!p0 $0xF7A, s2;
	p2 =	seq.s32 @!p0 s5, $0x0  }
0x1f: {  	s9 =	smul.u32 $0xF7A, s1;
	s8 =	simm.s32 @!p0 $0x1BF5;
	p2 =	por !p2, p0  }
0x20: {  	[sflag:s8] =	ssyncset.s32 @!p0 $0xFFFFF086;
	s6 =	sadd.s32 @!p0 s3, s7;
	s7 =	simm.s32 @!p0 $0x108  }
0x21: {  	s3 =	sadd.s32 s3, s9;
	s6 =	sadd.s32 @!p0 $0x88, s6;
	s7 =	simm.s32 @p2 $0x1082  }
0x22: {  	[simem:s7], [sflag:s8] =	dma.local @!p0 [hbm:s6], $0xF7A  }
0x23: {  	s9 =	sor.u32 $0xD0000000, s2;
	s6 =	simm.s32 $0x108;
	_ =	swait.ge @!p0 [sflag:s8], $0x0  }
0x24: {  	s3 =	sadd.s32 $0x88, s3;
	s6 =	simm.s32 @!p1 $0x1082;
	[sflag:s4] =	ssyncset.s32 $0xFFFFF086  }
0x25: {  	[simem:s6], [sflag:s4] =	dma.local [hbm:s3], $0xF7A  }
0x26: {  	[smem:$0x3F9F] =	sst s1;
	(tag) =	ssettag s2;
	_ =	strace s9  }
0x27: {  	s1 =	sld [smem:$0x3FAF]  }
0x28: {  	s2 =	sld [smem:$0x3FB0]  }
0x29: {  	s4 =	sld [smem:$0x3FB2]  }
0x2a: {  	p0 =	seq.s32 s5, $0x0;
	s5 =	sld [smem:$0x3FB3]  }
0x2b: {  	s6 =	sld [smem:$0x3FB4]  }
0x2c: {  	s7 =	sld [smem:$0x3FB5]  }
0x2d: {  	s3 =	simm.s32 $0x108;
	s8 =	sld [smem:$0x3FB6]  }
0x2e: {  	s3 =	simm.s32 @!p0 $0x1082;
	s9 =	sld [smem:$0x3FB7]  }
0x2f: {  	lr =	sadd.s32 s0, s3;
	s0 =	sld [smem:$0x3FAE]  }
0x30: {  	s3 =	sld [smem:$0x3FB1]  }
0x31: {  	[smem:$0x3FBA] =	sst s10  }
0x32: {  	s10 =	sld [smem:$0x3FB8];
	_ =	sdelay $0x3  }
0x33: {  	p0 =	seq.s32 s10, $0x1;
	s10 =	sld [smem:$0x3FBA];
	_ =	sdelay $0x3  }
0x34: {  	[smem:$0x3FBA] =	sst s10  }
0x35: {  	s10 =	sld [smem:$0x3FB9];
	_ =	sdelay $0x3  }
0x36: {  	p1 =	seq.s32 s10, $0x1;
	s10 =	sld [smem:$0x3FBA];
	_ =	sdelay $0x3  }
0x37: {  	[smem:$0x3FBA] =	sst s10  }
0x38: {  	s10 =	sld [smem:$0x3FBB]  }
0x39: {  	_ = 	snop;
	(pc) =	sbr.ind lr, $3  }
0x3a: {  	_ = 	snop  }
0x3b: {  	_ = 	snop  }
0x3c: {  	p2 =	seq.s32 s10, $0x1;
	s10 =	sld [smem:$0x3FBA]  }
0x3d: {  	_ =	shalt  }
0x3e: {  	_ =	shalt  }
0x3f: {  	_ =	shalt  }
0x40: {  	_ =	shalt  }
0x41: {  	_ =	shalt  }
0x42: {  	_ =	shalt  }
0x43: {  	_ =	shalt  }
0x44: {  	_ =	shalt  }
0x45: {  	_ =	shalt  }
0x46: {  	_ =	shalt  }
0x47: {  	_ =	shalt  }
0x48: {  	_ =	shalt  }
0x49: {  	_ =	shalt  }
0x4a: {  	_ =	shalt  }
0x4b: {  	_ =	shalt  }
0x4c: {  	_ =	shalt  }
0x4d: {  	_ =	shalt  }
0x4e: {  	_ =	shalt  }
0x4f: {  	_ =	shalt  }
0x50: {  	_ =	shalt  }
0x51: {  	_ =	shalt  }
0x52: {  	_ =	shalt  }
0x53: {  	_ =	shalt  }
0x54: {  	_ =	shalt  }
0x55: {  	_ =	shalt  }
0x56: {  	_ =	shalt  }
0x57: {  	_ =	shalt  }
0x58: {  	_ =	shalt  }
0x59: {  	_ =	shalt  }
0x5a: {  	_ =	shalt  }
0x5b: {  	_ =	shalt  }
0x5c: {  	_ =	shalt  }
0x5d: {  	_ =	shalt  }
0x5e: {  	_ =	shalt  }
0x5f: {  	_ =	shalt  }
0x60: {  	_ =	shalt  }
0x61: {  	_ =	shalt  }
0x62: {  	_ =	shalt  }
0x63: {  	_ =	shalt  }
0x64: {  	_ =	shalt  }
0x65: {  	_ =	shalt  }
0x66: {  	_ =	shalt  }
0x67: {  	_ =	shalt  }
0x68: {  	_ =	shalt  }
0x69: {  	_ =	shalt  }
0x6a: {  	_ =	shalt  }
0x6b: {  	_ =	shalt  }
0x6c: {  	_ =	shalt  }
0x6d: {  	_ =	shalt  }
0x6e: {  	_ =	shalt  }
0x6f: {  	_ =	shalt  }
0x70: {  	_ =	shalt  }
0x71: {  	_ =	shalt  }
0x72: {  	_ =	shalt  }
0x73: {  	_ =	shalt  }
0x74: {  	_ =	shalt  }
0x75: {  	_ =	shalt  }
0x76: {  	_ =	shalt  }
0x77: {  	_ =	shalt  }
0x78: {  	_ =	shalt  }
0x79: {  	_ =	shalt  }
0x7a: {  	_ =	shalt  }
0x7b: {  	_ =	shalt  }
0x7c: {  	_ =	shalt  }
0x7d: {  	_ =	shalt  }
0x7e: {  	_ =	shalt  }
0x7f: {  	_ =	shalt  }
0x80: {  	_ =	shalt  }
0x81: {  	_ =	shalt  }
0x82: {  	_ =	shalt  }
0x83: {  	_ =	shalt  }
0x84: {  	_ =	shalt  }
0x85: {  	_ =	shalt  }
0x86: {  	_ =	shalt  }
0x87: {  	_ =	shalt  }
.Lfunc_end0:
.L_simem_size_0:
called_computation_lowered:
.L_overlay_start_0:
0x88: {  	s2 =	sld [smem:$0x3FD9]  }
0x89: {  	s3 =	sld [smem:$0x3FFE];
	_ =	sdelay $0x1  }
0x8a: {  	s1 =	srdreg.scid  }
0x8b: {  	s0 =	sand.u32 $0x1, s1  }
0x8c: {  	s17 =	sshll.u32 s0, $0xA;
	s2 =	sadd.s32 s3, s2  }
0x8d: {  	s2 =	sadd.s32 s2, s17  }
0x8e: {  	[smem:$0x3FC6] =	sst s2  }
0x8f: {  	_ = 	snop  }
0x90: {  	s2 =	sld [smem:$0x3FC9]  }
0x91: {  	s18 =	sld [smem:$0x3FC8]  }
0x92: {  	s4 =	sld [smem:$0x3FD0];
	(tm) =	ssettm $0x1  }
0x93: {  	s5 =	sld [smem:$0x3FFB];
	_ =	sdelay $0x3  }
0x94: {  	_ =	strace s5  }
0x95: {  	s5 =	sld [smem:$0x3FFC];
	_ =	sdelay $0x3  }
0x96: {  	_ =	strace s5  }
0x97: {  	s5 =	sld [smem:$0x3FFD];
	_ =	sdelay $0x3  }
0x98: {  	_ =	strace s5  }
0x99: {  	_ =	strace $0x8FFFFFFF  }
0x9a: {  	s19 =	sld [smem:$0x3FDB];
	_ =	sdelay $0x1  }
0x9b: {  	s6 =	simm.s32 $_scs_section_size  }
0x9c: {  	s7 =	simm.s32 $_size__tile_overlayer_lowered;
	s8 =	simm.s32 $_tile_overlayer_lowered  }
0x9d: {  	s22 =	simm.s32 $0x1BFF;
	s21 =	sshll.u32 s8, $0x1;
	s5 =	sadd.s32 s6, s19  }
0x9e: {  	s9 =	simm.s32 $0x0;
	s20 =	sshll.u32 s7, $0x1;
	s7 =	sadd.s32 s21, s5  }
0x9f: {  	[timem:s9], [sflag:s22] =	dma.local [hbm:s7], s20  }
0xa0: {  	_ =	swait.ge [sflag:s22], s20  }
0xa1: {  	s6 =	ssub.s32 $0x0, s20;
	[sflag:s22] =	ssyncset.done $0x0  }
0xa2: {  	[sflag:s22] =	ssyncadd.s32 s6;
	_ =	sdelay $0x1  }
0xa3: {  	s23 =	simm.s32 $0x1B8B  }
0xa4: {  	_ =	swait.ge [sflag:s23], $0x1  }
0xa5: {  	[sflag:s23] =	ssyncset.done $0x0  }
0xa6: {  	s25 =	simm.s32 $0x1B8E;
	s24 =	sld [smem:$0x3FFE];
	[sflag:s23] =	ssyncadd.s32 $0xFFFFFFFF  }
0xa7: {  	s26 =	simm.s32 $execute0_lowered;
	[smem:$0x3FD2] =	sst s25  }
0xa8: {  	s7 =	sshll.u32 s26, $0x1;
	_ =	strace $0x80000046;
	[dreg:$0x1] =	wrdreg $0xFFFFFFFF  }
0xa9: {  	s28 =	simm.s32 $_size_execute0_lowered;
	s5 =	sadd.s32 s5, s7;
	[dreg:$0x0] =	wrdreg $0x0  }
0xaa: {  	s7 =	sshll.u32 s28, $0x1;
	[dreg:$0x2] =	wrdreg s5  }
0xab: {  	[dreg:$0x3] =	wrdreg s7  }
0xac: {  	[dreg:$0x4] =	wrdreg $0xC0  }
0xad: {  	_ =	task [dreg:s9], $0x5FFFF  }
0xae: {  	[dreg:$0x1] =	wrdreg $0xFFFFFFFF  }
0xaf: {  	[dreg:$0x0] =	wrdreg $0x60  }
0xb0: {  	[dreg:$0x2] =	wrdreg s2  }
0xb1: {  	[dreg:$0x3] =	wrdreg s18  }
0xb2: {  	[dreg:$0x4] =	wrdreg s24  }
0xb3: {  	[dreg:$0x5] =	wrdreg s4  }
0xb4: {  	[dreg:$0x6] =	wrdreg $0x9  }
0xb5: {  	_ =	task.clear_ibuf [dreg:s9], $0x7FFFF;
	_ =	strace $0x90000046  }
0xb6: {  	s29 =	simm.s32 $0x9;
	_ =	strace $0x80000048  }
0xb7: {  	_ =	swait.ge [sflag:s29], $0x1  }
0xb8: {  	[sflag:s29] =	ssyncadd.s32 $0xFFFFFFFF  }
0xb9: {  	_ =	strace $0x90000048  }
0xba: {  	_ =	sfence  }
0xbb: {  	s30 =	sld [smem:$0x0];
	_ =	sdelay $0x2  }
0xbc: {  	s31 =	sshll.u32 s1, $0xD;
	s1 =	sshrl.u32 s1, $0x2  }
0xbd: {  	s3 =	sand.u32 $0x4000, s31;
	s1 =	sadd.s32 s1, s30  }
0xbe: {  	s0 =	sor.u32 s3, s0;
	s1 =	sshll.u32 s1, $0x11  }
0xbf: {  	s0 =	sor.u32 s1, s0  }
0xc0: {  	s0 =	sadd.s32 $0x8F2B, s0  }
0xc1: {  	[sflag:s0] =	ssyncadd.remote.s32 $0x1  }
0xc2: {  	_ =	sfence.sel $0xFFFF  }
0xc3: {  	[dreg:$0x0] =	wrdreg $0xFFFFFFFF;
	(pc) =	sbr.abs _section_cstart, $3  }
0xc4: {  	[dreg:$0x1] =	wrdreg $0xFFFFFFFF  }
0xc5: {  	_ =	task.clear_ibuf [dreg:s9], $0x2FFFF;
	_ =	strace $0x9FFFFFFF  }
0xc6: {  	(tm) =	ssettm $0x7FFFFFFF  }
0xc7: {  	_ =	shalt  }
tec
execute0_lowered:
.L_overlay_start_1:
0x0: {  	(tag) =	ssettag $0x1  }
0x1: {  	s1 =	rddreg [dreg:$0x0]  }
0x2: {  	s0 =	rddreg [dreg:$0x1]  }
0x3: {  	s2 =	rddreg [dreg:$0x2]  }
0x4: {  	s7 =	stileid.u32;
	s6 =	rddreg [dreg:$0x3]  }
0x5: {  	s3 =	srdreg.scid;
	s13 =	simm.s32 $0x80;
	s15 =	simm.s32 $0x3  }
0x6: {  	s17 =	simm.s32 $0x8A80;
	s18 =	simm.s32 $0x1;
	s19 =	simm.s32 $0x2  }
0x7: {  	s23 =	simm.s32 $0x0;
	s4 =	sshll.u32 s7, $0x1;
	s5 =	sand.u32 $0x1, s3  }
0x8: {  	s3 =	simm.s32 $0x0;
	s7 =	sshrl.u32 s7, $0x2;
	s4 =	sand.u32 $0x6, s4  }
0x9: {  	[smem:$0x7FF] =	sst s3;
	s9 =	sshll.u32 s7, $0xA;
	s11 =	sshll.u32 s7, $0x7  }
0xa: {  	s7 =	sshll.u32 s7, $0x15;
	s4 =	sor.u32 s5, s4;
	s5 =	ssub.s32 $0x2, s5  }
0xb: {  	_ =	strace $0x80000047;
	s8 =	sshll.u32 s4, $0x4;
	s28 =	sshrl.u32 s5, $0x1  }
0xc: {  	s10 =	sshll.u32 s4, $0x12;
	s4 =	sshll.u32 s4, $0xA;
	s9 =	sor.u32 s9, s8  }
0xd: {  	s12 =	ssub.s32 s5, s28;
	s4 =	sor.u32 s11, s4;
	s29 =	sor.u32 s7, s10  }
.Ltmp0:
0xe: {  	s30 =	sor.u32 s11, s8;
	s2 =	sadd.s32 s9, s2;
	(pc) =	sbr.rel .LBB2_1-.Ltmp0, $4  }
0xf: {  	s4 =	sshrl.u32 s4, $0x3;
	s7 =	sshrl.u32 s29, $0x3;
	s31 =	sshrl.u32 s30, $0x3  }
0x10: {  	s8 =	sor.u32 $0x10000, s29;
	s9 =	sor.u32 $0x18000, s29;
	s12 =	smax.u32 s12, $0x1  }
0x11: {  	s4 =	sadd.s32 s0, s4;
	s5 =	sadd.s32 s1, s7;
	s6 =	sadd.s32 s6, s31  }
0x12: {  	v0 =	vimm.f32 $0.0e+00;
	s10 =	sadd.s32 $0xE00, s2;
	s11 =	sadd.s32 $0x1E00, s2;
	s7 =	sadd.s32 $0x1000, s5  }
.LBB2_14:
0x13: {  	s0 =	simm.s32 $0x400;
	s2 =	simm.s32 $0x280  }
0x14: {  	[hbm4b:s10+s13] =	stream.strided.scatter [tilespmem:s2], [sflag:$0x3], $0x400, s0, s13, $0x38;
	[tilespmem:$0x10A80] =	vst v63  }
0x15: {  	s23 =	sadd.s32 $0x1, s23;
	_ =	swait.ge [sflag:s15], $0x400  }
0x16: {  	p0 =	sne.s32 s23, s12;
	[sflag:s15] =	ssyncset.done $0x0  }
.Ltmp1:
0x17: {  	s31 =	simm.s32 $0x680;
	[sflag:s15] =	ssyncadd.s32 $0xFFFFFC00;
	(pc) =	sbr.rel @!p0 .LBB2_15-.Ltmp1, $4  }
0x18: {  	[hbm4b:s11+s13] =	stream.strided.scatter [tilespmem:s31], [sflag:$0x3], $0x400, s0, s13, $0x38;
	[tilespmem:$0x10A80] =	vst v63  }
0x19: {  	_ =	swait.ge [sflag:s15], $0x400  }
0x1a: {  	[sflag:s15] =	ssyncset.done $0x0  }
0x1b: {  	[sflag:s15] =	ssyncadd.s32 $0xFFFFFC00  }
.LBB2_1:
0x1c: {  	s0 =	simm.s32 $0x200  }
0x1d: {  	[tilespmem:s3], [sflag:$0x3] =	stream.strided.gather [hbm4b:s4+s13], $0x100, s0, s13, $0x38;
	[tilespmem:$0x10A80] =	vst v63  }
0x1e: {  	_ =	swait.ge [sflag:s15], $0x100  }
0x1f: {  	[sflag:s15] =	ssyncset.done $0x0  }
0x20: {  	[sflag:s15] =	ssyncadd.s32 $0xFFFFFF00  }
0x21: {  	v1 =	vld [tilespmem:$0x0]  }
0x22: {  	v2 =	vld [tilespmem:$0x10];
	_ =	sdelay $0x1  }
0x23: {  	v3 =	vld [tilespmem:$0x20];
	_ =	sdelay $0x1  }
0x24: {  	v4 =	vld [tilespmem:$0x30]  }
0x25: {  	vm0 =	veq.s32 v1, $0x2;
	vm1 =	veq.s32 v2, $0x2  }
0x26: {  	v5 =	vld [tilespmem:$0x40];
	v1 =	vsel vm0, $0x3F800000, v0;
	v2 =	vsel vm1, $0x3F800000, v0  }
0x27: {  	vm14 =	veq.s32 v3, $0x2;
	v6 =	vadd.f32 v2, v1  }
0x28: {  	v7 =	vld [tilespmem:$0x50];
	v3 =	vsel vm14, $0x3F800000, v0  }
0x29: {  	vm15 =	veq.s32 v4, $0x2;
	v6 =	vadd.f32 v3, v6  }
0x2a: {  	v8 =	vld [tilespmem:$0x60];
	v4 =	vsel vm15, $0x3F800000, v0  }
0x2b: {  	vm4 =	veq.s32 v5, $0x2;
	v6 =	vadd.f32 v4, v6  }
0x2c: {  	v9 =	vld [tilespmem:$0x70];
	v5 =	vsel vm4, $0x3F800000, v0  }
0x2d: {  	vm5 =	veq.s32 v7, $0x2;
	v6 =	vadd.f32 v5, v6  }
0x2e: {  	v10 =	vld [tilespmem:$0x80];
	v7 =	vsel vm5, $0x3F800000, v0  }
0x2f: {  	vm6 =	veq.s32 v8, $0x2;
	v6 =	vadd.f32 v7, v6  }
0x30: {  	v11 =	vld [tilespmem:$0x90];
	v8 =	vsel vm6, $0x3F800000, v0  }
0x31: {  	vm7 =	veq.s32 v9, $0x2;
	v6 =	vadd.f32 v8, v6  }
0x32: {  	v12 =	vld [tilespmem:$0xA0];
	v9 =	vsel vm7, $0x3F800000, v0  }
0x33: {  	vm8 =	veq.s32 v10, $0x2;
	v6 =	vadd.f32 v9, v6  }
0x34: {  	v13 =	vld [tilespmem:$0xB0];
	v10 =	vsel vm8, $0x3F800000, v0  }
0x35: {  	vm9 =	veq.s32 v11, $0x2;
	[tilespmem:$0x100] =	vst v1;
	v1 =	vadd.f32 v10, v6  }
0x36: {  	v59 =	vld [tilespmem:$0xC0];
	[tilespmem:$0x110] =	vst v2;
	v2 =	vsel vm9, $0x3F800000, v0  }
0x37: {  	vm10 =	veq.s32 v12, $0x2;
	[tilespmem:$0x120] =	vst v3;
	v1 =	vadd.f32 v2, v1  }
0x38: {  	v60 =	vld [tilespmem:$0xD0];
	[tilespmem:$0x130] =	vst v4;
	v3 =	vsel vm10, $0x3F800000, v0  }
0x39: {  	vm11 =	veq.s32 v13, $0x2;
	[tilespmem:$0x140] =	vst v5;
	v1 =	vadd.f32 v3, v1  }
0x3a: {  	v62 =	vld [tilespmem:$0xE0];
	v61 =	vsel vm11, $0x3F800000, v0;
	[tilespmem:$0x150] =	vst v7  }
0x3b: {  	vm12 =	veq.s32 v59, $0x2;
	[tilespmem:$0x160] =	vst v8;
	v1 =	vadd.f32 v61, v1  }
0x3c: {  	v63 =	vld [tilespmem:$0xF0];
	[tilespmem:$0x170] =	vst v9;
	v6 =	vsel vm12, $0x3F800000, v0  }
0x3d: {  	vm13 =	veq.s32 v60, $0x2;
	[tilespmem:$0x180] =	vst v10;
	v1 =	vadd.f32 v6, v1  }
0x3e: {  	[tilespmem:$0x190] =	vst v2;
	v2 =	vsel vm13, $0x3F800000, v0  }
0x3f: {  	vm14 =	veq.s32 v62, $0x2;
	[tilespmem:$0x1B0] =	vst v61;
	v1 =	vadd.f32 v2, v1  }
0x40: {  	[tilespmem:$0x1A0] =	vst v3;
	v3 =	vsel vm14, $0x3F800000, v0  }
0x41: {  	vm15 =	veq.s32 v63, $0x2;
	[tilespmem:$0x1C0] =	vst v6;
	v1 =	vadd.f32 v3, v1  }
0x42: {  	[tilespmem:$0x1D0] =	vst v2;
	v2 =	vsel vm15, $0x3F800000, v0  }
0x43: {  	[tilespmem:$0x1E0] =	vst v3;
	v1 =	vadd.f32 v2, v1  }
0x44: {  	[tilespmem:$0x1F0] =	vst v2  }
0x45: {  	[tilespmem:$0x200] =	vst v1  }
0x46: {  	[hbm4b:s6+s3] =	stream.linear.scatter [tilespmem:s0], [sflag:$0x3], $0x10, $0x38;
	[tilespmem:$0x10A80] =	vst v63  }
0x47: {  	_ =	swait.ge [sflag:s15], $0x10  }
0x48: {  	[sflag:s15] =	ssyncset.done $0x0  }
0x49: {  	s2 =	simm.s32 $0x0;
	s0 =	simm.s32 $0x40;
	[sflag:s15] =	ssyncadd.s32 $0xFFFFFFF0  }
.LBB2_2:
0x4a: {  	p0 =	sne.s32 s0, $0xFC0;
	[tilespmem:s2+$0x280] =	vst v0;
	s16 =	smov.u32 s0;
	s0 =	sadd.s32 $0x40, s0  }
.Ltmp2:
0x4b: {  	[tilespmem:s2+$0x680] =	vst v0;
	(pc) =	sbr.rel @p0 .LBB2_2-.Ltmp2, $2  }
0x4c: {  	_ =	sdelay $0x2  }
0x4d: {  	s2 =	sshra.s32 s16, $0x2  }
0x4e: {  	[tilespmem:s2+$0x280] =	vst v0  }
0x4f: {  	[tilespmem:s2+$0x680] =	vst v0;
	s24 =	simm.s32 $0x0;
	s0 =	simm.s32 $0xA80  }
0x50: {  	[tilespmem:s0], [sflag:$0x1] =	stream.linear.gather [hbm4b:s5+s24], $0x8000, $0x38;
	[tilespmem:$0x10A80] =	vst v63  }
0x51: {  	_ = 	snop  }
0x52: {  	[tilespmem:s17], [sflag:$0x2] =	stream.linear.gather [hbm4b:s7+s24], $0x8000, $0x38;
	[tilespmem:$0x10A80] =	vst v63  }
.LBB2_4:
0x53: {  	s0 =	sshll.u32 s24, $0x6  }
0x54: {  	_ =	swait.ge [sflag:s18], $0x8000;
	s26 =	sand.u32 $0x3FFFFFC0, s0  }
0x55: {  	[sflag:s18] =	ssyncset.done $0x0;
	s0 =	sadd.s32 $0x100, s26  }
0x56: {  	s25 =	simm.s32 $0x0;
	[sflag:s18] =	ssyncadd.s32 $0xFFFF8000;
	v1 =	vmov s0  }
.LBB2_5:
0x57: {  	s28 =	sshll.u32 s25, $0x7  }
0x58: {  	v14 =	vld [tilespmem:s28+$0x280]  }
0x59: {  	v12 =	vld [tilespmem:s28+$0x290]  }
0x5a: {  	v10 =	vld [tilespmem:s28+$0x2A0]  }
0x5b: {  	v9 =	vld [tilespmem:s28+$0x2B0]  }
0x5c: {  	v8 =	vld [tilespmem:s28+$0x2C0]  }
0x5d: {  	v7 =	vld [tilespmem:s28+$0x2D0]  }
0x5e: {  	v6 =	vld [tilespmem:s28+$0x2E0]  }
0x5f: {  	v5 =	vld [tilespmem:s28+$0x2F0]  }
0x60: {  	v20 =	vld [tilespmem:s28+$0x680]  }
0x61: {  	v19 =	vld [tilespmem:s28+$0x690]  }
0x62: {  	s14 =	sshll.u32 s25, $0xA;
	v18 =	vld [tilespmem:s28+$0x6A0]  }
0x63: {  	v16 =	vld [tilespmem:s28+$0x6B0];
	s20 =	sadd.s32 $0xA80, s14  }
0x64: {  	v15 =	vld [tilespmem:s28+$0x6C0];
	v2 =	vmov s20  }
0x65: {  	s22 =	simm.s32 $0x0;
	p0 =	por $0x1, $0x1;
	s21 =	sor.u32 $0x10, s28;
	v13 =	vld [tilespmem:s28+$0x6D0]  }
0x66: {  	s2 =	sor.u32 $0x20, s28;
	s0 =	sor.u32 $0x30, s28;
	s30 =	sor.u32 $0x40, s28;
	v17 =	vld [tilespmem:s28+$0x6E0]  }
0x67: {  	s16 =	sor.u32 $0x50, s28;
	s31 =	sor.u32 $0x60, s28;
	s29 =	sor.u32 $0x70, s28;
	v11 =	vld [tilespmem:s28+$0x6F0];
	v3 =	vmov s14  }
.LBB2_6:
0x68: {  	s20 =	sshll.u32 s22, $0xE  }
0x69: {  	v21 =	vld.idx.msk [tilespmem:v2+s20+$0x0 ss:$0x1], $0xffff  }
0x6a: {  	v22 =	vld.idx.msk [tilespmem:v2+s20+$0x10 ss:$0x1], $0xffff  }
0x6b: {  	v23 =	vld.idx.msk [tilespmem:v2+s20+$0x20 ss:$0x1], $0xffff  }
0x6c: {  	v25 =	vld.idx.msk [tilespmem:v2+s20+$0x30 ss:$0x1], $0xffff  }
0x6d: {  	v26 =	vld.idx.msk [tilespmem:v2+s20+$0x40 ss:$0x1], $0xffff  }
0x6e: {  	v29 =	vld.idx.msk [tilespmem:v2+s20+$0x50 ss:$0x1], $0xffff  }
0x6f: {  	v30 =	vld.idx.msk [tilespmem:v2+s20+$0x60 ss:$0x1], $0xffff  }
0x70: {  	v51 =	vld.idx.msk [tilespmem:v2+s20+$0x70 ss:$0x1], $0xffff  }
0x71: {  	v52 =	vld.idx.msk [tilespmem:v2+s20+$0x80 ss:$0x1], $0xffff  }
0x72: {  	v31 =	vld.idx.msk [tilespmem:v2+s20+$0xB0 ss:$0x1], $0xffff  }
0x73: {  	s14 =	sshll.u32 s22, $0x4;
	v55 =	vld.idx.msk [tilespmem:v2+s20+$0xC0 ss:$0x1], $0xffff  }
0x74: {  	s14 =	sand.u32 $0x3FFFFFF0, s14;
	v57 =	vld.idx.msk [tilespmem:v2+s20+$0xD0 ss:$0x1], $0xffff  }
0x75: {  	v4 =	vld.idx.msk [tilespmem:v1+s14+$0x0 ss:$0x1], $0xffff  }
0x76: {  	v58 =	vld.idx.msk [tilespmem:v2+s20+$0xE0 ss:$0x1], $0xffff;
	v20 =	vadd.f32 v21, v20  }
0x77: {  	v60 =	vld.idx.msk [tilespmem:v2+s20+$0xF0 ss:$0x1], $0xffff;
	v19 =	vadd.f32 v22, v19;
	v18 =	vadd.f32 v23, v18  }
0x78: {  	v32 =	vld.idx.msk [tilespmem:v2+s20+$0x130 ss:$0x1], $0xffff;
	v16 =	vadd.f32 v25, v16;
	v15 =	vadd.f32 v26, v15  }
0x79: {  	v35 =	vld.idx.msk [tilespmem:v2+s20+$0x140 ss:$0x1], $0xffff;
	v13 =	vadd.f32 v29, v13;
	v17 =	vadd.f32 v30, v17  }
0x7a: {  	v36 =	vld.idx.msk [tilespmem:v2+s20+$0x150 ss:$0x1], $0xffff;
	v11 =	vadd.f32 v51, v11;
	v24 =	vbroadcast v4, $0x0;
	v54 =	vbroadcast v4, $0x1  }
0x7b: {  	v37 =	vld.idx.msk [tilespmem:v2+s20+$0x160 ss:$0x1], $0xffff;
	v63 =	vbroadcast v4, $0x2;
	v20 =	vadd.f32 v52, v20;
	v16 =	vadd.f32 v31, v16  }
0x7c: {  	v41 =	vbroadcast v4, $0x3;
	v15 =	vadd.f32 v55, v15;
	v13 =	vadd.f32 v57, v13  }
0x7d: {  	v38 =	vld.idx.msk [tilespmem:v2+s20+$0x180 ss:$0x1], $0xffff;
	v17 =	vadd.f32 v58, v17;
	v27 =	vmul.f32 v21, v24;
	v28 =	vmul.f32 v22, v24  }
0x7e: {  	v42 =	vld.idx.msk [tilespmem:v2+s20+$0x1B0 ss:$0x1], $0xffff;
	v11 =	vadd.f32 v60, v11;
	v50 =	vmul.f32 v23, v24;
	v21 =	vmul.f32 v25, v24  }
0x7f: {  	v43 =	vld.idx.msk [tilespmem:v2+s20+$0x1C0 ss:$0x1], $0xffff;
	v22 =	vmul.f32 v26, v24;
	v16 =	vadd.f32 v32, v16;
	v15 =	vadd.f32 v35, v15  }
0x80: {  	v45 =	vld.idx.msk [tilespmem:v2+s20+$0x1D0 ss:$0x1], $0xffff;
	v53 =	vmul.f32 v30, v24;
	v13 =	vadd.f32 v36, v13;
	v17 =	vadd.f32 v37, v17  }
0x81: {  	v23 =	vld.idx.msk [tilespmem:v2+s20+$0xA0 ss:$0x1], $0xffff;
	v56 =	vmul.f32 v52, v54;
	v14 =	vadd.f32 v27, v14;
	v12 =	vadd.f32 v28, v12  }
0x82: {  	v9 =	vadd.f32 v21, v9;
	v21 =	vld.idx.msk [tilespmem:v2+s20+$0x90 ss:$0x1], $0xffff;
	v8 =	vadd.f32 v22, v8;
	v22 =	vmul.f32 v29, v24  }
0x83: {  	v40 =	vmul.f32 v37, v63;
	v10 =	vadd.f32 v50, v10;
	v6 =	vadd.f32 v53, v6  }
0x84: {  	v61 =	vld.idx.msk [tilespmem:v2+s20+$0x110 ss:$0x1], $0xffff;
	v16 =	vadd.f32 v42, v16;
	v7 =	vadd.f32 v22, v7;
	v22 =	vmul.f32 v51, v24  }
0x85: {  	v62 =	vld.idx.msk [tilespmem:v2+s20+$0x120 ss:$0x1], $0xffff;
	v44 =	vmul.f32 v38, v41;
	v15 =	vadd.f32 v43, v15;
	v13 =	vadd.f32 v45, v13  }
0x86: {  	v53 =	vld.idx.msk [tilespmem:v2+s20+$0x230 ss:$0x1], $0xffff;
	v14 =	vadd.f32 v56, v14;
	v59 =	vmul.f32 v23, v54;
	v5 =	vadd.f32 v22, v5  }
0x87: {  	v39 =	vld.idx.msk [tilespmem:v2+s20+$0x1A0 ss:$0x1], $0xffff;
	v22 =	vmul.f32 v21, v54;
	v19 =	vadd.f32 v21, v19;
	v21 =	vmul.f32 v31, v54  }
0x88: {  	v50 =	vld.idx.msk [tilespmem:v2+s20+$0x220 ss:$0x1], $0xffff;
	v18 =	vadd.f32 v23, v18;
	v23 =	vmul.f32 v55, v54;
	v10 =	vadd.f32 v59, v10  }
0x89: {  	v12 =	vadd.f32 v22, v12;
	v22 =	vld.idx.msk [tilespmem:v2+s20+$0x100 ss:$0x1], $0xffff;
	v9 =	vadd.f32 v21, v9;
	v21 =	vmul.f32 v57, v54  }
0x8a: {  	v8 =	vadd.f32 v23, v8;
	v23 =	vmul.f32 v58, v54;
	v18 =	vadd.f32 v62, v18  }
0x8b: {  	v16 =	vadd.f32 v53, v16;
	v7 =	vadd.f32 v21, v7;
	v21 =	vmul.f32 v60, v54  }
0x8c: {  	v46 =	vmul.f32 v39, v41;
	v6 =	vadd.f32 v23, v6;
	v18 =	vadd.f32 v39, v18;
	v54 =	vld.idx.msk [tilespmem:v2+s20+$0x240 ss:$0x1], $0xffff  }
0x8d: {  	v19 =	vadd.f32 v61, v19;
	v5 =	vadd.f32 v21, v5;
	v21 =	vmul.f32 v61, v63  }
0x8e: {  	v6 =	vadd.f32 v40, v6;
	v18 =	vadd.f32 v50, v18;
	v61 =	vld.idx.msk [tilespmem:v2+s20+$0x2A0 ss:$0x1], $0xffff;
	v23 =	vmul.f32 v22, v63  }
0x8f: {  	v48 =	vmul.f32 v43, v41;
	v20 =	vadd.f32 v22, v20;
	v22 =	vld.idx.msk [tilespmem:v2+s20+$0x170 ss:$0x1], $0xffff;
	v12 =	vadd.f32 v21, v12  }
0x90: {  	v37 =	vld.idx.msk [tilespmem:v2+s20+$0x2C0 ss:$0x1], $0xffff;
	v21 =	vmul.f32 v32, v63;
	v14 =	vadd.f32 v23, v14;
	v23 =	vmul.f32 v62, v63  }
0x91: {  	v47 =	vld.idx.msk [tilespmem:v2+s20+$0x1F0 ss:$0x1], $0xffff;
	v52 =	vbroadcast v4, $0x4;
	v20 =	vadd.f32 v38, v20;
	v15 =	vadd.f32 v54, v15  }
0x92: {  	v9 =	vadd.f32 v21, v9;
	v21 =	vld.idx.msk [tilespmem:v2+s20+$0x190 ss:$0x1], $0xffff;
	v10 =	vadd.f32 v23, v10;
	v23 =	vmul.f32 v35, v63  }
0x93: {  	v56 =	vmul.f32 v50, v52;
	v14 =	vadd.f32 v44, v14;
	v18 =	vadd.f32 v61, v18  }
0x94: {  	v44 =	vld.idx.msk [tilespmem:v2+s20+$0x320 ss:$0x1], $0xffff;
	v11 =	vadd.f32 v22, v11;
	v8 =	vadd.f32 v23, v8;
	v23 =	vmul.f32 v36, v63  }
0x95: {  	v58 =	vmul.f32 v54, v52;
	v15 =	vadd.f32 v37, v15;
	v10 =	vadd.f32 v46, v10  }
0x96: {  	v49 =	vld.idx.msk [tilespmem:v2+s20+$0x210 ss:$0x1], $0xffff;
	v46 =	vbroadcast v4, $0x6;
	v11 =	vadd.f32 v47, v11;
	v7 =	vadd.f32 v23, v7  }
0x97: {  	v36 =	vld.idx.msk [tilespmem:v2+s20+$0x2B0 ss:$0x1], $0xffff;
	v23 =	vmul.f32 v22, v63;
	v22 =	vmul.f32 v21, v41;
	v19 =	vadd.f32 v21, v19  }
0x98: {  	v59 =	vld.idx.msk [tilespmem:v2+s20+$0x280 ss:$0x1], $0xffff;
	v21 =	vmul.f32 v42, v41;
	v8 =	vadd.f32 v48, v8;
	v10 =	vadd.f32 v56, v10  }
0x99: {  	v63 =	vbroadcast v4, $0x5;
	v48 =	vld.idx.msk [tilespmem:v2+s20+$0x340 ss:$0x1], $0xffff;
	v18 =	vadd.f32 v44, v18;
	v5 =	vadd.f32 v23, v5  }
0x9a: {  	v50 =	vmul.f32 v44, v46;
	v23 =	vld.idx.msk [tilespmem:v2+s20+$0x1E0 ss:$0x1], $0xffff;
	v12 =	vadd.f32 v22, v12;
	v9 =	vadd.f32 v21, v9  }
0x9b: {  	v22 =	vld.idx.msk [tilespmem:v2+s20+$0x200 ss:$0x1], $0xffff;
	v21 =	vmul.f32 v45, v41;
	v19 =	vadd.f32 v49, v19;
	v40 =	vmul.f32 v61, v63  }
0x9c: {  	v57 =	vld.idx.msk [tilespmem:v2+s20+$0x260 ss:$0x1], $0xffff;
	v8 =	vadd.f32 v58, v8;
	v42 =	vmul.f32 v37, v63;
	v16 =	vadd.f32 v36, v16  }
0x9d: {  	v39 =	vld.idx.msk [tilespmem:v2+s20+$0x2D0 ss:$0x1], $0xffff;
	v7 =	vadd.f32 v21, v7;
	v21 =	vmul.f32 v47, v41;
	v10 =	vadd.f32 v40, v10  }
0x9e: {  	v58 =	vld.idx.msk [tilespmem:v2+s20+$0x3B0 ss:$0x1], $0xffff;
	v8 =	vadd.f32 v42, v8;
	v15 =	vadd.f32 v48, v15  }
0x9f: {  	v47 =	vld.idx.msk [tilespmem:v2+s20+$0x330 ss:$0x1], $0xffff;
	v5 =	vadd.f32 v21, v5;
	v21 =	vmul.f32 v49, v52;
	v10 =	vadd.f32 v50, v10  }
0xa0: {  	v51 =	vmul.f32 v23, v41;
	v55 =	vmul.f32 v22, v52;
	v17 =	vadd.f32 v23, v17;
	v23 =	vld.idx.msk [tilespmem:v2+s20+$0x250 ss:$0x1], $0xffff  }
0xa1: {  	v62 =	vmul.f32 v57, v52;
	v20 =	vadd.f32 v22, v20;
	v22 =	vld.idx.msk [tilespmem:v2+s20+$0x270 ss:$0x1], $0xffff;
	v12 =	vadd.f32 v21, v12  }
0xa2: {  	v41 =	vld.idx.msk [tilespmem:v2+s20+$0x2F0 ss:$0x1], $0xffff;
	v21 =	vmul.f32 v53, v52;
	v6 =	vadd.f32 v51, v6;
	v14 =	vadd.f32 v55, v14  }
0xa3: {  	v38 =	vmul.f32 v59, v63;
	v17 =	vadd.f32 v57, v17;
	v20 =	vadd.f32 v59, v20;
	v51 =	vld.idx.msk [tilespmem:v2+s20+$0x360 ss:$0x1], $0xffff  }
0xa4: {  	v16 =	vadd.f32 v47, v16;
	v55 =	vld.idx.msk [tilespmem:v2+s20+$0x3A0 ss:$0x1], $0xffff;
	v9 =	vadd.f32 v21, v9  }
0xa5: {  	v59 =	vld.idx.msk [tilespmem:v2+s20+$0x3C0 ss:$0x1], $0xffff;
	v6 =	vadd.f32 v62, v6;
	v14 =	vadd.f32 v38, v14  }
0xa6: {  	v21 =	vld.idx.msk [tilespmem:v2+s20+$0x290 ss:$0x1], $0xffff;
	v60 =	vmul.f32 v23, v52;
	v13 =	vadd.f32 v23, v13;
	v23 =	vmul.f32 v22, v52  }
0xa7: {  	v43 =	vld.idx.msk [tilespmem:v2+s20+$0x310 ss:$0x1], $0xffff;
	v57 =	vbroadcast v4, $0x7;
	v16 =	vadd.f32 v58, v16;
	v11 =	vadd.f32 v22, v11  }
0xa8: {  	v38 =	vld.idx.msk [tilespmem:v3+s20+$0x2AA0 ss:$0x1], $0xffff;
	v52 =	vmul.f32 v48, v46;
	v7 =	vadd.f32 v60, v7;
	v5 =	vadd.f32 v23, v5  }
0xa9: {  	v40 =	vbroadcast v4, $0x8;
	v42 =	vld.idx.msk [tilespmem:v3+s20+$0x2AC0 ss:$0x1], $0xffff;
	v13 =	vadd.f32 v39, v13;
	v11 =	vadd.f32 v41, v11  }
0xaa: {  	v23 =	vld.idx.msk [tilespmem:v2+s20+$0x2E0 ss:$0x1], $0xffff;
	v8 =	vadd.f32 v52, v8;
	v56 =	vmul.f32 v51, v46;
	v62 =	vmul.f32 v55, v57  }
0xab: {  	v18 =	vadd.f32 v55, v18;
	v15 =	vadd.f32 v59, v15;
	v22 =	vmul.f32 v21, v63  }
0xac: {  	v53 =	vld.idx.msk [tilespmem:v2+s20+$0x380 ss:$0x1], $0xffff;
	v19 =	vadd.f32 v21, v19;
	v21 =	vmul.f32 v36, v63;
	v36 =	vmul.f32 v59, v57  }
0xad: {  	v10 =	vadd.f32 v62, v10;
	v44 =	vmul.f32 v38, v40;
	v18 =	vadd.f32 v38, v18  }
0xae: {  	v12 =	vadd.f32 v22, v12;
	v22 =	vld.idx.msk [tilespmem:v2+s20+$0x300 ss:$0x1], $0xffff;
	v9 =	vadd.f32 v21, v9;
	v21 =	vmul.f32 v39, v63  }
0xaf: {  	v61 =	vld.idx.msk [tilespmem:v2+s20+$0x3D0 ss:$0x1], $0xffff;
	v15 =	vadd.f32 v42, v15;
	v19 =	vadd.f32 v43, v19;
	v45 =	vmul.f32 v23, v63  }
0xb0: {  	v7 =	vadd.f32 v21, v7;
	v21 =	vmul.f32 v41, v63;
	v17 =	vadd.f32 v23, v17;
	v23 =	vld.idx.msk [tilespmem:v2+s20+$0x350 ss:$0x1], $0xffff  }
0xb1: {  	v60 =	vmul.f32 v53, v57;
	v8 =	vadd.f32 v36, v8;
	v10 =	vadd.f32 v44, v10;
	v41 =	vld.idx.msk [tilespmem:v3+s20+$0x2AB0 ss:$0x1], $0xffff  }
0xb2: {  	v52 =	vld.idx.msk [tilespmem:v3+s20+$0x2B30 ss:$0x1], $0xffff;
	v6 =	vadd.f32 v45, v6;
	v5 =	vadd.f32 v21, v5;
	v21 =	vmul.f32 v43, v46  }
0xb3: {  	v17 =	vadd.f32 v51, v17;
	v49 =	vmul.f32 v22, v46;
	v20 =	vadd.f32 v22, v20;
	v22 =	vld.idx.msk [tilespmem:v2+s20+$0x370 ss:$0x1], $0xffff  }
0xb4: {  	v63 =	vld.idx.msk [tilespmem:v2+s20+$0x3F0 ss:$0x1], $0xffff;
	v12 =	vadd.f32 v21, v12;
	v21 =	vmul.f32 v47, v46;
	v6 =	vadd.f32 v56, v6  }
0xb5: {  	v45 =	vld.idx.msk [tilespmem:v3+s20+$0x2AE0 ss:$0x1], $0xffff;
	v14 =	vadd.f32 v49, v14;
	v54 =	vmul.f32 v23, v46;
	v13 =	vadd.f32 v23, v13  }
0xb6: {  	v62 =	vbroadcast v4, $0xA;
	v20 =	vadd.f32 v53, v20;
	v16 =	vadd.f32 v41, v16;
	v49 =	vld.idx.msk [tilespmem:v3+s20+$0x2B20 ss:$0x1], $0xffff  }
0xb7: {  	v51 =	vbroadcast v4, $0x9;
	v9 =	vadd.f32 v21, v9;
	v21 =	vld.idx.msk [tilespmem:v2+s20+$0x390 ss:$0x1], $0xffff;
	v7 =	vadd.f32 v54, v7  }
0xb8: {  	v53 =	vld.idx.msk [tilespmem:v3+s20+$0x2B40 ss:$0x1], $0xffff;
	v14 =	vadd.f32 v60, v14;
	v23 =	vmul.f32 v22, v46;
	v11 =	vadd.f32 v22, v11  }
0xb9: {  	v36 =	vld.idx.msk [tilespmem:v3+s20+$0x2BC0 ss:$0x1], $0xffff;
	v13 =	vadd.f32 v61, v13;
	v16 =	vadd.f32 v52, v16;
	v46 =	vmul.f32 v42, v40  }
0xba: {  	v50 =	vmul.f32 v45, v40;
	v60 =	vld.idx.msk [tilespmem:v3+s20+$0x2BA0 ss:$0x1], $0xffff;
	v5 =	vadd.f32 v23, v5;
	v11 =	vadd.f32 v63, v11  }
0xbb: {  	v37 =	vld.idx.msk [tilespmem:v3+s20+$0x2A90 ss:$0x1], $0xffff;
	v8 =	vadd.f32 v46, v8;
	v56 =	vmul.f32 v49, v51;
	v18 =	vadd.f32 v49, v18  }
0xbc: {  	v23 =	vld.idx.msk [tilespmem:v2+s20+$0x3E0 ss:$0x1], $0xffff;
	v22 =	vmul.f32 v21, v57;
	v19 =	vadd.f32 v21, v19;
	v21 =	vmul.f32 v58, v57  }
0xbd: {  	v15 =	vadd.f32 v53, v15;
	v58 =	vmul.f32 v53, v51;
	v10 =	vadd.f32 v56, v10  }
0xbe: {  	v12 =	vadd.f32 v22, v12;
	v22 =	vld.idx.msk [tilespmem:v3+s20+$0x2A80 ss:$0x1], $0xffff;
	v9 =	vadd.f32 v21, v9;
	v21 =	vmul.f32 v61, v57  }
0xbf: {  	v47 =	vld.idx.msk [tilespmem:v3+s20+$0x2B00 ss:$0x1], $0xffff;
	v38 =	vmul.f32 v60, v62;
	v18 =	vadd.f32 v60, v18;
	v15 =	vadd.f32 v36, v15  }
0xc0: {  	v55 =	vld.idx.msk [tilespmem:v3+s20+$0x2B50 ss:$0x1], $0xffff;
	v19 =	vadd.f32 v37, v19;
	v7 =	vadd.f32 v21, v7;
	v21 =	vmul.f32 v63, v57  }
0xc1: {  	v8 =	vadd.f32 v58, v8;
	v39 =	vmul.f32 v23, v57;
	v17 =	vadd.f32 v23, v17;
	v23 =	vld.idx.msk [tilespmem:v3+s20+$0x2AD0 ss:$0x1], $0xffff  }
0xc2: {  	v10 =	vadd.f32 v38, v10;
	v63 =	vld.idx.msk [tilespmem:v3+s20+$0x2BB0 ss:$0x1], $0xffff;
	v5 =	vadd.f32 v21, v5;
	v21 =	vmul.f32 v37, v40  }
0xc3: {  	v6 =	vadd.f32 v39, v6;
	v43 =	vmul.f32 v22, v40;
	v20 =	vadd.f32 v22, v20;
	v22 =	vld.idx.msk [tilespmem:v3+s20+$0x2AF0 ss:$0x1], $0xffff  }
0xc4: {  	v54 =	vmul.f32 v47, v51;
	v46 =	vld.idx.msk [tilespmem:v3+s20+$0x2C30 ss:$0x1], $0xffff;
	v17 =	vadd.f32 v45, v17;
	v12 =	vadd.f32 v21, v12  }
0xc5: {  	v57 =	vld.idx.msk [tilespmem:v3+s20+$0x2B70 ss:$0x1], $0xffff;
	v21 =	vmul.f32 v41, v40;
	v6 =	vadd.f32 v50, v6;
	v14 =	vadd.f32 v43, v14  }
0xc6: {  	v48 =	vmul.f32 v23, v40;
	v13 =	vadd.f32 v23, v13;
	v20 =	vadd.f32 v47, v20;
	v43 =	vld.idx.msk [tilespmem:v3+s20+$0x2C20 ss:$0x1], $0xffff  }
0xc7: {  	v45 =	vbroadcast v4, $0xB;
	v16 =	vadd.f32 v63, v16;
	v9 =	vadd.f32 v21, v9;
	v21 =	vld.idx.msk [tilespmem:v3+s20+$0x2B10 ss:$0x1], $0xffff  }
0xc8: {  	v47 =	vld.idx.msk [tilespmem:v3+s20+$0x2C40 ss:$0x1], $0xffff;
	v7 =	vadd.f32 v48, v7;
	v14 =	vadd.f32 v54, v14;
	v23 =	vmul.f32 v22, v40  }
0xc9: {  	v59 =	vld.idx.msk [tilespmem:v3+s20+$0x2B90 ss:$0x1], $0xffff;
	v13 =	vadd.f32 v55, v13;
	v11 =	vadd.f32 v22, v11;
	v40 =	vmul.f32 v36, v62  }
0xca: {  	v56 =	vbroadcast v4, $0xC;
	v16 =	vadd.f32 v46, v16;
	v54 =	vld.idx.msk [tilespmem:v3+s20+$0x2CA0 ss:$0x1], $0xffff;
	v5 =	vadd.f32 v23, v5  }
0xcb: {  	v58 =	vld.idx.msk [tilespmem:v3+s20+$0x2CC0 ss:$0x1], $0xffff;
	v11 =	vadd.f32 v57, v11;
	v8 =	vadd.f32 v40, v8;
	v50 =	vmul.f32 v43, v45  }
0xcc: {  	v23 =	vld.idx.msk [tilespmem:v3+s20+$0x2B60 ss:$0x1], $0xffff;
	v22 =	vmul.f32 v21, v51;
	v19 =	vadd.f32 v21, v19;
	v21 =	vmul.f32 v52, v51  }
0xcd: {  	v34 =	vld.idx.msk [tilespmem:v3+s20+$0x2D20 ss:$0x1], $0xffff;
	v18 =	vadd.f32 v43, v18;
	v15 =	vadd.f32 v47, v15;
	v52 =	vmul.f32 v47, v45  }
0xce: {  	v12 =	vadd.f32 v22, v12;
	v22 =	vld.idx.msk [tilespmem:v3+s20+$0x2B80 ss:$0x1], $0xffff;
	v9 =	vadd.f32 v21, v9;
	v21 =	vmul.f32 v55, v51  }
0xcf: {  	v38 =	vld.idx.msk [tilespmem:v3+s20+$0x2D40 ss:$0x1], $0xffff;
	v10 =	vadd.f32 v50, v10;
	v60 =	vmul.f32 v54, v56;
	v18 =	vadd.f32 v54, v18  }
0xd0: {  	v39 =	vld.idx.msk [tilespmem:v3+s20+$0x2BE0 ss:$0x1], $0xffff;
	v15 =	vadd.f32 v58, v15;
	v7 =	vadd.f32 v21, v7;
	v21 =	vmul.f32 v57, v51  }
0xd1: {  	v41 =	vld.idx.msk [tilespmem:v3+s20+$0x2C00 ss:$0x1], $0xffff;
	v19 =	vadd.f32 v59, v19;
	v8 =	vadd.f32 v52, v8;
	v61 =	vmul.f32 v23, v51  }
0xd2: {  	v17 =	vadd.f32 v23, v17;
	v23 =	vld.idx.msk [tilespmem:v3+s20+$0x2BD0 ss:$0x1], $0xffff;
	v5 =	vadd.f32 v21, v5;
	v21 =	vmul.f32 v59, v62  }
0xd3: {  	v10 =	vadd.f32 v60, v10;
	v37 =	vmul.f32 v22, v62;
	v20 =	vadd.f32 v22, v20;
	v22 =	vld.idx.msk [tilespmem:v3+s20+$0x2BF0 ss:$0x1], $0xffff  }
0xd4: {  	v18 =	vadd.f32 v34, v18;
	v57 =	vld.idx.msk [tilespmem:v3+s20+$0x2CB0 ss:$0x1], $0xffff;
	v12 =	vadd.f32 v21, v12;
	v21 =	vmul.f32 v63, v62  }
0xd5: {  	v44 =	vmul.f32 v39, v62;
	v15 =	vadd.f32 v38, v15;
	v6 =	vadd.f32 v61, v6  }
0xd6: {  	v36 =	vbroadcast v4, $0xD;
	v17 =	vadd.f32 v39, v17;
	v9 =	vadd.f32 v21, v9;
	v21 =	vld.idx.msk [tilespmem:v3+s20+$0x2C10 ss:$0x1], $0xffff  }
0xd7: {  	v49 =	vld.idx.msk [tilespmem:v3+s20+$0x2C50 ss:$0x1], $0xffff;
	v6 =	vadd.f32 v44, v6;
	v14 =	vadd.f32 v37, v14;
	v42 =	vmul.f32 v23, v62  }
0xd8: {  	v53 =	vld.idx.msk [tilespmem:v3+s20+$0x2C90 ss:$0x1], $0xffff;
	v13 =	vadd.f32 v23, v13;
	v20 =	vadd.f32 v41, v20;
	v23 =	vmul.f32 v22, v62  }
0xd9: {  	v48 =	vmul.f32 v41, v45;
	v51 =	vld.idx.msk [tilespmem:v3+s20+$0x2C70 ss:$0x1], $0xffff;
	v16 =	vadd.f32 v57, v16;
	v7 =	vadd.f32 v42, v7  }
0xda: {  	v37 =	vld.idx.msk [tilespmem:v3+s20+$0x2D30 ss:$0x1], $0xffff;
	v41 =	vmul.f32 v34, v36;
	v11 =	vadd.f32 v22, v11;
	v5 =	vadd.f32 v23, v5  }
0xdb: {  	v23 =	vld.idx.msk [tilespmem:v3+s20+$0x2C60 ss:$0x1], $0xffff;
	v22 =	vmul.f32 v21, v45;
	v19 =	vadd.f32 v21, v19;
	v21 =	vmul.f32 v46, v45  }
0xdc: {  	v14 =	vadd.f32 v48, v14;
	v13 =	vadd.f32 v49, v13;
	v48 =	vld.idx.msk [tilespmem:v3+s20+$0x2DB0 ss:$0x1], $0xffff;
	v62 =	vmul.f32 v58, v56  }
0xdd: {  	v12 =	vadd.f32 v22, v12;
	v22 =	vld.idx.msk [tilespmem:v3+s20+$0x2C80 ss:$0x1], $0xffff;
	v9 =	vadd.f32 v21, v9;
	v21 =	vmul.f32 v49, v45  }
0xde: {  	v43 =	vmul.f32 v38, v36;
	v61 =	vld.idx.msk [tilespmem:v3+s20+$0x2CE0 ss:$0x1], $0xffff;
	v10 =	vadd.f32 v41, v10;
	v8 =	vadd.f32 v62, v8  }
0xdf: {  	v58 =	vld.idx.msk [tilespmem:v3+s20+$0x2E30 ss:$0x1], $0xffff;
	v11 =	vadd.f32 v51, v11;
	v7 =	vadd.f32 v21, v7;
	v21 =	vmul.f32 v51, v45  }
0xe0: {  	v16 =	vadd.f32 v37, v16;
	v8 =	vadd.f32 v43, v8;
	v49 =	vld.idx.msk [tilespmem:v3+s20+$0x2DC0 ss:$0x1], $0xffff;
	v55 =	vmul.f32 v23, v45  }
0xe1: {  	v17 =	vadd.f32 v23, v17;
	v23 =	vld.idx.msk [tilespmem:v3+s20+$0x2CD0 ss:$0x1], $0xffff;
	v5 =	vadd.f32 v21, v5;
	v21 =	vmul.f32 v53, v56  }
0xe2: {  	v16 =	vadd.f32 v48, v16;
	v59 =	vmul.f32 v22, v56;
	v20 =	vadd.f32 v22, v20;
	v22 =	vld.idx.msk [tilespmem:v3+s20+$0x2CF0 ss:$0x1], $0xffff  }
0xe3: {  	v63 =	vld.idx.msk [tilespmem:v3+s20+$0x2D00 ss:$0x1], $0xffff;
	v19 =	vadd.f32 v53, v19;
	v12 =	vadd.f32 v21, v12;
	v21 =	vmul.f32 v57, v56  }
0xe4: {  	v35 =	vmul.f32 v61, v56;
	v16 =	vadd.f32 v58, v16;
	v6 =	vadd.f32 v55, v6  }
0xe5: {  	v17 =	vadd.f32 v61, v17;
	v9 =	vadd.f32 v21, v9;
	v21 =	vld.idx.msk [tilespmem:v3+s20+$0x2D10 ss:$0x1], $0xffff  }
0xe6: {  	v47 =	vbroadcast v4, $0xE;
	v45 =	vld.idx.msk [tilespmem:v3+s20+$0x2DA0 ss:$0x1], $0xffff;
	v15 =	vadd.f32 v49, v15;
	v6 =	vadd.f32 v35, v6  }
0xe7: {  	v40 =	vld.idx.msk [tilespmem:v3+s20+$0x2D50 ss:$0x1], $0xffff;
	v33 =	vmul.f32 v23, v56;
	v13 =	vadd.f32 v23, v13;
	v23 =	vmul.f32 v22, v56  }
0xe8: {  	v4 =	vbroadcast v4, $0xF;
	v44 =	vld.idx.msk [tilespmem:v3+s20+$0x2D90 ss:$0x1], $0xffff;
	v14 =	vadd.f32 v59, v14;
	v20 =	vadd.f32 v63, v20  }
0xe9: {  	v42 =	vld.idx.msk [tilespmem:v3+s20+$0x2D70 ss:$0x1], $0xffff;
	v39 =	vmul.f32 v63, v36;
	v11 =	vadd.f32 v22, v11;
	v5 =	vadd.f32 v23, v5  }
0xea: {  	v23 =	vld.idx.msk [tilespmem:v3+s20+$0x2D60 ss:$0x1], $0xffff;
	v22 =	vmul.f32 v21, v36;
	v19 =	vadd.f32 v21, v19;
	v21 =	vmul.f32 v37, v36  }
0xeb: {  	v53 =	vmul.f32 v49, v47;
	v18 =	vadd.f32 v45, v18;
	v59 =	vld.idx.msk [tilespmem:v3+s20+$0x2E40 ss:$0x1], $0xffff;
	v7 =	vadd.f32 v33, v7  }
0xec: {  	v12 =	vadd.f32 v22, v12;
	v22 =	vld.idx.msk [tilespmem:v3+s20+$0x2D80 ss:$0x1], $0xffff;
	v9 =	vadd.f32 v21, v9;
	v21 =	vmul.f32 v40, v36  }
0xed: {  	v51 =	vmul.f32 v45, v47;
	v8 =	vadd.f32 v53, v8;
	v14 =	vadd.f32 v39, v14;
	v56 =	vld.idx.msk [tilespmem:v3+s20+$0x2E20 ss:$0x1], $0xffff  }
0xee: {  	v13 =	vadd.f32 v40, v13;
	v7 =	vadd.f32 v21, v7;
	v21 =	vmul.f32 v42, v36  }
0xef: {  	v52 =	vld.idx.msk [tilespmem:v3+s20+$0x2DE0 ss:$0x1], $0xffff;
	v10 =	vadd.f32 v51, v10;
	v11 =	vadd.f32 v42, v11;
	v46 =	vmul.f32 v23, v36  }
0xf0: {  	v17 =	vadd.f32 v23, v17;
	v23 =	vld.idx.msk [tilespmem:v3+s20+$0x2DD0 ss:$0x1], $0xffff;
	v5 =	vadd.f32 v21, v5;
	v21 =	vmul.f32 v44, v47  }
0xf1: {  	v15 =	vadd.f32 v59, v15;
	v50 =	vmul.f32 v22, v47;
	v20 =	vadd.f32 v22, v20;
	v22 =	vld.idx.msk [tilespmem:v3+s20+$0x2DF0 ss:$0x1], $0xffff  }
0xf2: {  	v62 =	vmul.f32 v56, v4;
	v12 =	vadd.f32 v21, v12;
	v21 =	vmul.f32 v48, v47  }
0xf3: {  	v54 =	vld.idx.msk [tilespmem:v3+s20+$0x2E00 ss:$0x1], $0xffff;
	v19 =	vadd.f32 v44, v19;
	v18 =	vadd.f32 v56, v18  }
0xf4: {  	v10 =	vadd.f32 v62, v10;
	v9 =	vadd.f32 v21, v9;
	v21 =	vld.idx.msk [tilespmem:v3+s20+$0x2E10 ss:$0x1], $0xffff  }
0xf5: {  	v57 =	vmul.f32 v52, v47;
	v6 =	vadd.f32 v46, v6;
	v17 =	vadd.f32 v52, v17  }
0xf6: {  	v61 =	vld.idx.msk [tilespmem:v3+s20+$0x2E50 ss:$0x1], $0xffff;
	v55 =	vmul.f32 v23, v47;
	v13 =	vadd.f32 v23, v13;
	v23 =	vmul.f32 v22, v47  }
0xf7: {  	v63 =	vld.idx.msk [tilespmem:v3+s20+$0x2E70 ss:$0x1], $0xffff;
	v6 =	vadd.f32 v57, v6;
	v14 =	vadd.f32 v50, v14  }
0xf8: {  	v60 =	vmul.f32 v54, v4;
	v20 =	vadd.f32 v54, v20;
	v5 =	vadd.f32 v23, v5;
	v23 =	vld.idx.msk [tilespmem:v3+s20+$0x2E60 ss:$0x1], $0xffff  }
0xf9: {  	v7 =	vadd.f32 v55, v7;
	v11 =	vadd.f32 v22, v11;
	v22 =	vmul.f32 v21, v4  }
0xfa: {  	p1 =	por p0, p0;
	v14 =	vadd.f32 v60, v14;
	v19 =	vadd.f32 v21, v19;
	v21 =	vmul.f32 v58, v4  }
.Ltmp3:
0xfb: {  	v13 =	vadd.f32 v61, v13;
	v12 =	vadd.f32 v22, v12;
	v22 =	vmul.f32 v59, v4;
	(pc) =	sbr.rel @p1 .LBB2_6-.Ltmp3, $4  }
0xfc: {  	v11 =	vadd.f32 v63, v11;
	v9 =	vadd.f32 v21, v9;
	v21 =	vmul.f32 v61, v4  }
0xfd: {  	v8 =	vadd.f32 v22, v8;
	v22 =	vmul.f32 v23, v4;
	v4 =	vmul.f32 v63, v4  }
0xfe: {  	v7 =	vadd.f32 v21, v7;
	v17 =	vadd.f32 v23, v17  }
0xff: {  	s22 =	simm.s32 $0x1;
	p0 =	por $0x0, $0x0;
	v6 =	vadd.f32 v22, v6;
	v5 =	vadd.f32 v4, v5  }
0x100: {  	[tilespmem:s28+$0x280] =	vst v14  }
0x101: {  	[tilespmem:s28+$0x680] =	vst v20  }
0x102: {  	[tilespmem:s21+$0x280] =	vst v12  }
0x103: {  	[tilespmem:s21+$0x680] =	vst v19  }
0x104: {  	[tilespmem:s2+$0x280] =	vst v10  }
0x105: {  	[tilespmem:s2+$0x680] =	vst v18  }
0x106: {  	[tilespmem:s0+$0x280] =	vst v9  }
0x107: {  	[tilespmem:s0+$0x680] =	vst v16  }
0x108: {  	[tilespmem:s30+$0x280] =	vst v8  }
0x109: {  	s25 =	sadd.s32 $0x1, s25;
	[tilespmem:s30+$0x680] =	vst v15  }
0x10a: {  	p0 =	sne.s32 s25, $0x8;
	[tilespmem:s16+$0x280] =	vst v7  }
.Ltmp4:
0x10b: {  	[tilespmem:s16+$0x680] =	vst v13;
	(pc) =	sbr.rel @p0 .LBB2_5-.Ltmp4, $4  }
0x10c: {  	[tilespmem:s31+$0x280] =	vst v6  }
0x10d: {  	[tilespmem:s31+$0x680] =	vst v17  }
0x10e: {  	[tilespmem:s29+$0x280] =	vst v5  }
0x10f: {  	[tilespmem:s29+$0x680] =	vst v11  }
0x110: {  	s25 =	sshll.u32 s24, $0x10;
	p0 =	seq.s32 s24, $0x3  }
0x111: {  	s0 =	sadd.s32 @!p0 s25, s8  }
0x112: {  	s0 =	sshrl.u32 @!p0 s0, $0x3  }
0x113: {  	s2 =	simm.s32 @!p0 $0x0;
	s14 =	simm.s32 @!p0 $0xA80;
	s0 =	sadd.s32 @!p0 s1, s0  }
0x114: {  	[tilespmem:s14], [sflag:$0x1] =	stream.linear.gather @!p0 [hbm4b:s0+s2], $0x8000, $0x38;
	[tilespmem:$0x10A80] =	vst v63  }
0x115: {  	_ =	swait.ge [sflag:s19], $0x8000  }
0x116: {  	s31 =	sadd.s32 $0x120, s26;
	[sflag:s19] =	ssyncset.done $0x0  }
0x117: {  	s26 =	simm.s32 $0x0;
	v1 =	vmov s31;
	[sflag:s19] =	ssyncadd.s32 $0xFFFF8000  }
.LBB2_9:
0x118: {  	s28 =	sshll.u32 s26, $0x7  }
0x119: {  	v14 =	vld [tilespmem:s28+$0x280]  }
0x11a: {  	v12 =	vld [tilespmem:s28+$0x290]  }
0x11b: {  	v10 =	vld [tilespmem:s28+$0x2A0]  }
0x11c: {  	v9 =	vld [tilespmem:s28+$0x2B0]  }
0x11d: {  	v8 =	vld [tilespmem:s28+$0x2C0]  }
0x11e: {  	v7 =	vld [tilespmem:s28+$0x2D0]  }
0x11f: {  	v6 =	vld [tilespmem:s28+$0x2E0]  }
0x120: {  	v5 =	vld [tilespmem:s28+$0x2F0]  }
0x121: {  	v20 =	vld [tilespmem:s28+$0x680]  }
0x122: {  	v19 =	vld [tilespmem:s28+$0x690]  }
0x123: {  	s14 =	sshll.u32 s26, $0xA;
	v18 =	vld [tilespmem:s28+$0x6A0]  }
0x124: {  	v16 =	vld [tilespmem:s28+$0x6B0];
	s20 =	sadd.s32 $0x8A80, s14  }
0x125: {  	v15 =	vld [tilespmem:s28+$0x6C0];
	v2 =	vmov s20  }
0x126: {  	p1 =	por $0x1, $0x1;
	s22 =	simm.s32 $0x0;
	s21 =	sor.u32 $0x10, s28;
	v13 =	vld [tilespmem:s28+$0x6D0]  }
0x127: {  	s0 =	sor.u32 $0x20, s28;
	s2 =	sor.u32 $0x30, s28;
	s30 =	sor.u32 $0x40, s28;
	v17 =	vld [tilespmem:s28+$0x6E0]  }
0x128: {  	s16 =	sor.u32 $0x50, s28;
	s31 =	sor.u32 $0x60, s28;
	s29 =	sor.u32 $0x70, s28;
	v11 =	vld [tilespmem:s28+$0x6F0];
	v3 =	vmov s14  }
.LBB2_10:
0x129: {  	s20 =	sshll.u32 s22, $0xE  }
0x12a: {  	v21 =	vld.idx.msk [tilespmem:v2+s20+$0x0 ss:$0x1], $0xffff  }
0x12b: {  	v22 =	vld.idx.msk [tilespmem:v2+s20+$0x10 ss:$0x1], $0xffff  }
0x12c: {  	v23 =	vld.idx.msk [tilespmem:v2+s20+$0x20 ss:$0x1], $0xffff  }
0x12d: {  	v25 =	vld.idx.msk [tilespmem:v2+s20+$0x30 ss:$0x1], $0xffff  }
0x12e: {  	v26 =	vld.idx.msk [tilespmem:v2+s20+$0x40 ss:$0x1], $0xffff  }
0x12f: {  	v29 =	vld.idx.msk [tilespmem:v2+s20+$0x50 ss:$0x1], $0xffff  }
0x130: {  	v30 =	vld.idx.msk [tilespmem:v2+s20+$0x60 ss:$0x1], $0xffff  }
0x131: {  	v51 =	vld.idx.msk [tilespmem:v2+s20+$0x70 ss:$0x1], $0xffff  }
0x132: {  	v52 =	vld.idx.msk [tilespmem:v2+s20+$0x80 ss:$0x1], $0xffff  }
0x133: {  	v31 =	vld.idx.msk [tilespmem:v2+s20+$0xB0 ss:$0x1], $0xffff  }
0x134: {  	s14 =	sshll.u32 s22, $0x4;
	v55 =	vld.idx.msk [tilespmem:v2+s20+$0xC0 ss:$0x1], $0xffff  }
0x135: {  	s14 =	sand.u32 $0x3FFFFFF0, s14;
	v57 =	vld.idx.msk [tilespmem:v2+s20+$0xD0 ss:$0x1], $0xffff  }
0x136: {  	v4 =	vld.idx.msk [tilespmem:v1+s14+$0x0 ss:$0x1], $0xffff  }
0x137: {  	v58 =	vld.idx.msk [tilespmem:v2+s20+$0xE0 ss:$0x1], $0xffff;
	v20 =	vadd.f32 v21, v20  }
0x138: {  	v60 =	vld.idx.msk [tilespmem:v2+s20+$0xF0 ss:$0x1], $0xffff;
	v19 =	vadd.f32 v22, v19;
	v18 =	vadd.f32 v23, v18  }
0x139: {  	v32 =	vld.idx.msk [tilespmem:v2+s20+$0x130 ss:$0x1], $0xffff;
	v16 =	vadd.f32 v25, v16;
	v15 =	vadd.f32 v26, v15  }
0x13a: {  	v35 =	vld.idx.msk [tilespmem:v2+s20+$0x140 ss:$0x1], $0xffff;
	v13 =	vadd.f32 v29, v13;
	v17 =	vadd.f32 v30, v17  }
0x13b: {  	v36 =	vld.idx.msk [tilespmem:v2+s20+$0x150 ss:$0x1], $0xffff;
	v11 =	vadd.f32 v51, v11;
	v24 =	vbroadcast v4, $0x0;
	v54 =	vbroadcast v4, $0x1  }
0x13c: {  	v37 =	vld.idx.msk [tilespmem:v2+s20+$0x160 ss:$0x1], $0xffff;
	v63 =	vbroadcast v4, $0x2;
	v20 =	vadd.f32 v52, v20;
	v16 =	vadd.f32 v31, v16  }
0x13d: {  	v41 =	vbroadcast v4, $0x3;
	v15 =	vadd.f32 v55, v15;
	v13 =	vadd.f32 v57, v13  }
0x13e: {  	v38 =	vld.idx.msk [tilespmem:v2+s20+$0x180 ss:$0x1], $0xffff;
	v17 =	vadd.f32 v58, v17;
	v27 =	vmul.f32 v21, v24;
	v28 =	vmul.f32 v22, v24  }
0x13f: {  	v42 =	vld.idx.msk [tilespmem:v2+s20+$0x1B0 ss:$0x1], $0xffff;
	v11 =	vadd.f32 v60, v11;
	v50 =	vmul.f32 v23, v24;
	v21 =	vmul.f32 v25, v24  }
0x140: {  	v43 =	vld.idx.msk [tilespmem:v2+s20+$0x1C0 ss:$0x1], $0xffff;
	v22 =	vmul.f32 v26, v24;
	v16 =	vadd.f32 v32, v16;
	v15 =	vadd.f32 v35, v15  }
0x141: {  	v45 =	vld.idx.msk [tilespmem:v2+s20+$0x1D0 ss:$0x1], $0xffff;
	v53 =	vmul.f32 v30, v24;
	v13 =	vadd.f32 v36, v13;
	v17 =	vadd.f32 v37, v17  }
0x142: {  	v23 =	vld.idx.msk [tilespmem:v2+s20+$0xA0 ss:$0x1], $0xffff;
	v56 =	vmul.f32 v52, v54;
	v14 =	vadd.f32 v27, v14;
	v12 =	vadd.f32 v28, v12  }
0x143: {  	v9 =	vadd.f32 v21, v9;
	v21 =	vld.idx.msk [tilespmem:v2+s20+$0x90 ss:$0x1], $0xffff;
	v8 =	vadd.f32 v22, v8;
	v22 =	vmul.f32 v29, v24  }
0x144: {  	v40 =	vmul.f32 v37, v63;
	v10 =	vadd.f32 v50, v10;
	v6 =	vadd.f32 v53, v6  }
0x145: {  	v61 =	vld.idx.msk [tilespmem:v2+s20+$0x110 ss:$0x1], $0xffff;
	v16 =	vadd.f32 v42, v16;
	v7 =	vadd.f32 v22, v7;
	v22 =	vmul.f32 v51, v24  }
0x146: {  	v62 =	vld.idx.msk [tilespmem:v2+s20+$0x120 ss:$0x1], $0xffff;
	v44 =	vmul.f32 v38, v41;
	v15 =	vadd.f32 v43, v15;
	v13 =	vadd.f32 v45, v13  }
0x147: {  	v53 =	vld.idx.msk [tilespmem:v2+s20+$0x230 ss:$0x1], $0xffff;
	v14 =	vadd.f32 v56, v14;
	v59 =	vmul.f32 v23, v54;
	v5 =	vadd.f32 v22, v5  }
0x148: {  	v39 =	vld.idx.msk [tilespmem:v2+s20+$0x1A0 ss:$0x1], $0xffff;
	v22 =	vmul.f32 v21, v54;
	v19 =	vadd.f32 v21, v19;
	v21 =	vmul.f32 v31, v54  }
0x149: {  	v50 =	vld.idx.msk [tilespmem:v2+s20+$0x220 ss:$0x1], $0xffff;
	v18 =	vadd.f32 v23, v18;
	v23 =	vmul.f32 v55, v54;
	v10 =	vadd.f32 v59, v10  }
0x14a: {  	v12 =	vadd.f32 v22, v12;
	v22 =	vld.idx.msk [tilespmem:v2+s20+$0x100 ss:$0x1], $0xffff;
	v9 =	vadd.f32 v21, v9;
	v21 =	vmul.f32 v57, v54  }
0x14b: {  	v8 =	vadd.f32 v23, v8;
	v23 =	vmul.f32 v58, v54;
	v18 =	vadd.f32 v62, v18  }
0x14c: {  	v16 =	vadd.f32 v53, v16;
	v7 =	vadd.f32 v21, v7;
	v21 =	vmul.f32 v60, v54  }
0x14d: {  	v46 =	vmul.f32 v39, v41;
	v6 =	vadd.f32 v23, v6;
	v18 =	vadd.f32 v39, v18;
	v54 =	vld.idx.msk [tilespmem:v2+s20+$0x240 ss:$0x1], $0xffff  }
0x14e: {  	v19 =	vadd.f32 v61, v19;
	v5 =	vadd.f32 v21, v5;
	v21 =	vmul.f32 v61, v63  }
0x14f: {  	v6 =	vadd.f32 v40, v6;
	v18 =	vadd.f32 v50, v18;
	v61 =	vld.idx.msk [tilespmem:v2+s20+$0x2A0 ss:$0x1], $0xffff;
	v23 =	vmul.f32 v22, v63  }
0x150: {  	v48 =	vmul.f32 v43, v41;
	v20 =	vadd.f32 v22, v20;
	v22 =	vld.idx.msk [tilespmem:v2+s20+$0x170 ss:$0x1], $0xffff;
	v12 =	vadd.f32 v21, v12  }
0x151: {  	v37 =	vld.idx.msk [tilespmem:v2+s20+$0x2C0 ss:$0x1], $0xffff;
	v21 =	vmul.f32 v32, v63;
	v14 =	vadd.f32 v23, v14;
	v23 =	vmul.f32 v62, v63  }
0x152: {  	v47 =	vld.idx.msk [tilespmem:v2+s20+$0x1F0 ss:$0x1], $0xffff;
	v52 =	vbroadcast v4, $0x4;
	v20 =	vadd.f32 v38, v20;
	v15 =	vadd.f32 v54, v15  }
0x153: {  	v9 =	vadd.f32 v21, v9;
	v21 =	vld.idx.msk [tilespmem:v2+s20+$0x190 ss:$0x1], $0xffff;
	v10 =	vadd.f32 v23, v10;
	v23 =	vmul.f32 v35, v63  }
0x154: {  	v56 =	vmul.f32 v50, v52;
	v14 =	vadd.f32 v44, v14;
	v18 =	vadd.f32 v61, v18  }
0x155: {  	v44 =	vld.idx.msk [tilespmem:v2+s20+$0x320 ss:$0x1], $0xffff;
	v11 =	vadd.f32 v22, v11;
	v8 =	vadd.f32 v23, v8;
	v23 =	vmul.f32 v36, v63  }
0x156: {  	v58 =	vmul.f32 v54, v52;
	v15 =	vadd.f32 v37, v15;
	v10 =	vadd.f32 v46, v10  }
0x157: {  	v49 =	vld.idx.msk [tilespmem:v2+s20+$0x210 ss:$0x1], $0xffff;
	v46 =	vbroadcast v4, $0x6;
	v11 =	vadd.f32 v47, v11;
	v7 =	vadd.f32 v23, v7  }
0x158: {  	v36 =	vld.idx.msk [tilespmem:v2+s20+$0x2B0 ss:$0x1], $0xffff;
	v23 =	vmul.f32 v22, v63;
	v22 =	vmul.f32 v21, v41;
	v19 =	vadd.f32 v21, v19  }
0x159: {  	v59 =	vld.idx.msk [tilespmem:v2+s20+$0x280 ss:$0x1], $0xffff;
	v21 =	vmul.f32 v42, v41;
	v8 =	vadd.f32 v48, v8;
	v10 =	vadd.f32 v56, v10  }
0x15a: {  	v63 =	vbroadcast v4, $0x5;
	v48 =	vld.idx.msk [tilespmem:v2+s20+$0x340 ss:$0x1], $0xffff;
	v18 =	vadd.f32 v44, v18;
	v5 =	vadd.f32 v23, v5  }
0x15b: {  	v50 =	vmul.f32 v44, v46;
	v23 =	vld.idx.msk [tilespmem:v2+s20+$0x1E0 ss:$0x1], $0xffff;
	v12 =	vadd.f32 v22, v12;
	v9 =	vadd.f32 v21, v9  }
0x15c: {  	v22 =	vld.idx.msk [tilespmem:v2+s20+$0x200 ss:$0x1], $0xffff;
	v21 =	vmul.f32 v45, v41;
	v19 =	vadd.f32 v49, v19;
	v40 =	vmul.f32 v61, v63  }
0x15d: {  	v57 =	vld.idx.msk [tilespmem:v2+s20+$0x260 ss:$0x1], $0xffff;
	v8 =	vadd.f32 v58, v8;
	v42 =	vmul.f32 v37, v63;
	v16 =	vadd.f32 v36, v16  }
0x15e: {  	v39 =	vld.idx.msk [tilespmem:v2+s20+$0x2D0 ss:$0x1], $0xffff;
	v7 =	vadd.f32 v21, v7;
	v21 =	vmul.f32 v47, v41;
	v10 =	vadd.f32 v40, v10  }
0x15f: {  	v58 =	vld.idx.msk [tilespmem:v2+s20+$0x3B0 ss:$0x1], $0xffff;
	v8 =	vadd.f32 v42, v8;
	v15 =	vadd.f32 v48, v15  }
0x160: {  	v47 =	vld.idx.msk [tilespmem:v2+s20+$0x330 ss:$0x1], $0xffff;
	v5 =	vadd.f32 v21, v5;
	v21 =	vmul.f32 v49, v52;
	v10 =	vadd.f32 v50, v10  }
0x161: {  	v51 =	vmul.f32 v23, v41;
	v55 =	vmul.f32 v22, v52;
	v17 =	vadd.f32 v23, v17;
	v23 =	vld.idx.msk [tilespmem:v2+s20+$0x250 ss:$0x1], $0xffff  }
0x162: {  	v62 =	vmul.f32 v57, v52;
	v20 =	vadd.f32 v22, v20;
	v22 =	vld.idx.msk [tilespmem:v2+s20+$0x270 ss:$0x1], $0xffff;
	v12 =	vadd.f32 v21, v12  }
0x163: {  	v41 =	vld.idx.msk [tilespmem:v2+s20+$0x2F0 ss:$0x1], $0xffff;
	v21 =	vmul.f32 v53, v52;
	v6 =	vadd.f32 v51, v6;
	v14 =	vadd.f32 v55, v14  }
0x164: {  	v38 =	vmul.f32 v59, v63;
	v17 =	vadd.f32 v57, v17;
	v20 =	vadd.f32 v59, v20;
	v51 =	vld.idx.msk [tilespmem:v2+s20+$0x360 ss:$0x1], $0xffff  }
0x165: {  	v16 =	vadd.f32 v47, v16;
	v55 =	vld.idx.msk [tilespmem:v2+s20+$0x3A0 ss:$0x1], $0xffff;
	v9 =	vadd.f32 v21, v9  }
0x166: {  	v59 =	vld.idx.msk [tilespmem:v2+s20+$0x3C0 ss:$0x1], $0xffff;
	v6 =	vadd.f32 v62, v6;
	v14 =	vadd.f32 v38, v14  }
0x167: {  	v21 =	vld.idx.msk [tilespmem:v2+s20+$0x290 ss:$0x1], $0xffff;
	v60 =	vmul.f32 v23, v52;
	v13 =	vadd.f32 v23, v13;
	v23 =	vmul.f32 v22, v52  }
0x168: {  	v43 =	vld.idx.msk [tilespmem:v2+s20+$0x310 ss:$0x1], $0xffff;
	v57 =	vbroadcast v4, $0x7;
	v16 =	vadd.f32 v58, v16;
	v11 =	vadd.f32 v22, v11  }
0x169: {  	v38 =	vld.idx.msk [tilespmem:v3+s20+$0xAAA0 ss:$0x1], $0xffff;
	v52 =	vmul.f32 v48, v46;
	v7 =	vadd.f32 v60, v7;
	v5 =	vadd.f32 v23, v5  }
0x16a: {  	v40 =	vbroadcast v4, $0x8;
	v42 =	vld.idx.msk [tilespmem:v3+s20+$0xAAC0 ss:$0x1], $0xffff;
	v13 =	vadd.f32 v39, v13;
	v11 =	vadd.f32 v41, v11  }
0x16b: {  	v23 =	vld.idx.msk [tilespmem:v2+s20+$0x2E0 ss:$0x1], $0xffff;
	v8 =	vadd.f32 v52, v8;
	v56 =	vmul.f32 v51, v46;
	v62 =	vmul.f32 v55, v57  }
0x16c: {  	v18 =	vadd.f32 v55, v18;
	v15 =	vadd.f32 v59, v15;
	v22 =	vmul.f32 v21, v63  }
0x16d: {  	v53 =	vld.idx.msk [tilespmem:v2+s20+$0x380 ss:$0x1], $0xffff;
	v19 =	vadd.f32 v21, v19;
	v21 =	vmul.f32 v36, v63;
	v36 =	vmul.f32 v59, v57  }
0x16e: {  	v10 =	vadd.f32 v62, v10;
	v44 =	vmul.f32 v38, v40;
	v18 =	vadd.f32 v38, v18  }
0x16f: {  	v12 =	vadd.f32 v22, v12;
	v22 =	vld.idx.msk [tilespmem:v2+s20+$0x300 ss:$0x1], $0xffff;
	v9 =	vadd.f32 v21, v9;
	v21 =	vmul.f32 v39, v63  }
0x170: {  	v61 =	vld.idx.msk [tilespmem:v2+s20+$0x3D0 ss:$0x1], $0xffff;
	v15 =	vadd.f32 v42, v15;
	v19 =	vadd.f32 v43, v19;
	v45 =	vmul.f32 v23, v63  }
0x171: {  	v7 =	vadd.f32 v21, v7;
	v21 =	vmul.f32 v41, v63;
	v17 =	vadd.f32 v23, v17;
	v23 =	vld.idx.msk [tilespmem:v2+s20+$0x350 ss:$0x1], $0xffff  }
0x172: {  	v60 =	vmul.f32 v53, v57;
	v8 =	vadd.f32 v36, v8;
	v10 =	vadd.f32 v44, v10;
	v41 =	vld.idx.msk [tilespmem:v3+s20+$0xAAB0 ss:$0x1], $0xffff  }
0x173: {  	v52 =	vld.idx.msk [tilespmem:v3+s20+$0xAB30 ss:$0x1], $0xffff;
	v6 =	vadd.f32 v45, v6;
	v5 =	vadd.f32 v21, v5;
	v21 =	vmul.f32 v43, v46  }
0x174: {  	v17 =	vadd.f32 v51, v17;
	v49 =	vmul.f32 v22, v46;
	v20 =	vadd.f32 v22, v20;
	v22 =	vld.idx.msk [tilespmem:v2+s20+$0x370 ss:$0x1], $0xffff  }
0x175: {  	v63 =	vld.idx.msk [tilespmem:v2+s20+$0x3F0 ss:$0x1], $0xffff;
	v12 =	vadd.f32 v21, v12;
	v21 =	vmul.f32 v47, v46;
	v6 =	vadd.f32 v56, v6  }
0x176: {  	v45 =	vld.idx.msk [tilespmem:v3+s20+$0xAAE0 ss:$0x1], $0xffff;
	v14 =	vadd.f32 v49, v14;
	v54 =	vmul.f32 v23, v46;
	v13 =	vadd.f32 v23, v13  }
0x177: {  	v62 =	vbroadcast v4, $0xA;
	v20 =	vadd.f32 v53, v20;
	v16 =	vadd.f32 v41, v16;
	v49 =	vld.idx.msk [tilespmem:v3+s20+$0xAB20 ss:$0x1], $0xffff  }
0x178: {  	v51 =	vbroadcast v4, $0x9;
	v9 =	vadd.f32 v21, v9;
	v21 =	vld.idx.msk [tilespmem:v2+s20+$0x390 ss:$0x1], $0xffff;
	v7 =	vadd.f32 v54, v7  }
0x179: {  	v53 =	vld.idx.msk [tilespmem:v3+s20+$0xAB40 ss:$0x1], $0xffff;
	v14 =	vadd.f32 v60, v14;
	v23 =	vmul.f32 v22, v46;
	v11 =	vadd.f32 v22, v11  }
0x17a: {  	v36 =	vld.idx.msk [tilespmem:v3+s20+$0xABC0 ss:$0x1], $0xffff;
	v13 =	vadd.f32 v61, v13;
	v16 =	vadd.f32 v52, v16;
	v46 =	vmul.f32 v42, v40  }
0x17b: {  	v50 =	vmul.f32 v45, v40;
	v60 =	vld.idx.msk [tilespmem:v3+s20+$0xABA0 ss:$0x1], $0xffff;
	v5 =	vadd.f32 v23, v5;
	v11 =	vadd.f32 v63, v11  }
0x17c: {  	v37 =	vld.idx.msk [tilespmem:v3+s20+$0xAA90 ss:$0x1], $0xffff;
	v8 =	vadd.f32 v46, v8;
	v56 =	vmul.f32 v49, v51;
	v18 =	vadd.f32 v49, v18  }
0x17d: {  	v23 =	vld.idx.msk [tilespmem:v2+s20+$0x3E0 ss:$0x1], $0xffff;
	v22 =	vmul.f32 v21, v57;
	v19 =	vadd.f32 v21, v19;
	v21 =	vmul.f32 v58, v57  }
0x17e: {  	v15 =	vadd.f32 v53, v15;
	v58 =	vmul.f32 v53, v51;
	v10 =	vadd.f32 v56, v10  }
0x17f: {  	v12 =	vadd.f32 v22, v12;
	v22 =	vld.idx.msk [tilespmem:v3+s20+$0xAA80 ss:$0x1], $0xffff;
	v9 =	vadd.f32 v21, v9;
	v21 =	vmul.f32 v61, v57  }
0x180: {  	v47 =	vld.idx.msk [tilespmem:v3+s20+$0xAB00 ss:$0x1], $0xffff;
	v38 =	vmul.f32 v60, v62;
	v18 =	vadd.f32 v60, v18;
	v15 =	vadd.f32 v36, v15  }
0x181: {  	v55 =	vld.idx.msk [tilespmem:v3+s20+$0xAB50 ss:$0x1], $0xffff;
	v19 =	vadd.f32 v37, v19;
	v7 =	vadd.f32 v21, v7;
	v21 =	vmul.f32 v63, v57  }
0x182: {  	v8 =	vadd.f32 v58, v8;
	v39 =	vmul.f32 v23, v57;
	v17 =	vadd.f32 v23, v17;
	v23 =	vld.idx.msk [tilespmem:v3+s20+$0xAAD0 ss:$0x1], $0xffff  }
0x183: {  	v10 =	vadd.f32 v38, v10;
	v63 =	vld.idx.msk [tilespmem:v3+s20+$0xABB0 ss:$0x1], $0xffff;
	v5 =	vadd.f32 v21, v5;
	v21 =	vmul.f32 v37, v40  }
0x184: {  	v6 =	vadd.f32 v39, v6;
	v43 =	vmul.f32 v22, v40;
	v20 =	vadd.f32 v22, v20;
	v22 =	vld.idx.msk [tilespmem:v3+s20+$0xAAF0 ss:$0x1], $0xffff  }
0x185: {  	v54 =	vmul.f32 v47, v51;
	v46 =	vld.idx.msk [tilespmem:v3+s20+$0xAC30 ss:$0x1], $0xffff;
	v17 =	vadd.f32 v45, v17;
	v12 =	vadd.f32 v21, v12  }
0x186: {  	v57 =	vld.idx.msk [tilespmem:v3+s20+$0xAB70 ss:$0x1], $0xffff;
	v21 =	vmul.f32 v41, v40;
	v6 =	vadd.f32 v50, v6;
	v14 =	vadd.f32 v43, v14  }
0x187: {  	v48 =	vmul.f32 v23, v40;
	v13 =	vadd.f32 v23, v13;
	v20 =	vadd.f32 v47, v20;
	v43 =	vld.idx.msk [tilespmem:v3+s20+$0xAC20 ss:$0x1], $0xffff  }
0x188: {  	v45 =	vbroadcast v4, $0xB;
	v16 =	vadd.f32 v63, v16;
	v9 =	vadd.f32 v21, v9;
	v21 =	vld.idx.msk [tilespmem:v3+s20+$0xAB10 ss:$0x1], $0xffff  }
0x189: {  	v47 =	vld.idx.msk [tilespmem:v3+s20+$0xAC40 ss:$0x1], $0xffff;
	v7 =	vadd.f32 v48, v7;
	v14 =	vadd.f32 v54, v14;
	v23 =	vmul.f32 v22, v40  }
0x18a: {  	v59 =	vld.idx.msk [tilespmem:v3+s20+$0xAB90 ss:$0x1], $0xffff;
	v13 =	vadd.f32 v55, v13;
	v11 =	vadd.f32 v22, v11;
	v40 =	vmul.f32 v36, v62  }
0x18b: {  	v56 =	vbroadcast v4, $0xC;
	v16 =	vadd.f32 v46, v16;
	v54 =	vld.idx.msk [tilespmem:v3+s20+$0xACA0 ss:$0x1], $0xffff;
	v5 =	vadd.f32 v23, v5  }
0x18c: {  	v58 =	vld.idx.msk [tilespmem:v3+s20+$0xACC0 ss:$0x1], $0xffff;
	v11 =	vadd.f32 v57, v11;
	v8 =	vadd.f32 v40, v8;
	v50 =	vmul.f32 v43, v45  }
0x18d: {  	v23 =	vld.idx.msk [tilespmem:v3+s20+$0xAB60 ss:$0x1], $0xffff;
	v22 =	vmul.f32 v21, v51;
	v19 =	vadd.f32 v21, v19;
	v21 =	vmul.f32 v52, v51  }
0x18e: {  	v34 =	vld.idx.msk [tilespmem:v3+s20+$0xAD20 ss:$0x1], $0xffff;
	v18 =	vadd.f32 v43, v18;
	v15 =	vadd.f32 v47, v15;
	v52 =	vmul.f32 v47, v45  }
0x18f: {  	v12 =	vadd.f32 v22, v12;
	v22 =	vld.idx.msk [tilespmem:v3+s20+$0xAB80 ss:$0x1], $0xffff;
	v9 =	vadd.f32 v21, v9;
	v21 =	vmul.f32 v55, v51  }
0x190: {  	v38 =	vld.idx.msk [tilespmem:v3+s20+$0xAD40 ss:$0x1], $0xffff;
	v10 =	vadd.f32 v50, v10;
	v60 =	vmul.f32 v54, v56;
	v18 =	vadd.f32 v54, v18  }
0x191: {  	v39 =	vld.idx.msk [tilespmem:v3+s20+$0xABE0 ss:$0x1], $0xffff;
	v15 =	vadd.f32 v58, v15;
	v7 =	vadd.f32 v21, v7;
	v21 =	vmul.f32 v57, v51  }
0x192: {  	v41 =	vld.idx.msk [tilespmem:v3+s20+$0xAC00 ss:$0x1], $0xffff;
	v19 =	vadd.f32 v59, v19;
	v8 =	vadd.f32 v52, v8;
	v61 =	vmul.f32 v23, v51  }
0x193: {  	v17 =	vadd.f32 v23, v17;
	v23 =	vld.idx.msk [tilespmem:v3+s20+$0xABD0 ss:$0x1], $0xffff;
	v5 =	vadd.f32 v21, v5;
	v21 =	vmul.f32 v59, v62  }
0x194: {  	v10 =	vadd.f32 v60, v10;
	v37 =	vmul.f32 v22, v62;
	v20 =	vadd.f32 v22, v20;
	v22 =	vld.idx.msk [tilespmem:v3+s20+$0xABF0 ss:$0x1], $0xffff  }
0x195: {  	v18 =	vadd.f32 v34, v18;
	v57 =	vld.idx.msk [tilespmem:v3+s20+$0xACB0 ss:$0x1], $0xffff;
	v12 =	vadd.f32 v21, v12;
	v21 =	vmul.f32 v63, v62  }
0x196: {  	v44 =	vmul.f32 v39, v62;
	v15 =	vadd.f32 v38, v15;
	v6 =	vadd.f32 v61, v6  }
0x197: {  	v36 =	vbroadcast v4, $0xD;
	v17 =	vadd.f32 v39, v17;
	v9 =	vadd.f32 v21, v9;
	v21 =	vld.idx.msk [tilespmem:v3+s20+$0xAC10 ss:$0x1], $0xffff  }
0x198: {  	v49 =	vld.idx.msk [tilespmem:v3+s20+$0xAC50 ss:$0x1], $0xffff;
	v6 =	vadd.f32 v44, v6;
	v14 =	vadd.f32 v37, v14;
	v42 =	vmul.f32 v23, v62  }
0x199: {  	v53 =	vld.idx.msk [tilespmem:v3+s20+$0xAC90 ss:$0x1], $0xffff;
	v13 =	vadd.f32 v23, v13;
	v20 =	vadd.f32 v41, v20;
	v23 =	vmul.f32 v22, v62  }
0x19a: {  	v48 =	vmul.f32 v41, v45;
	v51 =	vld.idx.msk [tilespmem:v3+s20+$0xAC70 ss:$0x1], $0xffff;
	v16 =	vadd.f32 v57, v16;
	v7 =	vadd.f32 v42, v7  }
0x19b: {  	v37 =	vld.idx.msk [tilespmem:v3+s20+$0xAD30 ss:$0x1], $0xffff;
	v41 =	vmul.f32 v34, v36;
	v11 =	vadd.f32 v22, v11;
	v5 =	vadd.f32 v23, v5  }
0x19c: {  	v23 =	vld.idx.msk [tilespmem:v3+s20+$0xAC60 ss:$0x1], $0xffff;
	v22 =	vmul.f32 v21, v45;
	v19 =	vadd.f32 v21, v19;
	v21 =	vmul.f32 v46, v45  }
0x19d: {  	v14 =	vadd.f32 v48, v14;
	v13 =	vadd.f32 v49, v13;
	v48 =	vld.idx.msk [tilespmem:v3+s20+$0xADB0 ss:$0x1], $0xffff;
	v62 =	vmul.f32 v58, v56  }
0x19e: {  	v12 =	vadd.f32 v22, v12;
	v22 =	vld.idx.msk [tilespmem:v3+s20+$0xAC80 ss:$0x1], $0xffff;
	v9 =	vadd.f32 v21, v9;
	v21 =	vmul.f32 v49, v45  }
0x19f: {  	v43 =	vmul.f32 v38, v36;
	v61 =	vld.idx.msk [tilespmem:v3+s20+$0xACE0 ss:$0x1], $0xffff;
	v10 =	vadd.f32 v41, v10;
	v8 =	vadd.f32 v62, v8  }
0x1a0: {  	v58 =	vld.idx.msk [tilespmem:v3+s20+$0xAE30 ss:$0x1], $0xffff;
	v11 =	vadd.f32 v51, v11;
	v7 =	vadd.f32 v21, v7;
	v21 =	vmul.f32 v51, v45  }
0x1a1: {  	v16 =	vadd.f32 v37, v16;
	v8 =	vadd.f32 v43, v8;
	v49 =	vld.idx.msk [tilespmem:v3+s20+$0xADC0 ss:$0x1], $0xffff;
	v55 =	vmul.f32 v23, v45  }
0x1a2: {  	v17 =	vadd.f32 v23, v17;
	v23 =	vld.idx.msk [tilespmem:v3+s20+$0xACD0 ss:$0x1], $0xffff;
	v5 =	vadd.f32 v21, v5;
	v21 =	vmul.f32 v53, v56  }
0x1a3: {  	v16 =	vadd.f32 v48, v16;
	v59 =	vmul.f32 v22, v56;
	v20 =	vadd.f32 v22, v20;
	v22 =	vld.idx.msk [tilespmem:v3+s20+$0xACF0 ss:$0x1], $0xffff  }
0x1a4: {  	v63 =	vld.idx.msk [tilespmem:v3+s20+$0xAD00 ss:$0x1], $0xffff;
	v19 =	vadd.f32 v53, v19;
	v12 =	vadd.f32 v21, v12;
	v21 =	vmul.f32 v57, v56  }
0x1a5: {  	v35 =	vmul.f32 v61, v56;
	v16 =	vadd.f32 v58, v16;
	v6 =	vadd.f32 v55, v6  }
0x1a6: {  	v17 =	vadd.f32 v61, v17;
	v9 =	vadd.f32 v21, v9;
	v21 =	vld.idx.msk [tilespmem:v3+s20+$0xAD10 ss:$0x1], $0xffff  }
0x1a7: {  	v47 =	vbroadcast v4, $0xE;
	v45 =	vld.idx.msk [tilespmem:v3+s20+$0xADA0 ss:$0x1], $0xffff;
	v15 =	vadd.f32 v49, v15;
	v6 =	vadd.f32 v35, v6  }
0x1a8: {  	v40 =	vld.idx.msk [tilespmem:v3+s20+$0xAD50 ss:$0x1], $0xffff;
	v33 =	vmul.f32 v23, v56;
	v13 =	vadd.f32 v23, v13;
	v23 =	vmul.f32 v22, v56  }
0x1a9: {  	v4 =	vbroadcast v4, $0xF;
	v44 =	vld.idx.msk [tilespmem:v3+s20+$0xAD90 ss:$0x1], $0xffff;
	v14 =	vadd.f32 v59, v14;
	v20 =	vadd.f32 v63, v20  }
0x1aa: {  	v42 =	vld.idx.msk [tilespmem:v3+s20+$0xAD70 ss:$0x1], $0xffff;
	v39 =	vmul.f32 v63, v36;
	v11 =	vadd.f32 v22, v11;
	v5 =	vadd.f32 v23, v5  }
0x1ab: {  	v23 =	vld.idx.msk [tilespmem:v3+s20+$0xAD60 ss:$0x1], $0xffff;
	v22 =	vmul.f32 v21, v36;
	v19 =	vadd.f32 v21, v19;
	v21 =	vmul.f32 v37, v36  }
0x1ac: {  	v53 =	vmul.f32 v49, v47;
	v18 =	vadd.f32 v45, v18;
	v59 =	vld.idx.msk [tilespmem:v3+s20+$0xAE40 ss:$0x1], $0xffff;
	v7 =	vadd.f32 v33, v7  }
0x1ad: {  	v12 =	vadd.f32 v22, v12;
	v22 =	vld.idx.msk [tilespmem:v3+s20+$0xAD80 ss:$0x1], $0xffff;
	v9 =	vadd.f32 v21, v9;
	v21 =	vmul.f32 v40, v36  }
0x1ae: {  	v51 =	vmul.f32 v45, v47;
	v8 =	vadd.f32 v53, v8;
	v14 =	vadd.f32 v39, v14;
	v56 =	vld.idx.msk [tilespmem:v3+s20+$0xAE20 ss:$0x1], $0xffff  }
0x1af: {  	v13 =	vadd.f32 v40, v13;
	v7 =	vadd.f32 v21, v7;
	v21 =	vmul.f32 v42, v36  }
0x1b0: {  	v52 =	vld.idx.msk [tilespmem:v3+s20+$0xADE0 ss:$0x1], $0xffff;
	v10 =	vadd.f32 v51, v10;
	v11 =	vadd.f32 v42, v11;
	v46 =	vmul.f32 v23, v36  }
0x1b1: {  	v17 =	vadd.f32 v23, v17;
	v23 =	vld.idx.msk [tilespmem:v3+s20+$0xADD0 ss:$0x1], $0xffff;
	v5 =	vadd.f32 v21, v5;
	v21 =	vmul.f32 v44, v47  }
0x1b2: {  	v15 =	vadd.f32 v59, v15;
	v50 =	vmul.f32 v22, v47;
	v20 =	vadd.f32 v22, v20;
	v22 =	vld.idx.msk [tilespmem:v3+s20+$0xADF0 ss:$0x1], $0xffff  }
0x1b3: {  	v62 =	vmul.f32 v56, v4;
	v12 =	vadd.f32 v21, v12;
	v21 =	vmul.f32 v48, v47  }
0x1b4: {  	v54 =	vld.idx.msk [tilespmem:v3+s20+$0xAE00 ss:$0x1], $0xffff;
	v19 =	vadd.f32 v44, v19;
	v18 =	vadd.f32 v56, v18  }
0x1b5: {  	v10 =	vadd.f32 v62, v10;
	v9 =	vadd.f32 v21, v9;
	v21 =	vld.idx.msk [tilespmem:v3+s20+$0xAE10 ss:$0x1], $0xffff  }
0x1b6: {  	v57 =	vmul.f32 v52, v47;
	v6 =	vadd.f32 v46, v6;
	v17 =	vadd.f32 v52, v17  }
0x1b7: {  	v61 =	vld.idx.msk [tilespmem:v3+s20+$0xAE50 ss:$0x1], $0xffff;
	v55 =	vmul.f32 v23, v47;
	v13 =	vadd.f32 v23, v13;
	v23 =	vmul.f32 v22, v47  }
0x1b8: {  	v63 =	vld.idx.msk [tilespmem:v3+s20+$0xAE70 ss:$0x1], $0xffff;
	v6 =	vadd.f32 v57, v6;
	v14 =	vadd.f32 v50, v14  }
0x1b9: {  	v60 =	vmul.f32 v54, v4;
	v20 =	vadd.f32 v54, v20;
	v5 =	vadd.f32 v23, v5;
	v23 =	vld.idx.msk [tilespmem:v3+s20+$0xAE60 ss:$0x1], $0xffff  }
0x1ba: {  	v7 =	vadd.f32 v55, v7;
	v11 =	vadd.f32 v22, v11;
	v22 =	vmul.f32 v21, v4  }
0x1bb: {  	p2 =	por p1, p1;
	v14 =	vadd.f32 v60, v14;
	v19 =	vadd.f32 v21, v19;
	v21 =	vmul.f32 v58, v4  }
.Ltmp5:
0x1bc: {  	v13 =	vadd.f32 v61, v13;
	v12 =	vadd.f32 v22, v12;
	v22 =	vmul.f32 v59, v4;
	(pc) =	sbr.rel @p2 .LBB2_10-.Ltmp5, $4  }
0x1bd: {  	v11 =	vadd.f32 v63, v11;
	v9 =	vadd.f32 v21, v9;
	v21 =	vmul.f32 v61, v4  }
0x1be: {  	v8 =	vadd.f32 v22, v8;
	v22 =	vmul.f32 v23, v4;
	v4 =	vmul.f32 v63, v4  }
0x1bf: {  	v7 =	vadd.f32 v21, v7;
	v17 =	vadd.f32 v23, v17  }
0x1c0: {  	s22 =	simm.s32 $0x1;
	p1 =	por $0x0, $0x0;
	v6 =	vadd.f32 v22, v6;
	v5 =	vadd.f32 v4, v5  }
0x1c1: {  	[tilespmem:s28+$0x280] =	vst v14  }
0x1c2: {  	[tilespmem:s28+$0x680] =	vst v20  }
0x1c3: {  	[tilespmem:s21+$0x280] =	vst v12  }
0x1c4: {  	[tilespmem:s21+$0x680] =	vst v19  }
0x1c5: {  	[tilespmem:s0+$0x280] =	vst v10  }
0x1c6: {  	[tilespmem:s0+$0x680] =	vst v18  }
0x1c7: {  	[tilespmem:s2+$0x280] =	vst v9  }
0x1c8: {  	[tilespmem:s2+$0x680] =	vst v16  }
0x1c9: {  	[tilespmem:s30+$0x280] =	vst v8  }
0x1ca: {  	s26 =	sadd.s32 $0x1, s26;
	[tilespmem:s30+$0x680] =	vst v15  }
0x1cb: {  	p1 =	sne.s32 s26, $0x8;
	[tilespmem:s16+$0x280] =	vst v7  }
.Ltmp6:
0x1cc: {  	[tilespmem:s16+$0x680] =	vst v13;
	(pc) =	sbr.rel @p1 .LBB2_9-.Ltmp6, $4  }
0x1cd: {  	[tilespmem:s31+$0x280] =	vst v6  }
0x1ce: {  	[tilespmem:s31+$0x680] =	vst v17  }
0x1cf: {  	[tilespmem:s29+$0x280] =	vst v5  }
0x1d0: {  	[tilespmem:s29+$0x680] =	vst v11  }
.Ltmp7:
0x1d1: {  	(pc) =	sbr.rel @p0 .LBB2_14-.Ltmp7, $1  }
0x1d2: {  	_ =	sdelay $0x3  }
.Ltmp8:
0x1d3: {  	(pc) =	sbr.rel .LBB2_4-.Ltmp8, $4  }
0x1d4: {  	s0 =	sadd.s32 s25, s9  }
0x1d5: {  	s0 =	sshrl.u32 s0, $0x3  }
0x1d6: {  	s24 =	sadd.s32 $0x1, s24;
	s0 =	sadd.s32 s1, s0  }
0x1d7: {  	[tilespmem:s17], [sflag:$0x2] =	stream.linear.gather [hbm4b:s0+s3], $0x8000, $0x38;
	[tilespmem:$0x10A80] =	vst v63  }
.LBB2_15:
0x1d8: {  	_ =	sfence.sel $0x180000  }
0x1d9: {  	[bflag:$0x0] =	sbarrier.arrive $0xFFFF  }
0x1da: {  	_ =	strace $0x90000047  }
0x1db: {  	s0 =	stileid.u32;
	[bflag:$0x2] =	sbarrier.arrive $0xFFFF  }
0x1dc: {  	p0 =	sne.s32 s0, $0x0;
	s0 =	rddreg [dreg:$0x4]  }
0x1dd: {  	s0 =	sadd.s32 @!p0 $0x100000, s0  }
0x1de: {  	[sflag:s0] =	ssyncadd.tile.s32 @!p0 $0x1;
	_ =	shalt  }
.Lfunc_end2:
_tile_overlayer_lowered:
.L_overlay_start_2:
0x1df: {  	(tag) =	ssettag $0x2  }
0x1e0: {  	s0 =	rddreg [dreg:$0x0];
	s2 =	stileid.u32  }
0x1e1: {  	s1 =	rddreg [dreg:$0x1];
	p0 =	sne.s32 s2, $0x0  }
0x1e2: {  	s3 =	rddreg [dreg:$0x2];
	[bflag:$0x3] =	sbarrier.arrive $0xFFFF;
	s2 =	simm.s32 @!p0 $0x1C03  }
0x1e3: {  	[timem:s3], [sflag:s2] =	dma.local @!p0 [hbm:s0], s1  }
0x1e4: {  	s0 =	simm.s32 @!p0 $0x3  }
0x1e5: {  	_ =	swait.ge @!p0 [sflag:s0], s1  }
0x1e6: {  	s1 =	ssub.s32 @!p0 $0x0, s1;
	[sflag:s0] =	ssyncset.done @!p0 $0x0  }
0x1e7: {  	[sflag:s0] =	ssyncadd.s32 @!p0 s1  }
0x1e8: {  	[bflag:$0x3] =	sbarrier.arrive $0xFFFF  }
0x1e9: {  	_ =	shalt  }

</sc_bundles>
